<compile_context>
chip_gen: v7x
topology: tpu7x:2x2x1
jax: 0.10.2.dev20260603
libtpu: 0.0.44.dev20260713+nightly
codegen_flags: <defaults>
</compile_context>

<pallas_src>
import functools

import jax
import jax.numpy as jnp
from jax import lax
from jax.experimental import pallas as pl
from jax.experimental.pallas import tpu as pltpu
from jax.experimental.pallas import tpu_sc as plsc

_NC = 2
_NS = 16
_NW = _NC * _NS
_B = 128
_ZB = 16
_G = 64
_EPS = 1e-5




@functools.lru_cache(maxsize=None)
def _make_sc_agg(N, D, EPW_PAD):
    NCH = EPW_PAD // _B
    NP = -(-(N + 1) // (_NS * _ZB)) * (_NS * _ZB)
    ZCOPIES = NP // _NS // _ZB
    OR_A = -(-N // _NS // 8) * 8
    OR_LAST = N - OR_A * (_NS - 1)
    NLANE = D // 16

    mesh = plsc.VectorSubcoreMesh(core_axis_name="c", subcore_axis_name="s")


    @functools.partial(
        pl.kernel,
        out_type=(
            jax.ShapeDtypeStruct((N, D), jnp.float32),
            jax.ShapeDtypeStruct((N, D), jnp.float32),
        ),
        mesh=mesh,
        scratch_types=[
            pltpu.VMEM((_B,), jnp.int32),
            pltpu.VMEM((_B,), jnp.int32),
            pltpu.VMEM((_B, D), jnp.float32),
            pltpu.VMEM((_ZB, D), jnp.float32),
            pltpu.VMEM_SHARED((NP, D), jnp.float32),
            pltpu.SemaphoreType.DMA,
        ],
    )
    def agg(h_hbm, src_hbm, dst_hbm, out0, out1, sidx, didx, rows, zbuf,
            aggsh, rsem):
        c = lax.axis_index("c")
        s = lax.axis_index("s")
        wid = c * _NS + s

        zero = jnp.zeros((16,), jnp.float32)

        def zb_body(i, _):
            zbuf[i // NLANE, pl.ds((i % NLANE) * 16, 16)] = zero
            return ()

        lax.fori_loop(0, _ZB * NLANE, zb_body, ())
        zrows = NP // _NS
        for j in range(ZCOPIES):
            pltpu.sync_copy(zbuf, aggsh.at[pl.ds(s * zrows + j * _ZB, _ZB)])
        plsc.subcore_barrier()

        ebase = wid * EPW_PAD

        def body(t, _):
            pltpu.sync_copy(src_hbm.at[pl.ds(ebase + t * _B, _B)], sidx)
            pltpu.sync_copy(dst_hbm.at[pl.ds(ebase + t * _B, _B)], didx)
            pltpu.async_copy(h_hbm.at[sidx], rows, rsem).wait()
            pltpu.sync_copy(rows, aggsh.at[didx], add=True)
            return ()

        lax.fori_loop(0, NCH, body, ())
        plsc.subcore_barrier()

        def emit(out):
            @pl.when(s != _NS - 1)
            def _():
                pltpu.sync_copy(aggsh.at[pl.ds(s * OR_A, OR_A)],
                                out.at[pl.ds(s * OR_A, OR_A)])

            @pl.when(s == _NS - 1)
            def _():
                pltpu.sync_copy(aggsh.at[pl.ds((_NS - 1) * OR_A, OR_LAST)],
                                out.at[pl.ds((_NS - 1) * OR_A, OR_LAST)])

        @pl.when(c == 0)
        def _():
            emit(out0)

        @pl.when(c == 1)
        def _():
            emit(out1)

    return agg


@functools.lru_cache(maxsize=None)
def _make_pass1(N, D, H, NB):
    BR = N // NB

    def body(p0_ref, p1_ref, h_ref, wr_ref, wt_ref, b_ref, y_ref, s1_ref, s2_ref):
        i = pl.program_id(0)
        agg = p0_ref[...] + p1_ref[...]
        y = (
            jnp.dot(agg, wr_ref[...], preferred_element_type=jnp.float32)
            + jnp.dot(h_ref[...], wt_ref[...], preferred_element_type=jnp.float32)
            + b_ref[...]
        )
        y_ref[...] = y
        p1s = jnp.sum(y.reshape(BR // 8, 8, H), axis=0)
        p2s = jnp.sum((y * y).reshape(BR // 8, 8, H), axis=0)

        @pl.when(i == 0)
        def _():
            s1_ref[...] = p1s
            s2_ref[...] = p2s

        @pl.when(i != 0)
        def _():
            s1_ref[...] += p1s
            s2_ref[...] += p2s

    return pl.pallas_call(
        body,
        grid=(NB,),
        in_specs=[
            pl.BlockSpec((BR, D), lambda i: (i, 0)),
            pl.BlockSpec((BR, D), lambda i: (i, 0)),
            pl.BlockSpec((BR, D), lambda i: (i, 0)),
            pl.BlockSpec((D, H), lambda i: (0, 0)),
            pl.BlockSpec((D, H), lambda i: (0, 0)),
            pl.BlockSpec((1, H), lambda i: (0, 0)),
        ],
        out_specs=[
            pl.BlockSpec((BR, H), lambda i: (i, 0)),
            pl.BlockSpec((8, H), lambda i: (0, 0)),
            pl.BlockSpec((8, H), lambda i: (0, 0)),
        ],
        out_shape=[
            jax.ShapeDtypeStruct((N, H), jnp.float32),
            jax.ShapeDtypeStruct((8, H), jnp.float32),
            jax.ShapeDtypeStruct((8, H), jnp.float32),
        ],
    )


@functools.lru_cache(maxsize=None)
def _make_pass2(N, H, NB):
    BR = N // NB

    def body(y_ref, s1_ref, s2_ref, g_ref, be_ref, o_ref):
        s1 = jnp.sum(s1_ref[...], axis=0, keepdims=True)
        s2 = jnp.sum(s2_ref[...], axis=0, keepdims=True)
        mu = s1 / N
        var = s2 / N - mu * mu
        scale = g_ref[...] * lax.rsqrt(var + _EPS)
        shift = be_ref[...] - mu * scale
        o_ref[...] = jnp.maximum(y_ref[...] * scale + shift, 0.0)

    return pl.pallas_call(
        body,
        grid=(NB,),
        in_specs=[
            pl.BlockSpec((BR, H), lambda i: (i, 0)),
            pl.BlockSpec((8, H), lambda i: (0, 0)),
            pl.BlockSpec((8, H), lambda i: (0, 0)),
            pl.BlockSpec((1, H), lambda i: (0, 0)),
            pl.BlockSpec((1, H), lambda i: (0, 0)),
        ],
        out_specs=pl.BlockSpec((BR, H), lambda i: (i, 0)),
        out_shape=jax.ShapeDtypeStruct((N, H), jnp.float32),
    )


@functools.lru_cache(maxsize=None)
def _make_pool(N, H, NB):
    BR = N // NB

    def body(h_ref, b_ref, o_ref, sums, cnts):
        i = pl.program_id(0)
        ids = b_ref[...].reshape(1, BR)
        ohT = (
            jnp.broadcast_to(ids, (_G, BR))
            == lax.broadcasted_iota(jnp.int32, (_G, BR), 0)
        ).astype(jnp.float32)
        ps = jnp.dot(ohT, h_ref[...], preferred_element_type=jnp.float32)
        pc = jnp.broadcast_to(jnp.sum(ohT, axis=1, keepdims=True), (_G, H))

        @pl.when(i == 0)
        def _():
            sums[...] = ps
            cnts[...] = pc

        @pl.when(i != 0)
        def _():
            sums[...] += ps
            cnts[...] += pc

        @pl.when(i == NB - 1)
        def _():
            o_ref[...] = sums[...] / jnp.maximum(cnts[...], 1.0)

    return pl.pallas_call(
        body,
        grid=(NB,),
        in_specs=[
            pl.BlockSpec((BR, H), lambda i: (i, 0)),
            pl.BlockSpec((1, 1, BR), lambda i: (i, 0, 0)),
        ],
        out_specs=pl.BlockSpec((_G, H), lambda i: (0, 0)),
        out_shape=jax.ShapeDtypeStruct((_G, H), jnp.float32),
        scratch_shapes=[
            pltpu.VMEM((_G, H), jnp.float32),
            pltpu.VMEM((_G, H), jnp.float32),
        ],
    )


def kernel(x, edge_index, batch,
           W_rel0, b_rel0, W_root0, gamma0, beta0,
           W_rel1, b_rel1, W_root1, gamma1, beta1,
           W_rel2, b_rel2, W_root2, gamma2, beta2):
    N, D = x.shape
    H = W_rel0.shape[1]
    E = edge_index.shape[1]
    NB = 10

    src = edge_index[0].astype(jnp.int32)
    dst = edge_index[1].astype(jnp.int32)
    EPW_PAD = -(-E // (_NW * _B)) * _B
    tot = _NW * EPW_PAD
    srcp = jnp.concatenate([src, jnp.zeros((tot - E,), jnp.int32)])
    dstp = jnp.concatenate([dst, jnp.full((tot - E,), N, jnp.int32)])
    batch3d = batch.astype(jnp.int32).reshape(NB, 1, N // NB)

    sc_agg = _make_sc_agg(N, D, EPW_PAD)
    pass1 = _make_pass1(N, D, H, NB)
    pass2 = _make_pass2(N, H, NB)
    pool = _make_pool(N, H, NB)

    params = [
        (W_rel0, b_rel0, W_root0, gamma0, beta0),
        (W_rel1, b_rel1, W_root1, gamma1, beta1),
        (W_rel2, b_rel2, W_root2, gamma2, beta2),
    ]
    h = x
    for (W_rel, b_rel, W_root, gamma, beta) in params:
        p0, p1 = sc_agg(h, srcp, dstp)
        y, s1, s2 = pass1(p0, p1, h, W_rel, W_root, b_rel.reshape(1, H))
        h = pass2(y, s1, s2, gamma.reshape(1, H), beta.reshape(1, H))
    return pool(h, batch3d)

# --- scband reference (transcript-rebuilt; emitter-appended) ---
"""Pipeline reference for scband-ligand-encoder-67929202754019 (READ-ONLY COPY).

The authoritative reference and input builder live on the scoring server;
editing this copy changes nothing except your own understanding.
"""

import jax, jax.numpy as jnp
import numpy as np

N = 10000
E = 320000
D = 128
H = 128
L = 3
G = 64

def setup_inputs(seed: int = 0) -> dict:
    key = jax.random.key(seed)
    ks = jax.random.split(key, 3 + 5 * L)
    inp = {}
    inp['x'] = jax.random.normal(ks[0], (N, D), dtype=jnp.float32)
    inp['edge_index'] = jax.random.randint(ks[1], (2, E), 0, N)
    inp['batch'] = jnp.sort(jax.random.randint(ks[2], (N,), 0, G))
    d_in = D
    for i in range(L):
        base = 3 + 5 * i
        inp[f'W_rel{i}'] = jax.random.normal(ks[base + 0], (d_in, H), dtype=jnp.float32) * 0.05
        inp[f'b_rel{i}'] = jnp.zeros((H,), dtype=jnp.float32)
        inp[f'W_root{i}'] = jax.random.normal(ks[base + 1], (d_in, H), dtype=jnp.float32) * 0.05
        inp[f'gamma{i}'] = jnp.ones((H,), dtype=jnp.float32)
        inp[f'beta{i}'] = jnp.zeros((H,), dtype=jnp.float32)
        d_in = H
    return inp

def _batchnorm(h, gamma, beta, eps=1e-5):
    mu = jnp.mean(h, axis=0)
    var = jnp.var(h, axis=0)
    return gamma * (h - mu) / jnp.sqrt(var + eps) + beta

def reference(x, edge_index, batch,
              W_rel0, b_rel0, W_root0, gamma0, beta0,
              W_rel1, b_rel1, W_root1, gamma1, beta1,
              W_rel2, b_rel2, W_root2, gamma2, beta2):
    src = edge_index[0]
    dst = edge_index[1]
    params = [
        (W_rel0, b_rel0, W_root0, gamma0, beta0),
        (W_rel1, b_rel1, W_root1, gamma1, beta1),
        (W_rel2, b_rel2, W_root2, gamma2, beta2),
    ]
    h = x
    for (W_rel, b_rel, W_root, gamma, beta) in params:
        # GraphConv (aggr='add'): out = lin_rel(sum_{j in N(i)} x_j) + lin_root(x_i)
        msgs = jnp.take(h, src, axis=0)
        agg = jax.ops.segment_sum(msgs, dst, num_segments=N)
        h = agg @ W_rel + b_rel + h @ W_root
        h = jax.nn.relu(_batchnorm(h, gamma, beta))
    # global_mean_pool over batch ids
    sums = jax.ops.segment_sum(h, batch, num_segments=G)
    cnts = jax.ops.segment_sum(jnp.ones((N, 1), dtype=h.dtype), batch, num_segments=G)
    return sums / jnp.clip(cnts, 1.0)

if __name__ == "__main__":
    import jax
    _d = setup_inputs()
    print(jax.jit(kernel)(*tuple(_d.values())))

</pallas_src>

<mosaic_0001>
#map = affine_map<(d0, d1) -> (0, 0)>
#map1 = affine_map<(d0, d1) -> (0)>
module attributes {stable_mosaic.version = 14 : i64} {
  func.func @agg(%arg0: i32, %arg1: i32, %arg2: memref<10000x128xf32, #tpu.memory_space<hbm>>, %arg3: memref<323584xi32, #tpu.memory_space<hbm>>, %arg4: memref<323584xi32, #tpu.memory_space<hbm>>, %arg5: memref<10000x128xf32, #tpu.memory_space<hbm>>, %arg6: memref<10000x128xf32, #tpu.memory_space<hbm>>, %arg7: memref<128xi32, #tpu.memory_space<vmem>>, %arg8: memref<128xi32, #tpu.memory_space<vmem>>, %arg9: memref<128x128xf32, #tpu.memory_space<vmem>>, %arg10: memref<16x128xf32, #tpu.memory_space<vmem>>, %arg11: memref<10240x128xf32, #tpu.memory_space<vmem_shared>>, %arg12: memref<!tpu.dma_semaphore, #tpu.memory_space<semaphore_mem>>) attributes {dimension_semantics = [#tpu.dimension_semantics<core_parallel>, #tpu.dimension_semantics<subcore_parallel>], iteration_bounds = array<i64: 2, 16>, scalar_prefetch = 0 : i64, scratch_operands = 6 : i64, tpu.core_type = #tpu.core_type<sc_vector_subcore>, window_params = [{transform_indices = #map}, {transform_indices = #map1}, {transform_indices = #map1}, {transform_indices = #map}, {transform_indices = #map}]} {
    %mul3A = arith.constant 16 : i32
    %mul3A_0 = arith.muli %arg0, %mul3A : i32
    %add3A = arith.addi %mul3A_0, %arg1 : i32
    %broadcast_in_dim3A = arith.constant 0.000000e+00 : f32
    %broadcast_in_dim3A_1 = vector.broadcast %broadcast_in_dim3A : f32 to vector<16xf32>
    %scan3A = arith.constant 0 : i32
    %scan3A_2 = arith.constant 128 : i32
    %scan3A_3 = arith.addi %scan3A, %scan3A_2 : i32
    %scan3A_4 = arith.constant 1 : i32
    scf.for %scan3A_181 = %scan3A to %scan3A_3 step %scan3A_4  : i32 {
      %jit3A = arith.constant 8 : i32
      %div3A = arith.divsi %scan3A_181, %jit3A : i32
      %sign3A = arith.constant 0 : i32
      %sign3A_182 = arith.cmpi sgt, %scan3A_181, %sign3A : i32
      %sign3A_183 = arith.extui %sign3A_182 : i1 to i32
      %sign3A_184 = arith.constant 0 : i32
      %sign3A_185 = arith.cmpi slt, %scan3A_181, %sign3A_184 : i32
      %sign3A_186 = arith.extui %sign3A_185 : i1 to i32
      %sign3A_187 = arith.subi %sign3A_183, %sign3A_186 : i32
      %sign3A_188 = arith.constant 0 : i32
      %sign3A_189 = arith.cmpi sgt, %jit3A, %sign3A_188 : i32
      %sign3A_190 = arith.extui %sign3A_189 : i1 to i32
      %sign3A_191 = arith.constant 0 : i32
      %sign3A_192 = arith.cmpi slt, %jit3A, %sign3A_191 : i32
      %sign3A_193 = arith.extui %sign3A_192 : i1 to i32
      %sign3A_194 = arith.subi %sign3A_190, %sign3A_193 : i32
      %ne3A = arith.cmpi ne, %sign3A_187, %sign3A_194 : i32
      %rem3A = arith.remsi %scan3A_181, %jit3A : i32
      %ne3A_195 = arith.constant 0 : i32
      %ne3A_196 = arith.cmpi ne, %rem3A, %ne3A_195 : i32
      %and3A = arith.andi %ne3A, %ne3A_196 : i1
      %sub3A = arith.constant 1 : i32
      %sub3A_197 = arith.subi %div3A, %sub3A : i32
      %select_n3A = arith.select %and3A, %sub3A_197, %div3A : i32
      %jit3A_198 = arith.constant 8 : i32
      %eq3A_199 = arith.constant 0 : i32
      %eq3A_200 = arith.cmpi eq, %jit3A_198, %eq3A_199 : i32
      %jit3A_201 = arith.constant 1 : i32
      %select_n3A_202 = arith.select %eq3A_200, %jit3A_201, %jit3A_198 : i32
      %rem3A_203 = arith.remsi %scan3A_181, %select_n3A_202 : i32
      %ne3A_204 = arith.constant 0 : i32
      %ne3A_205 = arith.cmpi ne, %rem3A_203, %ne3A_204 : i32
      %lt3A = arith.constant 0 : i32
      %lt3A_206 = arith.cmpi slt, %rem3A_203, %lt3A : i32
      %lt3A_207 = arith.constant 0 : i32
      %lt3A_208 = arith.cmpi slt, %select_n3A_202, %lt3A_207 : i32
      %ne3A_209 = arith.xori %lt3A_206, %lt3A_208 : i1
      %and3A_210 = arith.andi %ne3A_209, %ne3A_205 : i1
      %add3A_211 = arith.addi %rem3A_203, %select_n3A_202 : i32
      %select_n3A_212 = arith.select %and3A_210, %add3A_211, %rem3A_203 : i32
      %mul3A_213 = arith.constant 16 : i32
      %mul3A_214 = arith.muli %select_n3A_212, %mul3A_213 : i32
      %swap3A = arith.index_cast %select_n3A : i32 to index
      %swap3A_215 = arith.index_cast %mul3A_214 : i32 to index
      %swap3A_216 = tpu.vector_load %arg10[%swap3A, %swap3A_215] {strides = array<i32>} : memref<16x128xf32, #tpu.memory_space<vmem>>, vector<1x16xf32>,
      %swap3A_217 = vector.shape_cast %swap3A_216 : vector<1x16xf32> to vector<16xf32>
      %swap3A_218 = vector.shape_cast %broadcast_in_dim3A_1 : vector<16xf32> to vector<1x16xf32>
      tpu.vector_store %arg10[%swap3A, %swap3A_215], %swap3A_218 {strides = array<i32>} : memref<16x128xf32, #tpu.memory_space<vmem>>, vector<1x16xf32>,
    }
    %scan3A_5 = arith.constant 128 : i32
    %mul3A_6 = arith.constant 640 : i32
    %mul3A_7 = arith.muli %arg1, %mul3A_6 : i32
    %add3A_8 = arith.constant 0 : i32
    %add3A_9 = arith.addi %mul3A_7, %add3A_8 : i32
    "tpu.region"() ({
      %run_scoped3A = tpu.sem_alloc : memref<!tpu.dma_semaphore, #tpu.memory_space<semaphore_mem>>
      %dma_start3A = arith.constant 0 : i32
      %dma_start3A_181 = tpu.memref_slice %arg11[%add3A_9, %dma_start3A] : memref<10240x128xf32, #tpu.memory_space<vmem_shared>> -> memref<16x128xf32, #tpu.memory_space<vmem_shared>>
      %dma_start3A_182 = arith.constant 0 : i32
      %dma_start3A_183 = tpu.memref_slice %arg11[%add3A_9, %dma_start3A_182] : memref<10240x128xf32, #tpu.memory_space<vmem_shared>> -> memref<16x128xf32, #tpu.memory_space<vmem_shared>>
      tpu.enqueue_dma source(%arg10 : memref<16x128xf32, #tpu.memory_space<vmem>>) target(%dma_start3A_183 : memref<16x128xf32, #tpu.memory_space<vmem_shared>>) target_semaphore(%run_scoped3A : memref<!tpu.dma_semaphore, #tpu.memory_space<semaphore_mem>>)
      %dma_wait3A = arith.constant 0 : i32
      %dma_wait3A_184 = tpu.memref_slice %arg11[%add3A_9, %dma_wait3A] : memref<10240x128xf32, #tpu.memory_space<vmem_shared>> -> memref<16x128xf32, #tpu.memory_space<vmem_shared>>
      %dma_wait3A_185 = arith.constant 0 : i32
      %dma_wait3A_186 = tpu.memref_slice %arg11[%add3A_9, %dma_wait3A_185] : memref<10240x128xf32, #tpu.memory_space<vmem_shared>> -> memref<16x128xf32, #tpu.memory_space<vmem_shared>>
      tpu.wait_dma2 semaphore(%run_scoped3A : memref<!tpu.dma_semaphore, #tpu.memory_space<semaphore_mem>>) src(%arg10 : memref<16x128xf32, #tpu.memory_space<vmem>>) dst(%dma_wait3A_186 : memref<16x128xf32, #tpu.memory_space<vmem_shared>>)
      tpu.yield
    }) : () -> ()
    %mul3A_10 = arith.constant 640 : i32
    %mul3A_11 = arith.muli %arg1, %mul3A_10 : i32
    %add3A_12 = arith.constant 16 : i32
    %add3A_13 = arith.addi %mul3A_11, %add3A_12 : i32
    "tpu.region"() ({
      %run_scoped3A = tpu.sem_alloc : memref<!tpu.dma_semaphore, #tpu.memory_space<semaphore_mem>>
      %dma_start3A = arith.constant 0 : i32
      %dma_start3A_181 = tpu.memref_slice %arg11[%add3A_13, %dma_start3A] : memref<10240x128xf32, #tpu.memory_space<vmem_shared>> -> memref<16x128xf32, #tpu.memory_space<vmem_shared>>
      %dma_start3A_182 = arith.constant 0 : i32
      %dma_start3A_183 = tpu.memref_slice %arg11[%add3A_13, %dma_start3A_182] : memref<10240x128xf32, #tpu.memory_space<vmem_shared>> -> memref<16x128xf32, #tpu.memory_space<vmem_shared>>
      tpu.enqueue_dma source(%arg10 : memref<16x128xf32, #tpu.memory_space<vmem>>) target(%dma_start3A_183 : memref<16x128xf32, #tpu.memory_space<vmem_shared>>) target_semaphore(%run_scoped3A : memref<!tpu.dma_semaphore, #tpu.memory_space<semaphore_mem>>)
      %dma_wait3A = arith.constant 0 : i32
      %dma_wait3A_184 = tpu.memref_slice %arg11[%add3A_13, %dma_wait3A] : memref<10240x128xf32, #tpu.memory_space<vmem_shared>> -> memref<16x128xf32, #tpu.memory_space<vmem_shared>>
      %dma_wait3A_185 = arith.constant 0 : i32
      %dma_wait3A_186 = tpu.memref_slice %arg11[%add3A_13, %dma_wait3A_185] : memref<10240x128xf32, #tpu.memory_space<vmem_shared>> -> memref<16x128xf32, #tpu.memory_space<vmem_shared>>
      tpu.wait_dma2 semaphore(%run_scoped3A : memref<!tpu.dma_semaphore, #tpu.memory_space<semaphore_mem>>) src(%arg10 : memref<16x128xf32, #tpu.memory_space<vmem>>) dst(%dma_wait3A_186 : memref<16x128xf32, #tpu.memory_space<vmem_shared>>)
      tpu.yield
    }) : () -> ()
    %mul3A_14 = arith.constant 640 : i32
    %mul3A_15 = arith.muli %arg1, %mul3A_14 : i32
    %add3A_16 = arith.constant 32 : i32
    %add3A_17 = arith.addi %mul3A_15, %add3A_16 : i32
    "tpu.region"() ({
      %run_scoped3A = tpu.sem_alloc : memref<!tpu.dma_semaphore, #tpu.memory_space<semaphore_mem>>
      %dma_start3A = arith.constant 0 : i32
      %dma_start3A_181 = tpu.memref_slice %arg11[%add3A_17, %dma_start3A] : memref<10240x128xf32, #tpu.memory_space<vmem_shared>> -> memref<16x128xf32, #tpu.memory_space<vmem_shared>>
      %dma_start3A_182 = arith.constant 0 : i32
      %dma_start3A_183 = tpu.memref_slice %arg11[%add3A_17, %dma_start3A_182] : memref<10240x128xf32, #tpu.memory_space<vmem_shared>> -> memref<16x128xf32, #tpu.memory_space<vmem_shared>>
      tpu.enqueue_dma source(%arg10 : memref<16x128xf32, #tpu.memory_space<vmem>>) target(%dma_start3A_183 : memref<16x128xf32, #tpu.memory_space<vmem_shared>>) target_semaphore(%run_scoped3A : memref<!tpu.dma_semaphore, #tpu.memory_space<semaphore_mem>>)
      %dma_wait3A = arith.constant 0 : i32
      %dma_wait3A_184 = tpu.memref_slice %arg11[%add3A_17, %dma_wait3A] : memref<10240x128xf32, #tpu.memory_space<vmem_shared>> -> memref<16x128xf32, #tpu.memory_space<vmem_shared>>
      %dma_wait3A_185 = arith.constant 0 : i32
      %dma_wait3A_186 = tpu.memref_slice %arg11[%add3A_17, %dma_wait3A_185] : memref<10240x128xf32, #tpu.memory_space<vmem_shared>> -> memref<16x128xf32, #tpu.memory_space<vmem_shared>>
      tpu.wait_dma2 semaphore(%run_scoped3A : memref<!tpu.dma_semaphore, #tpu.memory_space<semaphore_mem>>) src(%arg10 : memref<16x128xf32, #tpu.memory_space<vmem>>) dst(%dma_wait3A_186 : memref<16x128xf32, #tpu.memory_space<vmem_shared>>)
      tpu.yield
    }) : () -> ()
    %mul3A_18 = arith.constant 640 : i32
    %mul3A_19 = arith.muli %arg1, %mul3A_18 : i32
    %add3A_20 = arith.constant 48 : i32
    %add3A_21 = arith.addi %mul3A_19, %add3A_20 : i32
    "tpu.region"() ({
      %run_scoped3A = tpu.sem_alloc : memref<!tpu.dma_semaphore, #tpu.memory_space<semaphore_mem>>
      %dma_start3A = arith.constant 0 : i32
      %dma_start3A_181 = tpu.memref_slice %arg11[%add3A_21, %dma_start3A] : memref<10240x128xf32, #tpu.memory_space<vmem_shared>> -> memref<16x128xf32, #tpu.memory_space<vmem_shared>>
      %dma_start3A_182 = arith.constant 0 : i32
      %dma_start3A_183 = tpu.memref_slice %arg11[%add3A_21, %dma_start3A_182] : memref<10240x128xf32, #tpu.memory_space<vmem_shared>> -> memref<16x128xf32, #tpu.memory_space<vmem_shared>>
      tpu.enqueue_dma source(%arg10 : memref<16x128xf32, #tpu.memory_space<vmem>>) target(%dma_start3A_183 : memref<16x128xf32, #tpu.memory_space<vmem_shared>>) target_semaphore(%run_scoped3A : memref<!tpu.dma_semaphore, #tpu.memory_space<semaphore_mem>>)
      %dma_wait3A = arith.constant 0 : i32
      %dma_wait3A_184 = tpu.memref_slice %arg11[%add3A_21, %dma_wait3A] : memref<10240x128xf32, #tpu.memory_space<vmem_shared>> -> memref<16x128xf32, #tpu.memory_space<vmem_shared>>
      %dma_wait3A_185 = arith.constant 0 : i32
      %dma_wait3A_186 = tpu.memref_slice %arg11[%add3A_21, %dma_wait3A_185] : memref<10240x128xf32, #tpu.memory_space<vmem_shared>> -> memref<16x128xf32, #tpu.memory_space<vmem_shared>>
      tpu.wait_dma2 semaphore(%run_scoped3A : memref<!tpu.dma_semaphore, #tpu.memory_space<semaphore_mem>>) src(%arg10 : memref<16x128xf32, #tpu.memory_space<vmem>>) dst(%dma_wait3A_186 : memref<16x128xf32, #tpu.memory_space<vmem_shared>>)
      tpu.yield
    }) : () -> ()
    %mul3A_22 = arith.constant 640 : i32
    %mul3A_23 = arith.muli %arg1, %mul3A_22 : i32
    %add3A_24 = arith.constant 64 : i32
    %add3A_25 = arith.addi %mul3A_23, %add3A_24 : i32
    "tpu.region"() ({
      %run_scoped3A = tpu.sem_alloc : memref<!tpu.dma_semaphore, #tpu.memory_space<semaphore_mem>>
      %dma_start3A = arith.constant 0 : i32
      %dma_start3A_181 = tpu.memref_slice %arg11[%add3A_25, %dma_start3A] : memref<10240x128xf32, #tpu.memory_space<vmem_shared>> -> memref<16x128xf32, #tpu.memory_space<vmem_shared>>
      %dma_start3A_182 = arith.constant 0 : i32
      %dma_start3A_183 = tpu.memref_slice %arg11[%add3A_25, %dma_start3A_182] : memref<10240x128xf32, #tpu.memory_space<vmem_shared>> -> memref<16x128xf32, #tpu.memory_space<vmem_shared>>
      tpu.enqueue_dma source(%arg10 : memref<16x128xf32, #tpu.memory_space<vmem>>) target(%dma_start3A_183 : memref<16x128xf32, #tpu.memory_space<vmem_shared>>) target_semaphore(%run_scoped3A : memref<!tpu.dma_semaphore, #tpu.memory_space<semaphore_mem>>)
      %dma_wait3A = arith.constant 0 : i32
      %dma_wait3A_184 = tpu.memref_slice %arg11[%add3A_25, %dma_wait3A] : memref<10240x128xf32, #tpu.memory_space<vmem_shared>> -> memref<16x128xf32, #tpu.memory_space<vmem_shared>>
      %dma_wait3A_185 = arith.constant 0 : i32
      %dma_wait3A_186 = tpu.memref_slice %arg11[%add3A_25, %dma_wait3A_185] : memref<10240x128xf32, #tpu.memory_space<vmem_shared>> -> memref<16x128xf32, #tpu.memory_space<vmem_shared>>
      tpu.wait_dma2 semaphore(%run_scoped3A : memref<!tpu.dma_semaphore, #tpu.memory_space<semaphore_mem>>) src(%arg10 : memref<16x128xf32, #tpu.memory_space<vmem>>) dst(%dma_wait3A_186 : memref<16x128xf32, #tpu.memory_space<vmem_shared>>)
      tpu.yield
    }) : () -> ()
    %mul3A_26 = arith.constant 640 : i32
    %mul3A_27 = arith.muli %arg1, %mul3A_26 : i32
    %add3A_28 = arith.constant 80 : i32
    %add3A_29 = arith.addi %mul3A_27, %add3A_28 : i32
    "tpu.region"() ({
      %run_scoped3A = tpu.sem_alloc : memref<!tpu.dma_semaphore, #tpu.memory_space<semaphore_mem>>
      %dma_start3A = arith.constant 0 : i32
      %dma_start3A_181 = tpu.memref_slice %arg11[%add3A_29, %dma_start3A] : memref<10240x128xf32, #tpu.memory_space<vmem_shared>> -> memref<16x128xf32, #tpu.memory_space<vmem_shared>>
      %dma_start3A_182 = arith.constant 0 : i32
      %dma_start3A_183 = tpu.memref_slice %arg11[%add3A_29, %dma_start3A_182] : memref<10240x128xf32, #tpu.memory_space<vmem_shared>> -> memref<16x128xf32, #tpu.memory_space<vmem_shared>>
      tpu.enqueue_dma source(%arg10 : memref<16x128xf32, #tpu.memory_space<vmem>>) target(%dma_start3A_183 : memref<16x128xf32, #tpu.memory_space<vmem_shared>>) target_semaphore(%run_scoped3A : memref<!tpu.dma_semaphore, #tpu.memory_space<semaphore_mem>>)
      %dma_wait3A = arith.constant 0 : i32
      %dma_wait3A_184 = tpu.memref_slice %arg11[%add3A_29, %dma_wait3A] : memref<10240x128xf32, #tpu.memory_space<vmem_shared>> -> memref<16x128xf32, #tpu.memory_space<vmem_shared>>
      %dma_wait3A_185 = arith.constant 0 : i32
      %dma_wait3A_186 = tpu.memref_slice %arg11[%add3A_29, %dma_wait3A_185] : memref<10240x128xf32, #tpu.memory_space<vmem_shared>> -> memref<16x128xf32, #tpu.memory_space<vmem_shared>>
      tpu.wait_dma2 semaphore(%run_scoped3A : memref<!tpu.dma_semaphore, #tpu.memory_space<semaphore_mem>>) src(%arg10 : memref<16x128xf32, #tpu.memory_space<vmem>>) dst(%dma_wait3A_186 : memref<16x128xf32, #tpu.memory_space<vmem_shared>>)
      tpu.yield
    }) : () -> ()
    %mul3A_30 = arith.constant 640 : i32
    %mul3A_31 = arith.muli %arg1, %mul3A_30 : i32
    %add3A_32 = arith.constant 96 : i32
    %add3A_33 = arith.addi %mul3A_31, %add3A_32 : i32
    "tpu.region"() ({
      %run_scoped3A = tpu.sem_alloc : memref<!tpu.dma_semaphore, #tpu.memory_space<semaphore_mem>>
      %dma_start3A = arith.constant 0 : i32
      %dma_start3A_181 = tpu.memref_slice %arg11[%add3A_33, %dma_start3A] : memref<10240x128xf32, #tpu.memory_space<vmem_shared>> -> memref<16x128xf32, #tpu.memory_space<vmem_shared>>
      %dma_start3A_182 = arith.constant 0 : i32
      %dma_start3A_183 = tpu.memref_slice %arg11[%add3A_33, %dma_start3A_182] : memref<10240x128xf32, #tpu.memory_space<vmem_shared>> -> memref<16x128xf32, #tpu.memory_space<vmem_shared>>
      tpu.enqueue_dma source(%arg10 : memref<16x128xf32, #tpu.memory_space<vmem>>) target(%dma_start3A_183 : memref<16x128xf32, #tpu.memory_space<vmem_shared>>) target_semaphore(%run_scoped3A : memref<!tpu.dma_semaphore, #tpu.memory_space<semaphore_mem>>)
      %dma_wait3A = arith.constant 0 : i32
      %dma_wait3A_184 = tpu.memref_slice %arg11[%add3A_33, %dma_wait3A] : memref<10240x128xf32, #tpu.memory_space<vmem_shared>> -> memref<16x128xf32, #tpu.memory_space<vmem_shared>>
      %dma_wait3A_185 = arith.constant 0 : i32
      %dma_wait3A_186 = tpu.memref_slice %arg11[%add3A_33, %dma_wait3A_185] : memref<10240x128xf32, #tpu.memory_space<vmem_shared>> -> memref<16x128xf32, #tpu.memory_space<vmem_shared>>
      tpu.wait_dma2 semaphore(%run_scoped3A : memref<!tpu.dma_semaphore, #tpu.memory_space<semaphore_mem>>) src(%arg10 : memref<16x128xf32, #tpu.memory_space<vmem>>) dst(%dma_wait3A_186 : memref<16x128xf32, #tpu.memory_space<vmem_shared>>)
      tpu.yield
    }) : () -> ()
    %mul3A_34 = arith.constant 640 : i32
    %mul3A_35 = arith.muli %arg1, %mul3A_34 : i32
    %add3A_36 = arith.constant 112 : i32
    %add3A_37 = arith.addi %mul3A_35, %add3A_36 : i32
    "tpu.region"() ({
      %run_scoped3A = tpu.sem_alloc : memref<!tpu.dma_semaphore, #tpu.memory_space<semaphore_mem>>
      %dma_start3A = arith.constant 0 : i32
      %dma_start3A_181 = tpu.memref_slice %arg11[%add3A_37, %dma_start3A] : memref<10240x128xf32, #tpu.memory_space<vmem_shared>> -> memref<16x128xf32, #tpu.memory_space<vmem_shared>>
      %dma_start3A_182 = arith.constant 0 : i32
      %dma_start3A_183 = tpu.memref_slice %arg11[%add3A_37, %dma_start3A_182] : memref<10240x128xf32, #tpu.memory_space<vmem_shared>> -> memref<16x128xf32, #tpu.memory_space<vmem_shared>>
      tpu.enqueue_dma source(%arg10 : memref<16x128xf32, #tpu.memory_space<vmem>>) target(%dma_start3A_183 : memref<16x128xf32, #tpu.memory_space<vmem_shared>>) target_semaphore(%run_scoped3A : memref<!tpu.dma_semaphore, #tpu.memory_space<semaphore_mem>>)
      %dma_wait3A = arith.constant 0 : i32
      %dma_wait3A_184 = tpu.memref_slice %arg11[%add3A_37, %dma_wait3A] : memref<10240x128xf32, #tpu.memory_space<vmem_shared>> -> memref<16x128xf32, #tpu.memory_space<vmem_shared>>
      %dma_wait3A_185 = arith.constant 0 : i32
      %dma_wait3A_186 = tpu.memref_slice %arg11[%add3A_37, %dma_wait3A_185] : memref<10240x128xf32, #tpu.memory_space<vmem_shared>> -> memref<16x128xf32, #tpu.memory_space<vmem_shared>>
      tpu.wait_dma2 semaphore(%run_scoped3A : memref<!tpu.dma_semaphore, #tpu.memory_space<semaphore_mem>>) src(%arg10 : memref<16x128xf32, #tpu.memory_space<vmem>>) dst(%dma_wait3A_186 : memref<16x128xf32, #tpu.memory_space<vmem_shared>>)
      tpu.yield
    }) : () -> ()
    %mul3A_38 = arith.constant 640 : i32
    %mul3A_39 = arith.muli %arg1, %mul3A_38 : i32
    %add3A_40 = arith.constant 128 : i32
    %add3A_41 = arith.addi %mul3A_39, %add3A_40 : i32
    "tpu.region"() ({
      %run_scoped3A = tpu.sem_alloc : memref<!tpu.dma_semaphore, #tpu.memory_space<semaphore_mem>>
      %dma_start3A = arith.constant 0 : i32
      %dma_start3A_181 = tpu.memref_slice %arg11[%add3A_41, %dma_start3A] : memref<10240x128xf32, #tpu.memory_space<vmem_shared>> -> memref<16x128xf32, #tpu.memory_space<vmem_shared>>
      %dma_start3A_182 = arith.constant 0 : i32
      %dma_start3A_183 = tpu.memref_slice %arg11[%add3A_41, %dma_start3A_182] : memref<10240x128xf32, #tpu.memory_space<vmem_shared>> -> memref<16x128xf32, #tpu.memory_space<vmem_shared>>
      tpu.enqueue_dma source(%arg10 : memref<16x128xf32, #tpu.memory_space<vmem>>) target(%dma_start3A_183 : memref<16x128xf32, #tpu.memory_space<vmem_shared>>) target_semaphore(%run_scoped3A : memref<!tpu.dma_semaphore, #tpu.memory_space<semaphore_mem>>)
      %dma_wait3A = arith.constant 0 : i32
      %dma_wait3A_184 = tpu.memref_slice %arg11[%add3A_41, %dma_wait3A] : memref<10240x128xf32, #tpu.memory_space<vmem_shared>> -> memref<16x128xf32, #tpu.memory_space<vmem_shared>>
      %dma_wait3A_185 = arith.constant 0 : i32
      %dma_wait3A_186 = tpu.memref_slice %arg11[%add3A_41, %dma_wait3A_185] : memref<10240x128xf32, #tpu.memory_space<vmem_shared>> -> memref<16x128xf32, #tpu.memory_space<vmem_shared>>
      tpu.wait_dma2 semaphore(%run_scoped3A : memref<!tpu.dma_semaphore, #tpu.memory_space<semaphore_mem>>) src(%arg10 : memref<16x128xf32, #tpu.memory_space<vmem>>) dst(%dma_wait3A_186 : memref<16x128xf32, #tpu.memory_space<vmem_shared>>)
      tpu.yield
    }) : () -> ()
    %mul3A_42 = arith.constant 640 : i32
    %mul3A_43 = arith.muli %arg1, %mul3A_42 : i32
    %add3A_44 = arith.constant 144 : i32
    %add3A_45 = arith.addi %mul3A_43, %add3A_44 : i32
    "tpu.region"() ({
      %run_scoped3A = tpu.sem_alloc : memref<!tpu.dma_semaphore, #tpu.memory_space<semaphore_mem>>
      %dma_start3A = arith.constant 0 : i32
      %dma_start3A_181 = tpu.memref_slice %arg11[%add3A_45, %dma_start3A] : memref<10240x128xf32, #tpu.memory_space<vmem_shared>> -> memref<16x128xf32, #tpu.memory_space<vmem_shared>>
      %dma_start3A_182 = arith.constant 0 : i32
      %dma_start3A_183 = tpu.memref_slice %arg11[%add3A_45, %dma_start3A_182] : memref<10240x128xf32, #tpu.memory_space<vmem_shared>> -> memref<16x128xf32, #tpu.memory_space<vmem_shared>>
      tpu.enqueue_dma source(%arg10 : memref<16x128xf32, #tpu.memory_space<vmem>>) target(%dma_start3A_183 : memref<16x128xf32, #tpu.memory_space<vmem_shared>>) target_semaphore(%run_scoped3A : memref<!tpu.dma_semaphore, #tpu.memory_space<semaphore_mem>>)
      %dma_wait3A = arith.constant 0 : i32
      %dma_wait3A_184 = tpu.memref_slice %arg11[%add3A_45, %dma_wait3A] : memref<10240x128xf32, #tpu.memory_space<vmem_shared>> -> memref<16x128xf32, #tpu.memory_space<vmem_shared>>
      %dma_wait3A_185 = arith.constant 0 : i32
      %dma_wait3A_186 = tpu.memref_slice %arg11[%add3A_45, %dma_wait3A_185] : memref<10240x128xf32, #tpu.memory_space<vmem_shared>> -> memref<16x128xf32, #tpu.memory_space<vmem_shared>>
      tpu.wait_dma2 semaphore(%run_scoped3A : memref<!tpu.dma_semaphore, #tpu.memory_space<semaphore_mem>>) src(%arg10 : memref<16x128xf32, #tpu.memory_space<vmem>>) dst(%dma_wait3A_186 : memref<16x128xf32, #tpu.memory_space<vmem_shared>>)
      tpu.yield
    }) : () -> ()
    %mul3A_46 = arith.constant 640 : i32
    %mul3A_47 = arith.muli %arg1, %mul3A_46 : i32
    %add3A_48 = arith.constant 160 : i32
    %add3A_49 = arith.addi %mul3A_47, %add3A_48 : i32
    "tpu.region"() ({
      %run_scoped3A = tpu.sem_alloc : memref<!tpu.dma_semaphore, #tpu.memory_space<semaphore_mem>>
      %dma_start3A = arith.constant 0 : i32
      %dma_start3A_181 = tpu.memref_slice %arg11[%add3A_49, %dma_start3A] : memref<10240x128xf32, #tpu.memory_space<vmem_shared>> -> memref<16x128xf32, #tpu.memory_space<vmem_shared>>
      %dma_start3A_182 = arith.constant 0 : i32
      %dma_start3A_183 = tpu.memref_slice %arg11[%add3A_49, %dma_start3A_182] : memref<10240x128xf32, #tpu.memory_space<vmem_shared>> -> memref<16x128xf32, #tpu.memory_space<vmem_shared>>
      tpu.enqueue_dma source(%arg10 : memref<16x128xf32, #tpu.memory_space<vmem>>) target(%dma_start3A_183 : memref<16x128xf32, #tpu.memory_space<vmem_shared>>) target_semaphore(%run_scoped3A : memref<!tpu.dma_semaphore, #tpu.memory_space<semaphore_mem>>)
      %dma_wait3A = arith.constant 0 : i32
      %dma_wait3A_184 = tpu.memref_slice %arg11[%add3A_49, %dma_wait3A] : memref<10240x128xf32, #tpu.memory_space<vmem_shared>> -> memref<16x128xf32, #tpu.memory_space<vmem_shared>>
      %dma_wait3A_185 = arith.constant 0 : i32
      %dma_wait3A_186 = tpu.memref_slice %arg11[%add3A_49, %dma_wait3A_185] : memref<10240x128xf32, #tpu.memory_space<vmem_shared>> -> memref<16x128xf32, #tpu.memory_space<vmem_shared>>
      tpu.wait_dma2 semaphore(%run_scoped3A : memref<!tpu.dma_semaphore, #tpu.memory_space<semaphore_mem>>) src(%arg10 : memref<16x128xf32, #tpu.memory_space<vmem>>) dst(%dma_wait3A_186 : memref<16x128xf32, #tpu.memory_space<vmem_shared>>)
      tpu.yield
    }) : () -> ()
    %mul3A_50 = arith.constant 640 : i32
    %mul3A_51 = arith.muli %arg1, %mul3A_50 : i32
    %add3A_52 = arith.constant 176 : i32
    %add3A_53 = arith.addi %mul3A_51, %add3A_52 : i32
    "tpu.region"() ({
      %run_scoped3A = tpu.sem_alloc : memref<!tpu.dma_semaphore, #tpu.memory_space<semaphore_mem>>
      %dma_start3A = arith.constant 0 : i32
      %dma_start3A_181 = tpu.memref_slice %arg11[%add3A_53, %dma_start3A] : memref<10240x128xf32, #tpu.memory_space<vmem_shared>> -> memref<16x128xf32, #tpu.memory_space<vmem_shared>>
      %dma_start3A_182 = arith.constant 0 : i32
      %dma_start3A_183 = tpu.memref_slice %arg11[%add3A_53, %dma_start3A_182] : memref<10240x128xf32, #tpu.memory_space<vmem_shared>> -> memref<16x128xf32, #tpu.memory_space<vmem_shared>>
      tpu.enqueue_dma source(%arg10 : memref<16x128xf32, #tpu.memory_space<vmem>>) target(%dma_start3A_183 : memref<16x128xf32, #tpu.memory_space<vmem_shared>>) target_semaphore(%run_scoped3A : memref<!tpu.dma_semaphore, #tpu.memory_space<semaphore_mem>>)
      %dma_wait3A = arith.constant 0 : i32
      %dma_wait3A_184 = tpu.memref_slice %arg11[%add3A_53, %dma_wait3A] : memref<10240x128xf32, #tpu.memory_space<vmem_shared>> -> memref<16x128xf32, #tpu.memory_space<vmem_shared>>
      %dma_wait3A_185 = arith.constant 0 : i32
      %dma_wait3A_186 = tpu.memref_slice %arg11[%add3A_53, %dma_wait3A_185] : memref<10240x128xf32, #tpu.memory_space<vmem_shared>> -> memref<16x128xf32, #tpu.memory_space<vmem_shared>>
      tpu.wait_dma2 semaphore(%run_scoped3A : memref<!tpu.dma_semaphore, #tpu.memory_space<semaphore_mem>>) src(%arg10 : memref<16x128xf32, #tpu.memory_space<vmem>>) dst(%dma_wait3A_186 : memref<16x128xf32, #tpu.memory_space<vmem_shared>>)
      tpu.yield
    }) : () -> ()
    %mul3A_54 = arith.constant 640 : i32
    %mul3A_55 = arith.muli %arg1, %mul3A_54 : i32
    %add3A_56 = arith.constant 192 : i32
    %add3A_57 = arith.addi %mul3A_55, %add3A_56 : i32
    "tpu.region"() ({
      %run_scoped3A = tpu.sem_alloc : memref<!tpu.dma_semaphore, #tpu.memory_space<semaphore_mem>>
      %dma_start3A = arith.constant 0 : i32
      %dma_start3A_181 = tpu.memref_slice %arg11[%add3A_57, %dma_start3A] : memref<10240x128xf32, #tpu.memory_space<vmem_shared>> -> memref<16x128xf32, #tpu.memory_space<vmem_shared>>
      %dma_start3A_182 = arith.constant 0 : i32
      %dma_start3A_183 = tpu.memref_slice %arg11[%add3A_57, %dma_start3A_182] : memref<10240x128xf32, #tpu.memory_space<vmem_shared>> -> memref<16x128xf32, #tpu.memory_space<vmem_shared>>
      tpu.enqueue_dma source(%arg10 : memref<16x128xf32, #tpu.memory_space<vmem>>) target(%dma_start3A_183 : memref<16x128xf32, #tpu.memory_space<vmem_shared>>) target_semaphore(%run_scoped3A : memref<!tpu.dma_semaphore, #tpu.memory_space<semaphore_mem>>)
      %dma_wait3A = arith.constant 0 : i32
      %dma_wait3A_184 = tpu.memref_slice %arg11[%add3A_57, %dma_wait3A] : memref<10240x128xf32, #tpu.memory_space<vmem_shared>> -> memref<16x128xf32, #tpu.memory_space<vmem_shared>>
      %dma_wait3A_185 = arith.constant 0 : i32
      %dma_wait3A_186 = tpu.memref_slice %arg11[%add3A_57, %dma_wait3A_185] : memref<10240x128xf32, #tpu.memory_space<vmem_shared>> -> memref<16x128xf32, #tpu.memory_space<vmem_shared>>
      tpu.wait_dma2 semaphore(%run_scoped3A : memref<!tpu.dma_semaphore, #tpu.memory_space<semaphore_mem>>) src(%arg10 : memref<16x128xf32, #tpu.memory_space<vmem>>) dst(%dma_wait3A_186 : memref<16x128xf32, #tpu.memory_space<vmem_shared>>)
      tpu.yield
    }) : () -> ()
    %mul3A_58 = arith.constant 640 : i32
    %mul3A_59 = arith.muli %arg1, %mul3A_58 : i32
    %add3A_60 = arith.constant 208 : i32
    %add3A_61 = arith.addi %mul3A_59, %add3A_60 : i32
    "tpu.region"() ({
      %run_scoped3A = tpu.sem_alloc : memref<!tpu.dma_semaphore, #tpu.memory_space<semaphore_mem>>
      %dma_start3A = arith.constant 0 : i32
      %dma_start3A_181 = tpu.memref_slice %arg11[%add3A_61, %dma_start3A] : memref<10240x128xf32, #tpu.memory_space<vmem_shared>> -> memref<16x128xf32, #tpu.memory_space<vmem_shared>>
      %dma_start3A_182 = arith.constant 0 : i32
      %dma_start3A_183 = tpu.memref_slice %arg11[%add3A_61, %dma_start3A_182] : memref<10240x128xf32, #tpu.memory_space<vmem_shared>> -> memref<16x128xf32, #tpu.memory_space<vmem_shared>>
      tpu.enqueue_dma source(%arg10 : memref<16x128xf32, #tpu.memory_space<vmem>>) target(%dma_start3A_183 : memref<16x128xf32, #tpu.memory_space<vmem_shared>>) target_semaphore(%run_scoped3A : memref<!tpu.dma_semaphore, #tpu.memory_space<semaphore_mem>>)
      %dma_wait3A = arith.constant 0 : i32
      %dma_wait3A_184 = tpu.memref_slice %arg11[%add3A_61, %dma_wait3A] : memref<10240x128xf32, #tpu.memory_space<vmem_shared>> -> memref<16x128xf32, #tpu.memory_space<vmem_shared>>
      %dma_wait3A_185 = arith.constant 0 : i32
      %dma_wait3A_186 = tpu.memref_slice %arg11[%add3A_61, %dma_wait3A_185] : memref<10240x128xf32, #tpu.memory_space<vmem_shared>> -> memref<16x128xf32, #tpu.memory_space<vmem_shared>>
      tpu.wait_dma2 semaphore(%run_scoped3A : memref<!tpu.dma_semaphore, #tpu.memory_space<semaphore_mem>>) src(%arg10 : memref<16x128xf32, #tpu.memory_space<vmem>>) dst(%dma_wait3A_186 : memref<16x128xf32, #tpu.memory_space<vmem_shared>>)
      tpu.yield
    }) : () -> ()
    %mul3A_62 = arith.constant 640 : i32
    %mul3A_63 = arith.muli %arg1, %mul3A_62 : i32
    %add3A_64 = arith.constant 224 : i32
    %add3A_65 = arith.addi %mul3A_63, %add3A_64 : i32
    "tpu.region"() ({
      %run_scoped3A = tpu.sem_alloc : memref<!tpu.dma_semaphore, #tpu.memory_space<semaphore_mem>>
      %dma_start3A = arith.constant 0 : i32
      %dma_start3A_181 = tpu.memref_slice %arg11[%add3A_65, %dma_start3A] : memref<10240x128xf32, #tpu.memory_space<vmem_shared>> -> memref<16x128xf32, #tpu.memory_space<vmem_shared>>
      %dma_start3A_182 = arith.constant 0 : i32
      %dma_start3A_183 = tpu.memref_slice %arg11[%add3A_65, %dma_start3A_182] : memref<10240x128xf32, #tpu.memory_space<vmem_shared>> -> memref<16x128xf32, #tpu.memory_space<vmem_shared>>
      tpu.enqueue_dma source(%arg10 : memref<16x128xf32, #tpu.memory_space<vmem>>) target(%dma_start3A_183 : memref<16x128xf32, #tpu.memory_space<vmem_shared>>) target_semaphore(%run_scoped3A : memref<!tpu.dma_semaphore, #tpu.memory_space<semaphore_mem>>)
      %dma_wait3A = arith.constant 0 : i32
      %dma_wait3A_184 = tpu.memref_slice %arg11[%add3A_65, %dma_wait3A] : memref<10240x128xf32, #tpu.memory_space<vmem_shared>> -> memref<16x128xf32, #tpu.memory_space<vmem_shared>>
      %dma_wait3A_185 = arith.constant 0 : i32
      %dma_wait3A_186 = tpu.memref_slice %arg11[%add3A_65, %dma_wait3A_185] : memref<10240x128xf32, #tpu.memory_space<vmem_shared>> -> memref<16x128xf32, #tpu.memory_space<vmem_shared>>
      tpu.wait_dma2 semaphore(%run_scoped3A : memref<!tpu.dma_semaphore, #tpu.memory_space<semaphore_mem>>) src(%arg10 : memref<16x128xf32, #tpu.memory_space<vmem>>) dst(%dma_wait3A_186 : memref<16x128xf32, #tpu.memory_space<vmem_shared>>)
      tpu.yield
    }) : () -> ()
    %mul3A_66 = arith.constant 640 : i32
    %mul3A_67 = arith.muli %arg1, %mul3A_66 : i32
    %add3A_68 = arith.constant 240 : i32
    %add3A_69 = arith.addi %mul3A_67, %add3A_68 : i32
    "tpu.region"() ({
      %run_scoped3A = tpu.sem_alloc : memref<!tpu.dma_semaphore, #tpu.memory_space<semaphore_mem>>
      %dma_start3A = arith.constant 0 : i32
      %dma_start3A_181 = tpu.memref_slice %arg11[%add3A_69, %dma_start3A] : memref<10240x128xf32, #tpu.memory_space<vmem_shared>> -> memref<16x128xf32, #tpu.memory_space<vmem_shared>>
      %dma_start3A_182 = arith.constant 0 : i32
      %dma_start3A_183 = tpu.memref_slice %arg11[%add3A_69, %dma_start3A_182] : memref<10240x128xf32, #tpu.memory_space<vmem_shared>> -> memref<16x128xf32, #tpu.memory_space<vmem_shared>>
      tpu.enqueue_dma source(%arg10 : memref<16x128xf32, #tpu.memory_space<vmem>>) target(%dma_start3A_183 : memref<16x128xf32, #tpu.memory_space<vmem_shared>>) target_semaphore(%run_scoped3A : memref<!tpu.dma_semaphore, #tpu.memory_space<semaphore_mem>>)
      %dma_wait3A = arith.constant 0 : i32
      %dma_wait3A_184 = tpu.memref_slice %arg11[%add3A_69, %dma_wait3A] : memref<10240x128xf32, #tpu.memory_space<vmem_shared>> -> memref<16x128xf32, #tpu.memory_space<vmem_shared>>
      %dma_wait3A_185 = arith.constant 0 : i32
      %dma_wait3A_186 = tpu.memref_slice %arg11[%add3A_69, %dma_wait3A_185] : memref<10240x128xf32, #tpu.memory_space<vmem_shared>> -> memref<16x128xf32, #tpu.memory_space<vmem_shared>>
      tpu.wait_dma2 semaphore(%run_scoped3A : memref<!tpu.dma_semaphore, #tpu.memory_space<semaphore_mem>>) src(%arg10 : memref<16x128xf32, #tpu.memory_space<vmem>>) dst(%dma_wait3A_186 : memref<16x128xf32, #tpu.memory_space<vmem_shared>>)
      tpu.yield
    }) : () -> ()
    %mul3A_70 = arith.constant 640 : i32
    %mul3A_71 = arith.muli %arg1, %mul3A_70 : i32
    %add3A_72 = arith.constant 256 : i32
    %add3A_73 = arith.addi %mul3A_71, %add3A_72 : i32
    "tpu.region"() ({
      %run_scoped3A = tpu.sem_alloc : memref<!tpu.dma_semaphore, #tpu.memory_space<semaphore_mem>>
      %dma_start3A = arith.constant 0 : i32
      %dma_start3A_181 = tpu.memref_slice %arg11[%add3A_73, %dma_start3A] : memref<10240x128xf32, #tpu.memory_space<vmem_shared>> -> memref<16x128xf32, #tpu.memory_space<vmem_shared>>
      %dma_start3A_182 = arith.constant 0 : i32
      %dma_start3A_183 = tpu.memref_slice %arg11[%add3A_73, %dma_start3A_182] : memref<10240x128xf32, #tpu.memory_space<vmem_shared>> -> memref<16x128xf32, #tpu.memory_space<vmem_shared>>
      tpu.enqueue_dma source(%arg10 : memref<16x128xf32, #tpu.memory_space<vmem>>) target(%dma_start3A_183 : memref<16x128xf32, #tpu.memory_space<vmem_shared>>) target_semaphore(%run_scoped3A : memref<!tpu.dma_semaphore, #tpu.memory_space<semaphore_mem>>)
      %dma_wait3A = arith.constant 0 : i32
      %dma_wait3A_184 = tpu.memref_slice %arg11[%add3A_73, %dma_wait3A] : memref<10240x128xf32, #tpu.memory_space<vmem_shared>> -> memref<16x128xf32, #tpu.memory_space<vmem_shared>>
      %dma_wait3A_185 = arith.constant 0 : i32
      %dma_wait3A_186 = tpu.memref_slice %arg11[%add3A_73, %dma_wait3A_185] : memref<10240x128xf32, #tpu.memory_space<vmem_shared>> -> memref<16x128xf32, #tpu.memory_space<vmem_shared>>
      tpu.wait_dma2 semaphore(%run_scoped3A : memref<!tpu.dma_semaphore, #tpu.memory_space<semaphore_mem>>) src(%arg10 : memref<16x128xf32, #tpu.memory_space<vmem>>) dst(%dma_wait3A_186 : memref<16x128xf32, #tpu.memory_space<vmem_shared>>)
      tpu.yield
    }) : () -> ()
    %mul3A_74 = arith.constant 640 : i32
    %mul3A_75 = arith.muli %arg1, %mul3A_74 : i32
    %add3A_76 = arith.constant 272 : i32
    %add3A_77 = arith.addi %mul3A_75, %add3A_76 : i32
    "tpu.region"() ({
      %run_scoped3A = tpu.sem_alloc : memref<!tpu.dma_semaphore, #tpu.memory_space<semaphore_mem>>
      %dma_start3A = arith.constant 0 : i32
      %dma_start3A_181 = tpu.memref_slice %arg11[%add3A_77, %dma_start3A] : memref<10240x128xf32, #tpu.memory_space<vmem_shared>> -> memref<16x128xf32, #tpu.memory_space<vmem_shared>>
      %dma_start3A_182 = arith.constant 0 : i32
      %dma_start3A_183 = tpu.memref_slice %arg11[%add3A_77, %dma_start3A_182] : memref<10240x128xf32, #tpu.memory_space<vmem_shared>> -> memref<16x128xf32, #tpu.memory_space<vmem_shared>>
      tpu.enqueue_dma source(%arg10 : memref<16x128xf32, #tpu.memory_space<vmem>>) target(%dma_start3A_183 : memref<16x128xf32, #tpu.memory_space<vmem_shared>>) target_semaphore(%run_scoped3A : memref<!tpu.dma_semaphore, #tpu.memory_space<semaphore_mem>>)
      %dma_wait3A = arith.constant 0 : i32
      %dma_wait3A_184 = tpu.memref_slice %arg11[%add3A_77, %dma_wait3A] : memref<10240x128xf32, #tpu.memory_space<vmem_shared>> -> memref<16x128xf32, #tpu.memory_space<vmem_shared>>
      %dma_wait3A_185 = arith.constant 0 : i32
      %dma_wait3A_186 = tpu.memref_slice %arg11[%add3A_77, %dma_wait3A_185] : memref<10240x128xf32, #tpu.memory_space<vmem_shared>> -> memref<16x128xf32, #tpu.memory_space<vmem_shared>>
      tpu.wait_dma2 semaphore(%run_scoped3A : memref<!tpu.dma_semaphore, #tpu.memory_space<semaphore_mem>>) src(%arg10 : memref<16x128xf32, #tpu.memory_space<vmem>>) dst(%dma_wait3A_186 : memref<16x128xf32, #tpu.memory_space<vmem_shared>>)
      tpu.yield
    }) : () -> ()
    %mul3A_78 = arith.constant 640 : i32
    %mul3A_79 = arith.muli %arg1, %mul3A_78 : i32
    %add3A_80 = arith.constant 288 : i32
    %add3A_81 = arith.addi %mul3A_79, %add3A_80 : i32
    "tpu.region"() ({
      %run_scoped3A = tpu.sem_alloc : memref<!tpu.dma_semaphore, #tpu.memory_space<semaphore_mem>>
      %dma_start3A = arith.constant 0 : i32
      %dma_start3A_181 = tpu.memref_slice %arg11[%add3A_81, %dma_start3A] : memref<10240x128xf32, #tpu.memory_space<vmem_shared>> -> memref<16x128xf32, #tpu.memory_space<vmem_shared>>
      %dma_start3A_182 = arith.constant 0 : i32
      %dma_start3A_183 = tpu.memref_slice %arg11[%add3A_81, %dma_start3A_182] : memref<10240x128xf32, #tpu.memory_space<vmem_shared>> -> memref<16x128xf32, #tpu.memory_space<vmem_shared>>
      tpu.enqueue_dma source(%arg10 : memref<16x128xf32, #tpu.memory_space<vmem>>) target(%dma_start3A_183 : memref<16x128xf32, #tpu.memory_space<vmem_shared>>) target_semaphore(%run_scoped3A : memref<!tpu.dma_semaphore, #tpu.memory_space<semaphore_mem>>)
      %dma_wait3A = arith.constant 0 : i32
      %dma_wait3A_184 = tpu.memref_slice %arg11[%add3A_81, %dma_wait3A] : memref<10240x128xf32, #tpu.memory_space<vmem_shared>> -> memref<16x128xf32, #tpu.memory_space<vmem_shared>>
      %dma_wait3A_185 = arith.constant 0 : i32
      %dma_wait3A_186 = tpu.memref_slice %arg11[%add3A_81, %dma_wait3A_185] : memref<10240x128xf32, #tpu.memory_space<vmem_shared>> -> memref<16x128xf32, #tpu.memory_space<vmem_shared>>
      tpu.wait_dma2 semaphore(%run_scoped3A : memref<!tpu.dma_semaphore, #tpu.memory_space<semaphore_mem>>) src(%arg10 : memref<16x128xf32, #tpu.memory_space<vmem>>) dst(%dma_wait3A_186 : memref<16x128xf32, #tpu.memory_space<vmem_shared>>)
      tpu.yield
    }) : () -> ()
    %mul3A_82 = arith.constant 640 : i32
    %mul3A_83 = arith.muli %arg1, %mul3A_82 : i32
    %add3A_84 = arith.constant 304 : i32
    %add3A_85 = arith.addi %mul3A_83, %add3A_84 : i32
    "tpu.region"() ({
      %run_scoped3A = tpu.sem_alloc : memref<!tpu.dma_semaphore, #tpu.memory_space<semaphore_mem>>
      %dma_start3A = arith.constant 0 : i32
      %dma_start3A_181 = tpu.memref_slice %arg11[%add3A_85, %dma_start3A] : memref<10240x128xf32, #tpu.memory_space<vmem_shared>> -> memref<16x128xf32, #tpu.memory_space<vmem_shared>>
      %dma_start3A_182 = arith.constant 0 : i32
      %dma_start3A_183 = tpu.memref_slice %arg11[%add3A_85, %dma_start3A_182] : memref<10240x128xf32, #tpu.memory_space<vmem_shared>> -> memref<16x128xf32, #tpu.memory_space<vmem_shared>>
      tpu.enqueue_dma source(%arg10 : memref<16x128xf32, #tpu.memory_space<vmem>>) target(%dma_start3A_183 : memref<16x128xf32, #tpu.memory_space<vmem_shared>>) target_semaphore(%run_scoped3A : memref<!tpu.dma_semaphore, #tpu.memory_space<semaphore_mem>>)
      %dma_wait3A = arith.constant 0 : i32
      %dma_wait3A_184 = tpu.memref_slice %arg11[%add3A_85, %dma_wait3A] : memref<10240x128xf32, #tpu.memory_space<vmem_shared>> -> memref<16x128xf32, #tpu.memory_space<vmem_shared>>
      %dma_wait3A_185 = arith.constant 0 : i32
      %dma_wait3A_186 = tpu.memref_slice %arg11[%add3A_85, %dma_wait3A_185] : memref<10240x128xf32, #tpu.memory_space<vmem_shared>> -> memref<16x128xf32, #tpu.memory_space<vmem_shared>>
      tpu.wait_dma2 semaphore(%run_scoped3A : memref<!tpu.dma_semaphore, #tpu.memory_space<semaphore_mem>>) src(%arg10 : memref<16x128xf32, #tpu.memory_space<vmem>>) dst(%dma_wait3A_186 : memref<16x128xf32, #tpu.memory_space<vmem_shared>>)
      tpu.yield
    }) : () -> ()
    %mul3A_86 = arith.constant 640 : i32
    %mul3A_87 = arith.muli %arg1, %mul3A_86 : i32
    %add3A_88 = arith.constant 320 : i32
    %add3A_89 = arith.addi %mul3A_87, %add3A_88 : i32
    "tpu.region"() ({
      %run_scoped3A = tpu.sem_alloc : memref<!tpu.dma_semaphore, #tpu.memory_space<semaphore_mem>>
      %dma_start3A = arith.constant 0 : i32
      %dma_start3A_181 = tpu.memref_slice %arg11[%add3A_89, %dma_start3A] : memref<10240x128xf32, #tpu.memory_space<vmem_shared>> -> memref<16x128xf32, #tpu.memory_space<vmem_shared>>
      %dma_start3A_182 = arith.constant 0 : i32
      %dma_start3A_183 = tpu.memref_slice %arg11[%add3A_89, %dma_start3A_182] : memref<10240x128xf32, #tpu.memory_space<vmem_shared>> -> memref<16x128xf32, #tpu.memory_space<vmem_shared>>
      tpu.enqueue_dma source(%arg10 : memref<16x128xf32, #tpu.memory_space<vmem>>) target(%dma_start3A_183 : memref<16x128xf32, #tpu.memory_space<vmem_shared>>) target_semaphore(%run_scoped3A : memref<!tpu.dma_semaphore, #tpu.memory_space<semaphore_mem>>)
      %dma_wait3A = arith.constant 0 : i32
      %dma_wait3A_184 = tpu.memref_slice %arg11[%add3A_89, %dma_wait3A] : memref<10240x128xf32, #tpu.memory_space<vmem_shared>> -> memref<16x128xf32, #tpu.memory_space<vmem_shared>>
      %dma_wait3A_185 = arith.constant 0 : i32
      %dma_wait3A_186 = tpu.memref_slice %arg11[%add3A_89, %dma_wait3A_185] : memref<10240x128xf32, #tpu.memory_space<vmem_shared>> -> memref<16x128xf32, #tpu.memory_space<vmem_shared>>
      tpu.wait_dma2 semaphore(%run_scoped3A : memref<!tpu.dma_semaphore, #tpu.memory_space<semaphore_mem>>) src(%arg10 : memref<16x128xf32, #tpu.memory_space<vmem>>) dst(%dma_wait3A_186 : memref<16x128xf32, #tpu.memory_space<vmem_shared>>)
      tpu.yield
    }) : () -> ()
    %mul3A_90 = arith.constant 640 : i32
    %mul3A_91 = arith.muli %arg1, %mul3A_90 : i32
    %add3A_92 = arith.constant 336 : i32
    %add3A_93 = arith.addi %mul3A_91, %add3A_92 : i32
    "tpu.region"() ({
      %run_scoped3A = tpu.sem_alloc : memref<!tpu.dma_semaphore, #tpu.memory_space<semaphore_mem>>
      %dma_start3A = arith.constant 0 : i32
      %dma_start3A_181 = tpu.memref_slice %arg11[%add3A_93, %dma_start3A] : memref<10240x128xf32, #tpu.memory_space<vmem_shared>> -> memref<16x128xf32, #tpu.memory_space<vmem_shared>>
      %dma_start3A_182 = arith.constant 0 : i32
      %dma_start3A_183 = tpu.memref_slice %arg11[%add3A_93, %dma_start3A_182] : memref<10240x128xf32, #tpu.memory_space<vmem_shared>> -> memref<16x128xf32, #tpu.memory_space<vmem_shared>>
      tpu.enqueue_dma source(%arg10 : memref<16x128xf32, #tpu.memory_space<vmem>>) target(%dma_start3A_183 : memref<16x128xf32, #tpu.memory_space<vmem_shared>>) target_semaphore(%run_scoped3A : memref<!tpu.dma_semaphore, #tpu.memory_space<semaphore_mem>>)
      %dma_wait3A = arith.constant 0 : i32
      %dma_wait3A_184 = tpu.memref_slice %arg11[%add3A_93, %dma_wait3A] : memref<10240x128xf32, #tpu.memory_space<vmem_shared>> -> memref<16x128xf32, #tpu.memory_space<vmem_shared>>
      %dma_wait3A_185 = arith.constant 0 : i32
      %dma_wait3A_186 = tpu.memref_slice %arg11[%add3A_93, %dma_wait3A_185] : memref<10240x128xf32, #tpu.memory_space<vmem_shared>> -> memref<16x128xf32, #tpu.memory_space<vmem_shared>>
      tpu.wait_dma2 semaphore(%run_scoped3A : memref<!tpu.dma_semaphore, #tpu.memory_space<semaphore_mem>>) src(%arg10 : memref<16x128xf32, #tpu.memory_space<vmem>>) dst(%dma_wait3A_186 : memref<16x128xf32, #tpu.memory_space<vmem_shared>>)
      tpu.yield
    }) : () -> ()
    %mul3A_94 = arith.constant 640 : i32
    %mul3A_95 = arith.muli %arg1, %mul3A_94 : i32
    %add3A_96 = arith.constant 352 : i32
    %add3A_97 = arith.addi %mul3A_95, %add3A_96 : i32
    "tpu.region"() ({
      %run_scoped3A = tpu.sem_alloc : memref<!tpu.dma_semaphore, #tpu.memory_space<semaphore_mem>>
      %dma_start3A = arith.constant 0 : i32
      %dma_start3A_181 = tpu.memref_slice %arg11[%add3A_97, %dma_start3A] : memref<10240x128xf32, #tpu.memory_space<vmem_shared>> -> memref<16x128xf32, #tpu.memory_space<vmem_shared>>
      %dma_start3A_182 = arith.constant 0 : i32
      %dma_start3A_183 = tpu.memref_slice %arg11[%add3A_97, %dma_start3A_182] : memref<10240x128xf32, #tpu.memory_space<vmem_shared>> -> memref<16x128xf32, #tpu.memory_space<vmem_shared>>
      tpu.enqueue_dma source(%arg10 : memref<16x128xf32, #tpu.memory_space<vmem>>) target(%dma_start3A_183 : memref<16x128xf32, #tpu.memory_space<vmem_shared>>) target_semaphore(%run_scoped3A : memref<!tpu.dma_semaphore, #tpu.memory_space<semaphore_mem>>)
      %dma_wait3A = arith.constant 0 : i32
      %dma_wait3A_184 = tpu.memref_slice %arg11[%add3A_97, %dma_wait3A] : memref<10240x128xf32, #tpu.memory_space<vmem_shared>> -> memref<16x128xf32, #tpu.memory_space<vmem_shared>>
      %dma_wait3A_185 = arith.constant 0 : i32
      %dma_wait3A_186 = tpu.memref_slice %arg11[%add3A_97, %dma_wait3A_185] : memref<10240x128xf32, #tpu.memory_space<vmem_shared>> -> memref<16x128xf32, #tpu.memory_space<vmem_shared>>
      tpu.wait_dma2 semaphore(%run_scoped3A : memref<!tpu.dma_semaphore, #tpu.memory_space<semaphore_mem>>) src(%arg10 : memref<16x128xf32, #tpu.memory_space<vmem>>) dst(%dma_wait3A_186 : memref<16x128xf32, #tpu.memory_space<vmem_shared>>)
      tpu.yield
    }) : () -> ()
    %mul3A_98 = arith.constant 640 : i32
    %mul3A_99 = arith.muli %arg1, %mul3A_98 : i32
    %add3A_100 = arith.constant 368 : i32
    %add3A_101 = arith.addi %mul3A_99, %add3A_100 : i32
    "tpu.region"() ({
      %run_scoped3A = tpu.sem_alloc : memref<!tpu.dma_semaphore, #tpu.memory_space<semaphore_mem>>
      %dma_start3A = arith.constant 0 : i32
      %dma_start3A_181 = tpu.memref_slice %arg11[%add3A_101, %dma_start3A] : memref<10240x128xf32, #tpu.memory_space<vmem_shared>> -> memref<16x128xf32, #tpu.memory_space<vmem_shared>>
      %dma_start3A_182 = arith.constant 0 : i32
      %dma_start3A_183 = tpu.memref_slice %arg11[%add3A_101, %dma_start3A_182] : memref<10240x128xf32, #tpu.memory_space<vmem_shared>> -> memref<16x128xf32, #tpu.memory_space<vmem_shared>>
      tpu.enqueue_dma source(%arg10 : memref<16x128xf32, #tpu.memory_space<vmem>>) target(%dma_start3A_183 : memref<16x128xf32, #tpu.memory_space<vmem_shared>>) target_semaphore(%run_scoped3A : memref<!tpu.dma_semaphore, #tpu.memory_space<semaphore_mem>>)
      %dma_wait3A = arith.constant 0 : i32
      %dma_wait3A_184 = tpu.memref_slice %arg11[%add3A_101, %dma_wait3A] : memref<10240x128xf32, #tpu.memory_space<vmem_shared>> -> memref<16x128xf32, #tpu.memory_space<vmem_shared>>
      %dma_wait3A_185 = arith.constant 0 : i32
      %dma_wait3A_186 = tpu.memref_slice %arg11[%add3A_101, %dma_wait3A_185] : memref<10240x128xf32, #tpu.memory_space<vmem_shared>> -> memref<16x128xf32, #tpu.memory_space<vmem_shared>>
      tpu.wait_dma2 semaphore(%run_scoped3A : memref<!tpu.dma_semaphore, #tpu.memory_space<semaphore_mem>>) src(%arg10 : memref<16x128xf32, #tpu.memory_space<vmem>>) dst(%dma_wait3A_186 : memref<16x128xf32, #tpu.memory_space<vmem_shared>>)
      tpu.yield
    }) : () -> ()
    %mul3A_102 = arith.constant 640 : i32
    %mul3A_103 = arith.muli %arg1, %mul3A_102 : i32
    %add3A_104 = arith.constant 384 : i32
    %add3A_105 = arith.addi %mul3A_103, %add3A_104 : i32
    "tpu.region"() ({
      %run_scoped3A = tpu.sem_alloc : memref<!tpu.dma_semaphore, #tpu.memory_space<semaphore_mem>>
      %dma_start3A = arith.constant 0 : i32
      %dma_start3A_181 = tpu.memref_slice %arg11[%add3A_105, %dma_start3A] : memref<10240x128xf32, #tpu.memory_space<vmem_shared>> -> memref<16x128xf32, #tpu.memory_space<vmem_shared>>
      %dma_start3A_182 = arith.constant 0 : i32
      %dma_start3A_183 = tpu.memref_slice %arg11[%add3A_105, %dma_start3A_182] : memref<10240x128xf32, #tpu.memory_space<vmem_shared>> -> memref<16x128xf32, #tpu.memory_space<vmem_shared>>
      tpu.enqueue_dma source(%arg10 : memref<16x128xf32, #tpu.memory_space<vmem>>) target(%dma_start3A_183 : memref<16x128xf32, #tpu.memory_space<vmem_shared>>) target_semaphore(%run_scoped3A : memref<!tpu.dma_semaphore, #tpu.memory_space<semaphore_mem>>)
      %dma_wait3A = arith.constant 0 : i32
      %dma_wait3A_184 = tpu.memref_slice %arg11[%add3A_105, %dma_wait3A] : memref<10240x128xf32, #tpu.memory_space<vmem_shared>> -> memref<16x128xf32, #tpu.memory_space<vmem_shared>>
      %dma_wait3A_185 = arith.constant 0 : i32
      %dma_wait3A_186 = tpu.memref_slice %arg11[%add3A_105, %dma_wait3A_185] : memref<10240x128xf32, #tpu.memory_space<vmem_shared>> -> memref<16x128xf32, #tpu.memory_space<vmem_shared>>
      tpu.wait_dma2 semaphore(%run_scoped3A : memref<!tpu.dma_semaphore, #tpu.memory_space<semaphore_mem>>) src(%arg10 : memref<16x128xf32, #tpu.memory_space<vmem>>) dst(%dma_wait3A_186 : memref<16x128xf32, #tpu.memory_space<vmem_shared>>)
      tpu.yield
    }) : () -> ()
    %mul3A_106 = arith.constant 640 : i32
    %mul3A_107 = arith.muli %arg1, %mul3A_106 : i32
    %add3A_108 = arith.constant 400 : i32
    %add3A_109 = arith.addi %mul3A_107, %add3A_108 : i32
    "tpu.region"() ({
      %run_scoped3A = tpu.sem_alloc : memref<!tpu.dma_semaphore, #tpu.memory_space<semaphore_mem>>
      %dma_start3A = arith.constant 0 : i32
      %dma_start3A_181 = tpu.memref_slice %arg11[%add3A_109, %dma_start3A] : memref<10240x128xf32, #tpu.memory_space<vmem_shared>> -> memref<16x128xf32, #tpu.memory_space<vmem_shared>>
      %dma_start3A_182 = arith.constant 0 : i32
      %dma_start3A_183 = tpu.memref_slice %arg11[%add3A_109, %dma_start3A_182] : memref<10240x128xf32, #tpu.memory_space<vmem_shared>> -> memref<16x128xf32, #tpu.memory_space<vmem_shared>>
      tpu.enqueue_dma source(%arg10 : memref<16x128xf32, #tpu.memory_space<vmem>>) target(%dma_start3A_183 : memref<16x128xf32, #tpu.memory_space<vmem_shared>>) target_semaphore(%run_scoped3A : memref<!tpu.dma_semaphore, #tpu.memory_space<semaphore_mem>>)
      %dma_wait3A = arith.constant 0 : i32
      %dma_wait3A_184 = tpu.memref_slice %arg11[%add3A_109, %dma_wait3A] : memref<10240x128xf32, #tpu.memory_space<vmem_shared>> -> memref<16x128xf32, #tpu.memory_space<vmem_shared>>
      %dma_wait3A_185 = arith.constant 0 : i32
      %dma_wait3A_186 = tpu.memref_slice %arg11[%add3A_109, %dma_wait3A_185] : memref<10240x128xf32, #tpu.memory_space<vmem_shared>> -> memref<16x128xf32, #tpu.memory_space<vmem_shared>>
      tpu.wait_dma2 semaphore(%run_scoped3A : memref<!tpu.dma_semaphore, #tpu.memory_space<semaphore_mem>>) src(%arg10 : memref<16x128xf32, #tpu.memory_space<vmem>>) dst(%dma_wait3A_186 : memref<16x128xf32, #tpu.memory_space<vmem_shared>>)
      tpu.yield
    }) : () -> ()
    %mul3A_110 = arith.constant 640 : i32
    %mul3A_111 = arith.muli %arg1, %mul3A_110 : i32
    %add3A_112 = arith.constant 416 : i32
    %add3A_113 = arith.addi %mul3A_111, %add3A_112 : i32
    "tpu.region"() ({
      %run_scoped3A = tpu.sem_alloc : memref<!tpu.dma_semaphore, #tpu.memory_space<semaphore_mem>>
      %dma_start3A = arith.constant 0 : i32
      %dma_start3A_181 = tpu.memref_slice %arg11[%add3A_113, %dma_start3A] : memref<10240x128xf32, #tpu.memory_space<vmem_shared>> -> memref<16x128xf32, #tpu.memory_space<vmem_shared>>
      %dma_start3A_182 = arith.constant 0 : i32
      %dma_start3A_183 = tpu.memref_slice %arg11[%add3A_113, %dma_start3A_182] : memref<10240x128xf32, #tpu.memory_space<vmem_shared>> -> memref<16x128xf32, #tpu.memory_space<vmem_shared>>
      tpu.enqueue_dma source(%arg10 : memref<16x128xf32, #tpu.memory_space<vmem>>) target(%dma_start3A_183 : memref<16x128xf32, #tpu.memory_space<vmem_shared>>) target_semaphore(%run_scoped3A : memref<!tpu.dma_semaphore, #tpu.memory_space<semaphore_mem>>)
      %dma_wait3A = arith.constant 0 : i32
      %dma_wait3A_184 = tpu.memref_slice %arg11[%add3A_113, %dma_wait3A] : memref<10240x128xf32, #tpu.memory_space<vmem_shared>> -> memref<16x128xf32, #tpu.memory_space<vmem_shared>>
      %dma_wait3A_185 = arith.constant 0 : i32
      %dma_wait3A_186 = tpu.memref_slice %arg11[%add3A_113, %dma_wait3A_185] : memref<10240x128xf32, #tpu.memory_space<vmem_shared>> -> memref<16x128xf32, #tpu.memory_space<vmem_shared>>
      tpu.wait_dma2 semaphore(%run_scoped3A : memref<!tpu.dma_semaphore, #tpu.memory_space<semaphore_mem>>) src(%arg10 : memref<16x128xf32, #tpu.memory_space<vmem>>) dst(%dma_wait3A_186 : memref<16x128xf32, #tpu.memory_space<vmem_shared>>)
      tpu.yield
    }) : () -> ()
    %mul3A_114 = arith.constant 640 : i32
    %mul3A_115 = arith.muli %arg1, %mul3A_114 : i32
    %add3A_116 = arith.constant 432 : i32
    %add3A_117 = arith.addi %mul3A_115, %add3A_116 : i32
    "tpu.region"() ({
      %run_scoped3A = tpu.sem_alloc : memref<!tpu.dma_semaphore, #tpu.memory_space<semaphore_mem>>
      %dma_start3A = arith.constant 0 : i32
      %dma_start3A_181 = tpu.memref_slice %arg11[%add3A_117, %dma_start3A] : memref<10240x128xf32, #tpu.memory_space<vmem_shared>> -> memref<16x128xf32, #tpu.memory_space<vmem_shared>>
      %dma_start3A_182 = arith.constant 0 : i32
      %dma_start3A_183 = tpu.memref_slice %arg11[%add3A_117, %dma_start3A_182] : memref<10240x128xf32, #tpu.memory_space<vmem_shared>> -> memref<16x128xf32, #tpu.memory_space<vmem_shared>>
      tpu.enqueue_dma source(%arg10 : memref<16x128xf32, #tpu.memory_space<vmem>>) target(%dma_start3A_183 : memref<16x128xf32, #tpu.memory_space<vmem_shared>>) target_semaphore(%run_scoped3A : memref<!tpu.dma_semaphore, #tpu.memory_space<semaphore_mem>>)
      %dma_wait3A = arith.constant 0 : i32
      %dma_wait3A_184 = tpu.memref_slice %arg11[%add3A_117, %dma_wait3A] : memref<10240x128xf32, #tpu.memory_space<vmem_shared>> -> memref<16x128xf32, #tpu.memory_space<vmem_shared>>
      %dma_wait3A_185 = arith.constant 0 : i32
      %dma_wait3A_186 = tpu.memref_slice %arg11[%add3A_117, %dma_wait3A_185] : memref<10240x128xf32, #tpu.memory_space<vmem_shared>> -> memref<16x128xf32, #tpu.memory_space<vmem_shared>>
      tpu.wait_dma2 semaphore(%run_scoped3A : memref<!tpu.dma_semaphore, #tpu.memory_space<semaphore_mem>>) src(%arg10 : memref<16x128xf32, #tpu.memory_space<vmem>>) dst(%dma_wait3A_186 : memref<16x128xf32, #tpu.memory_space<vmem_shared>>)
      tpu.yield
    }) : () -> ()
    %mul3A_118 = arith.constant 640 : i32
    %mul3A_119 = arith.muli %arg1, %mul3A_118 : i32
    %add3A_120 = arith.constant 448 : i32
    %add3A_121 = arith.addi %mul3A_119, %add3A_120 : i32
    "tpu.region"() ({
      %run_scoped3A = tpu.sem_alloc : memref<!tpu.dma_semaphore, #tpu.memory_space<semaphore_mem>>
      %dma_start3A = arith.constant 0 : i32
      %dma_start3A_181 = tpu.memref_slice %arg11[%add3A_121, %dma_start3A] : memref<10240x128xf32, #tpu.memory_space<vmem_shared>> -> memref<16x128xf32, #tpu.memory_space<vmem_shared>>
      %dma_start3A_182 = arith.constant 0 : i32
      %dma_start3A_183 = tpu.memref_slice %arg11[%add3A_121, %dma_start3A_182] : memref<10240x128xf32, #tpu.memory_space<vmem_shared>> -> memref<16x128xf32, #tpu.memory_space<vmem_shared>>
      tpu.enqueue_dma source(%arg10 : memref<16x128xf32, #tpu.memory_space<vmem>>) target(%dma_start3A_183 : memref<16x128xf32, #tpu.memory_space<vmem_shared>>) target_semaphore(%run_scoped3A : memref<!tpu.dma_semaphore, #tpu.memory_space<semaphore_mem>>)
      %dma_wait3A = arith.constant 0 : i32
      %dma_wait3A_184 = tpu.memref_slice %arg11[%add3A_121, %dma_wait3A] : memref<10240x128xf32, #tpu.memory_space<vmem_shared>> -> memref<16x128xf32, #tpu.memory_space<vmem_shared>>
      %dma_wait3A_185 = arith.constant 0 : i32
      %dma_wait3A_186 = tpu.memref_slice %arg11[%add3A_121, %dma_wait3A_185] : memref<10240x128xf32, #tpu.memory_space<vmem_shared>> -> memref<16x128xf32, #tpu.memory_space<vmem_shared>>
      tpu.wait_dma2 semaphore(%run_scoped3A : memref<!tpu.dma_semaphore, #tpu.memory_space<semaphore_mem>>) src(%arg10 : memref<16x128xf32, #tpu.memory_space<vmem>>) dst(%dma_wait3A_186 : memref<16x128xf32, #tpu.memory_space<vmem_shared>>)
      tpu.yield
    }) : () -> ()
    %mul3A_122 = arith.constant 640 : i32
    %mul3A_123 = arith.muli %arg1, %mul3A_122 : i32
    %add3A_124 = arith.constant 464 : i32
    %add3A_125 = arith.addi %mul3A_123, %add3A_124 : i32
    "tpu.region"() ({
      %run_scoped3A = tpu.sem_alloc : memref<!tpu.dma_semaphore, #tpu.memory_space<semaphore_mem>>
      %dma_start3A = arith.constant 0 : i32
      %dma_start3A_181 = tpu.memref_slice %arg11[%add3A_125, %dma_start3A] : memref<10240x128xf32, #tpu.memory_space<vmem_shared>> -> memref<16x128xf32, #tpu.memory_space<vmem_shared>>
      %dma_start3A_182 = arith.constant 0 : i32
      %dma_start3A_183 = tpu.memref_slice %arg11[%add3A_125, %dma_start3A_182] : memref<10240x128xf32, #tpu.memory_space<vmem_shared>> -> memref<16x128xf32, #tpu.memory_space<vmem_shared>>
      tpu.enqueue_dma source(%arg10 : memref<16x128xf32, #tpu.memory_space<vmem>>) target(%dma_start3A_183 : memref<16x128xf32, #tpu.memory_space<vmem_shared>>) target_semaphore(%run_scoped3A : memref<!tpu.dma_semaphore, #tpu.memory_space<semaphore_mem>>)
      %dma_wait3A = arith.constant 0 : i32
      %dma_wait3A_184 = tpu.memref_slice %arg11[%add3A_125, %dma_wait3A] : memref<10240x128xf32, #tpu.memory_space<vmem_shared>> -> memref<16x128xf32, #tpu.memory_space<vmem_shared>>
      %dma_wait3A_185 = arith.constant 0 : i32
      %dma_wait3A_186 = tpu.memref_slice %arg11[%add3A_125, %dma_wait3A_185] : memref<10240x128xf32, #tpu.memory_space<vmem_shared>> -> memref<16x128xf32, #tpu.memory_space<vmem_shared>>
      tpu.wait_dma2 semaphore(%run_scoped3A : memref<!tpu.dma_semaphore, #tpu.memory_space<semaphore_mem>>) src(%arg10 : memref<16x128xf32, #tpu.memory_space<vmem>>) dst(%dma_wait3A_186 : memref<16x128xf32, #tpu.memory_space<vmem_shared>>)
      tpu.yield
    }) : () -> ()
    %mul3A_126 = arith.constant 640 : i32
    %mul3A_127 = arith.muli %arg1, %mul3A_126 : i32
    %add3A_128 = arith.constant 480 : i32
    %add3A_129 = arith.addi %mul3A_127, %add3A_128 : i32
    "tpu.region"() ({
      %run_scoped3A = tpu.sem_alloc : memref<!tpu.dma_semaphore, #tpu.memory_space<semaphore_mem>>
      %dma_start3A = arith.constant 0 : i32
      %dma_start3A_181 = tpu.memref_slice %arg11[%add3A_129, %dma_start3A] : memref<10240x128xf32, #tpu.memory_space<vmem_shared>> -> memref<16x128xf32, #tpu.memory_space<vmem_shared>>
      %dma_start3A_182 = arith.constant 0 : i32
      %dma_start3A_183 = tpu.memref_slice %arg11[%add3A_129, %dma_start3A_182] : memref<10240x128xf32, #tpu.memory_space<vmem_shared>> -> memref<16x128xf32, #tpu.memory_space<vmem_shared>>
      tpu.enqueue_dma source(%arg10 : memref<16x128xf32, #tpu.memory_space<vmem>>) target(%dma_start3A_183 : memref<16x128xf32, #tpu.memory_space<vmem_shared>>) target_semaphore(%run_scoped3A : memref<!tpu.dma_semaphore, #tpu.memory_space<semaphore_mem>>)
      %dma_wait3A = arith.constant 0 : i32
      %dma_wait3A_184 = tpu.memref_slice %arg11[%add3A_129, %dma_wait3A] : memref<10240x128xf32, #tpu.memory_space<vmem_shared>> -> memref<16x128xf32, #tpu.memory_space<vmem_shared>>
      %dma_wait3A_185 = arith.constant 0 : i32
      %dma_wait3A_186 = tpu.memref_slice %arg11[%add3A_129, %dma_wait3A_185] : memref<10240x128xf32, #tpu.memory_space<vmem_shared>> -> memref<16x128xf32, #tpu.memory_space<vmem_shared>>
      tpu.wait_dma2 semaphore(%run_scoped3A : memref<!tpu.dma_semaphore, #tpu.memory_space<semaphore_mem>>) src(%arg10 : memref<16x128xf32, #tpu.memory_space<vmem>>) dst(%dma_wait3A_186 : memref<16x128xf32, #tpu.memory_space<vmem_shared>>)
      tpu.yield
    }) : () -> ()
    %mul3A_130 = arith.constant 640 : i32
    %mul3A_131 = arith.muli %arg1, %mul3A_130 : i32
    %add3A_132 = arith.constant 496 : i32
    %add3A_133 = arith.addi %mul3A_131, %add3A_132 : i32
    "tpu.region"() ({
      %run_scoped3A = tpu.sem_alloc : memref<!tpu.dma_semaphore, #tpu.memory_space<semaphore_mem>>
      %dma_start3A = arith.constant 0 : i32
      %dma_start3A_181 = tpu.memref_slice %arg11[%add3A_133, %dma_start3A] : memref<10240x128xf32, #tpu.memory_space<vmem_shared>> -> memref<16x128xf32, #tpu.memory_space<vmem_shared>>
      %dma_start3A_182 = arith.constant 0 : i32
      %dma_start3A_183 = tpu.memref_slice %arg11[%add3A_133, %dma_start3A_182] : memref<10240x128xf32, #tpu.memory_space<vmem_shared>> -> memref<16x128xf32, #tpu.memory_space<vmem_shared>>
      tpu.enqueue_dma source(%arg10 : memref<16x128xf32, #tpu.memory_space<vmem>>) target(%dma_start3A_183 : memref<16x128xf32, #tpu.memory_space<vmem_shared>>) target_semaphore(%run_scoped3A : memref<!tpu.dma_semaphore, #tpu.memory_space<semaphore_mem>>)
      %dma_wait3A = arith.constant 0 : i32
      %dma_wait3A_184 = tpu.memref_slice %arg11[%add3A_133, %dma_wait3A] : memref<10240x128xf32, #tpu.memory_space<vmem_shared>> -> memref<16x128xf32, #tpu.memory_space<vmem_shared>>
      %dma_wait3A_185 = arith.constant 0 : i32
      %dma_wait3A_186 = tpu.memref_slice %arg11[%add3A_133, %dma_wait3A_185] : memref<10240x128xf32, #tpu.memory_space<vmem_shared>> -> memref<16x128xf32, #tpu.memory_space<vmem_shared>>
      tpu.wait_dma2 semaphore(%run_scoped3A : memref<!tpu.dma_semaphore, #tpu.memory_space<semaphore_mem>>) src(%arg10 : memref<16x128xf32, #tpu.memory_space<vmem>>) dst(%dma_wait3A_186 : memref<16x128xf32, #tpu.memory_space<vmem_shared>>)
      tpu.yield
    }) : () -> ()
    %mul3A_134 = arith.constant 640 : i32
    %mul3A_135 = arith.muli %arg1, %mul3A_134 : i32
    %add3A_136 = arith.constant 512 : i32
    %add3A_137 = arith.addi %mul3A_135, %add3A_136 : i32
    "tpu.region"() ({
      %run_scoped3A = tpu.sem_alloc : memref<!tpu.dma_semaphore, #tpu.memory_space<semaphore_mem>>
      %dma_start3A = arith.constant 0 : i32
      %dma_start3A_181 = tpu.memref_slice %arg11[%add3A_137, %dma_start3A] : memref<10240x128xf32, #tpu.memory_space<vmem_shared>> -> memref<16x128xf32, #tpu.memory_space<vmem_shared>>
      %dma_start3A_182 = arith.constant 0 : i32
      %dma_start3A_183 = tpu.memref_slice %arg11[%add3A_137, %dma_start3A_182] : memref<10240x128xf32, #tpu.memory_space<vmem_shared>> -> memref<16x128xf32, #tpu.memory_space<vmem_shared>>
      tpu.enqueue_dma source(%arg10 : memref<16x128xf32, #tpu.memory_space<vmem>>) target(%dma_start3A_183 : memref<16x128xf32, #tpu.memory_space<vmem_shared>>) target_semaphore(%run_scoped3A : memref<!tpu.dma_semaphore, #tpu.memory_space<semaphore_mem>>)
      %dma_wait3A = arith.constant 0 : i32
      %dma_wait3A_184 = tpu.memref_slice %arg11[%add3A_137, %dma_wait3A] : memref<10240x128xf32, #tpu.memory_space<vmem_shared>> -> memref<16x128xf32, #tpu.memory_space<vmem_shared>>
      %dma_wait3A_185 = arith.constant 0 : i32
      %dma_wait3A_186 = tpu.memref_slice %arg11[%add3A_137, %dma_wait3A_185] : memref<10240x128xf32, #tpu.memory_space<vmem_shared>> -> memref<16x128xf32, #tpu.memory_space<vmem_shared>>
      tpu.wait_dma2 semaphore(%run_scoped3A : memref<!tpu.dma_semaphore, #tpu.memory_space<semaphore_mem>>) src(%arg10 : memref<16x128xf32, #tpu.memory_space<vmem>>) dst(%dma_wait3A_186 : memref<16x128xf32, #tpu.memory_space<vmem_shared>>)
      tpu.yield
    }) : () -> ()
    %mul3A_138 = arith.constant 640 : i32
    %mul3A_139 = arith.muli %arg1, %mul3A_138 : i32
    %add3A_140 = arith.constant 528 : i32
    %add3A_141 = arith.addi %mul3A_139, %add3A_140 : i32
    "tpu.region"() ({
      %run_scoped3A = tpu.sem_alloc : memref<!tpu.dma_semaphore, #tpu.memory_space<semaphore_mem>>
      %dma_start3A = arith.constant 0 : i32
      %dma_start3A_181 = tpu.memref_slice %arg11[%add3A_141, %dma_start3A] : memref<10240x128xf32, #tpu.memory_space<vmem_shared>> -> memref<16x128xf32, #tpu.memory_space<vmem_shared>>
      %dma_start3A_182 = arith.constant 0 : i32
      %dma_start3A_183 = tpu.memref_slice %arg11[%add3A_141, %dma_start3A_182] : memref<10240x128xf32, #tpu.memory_space<vmem_shared>> -> memref<16x128xf32, #tpu.memory_space<vmem_shared>>
      tpu.enqueue_dma source(%arg10 : memref<16x128xf32, #tpu.memory_space<vmem>>) target(%dma_start3A_183 : memref<16x128xf32, #tpu.memory_space<vmem_shared>>) target_semaphore(%run_scoped3A : memref<!tpu.dma_semaphore, #tpu.memory_space<semaphore_mem>>)
      %dma_wait3A = arith.constant 0 : i32
      %dma_wait3A_184 = tpu.memref_slice %arg11[%add3A_141, %dma_wait3A] : memref<10240x128xf32, #tpu.memory_space<vmem_shared>> -> memref<16x128xf32, #tpu.memory_space<vmem_shared>>
      %dma_wait3A_185 = arith.constant 0 : i32
      %dma_wait3A_186 = tpu.memref_slice %arg11[%add3A_141, %dma_wait3A_185] : memref<10240x128xf32, #tpu.memory_space<vmem_shared>> -> memref<16x128xf32, #tpu.memory_space<vmem_shared>>
      tpu.wait_dma2 semaphore(%run_scoped3A : memref<!tpu.dma_semaphore, #tpu.memory_space<semaphore_mem>>) src(%arg10 : memref<16x128xf32, #tpu.memory_space<vmem>>) dst(%dma_wait3A_186 : memref<16x128xf32, #tpu.memory_space<vmem_shared>>)
      tpu.yield
    }) : () -> ()
    %mul3A_142 = arith.constant 640 : i32
    %mul3A_143 = arith.muli %arg1, %mul3A_142 : i32
    %add3A_144 = arith.constant 544 : i32
    %add3A_145 = arith.addi %mul3A_143, %add3A_144 : i32
    "tpu.region"() ({
      %run_scoped3A = tpu.sem_alloc : memref<!tpu.dma_semaphore, #tpu.memory_space<semaphore_mem>>
      %dma_start3A = arith.constant 0 : i32
      %dma_start3A_181 = tpu.memref_slice %arg11[%add3A_145, %dma_start3A] : memref<10240x128xf32, #tpu.memory_space<vmem_shared>> -> memref<16x128xf32, #tpu.memory_space<vmem_shared>>
      %dma_start3A_182 = arith.constant 0 : i32
      %dma_start3A_183 = tpu.memref_slice %arg11[%add3A_145, %dma_start3A_182] : memref<10240x128xf32, #tpu.memory_space<vmem_shared>> -> memref<16x128xf32, #tpu.memory_space<vmem_shared>>
      tpu.enqueue_dma source(%arg10 : memref<16x128xf32, #tpu.memory_space<vmem>>) target(%dma_start3A_183 : memref<16x128xf32, #tpu.memory_space<vmem_shared>>) target_semaphore(%run_scoped3A : memref<!tpu.dma_semaphore, #tpu.memory_space<semaphore_mem>>)
      %dma_wait3A = arith.constant 0 : i32
      %dma_wait3A_184 = tpu.memref_slice %arg11[%add3A_145, %dma_wait3A] : memref<10240x128xf32, #tpu.memory_space<vmem_shared>> -> memref<16x128xf32, #tpu.memory_space<vmem_shared>>
      %dma_wait3A_185 = arith.constant 0 : i32
      %dma_wait3A_186 = tpu.memref_slice %arg11[%add3A_145, %dma_wait3A_185] : memref<10240x128xf32, #tpu.memory_space<vmem_shared>> -> memref<16x128xf32, #tpu.memory_space<vmem_shared>>
      tpu.wait_dma2 semaphore(%run_scoped3A : memref<!tpu.dma_semaphore, #tpu.memory_space<semaphore_mem>>) src(%arg10 : memref<16x128xf32, #tpu.memory_space<vmem>>) dst(%dma_wait3A_186 : memref<16x128xf32, #tpu.memory_space<vmem_shared>>)
      tpu.yield
    }) : () -> ()
    %mul3A_146 = arith.constant 640 : i32
    %mul3A_147 = arith.muli %arg1, %mul3A_146 : i32
    %add3A_148 = arith.constant 560 : i32
    %add3A_149 = arith.addi %mul3A_147, %add3A_148 : i32
    "tpu.region"() ({
      %run_scoped3A = tpu.sem_alloc : memref<!tpu.dma_semaphore, #tpu.memory_space<semaphore_mem>>
      %dma_start3A = arith.constant 0 : i32
      %dma_start3A_181 = tpu.memref_slice %arg11[%add3A_149, %dma_start3A] : memref<10240x128xf32, #tpu.memory_space<vmem_shared>> -> memref<16x128xf32, #tpu.memory_space<vmem_shared>>
      %dma_start3A_182 = arith.constant 0 : i32
      %dma_start3A_183 = tpu.memref_slice %arg11[%add3A_149, %dma_start3A_182] : memref<10240x128xf32, #tpu.memory_space<vmem_shared>> -> memref<16x128xf32, #tpu.memory_space<vmem_shared>>
      tpu.enqueue_dma source(%arg10 : memref<16x128xf32, #tpu.memory_space<vmem>>) target(%dma_start3A_183 : memref<16x128xf32, #tpu.memory_space<vmem_shared>>) target_semaphore(%run_scoped3A : memref<!tpu.dma_semaphore, #tpu.memory_space<semaphore_mem>>)
      %dma_wait3A = arith.constant 0 : i32
      %dma_wait3A_184 = tpu.memref_slice %arg11[%add3A_149, %dma_wait3A] : memref<10240x128xf32, #tpu.memory_space<vmem_shared>> -> memref<16x128xf32, #tpu.memory_space<vmem_shared>>
      %dma_wait3A_185 = arith.constant 0 : i32
      %dma_wait3A_186 = tpu.memref_slice %arg11[%add3A_149, %dma_wait3A_185] : memref<10240x128xf32, #tpu.memory_space<vmem_shared>> -> memref<16x128xf32, #tpu.memory_space<vmem_shared>>
      tpu.wait_dma2 semaphore(%run_scoped3A : memref<!tpu.dma_semaphore, #tpu.memory_space<semaphore_mem>>) src(%arg10 : memref<16x128xf32, #tpu.memory_space<vmem>>) dst(%dma_wait3A_186 : memref<16x128xf32, #tpu.memory_space<vmem_shared>>)
      tpu.yield
    }) : () -> ()
    %mul3A_150 = arith.constant 640 : i32
    %mul3A_151 = arith.muli %arg1, %mul3A_150 : i32
    %add3A_152 = arith.constant 576 : i32
    %add3A_153 = arith.addi %mul3A_151, %add3A_152 : i32
    "tpu.region"() ({
      %run_scoped3A = tpu.sem_alloc : memref<!tpu.dma_semaphore, #tpu.memory_space<semaphore_mem>>
      %dma_start3A = arith.constant 0 : i32
      %dma_start3A_181 = tpu.memref_slice %arg11[%add3A_153, %dma_start3A] : memref<10240x128xf32, #tpu.memory_space<vmem_shared>> -> memref<16x128xf32, #tpu.memory_space<vmem_shared>>
      %dma_start3A_182 = arith.constant 0 : i32
      %dma_start3A_183 = tpu.memref_slice %arg11[%add3A_153, %dma_start3A_182] : memref<10240x128xf32, #tpu.memory_space<vmem_shared>> -> memref<16x128xf32, #tpu.memory_space<vmem_shared>>
      tpu.enqueue_dma source(%arg10 : memref<16x128xf32, #tpu.memory_space<vmem>>) target(%dma_start3A_183 : memref<16x128xf32, #tpu.memory_space<vmem_shared>>) target_semaphore(%run_scoped3A : memref<!tpu.dma_semaphore, #tpu.memory_space<semaphore_mem>>)
      %dma_wait3A = arith.constant 0 : i32
      %dma_wait3A_184 = tpu.memref_slice %arg11[%add3A_153, %dma_wait3A] : memref<10240x128xf32, #tpu.memory_space<vmem_shared>> -> memref<16x128xf32, #tpu.memory_space<vmem_shared>>
      %dma_wait3A_185 = arith.constant 0 : i32
      %dma_wait3A_186 = tpu.memref_slice %arg11[%add3A_153, %dma_wait3A_185] : memref<10240x128xf32, #tpu.memory_space<vmem_shared>> -> memref<16x128xf32, #tpu.memory_space<vmem_shared>>
      tpu.wait_dma2 semaphore(%run_scoped3A : memref<!tpu.dma_semaphore, #tpu.memory_space<semaphore_mem>>) src(%arg10 : memref<16x128xf32, #tpu.memory_space<vmem>>) dst(%dma_wait3A_186 : memref<16x128xf32, #tpu.memory_space<vmem_shared>>)
      tpu.yield
    }) : () -> ()
    %mul3A_154 = arith.constant 640 : i32
    %mul3A_155 = arith.muli %arg1, %mul3A_154 : i32
    %add3A_156 = arith.constant 592 : i32
    %add3A_157 = arith.addi %mul3A_155, %add3A_156 : i32
    "tpu.region"() ({
      %run_scoped3A = tpu.sem_alloc : memref<!tpu.dma_semaphore, #tpu.memory_space<semaphore_mem>>
      %dma_start3A = arith.constant 0 : i32
      %dma_start3A_181 = tpu.memref_slice %arg11[%add3A_157, %dma_start3A] : memref<10240x128xf32, #tpu.memory_space<vmem_shared>> -> memref<16x128xf32, #tpu.memory_space<vmem_shared>>
      %dma_start3A_182 = arith.constant 0 : i32
      %dma_start3A_183 = tpu.memref_slice %arg11[%add3A_157, %dma_start3A_182] : memref<10240x128xf32, #tpu.memory_space<vmem_shared>> -> memref<16x128xf32, #tpu.memory_space<vmem_shared>>
      tpu.enqueue_dma source(%arg10 : memref<16x128xf32, #tpu.memory_space<vmem>>) target(%dma_start3A_183 : memref<16x128xf32, #tpu.memory_space<vmem_shared>>) target_semaphore(%run_scoped3A : memref<!tpu.dma_semaphore, #tpu.memory_space<semaphore_mem>>)
      %dma_wait3A = arith.constant 0 : i32
      %dma_wait3A_184 = tpu.memref_slice %arg11[%add3A_157, %dma_wait3A] : memref<10240x128xf32, #tpu.memory_space<vmem_shared>> -> memref<16x128xf32, #tpu.memory_space<vmem_shared>>
      %dma_wait3A_185 = arith.constant 0 : i32
      %dma_wait3A_186 = tpu.memref_slice %arg11[%add3A_157, %dma_wait3A_185] : memref<10240x128xf32, #tpu.memory_space<vmem_shared>> -> memref<16x128xf32, #tpu.memory_space<vmem_shared>>
      tpu.wait_dma2 semaphore(%run_scoped3A : memref<!tpu.dma_semaphore, #tpu.memory_space<semaphore_mem>>) src(%arg10 : memref<16x128xf32, #tpu.memory_space<vmem>>) dst(%dma_wait3A_186 : memref<16x128xf32, #tpu.memory_space<vmem_shared>>)
      tpu.yield
    }) : () -> ()
    %mul3A_158 = arith.constant 640 : i32
    %mul3A_159 = arith.muli %arg1, %mul3A_158 : i32
    %add3A_160 = arith.constant 608 : i32
    %add3A_161 = arith.addi %mul3A_159, %add3A_160 : i32
    "tpu.region"() ({
      %run_scoped3A = tpu.sem_alloc : memref<!tpu.dma_semaphore, #tpu.memory_space<semaphore_mem>>
      %dma_start3A = arith.constant 0 : i32
      %dma_start3A_181 = tpu.memref_slice %arg11[%add3A_161, %dma_start3A] : memref<10240x128xf32, #tpu.memory_space<vmem_shared>> -> memref<16x128xf32, #tpu.memory_space<vmem_shared>>
      %dma_start3A_182 = arith.constant 0 : i32
      %dma_start3A_183 = tpu.memref_slice %arg11[%add3A_161, %dma_start3A_182] : memref<10240x128xf32, #tpu.memory_space<vmem_shared>> -> memref<16x128xf32, #tpu.memory_space<vmem_shared>>
      tpu.enqueue_dma source(%arg10 : memref<16x128xf32, #tpu.memory_space<vmem>>) target(%dma_start3A_183 : memref<16x128xf32, #tpu.memory_space<vmem_shared>>) target_semaphore(%run_scoped3A : memref<!tpu.dma_semaphore, #tpu.memory_space<semaphore_mem>>)
      %dma_wait3A = arith.constant 0 : i32
      %dma_wait3A_184 = tpu.memref_slice %arg11[%add3A_161, %dma_wait3A] : memref<10240x128xf32, #tpu.memory_space<vmem_shared>> -> memref<16x128xf32, #tpu.memory_space<vmem_shared>>
      %dma_wait3A_185 = arith.constant 0 : i32
      %dma_wait3A_186 = tpu.memref_slice %arg11[%add3A_161, %dma_wait3A_185] : memref<10240x128xf32, #tpu.memory_space<vmem_shared>> -> memref<16x128xf32, #tpu.memory_space<vmem_shared>>
      tpu.wait_dma2 semaphore(%run_scoped3A : memref<!tpu.dma_semaphore, #tpu.memory_space<semaphore_mem>>) src(%arg10 : memref<16x128xf32, #tpu.memory_space<vmem>>) dst(%dma_wait3A_186 : memref<16x128xf32, #tpu.memory_space<vmem_shared>>)
      tpu.yield
    }) : () -> ()
    %mul3A_162 = arith.constant 640 : i32
    %mul3A_163 = arith.muli %arg1, %mul3A_162 : i32
    %add3A_164 = arith.constant 624 : i32
    %add3A_165 = arith.addi %mul3A_163, %add3A_164 : i32
    "tpu.region"() ({
      %run_scoped3A = tpu.sem_alloc : memref<!tpu.dma_semaphore, #tpu.memory_space<semaphore_mem>>
      %dma_start3A = arith.constant 0 : i32
      %dma_start3A_181 = tpu.memref_slice %arg11[%add3A_165, %dma_start3A] : memref<10240x128xf32, #tpu.memory_space<vmem_shared>> -> memref<16x128xf32, #tpu.memory_space<vmem_shared>>
      %dma_start3A_182 = arith.constant 0 : i32
      %dma_start3A_183 = tpu.memref_slice %arg11[%add3A_165, %dma_start3A_182] : memref<10240x128xf32, #tpu.memory_space<vmem_shared>> -> memref<16x128xf32, #tpu.memory_space<vmem_shared>>
      tpu.enqueue_dma source(%arg10 : memref<16x128xf32, #tpu.memory_space<vmem>>) target(%dma_start3A_183 : memref<16x128xf32, #tpu.memory_space<vmem_shared>>) target_semaphore(%run_scoped3A : memref<!tpu.dma_semaphore, #tpu.memory_space<semaphore_mem>>)
      %dma_wait3A = arith.constant 0 : i32
      %dma_wait3A_184 = tpu.memref_slice %arg11[%add3A_165, %dma_wait3A] : memref<10240x128xf32, #tpu.memory_space<vmem_shared>> -> memref<16x128xf32, #tpu.memory_space<vmem_shared>>
      %dma_wait3A_185 = arith.constant 0 : i32
      %dma_wait3A_186 = tpu.memref_slice %arg11[%add3A_165, %dma_wait3A_185] : memref<10240x128xf32, #tpu.memory_space<vmem_shared>> -> memref<16x128xf32, #tpu.memory_space<vmem_shared>>
      tpu.wait_dma2 semaphore(%run_scoped3A : memref<!tpu.dma_semaphore, #tpu.memory_space<semaphore_mem>>) src(%arg10 : memref<16x128xf32, #tpu.memory_space<vmem>>) dst(%dma_wait3A_186 : memref<16x128xf32, #tpu.memory_space<vmem_shared>>)
      tpu.yield
    }) : () -> ()
    %barrier3A = arith.constant 0 : index
    tpu.barrier barrier_id(%barrier3A)
    %mul3A_166 = arith.constant 10112 : i32
    %mul3A_167 = arith.muli %add3A, %mul3A_166 : i32
    %scan3A_168 = arith.constant 0 : i32
    %scan3A_169 = arith.constant 79 : i32
    %scan3A_170 = arith.addi %scan3A_168, %scan3A_169 : i32
    %scan3A_171 = arith.constant 1 : i32
    scf.for %scan3A_181 = %scan3A_168 to %scan3A_170 step %scan3A_171  : i32 {
      %mul3A_182 = arith.constant 128 : i32
      %mul3A_183 = arith.muli %scan3A_181, %mul3A_182 : i32
      %add3A_184 = arith.addi %mul3A_167, %mul3A_183 : i32
      "tpu.region"() ({
        %run_scoped3A = tpu.sem_alloc : memref<!tpu.dma_semaphore, #tpu.memory_space<semaphore_mem>>
        %dma_start3A_192 = tpu.memref_slice %arg3[%add3A_184] : memref<323584xi32, #tpu.memory_space<hbm>> -> memref<128xi32, #tpu.memory_space<hbm>>
        %dma_start3A_193 = tpu.memref_slice %arg3[%add3A_184] : memref<323584xi32, #tpu.memory_space<hbm>> -> memref<128xi32, #tpu.memory_space<hbm>>
        tpu.enqueue_dma source(%dma_start3A_193 : memref<128xi32, #tpu.memory_space<hbm>>) target(%arg7 : memref<128xi32, #tpu.memory_space<vmem>>) target_semaphore(%run_scoped3A : memref<!tpu.dma_semaphore, #tpu.memory_space<semaphore_mem>>)
        %dma_wait3A_194 = tpu.memref_slice %arg3[%add3A_184] : memref<323584xi32, #tpu.memory_space<hbm>> -> memref<128xi32, #tpu.memory_space<hbm>>
        %dma_wait3A_195 = tpu.memref_slice %arg3[%add3A_184] : memref<323584xi32, #tpu.memory_space<hbm>> -> memref<128xi32, #tpu.memory_space<hbm>>
        tpu.wait_dma2 semaphore(%run_scoped3A : memref<!tpu.dma_semaphore, #tpu.memory_space<semaphore_mem>>) src(%dma_wait3A_195 : memref<128xi32, #tpu.memory_space<hbm>>) dst(%arg7 : memref<128xi32, #tpu.memory_space<vmem>>)
        tpu.yield
      }) : () -> ()
      %mul3A_185 = arith.constant 128 : i32
      %mul3A_186 = arith.muli %scan3A_181, %mul3A_185 : i32
      %add3A_187 = arith.addi %mul3A_167, %mul3A_186 : i32
      "tpu.region"() ({
        %run_scoped3A = tpu.sem_alloc : memref<!tpu.dma_semaphore, #tpu.memory_space<semaphore_mem>>
        %dma_start3A_192 = tpu.memref_slice %arg4[%add3A_187] : memref<323584xi32, #tpu.memory_space<hbm>> -> memref<128xi32, #tpu.memory_space<hbm>>
        %dma_start3A_193 = tpu.memref_slice %arg4[%add3A_187] : memref<323584xi32, #tpu.memory_space<hbm>> -> memref<128xi32, #tpu.memory_space<hbm>>
        tpu.enqueue_dma source(%dma_start3A_193 : memref<128xi32, #tpu.memory_space<hbm>>) target(%arg8 : memref<128xi32, #tpu.memory_space<vmem>>) target_semaphore(%run_scoped3A : memref<!tpu.dma_semaphore, #tpu.memory_space<semaphore_mem>>)
        %dma_wait3A_194 = tpu.memref_slice %arg4[%add3A_187] : memref<323584xi32, #tpu.memory_space<hbm>> -> memref<128xi32, #tpu.memory_space<hbm>>
        %dma_wait3A_195 = tpu.memref_slice %arg4[%add3A_187] : memref<323584xi32, #tpu.memory_space<hbm>> -> memref<128xi32, #tpu.memory_space<hbm>>
        tpu.wait_dma2 semaphore(%run_scoped3A : memref<!tpu.dma_semaphore, #tpu.memory_space<semaphore_mem>>) src(%dma_wait3A_195 : memref<128xi32, #tpu.memory_space<hbm>>) dst(%arg8 : memref<128xi32, #tpu.memory_space<vmem>>)
        tpu.yield
      }) : () -> ()
      %dma_start3A = arith.constant 0 : i32
      %dma_start3A_188 = arith.constant 0 : i32
      %dma_start3A_189 = tpu.memref_slice %arg2[%dma_start3A, %dma_start3A_188] : memref<10000x128xf32, #tpu.memory_space<hbm>> -> memref<10000x128xf32, #tpu.memory_space<hbm>>
      tpu.enqueue_indirect_dma source(%dma_start3A_189 : memref<10000x128xf32, #tpu.memory_space<hbm>>) target(%arg9 : memref<128x128xf32, #tpu.memory_space<vmem>>) offsets(%arg7 : memref<128xi32, #tpu.memory_space<vmem>>) semaphore(%arg12 : memref<!tpu.dma_semaphore, #tpu.memory_space<semaphore_mem>>)
      %dma_wait3A = arith.constant 0 : i32
      %dma_wait3A_190 = arith.constant 0 : i32
      %dma_wait3A_191 = tpu.memref_slice %arg2[%dma_wait3A, %dma_wait3A_190] : memref<10000x128xf32, #tpu.memory_space<hbm>> -> memref<10000x128xf32, #tpu.memory_space<hbm>>
      tpu.wait_indirect_dma semaphore(%arg12 : memref<!tpu.dma_semaphore, #tpu.memory_space<semaphore_mem>>) src(%dma_wait3A_191 : memref<10000x128xf32, #tpu.memory_space<hbm>>) dst(%arg9 : memref<128x128xf32, #tpu.memory_space<vmem>>)
      "tpu.region"() ({
        %run_scoped3A = tpu.sem_alloc : memref<!tpu.dma_semaphore, #tpu.memory_space<semaphore_mem>>
        %dma_start3A_192 = arith.constant 0 : i32
        %dma_start3A_193 = arith.constant 0 : i32
        %dma_start3A_194 = tpu.memref_slice %arg11[%dma_start3A_192, %dma_start3A_193] : memref<10240x128xf32, #tpu.memory_space<vmem_shared>> -> memref<10240x128xf32, #tpu.memory_space<vmem_shared>>
        tpu.enqueue_indirect_dma source(%arg9 : memref<128x128xf32, #tpu.memory_space<vmem>>) target(%dma_start3A_194 : memref<10240x128xf32, #tpu.memory_space<vmem_shared>>) offsets(%arg8 : memref<128xi32, #tpu.memory_space<vmem>>) semaphore(%run_scoped3A : memref<!tpu.dma_semaphore, #tpu.memory_space<semaphore_mem>>) {add = true}
        %dma_wait3A_195 = arith.constant 0 : i32
        %dma_wait3A_196 = arith.constant 0 : i32
        %dma_wait3A_197 = tpu.memref_slice %arg11[%dma_wait3A_195, %dma_wait3A_196] : memref<10240x128xf32, #tpu.memory_space<vmem_shared>> -> memref<10240x128xf32, #tpu.memory_space<vmem_shared>>
        tpu.wait_indirect_dma semaphore(%run_scoped3A : memref<!tpu.dma_semaphore, #tpu.memory_space<semaphore_mem>>) src(%arg9 : memref<128x128xf32, #tpu.memory_space<vmem>>) dst(%dma_wait3A_197 : memref<10240x128xf32, #tpu.memory_space<vmem_shared>>)
        tpu.yield
      }) : () -> ()
    }
    %scan3A_172 = arith.constant 79 : i32
    %barrier3A_173 = arith.constant 0 : index
    tpu.barrier barrier_id(%barrier3A_173)
    %eq3A = arith.constant 0 : i32
    %eq3A_174 = arith.cmpi eq, %arg0, %eq3A : i32
    %convert_element_type3A = arith.extui %eq3A_174 : i1 to i32
    %cond3A = arith.constant 0 : i32
    %cond3A_175 = arith.cmpi ne, %convert_element_type3A, %cond3A : i32
    scf.if %cond3A_175 {
      %ne3A = arith.constant 15 : i32
      %ne3A_181 = arith.cmpi ne, %arg1, %ne3A : i32
      %convert_element_type3A_182 = arith.extui %ne3A_181 : i1 to i32
      %cond3A_183 = arith.constant 0 : i32
      %cond3A_184 = arith.cmpi ne, %convert_element_type3A_182, %cond3A_183 : i32
      scf.if %cond3A_184 {
        %mul3A_190 = arith.constant 632 : i32
        %mul3A_191 = arith.muli %arg1, %mul3A_190 : i32
        %mul3A_192 = arith.constant 632 : i32
        %mul3A_193 = arith.muli %arg1, %mul3A_192 : i32
        "tpu.region"() ({
          %run_scoped3A = tpu.sem_alloc : memref<!tpu.dma_semaphore, #tpu.memory_space<semaphore_mem>>
          %dma_start3A = arith.constant 0 : i32
          %dma_start3A_194 = tpu.memref_slice %arg5[%mul3A_193, %dma_start3A] : memref<10000x128xf32, #tpu.memory_space<hbm>> -> memref<632x128xf32, #tpu.memory_space<hbm>>
          %dma_start3A_195 = arith.constant 0 : i32
          %dma_start3A_196 = tpu.memref_slice %arg11[%mul3A_191, %dma_start3A_195] : memref<10240x128xf32, #tpu.memory_space<vmem_shared>> -> memref<632x128xf32, #tpu.memory_space<vmem_shared>>
          tpu.enqueue_dma source(%dma_start3A_196 : memref<632x128xf32, #tpu.memory_space<vmem_shared>>) target(%dma_start3A_194 : memref<632x128xf32, #tpu.memory_space<hbm>>) target_semaphore(%run_scoped3A : memref<!tpu.dma_semaphore, #tpu.memory_space<semaphore_mem>>)
          %dma_wait3A = arith.constant 0 : i32
          %dma_wait3A_197 = tpu.memref_slice %arg5[%mul3A_193, %dma_wait3A] : memref<10000x128xf32, #tpu.memory_space<hbm>> -> memref<632x128xf32, #tpu.memory_space<hbm>>
          %dma_wait3A_198 = arith.constant 0 : i32
          %dma_wait3A_199 = tpu.memref_slice %arg11[%mul3A_191, %dma_wait3A_198] : memref<10240x128xf32, #tpu.memory_space<vmem_shared>> -> memref<632x128xf32, #tpu.memory_space<vmem_shared>>
          tpu.wait_dma2 semaphore(%run_scoped3A : memref<!tpu.dma_semaphore, #tpu.memory_space<semaphore_mem>>) src(%dma_wait3A_199 : memref<632x128xf32, #tpu.memory_space<vmem_shared>>) dst(%dma_wait3A_197 : memref<632x128xf32, #tpu.memory_space<hbm>>)
          tpu.yield
        }) : () -> ()
      } else {
      }
      %eq3A_185 = arith.constant 15 : i32
      %eq3A_186 = arith.cmpi eq, %arg1, %eq3A_185 : i32
      %convert_element_type3A_187 = arith.extui %eq3A_186 : i1 to i32
      %cond3A_188 = arith.constant 0 : i32
      %cond3A_189 = arith.cmpi ne, %convert_element_type3A_187, %cond3A_188 : i32
      scf.if %cond3A_189 {
        "tpu.region"() ({
          %run_scoped3A = tpu.sem_alloc : memref<!tpu.dma_semaphore, #tpu.memory_space<semaphore_mem>>
          %dma_start3A = arith.constant 9480 : i32
          %dma_start3A_190 = arith.constant 0 : i32
          %dma_start3A_191 = tpu.memref_slice %arg5[%dma_start3A, %dma_start3A_190] : memref<10000x128xf32, #tpu.memory_space<hbm>> -> memref<520x128xf32, #tpu.memory_space<hbm>>
          %dma_start3A_192 = arith.constant 9480 : i32
          %dma_start3A_193 = arith.constant 0 : i32
          %dma_start3A_194 = tpu.memref_slice %arg11[%dma_start3A_192, %dma_start3A_193] : memref<10240x128xf32, #tpu.memory_space<vmem_shared>> -> memref<520x128xf32, #tpu.memory_space<vmem_shared>>
          tpu.enqueue_dma source(%dma_start3A_194 : memref<520x128xf32, #tpu.memory_space<vmem_shared>>) target(%dma_start3A_191 : memref<520x128xf32, #tpu.memory_space<hbm>>) target_semaphore(%run_scoped3A : memref<!tpu.dma_semaphore, #tpu.memory_space<semaphore_mem>>)
          %dma_wait3A = arith.constant 9480 : i32
          %dma_wait3A_195 = arith.constant 0 : i32
          %dma_wait3A_196 = tpu.memref_slice %arg5[%dma_wait3A, %dma_wait3A_195] : memref<10000x128xf32, #tpu.memory_space<hbm>> -> memref<520x128xf32, #tpu.memory_space<hbm>>
          %dma_wait3A_197 = arith.constant 9480 : i32
          %dma_wait3A_198 = arith.constant 0 : i32
          %dma_wait3A_199 = tpu.memref_slice %arg11[%dma_wait3A_197, %dma_wait3A_198] : memref<10240x128xf32, #tpu.memory_space<vmem_shared>> -> memref<520x128xf32, #tpu.memory_space<vmem_shared>>
          tpu.wait_dma2 semaphore(%run_scoped3A : memref<!tpu.dma_semaphore, #tpu.memory_space<semaphore_mem>>) src(%dma_wait3A_199 : memref<520x128xf32, #tpu.memory_space<vmem_shared>>) dst(%dma_wait3A_196 : memref<520x128xf32, #tpu.memory_space<hbm>>)
          tpu.yield
        }) : () -> ()
      } else {
      }
    } else {
    }
    %eq3A_176 = arith.constant 1 : i32
    %eq3A_177 = arith.cmpi eq, %arg0, %eq3A_176 : i32
    %convert_element_type3A_178 = arith.extui %eq3A_177 : i1 to i32
    %cond3A_179 = arith.constant 0 : i32
    %cond3A_180 = arith.cmpi ne, %convert_element_type3A_178, %cond3A_179 : i32
    scf.if %cond3A_180 {
      %ne3A = arith.constant 15 : i32
      %ne3A_181 = arith.cmpi ne, %arg1, %ne3A : i32
      %convert_element_type3A_182 = arith.extui %ne3A_181 : i1 to i32
      %cond3A_183 = arith.constant 0 : i32
      %cond3A_184 = arith.cmpi ne, %convert_element_type3A_182, %cond3A_183 : i32
      scf.if %cond3A_184 {
        %mul3A_190 = arith.constant 632 : i32
        %mul3A_191 = arith.muli %arg1, %mul3A_190 : i32
        %mul3A_192 = arith.constant 632 : i32
        %mul3A_193 = arith.muli %arg1, %mul3A_192 : i32
        "tpu.region"() ({
          %run_scoped3A = tpu.sem_alloc : memref<!tpu.dma_semaphore, #tpu.memory_space<semaphore_mem>>
          %dma_start3A = arith.constant 0 : i32
          %dma_start3A_194 = tpu.memref_slice %arg6[%mul3A_193, %dma_start3A] : memref<10000x128xf32, #tpu.memory_space<hbm>> -> memref<632x128xf32, #tpu.memory_space<hbm>>
          %dma_start3A_195 = arith.constant 0 : i32
          %dma_start3A_196 = tpu.memref_slice %arg11[%mul3A_191, %dma_start3A_195] : memref<10240x128xf32, #tpu.memory_space<vmem_shared>> -> memref<632x128xf32, #tpu.memory_space<vmem_shared>>
          tpu.enqueue_dma source(%dma_start3A_196 : memref<632x128xf32, #tpu.memory_space<vmem_shared>>) target(%dma_start3A_194 : memref<632x128xf32, #tpu.memory_space<hbm>>) target_semaphore(%run_scoped3A : memref<!tpu.dma_semaphore, #tpu.memory_space<semaphore_mem>>)
          %dma_wait3A = arith.constant 0 : i32
          %dma_wait3A_197 = tpu.memref_slice %arg6[%mul3A_193, %dma_wait3A] : memref<10000x128xf32, #tpu.memory_space<hbm>> -> memref<632x128xf32, #tpu.memory_space<hbm>>
          %dma_wait3A_198 = arith.constant 0 : i32
          %dma_wait3A_199 = tpu.memref_slice %arg11[%mul3A_191, %dma_wait3A_198] : memref<10240x128xf32, #tpu.memory_space<vmem_shared>> -> memref<632x128xf32, #tpu.memory_space<vmem_shared>>
          tpu.wait_dma2 semaphore(%run_scoped3A : memref<!tpu.dma_semaphore, #tpu.memory_space<semaphore_mem>>) src(%dma_wait3A_199 : memref<632x128xf32, #tpu.memory_space<vmem_shared>>) dst(%dma_wait3A_197 : memref<632x128xf32, #tpu.memory_space<hbm>>)
          tpu.yield
        }) : () -> ()
      } else {
      }
      %eq3A_185 = arith.constant 15 : i32
      %eq3A_186 = arith.cmpi eq, %arg1, %eq3A_185 : i32
      %convert_element_type3A_187 = arith.extui %eq3A_186 : i1 to i32
      %cond3A_188 = arith.constant 0 : i32
      %cond3A_189 = arith.cmpi ne, %convert_element_type3A_187, %cond3A_188 : i32
      scf.if %cond3A_189 {
        "tpu.region"() ({
          %run_scoped3A = tpu.sem_alloc : memref<!tpu.dma_semaphore, #tpu.memory_space<semaphore_mem>>
          %dma_start3A = arith.constant 9480 : i32
          %dma_start3A_190 = arith.constant 0 : i32
          %dma_start3A_191 = tpu.memref_slice %arg6[%dma_start3A, %dma_start3A_190] : memref<10000x128xf32, #tpu.memory_space<hbm>> -> memref<520x128xf32, #tpu.memory_space<hbm>>
          %dma_start3A_192 = arith.constant 9480 : i32
          %dma_start3A_193 = arith.constant 0 : i32
          %dma_start3A_194 = tpu.memref_slice %arg11[%dma_start3A_192, %dma_start3A_193] : memref<10240x128xf32, #tpu.memory_space<vmem_shared>> -> memref<520x128xf32, #tpu.memory_space<vmem_shared>>
          tpu.enqueue_dma source(%dma_start3A_194 : memref<520x128xf32, #tpu.memory_space<vmem_shared>>) target(%dma_start3A_191 : memref<520x128xf32, #tpu.memory_space<hbm>>) target_semaphore(%run_scoped3A : memref<!tpu.dma_semaphore, #tpu.memory_space<semaphore_mem>>)
          %dma_wait3A = arith.constant 9480 : i32
          %dma_wait3A_195 = arith.constant 0 : i32
          %dma_wait3A_196 = tpu.memref_slice %arg6[%dma_wait3A, %dma_wait3A_195] : memref<10000x128xf32, #tpu.memory_space<hbm>> -> memref<520x128xf32, #tpu.memory_space<hbm>>
          %dma_wait3A_197 = arith.constant 9480 : i32
          %dma_wait3A_198 = arith.constant 0 : i32
          %dma_wait3A_199 = tpu.memref_slice %arg11[%dma_wait3A_197, %dma_wait3A_198] : memref<10240x128xf32, #tpu.memory_space<vmem_shared>> -> memref<520x128xf32, #tpu.memory_space<vmem_shared>>
          tpu.wait_dma2 semaphore(%run_scoped3A : memref<!tpu.dma_semaphore, #tpu.memory_space<semaphore_mem>>) src(%dma_wait3A_199 : memref<520x128xf32, #tpu.memory_space<vmem_shared>>) dst(%dma_wait3A_196 : memref<520x128xf32, #tpu.memory_space<hbm>>)
          tpu.yield
        }) : () -> ()
      } else {
      }
    } else {
    }
    return
  }
}

#map = affine_map<(d0, d1) -> (0, 0)>
#map1 = affine_map<(d0, d1) -> (0)>
module attributes {stable_mosaic.version = 14 : i64} {
  func.func @agg(%arg0: i32, %arg1: i32, %arg2: memref<10000x128xf32, #tpu.memory_space<hbm>>, %arg3: memref<323584xi32, #tpu.memory_space<hbm>>, %arg4: memref<323584xi32, #tpu.memory_space<hbm>>, %arg5: memref<10000x128xf32, #tpu.memory_space<hbm>>, %arg6: memref<10000x128xf32, #tpu.memory_space<hbm>>, %arg7: memref<128xi32, #tpu.memory_space<vmem>>, %arg8: memref<128xi32, #tpu.memory_space<vmem>>, %arg9: memref<128x128xf32, #tpu.memory_space<vmem>>, %arg10: memref<16x128xf32, #tpu.memory_space<vmem>>, %arg11: memref<10240x128xf32, #tpu.memory_space<vmem_shared>>, %arg12: memref<!tpu.dma_semaphore, #tpu.memory_space<semaphore_mem>>) attributes {dimension_semantics = [#tpu.dimension_semantics<core_parallel>, #tpu.dimension_semantics<subcore_parallel>], iteration_bounds = array<i64: 2, 16>, scalar_prefetch = 0 : i64, scratch_operands = 6 : i64, tpu.core_type = #tpu.core_type<sc_vector_subcore>, window_params = [{transform_indices = #map}, {transform_indices = #map1}, {transform_indices = #map1}, {transform_indices = #map}, {transform_indices = #map}]} {
    %mul3A = arith.constant 16 : i32
    %mul3A_0 = arith.muli %arg0, %mul3A : i32
    %add3A = arith.addi %mul3A_0, %arg1 : i32
    %broadcast_in_dim3A = arith.constant 0.000000e+00 : f32
    %broadcast_in_dim3A_1 = vector.broadcast %broadcast_in_dim3A : f32 to vector<16xf32>
    %scan3A = arith.constant 0 : i32
    %scan3A_2 = arith.constant 128 : i32
    %scan3A_3 = arith.addi %scan3A, %scan3A_2 : i32
    %scan3A_4 = arith.constant 1 : i32
    scf.for %scan3A_181 = %scan3A to %scan3A_3 step %scan3A_4  : i32 {
      %jit3A = arith.constant 8 : i32
      %div3A = arith.divsi %scan3A_181, %jit3A : i32
      %sign3A = arith.constant 0 : i32
      %sign3A_182 = arith.cmpi sgt, %scan3A_181, %sign3A : i32
      %sign3A_183 = arith.extui %sign3A_182 : i1 to i32
      %sign3A_184 = arith.constant 0 : i32
      %sign3A_185 = arith.cmpi slt, %scan3A_181, %sign3A_184 : i32
      %sign3A_186 = arith.extui %sign3A_185 : i1 to i32
      %sign3A_187 = arith.subi %sign3A_183, %sign3A_186 : i32
      %sign3A_188 = arith.constant 0 : i32
      %sign3A_189 = arith.cmpi sgt, %jit3A, %sign3A_188 : i32
      %sign3A_190 = arith.extui %sign3A_189 : i1 to i32
      %sign3A_191 = arith.constant 0 : i32
      %sign3A_192 = arith.cmpi slt, %jit3A, %sign3A_191 : i32
      %sign3A_193 = arith.extui %sign3A_192 : i1 to i32
      %sign3A_194 = arith.subi %sign3A_190, %sign3A_193 : i32
      %ne3A = arith.cmpi ne, %sign3A_187, %sign3A_194 : i32
      %rem3A = arith.remsi %scan3A_181, %jit3A : i32
      %ne3A_195 = arith.constant 0 : i32
      %ne3A_196 = arith.cmpi ne, %rem3A, %ne3A_195 : i32
      %and3A = arith.andi %ne3A, %ne3A_196 : i1
      %sub3A = arith.constant 1 : i32
      %sub3A_197 = arith.subi %div3A, %sub3A : i32
      %select_n3A = arith.select %and3A, %sub3A_197, %div3A : i32
      %jit3A_198 = arith.constant 8 : i32
      %eq3A_199 = arith.constant 0 : i32
      %eq3A_200 = arith.cmpi eq, %jit3A_198, %eq3A_199 : i32
      %jit3A_201 = arith.constant 1 : i32
      %select_n3A_202 = arith.select %eq3A_200, %jit3A_201, %jit3A_198 : i32
      %rem3A_203 = arith.remsi %scan3A_181, %select_n3A_202 : i32
      %ne3A_204 = arith.constant 0 : i32
      %ne3A_205 = arith.cmpi ne, %rem3A_203, %ne3A_204 : i32
      %lt3A = arith.constant 0 : i32
      %lt3A_206 = arith.cmpi slt, %rem3A_203, %lt3A : i32
      %lt3A_207 = arith.constant 0 : i32
      %lt3A_208 = arith.cmpi slt, %select_n3A_202, %lt3A_207 : i32
      %ne3A_209 = arith.xori %lt3A_206, %lt3A_208 : i1
      %and3A_210 = arith.andi %ne3A_209, %ne3A_205 : i1
      %add3A_211 = arith.addi %rem3A_203, %select_n3A_202 : i32
      %select_n3A_212 = arith.select %and3A_210, %add3A_211, %rem3A_203 : i32
      %mul3A_213 = arith.constant 16 : i32
      %mul3A_214 = arith.muli %select_n3A_212, %mul3A_213 : i32
      %swap3A = arith.index_cast %select_n3A : i32 to index
      %swap3A_215 = arith.index_cast %mul3A_214 : i32 to index
      %swap3A_216 = tpu.vector_load %arg10[%swap3A, %swap3A_215] {strides = array<i32>} : memref<16x128xf32, #tpu.memory_space<vmem>>, vector<1x16xf32>,
      %swap3A_217 = vector.shape_cast %swap3A_216 : vector<1x16xf32> to vector<16xf32>
      %swap3A_218 = vector.shape_cast %broadcast_in_dim3A_1 : vector<16xf32> to vector<1x16xf32>
      tpu.vector_store %arg10[%swap3A, %swap3A_215], %swap3A_218 {strides = array<i32>} : memref<16x128xf32, #tpu.memory_space<vmem>>, vector<1x16xf32>,
    }
    %scan3A_5 = arith.constant 128 : i32
    %mul3A_6 = arith.constant 640 : i32
    %mul3A_7 = arith.muli %arg1, %mul3A_6 : i32
    %add3A_8 = arith.constant 0 : i32
    %add3A_9 = arith.addi %mul3A_7, %add3A_8 : i32
    "tpu.region"() ({
      %run_scoped3A = tpu.sem_alloc : memref<!tpu.dma_semaphore, #tpu.memory_space<semaphore_mem>>
      %dma_start3A = arith.constant 0 : i32
      %dma_start3A_181 = tpu.memref_slice %arg11[%add3A_9, %dma_start3A] : memref<10240x128xf32, #tpu.memory_space<vmem_shared>> -> memref<16x128xf32, #tpu.memory_space<vmem_shared>>
      %dma_start3A_182 = arith.constant 0 : i32
      %dma_start3A_183 = tpu.memref_slice %arg11[%add3A_9, %dma_start3A_182] : memref<10240x128xf32, #tpu.memory_space<vmem_shared>> -> memref<16x128xf32, #tpu.memory_space<vmem_shared>>
      tpu.enqueue_dma source(%arg10 : memref<16x128xf32, #tpu.memory_space<vmem>>) target(%dma_start3A_183 : memref<16x128xf32, #tpu.memory_space<vmem_shared>>) target_semaphore(%run_scoped3A : memref<!tpu.dma_semaphore, #tpu.memory_space<semaphore_mem>>)
      %dma_wait3A = arith.constant 0 : i32
      %dma_wait3A_184 = tpu.memref_slice %arg11[%add3A_9, %dma_wait3A] : memref<10240x128xf32, #tpu.memory_space<vmem_shared>> -> memref<16x128xf32, #tpu.memory_space<vmem_shared>>
      %dma_wait3A_185 = arith.constant 0 : i32
      %dma_wait3A_186 = tpu.memref_slice %arg11[%add3A_9, %dma_wait3A_185] : memref<10240x128xf32, #tpu.memory_space<vmem_shared>> -> memref<16x128xf32, #tpu.memory_space<vmem_shared>>
      tpu.wait_dma2 semaphore(%run_scoped3A : memref<!tpu.dma_semaphore, #tpu.memory_space<semaphore_mem>>) src(%arg10 : memref<16x128xf32, #tpu.memory_space<vmem>>) dst(%dma_wait3A_186 : memref<16x128xf32, #tpu.memory_space<vmem_shared>>)
      tpu.yield
    }) : () -> ()
    %mul3A_10 = arith.constant 640 : i32
    %mul3A_11 = arith.muli %arg1, %mul3A_10 : i32
    %add3A_12 = arith.constant 16 : i32
    %add3A_13 = arith.addi %mul3A_11, %add3A_12 : i32
    "tpu.region"() ({
      %run_scoped3A = tpu.sem_alloc : memref<!tpu.dma_semaphore, #tpu.memory_space<semaphore_mem>>
      %dma_start3A = arith.constant 0 : i32
      %dma_start3A_181 = tpu.memref_slice %arg11[%add3A_13, %dma_start3A] : memref<10240x128xf32, #tpu.memory_space<vmem_shared>> -> memref<16x128xf32, #tpu.memory_space<vmem_shared>>
      %dma_start3A_182 = arith.constant 0 : i32
      %dma_start3A_183 = tpu.memref_slice %arg11[%add3A_13, %dma_start3A_182] : memref<10240x128xf32, #tpu.memory_space<vmem_shared>> -> memref<16x128xf32, #tpu.memory_space<vmem_shared>>
      tpu.enqueue_dma source(%arg10 : memref<16x128xf32, #tpu.memory_space<vmem>>) target(%dma_start3A_183 : memref<16x128xf32, #tpu.memory_space<vmem_shared>>) target_semaphore(%run_scoped3A : memref<!tpu.dma_semaphore, #tpu.memory_space<semaphore_mem>>)
      %dma_wait3A = arith.constant 0 : i32
      %dma_wait3A_184 = tpu.memref_slice %arg11[%add3A_13, %dma_wait3A] : memref<10240x128xf32, #tpu.memory_space<vmem_shared>> -> memref<16x128xf32, #tpu.memory_space<vmem_shared>>
      %dma_wait3A_185 = arith.constant 0 : i32
      %dma_wait3A_186 = tpu.memref_slice %arg11[%add3A_13, %dma_wait3A_185] : memref<10240x128xf32, #tpu.memory_space<vmem_shared>> -> memref<16x128xf32, #tpu.memory_space<vmem_shared>>
      tpu.wait_dma2 semaphore(%run_scoped3A : memref<!tpu.dma_semaphore, #tpu.memory_space<semaphore_mem>>) src(%arg10 : memref<16x128xf32, #tpu.memory_space<vmem>>) dst(%dma_wait3A_186 : memref<16x128xf32, #tpu.memory_space<vmem_shared>>)
      tpu.yield
    }) : () -> ()
    %mul3A_14 = arith.constant 640 : i32
    %mul3A_15 = arith.muli %arg1, %mul3A_14 : i32
    %add3A_16 = arith.constant 32 : i32
    %add3A_17 = arith.addi %mul3A_15, %add3A_16 : i32
    "tpu.region"() ({
      %run_scoped3A = tpu.sem_alloc : memref<!tpu.dma_semaphore, #tpu.memory_space<semaphore_mem>>
      %dma_start3A = arith.constant 0 : i32
      %dma_start3A_181 = tpu.memref_slice %arg11[%add3A_17, %dma_start3A] : memref<10240x128xf32, #tpu.memory_space<vmem_shared>> -> memref<16x128xf32, #tpu.memory_space<vmem_shared>>
      %dma_start3A_182 = arith.constant 0 : i32
      %dma_start3A_183 = tpu.memref_slice %arg11[%add3A_17, %dma_start3A_182] : memref<10240x128xf32, #tpu.memory_space<vmem_shared>> -> memref<16x128xf32, #tpu.memory_space<vmem_shared>>
      tpu.enqueue_dma source(%arg10 : memref<16x128xf32, #tpu.memory_space<vmem>>) target(%dma_start3A_183 : memref<16x128xf32, #tpu.memory_space<vmem_shared>>) target_semaphore(%run_scoped3A : memref<!tpu.dma_semaphore, #tpu.memory_space<semaphore_mem>>)
      %dma_wait3A = arith.constant 0 : i32
      %dma_wait3A_184 = tpu.memref_slice %arg11[%add3A_17, %dma_wait3A] : memref<10240x128xf32, #tpu.memory_space<vmem_shared>> -> memref<16x128xf32, #tpu.memory_space<vmem_shared>>
      %dma_wait3A_185 = arith.constant 0 : i32
      %dma_wait3A_186 = tpu.memref_slice %arg11[%add3A_17, %dma_wait3A_185] : memref<10240x128xf32, #tpu.memory_space<vmem_shared>> -> memref<16x128xf32, #tpu.memory_space<vmem_shared>>
      tpu.wait_dma2 semaphore(%run_scoped3A : memref<!tpu.dma_semaphore, #tpu.memory_space<semaphore_mem>>) src(%arg10 : memref<16x128xf32, #tpu.memory_space<vmem>>) dst(%dma_wait3A_186 : memref<16x128xf32, #tpu.memory_space<vmem_shared>>)
      tpu.yield
    }) : () -> ()
    %mul3A_18 = arith.constant 640 : i32
    %mul3A_19 = arith.muli %arg1, %mul3A_18 : i32
    %add3A_20 = arith.constant 48 : i32
    %add3A_21 = arith.addi %mul3A_19, %add3A_20 : i32
    "tpu.region"() ({
      %run_scoped3A = tpu.sem_alloc : memref<!tpu.dma_semaphore, #tpu.memory_space<semaphore_mem>>
      %dma_start3A = arith.constant 0 : i32
      %dma_start3A_181 = tpu.memref_slice %arg11[%add3A_21, %dma_start3A] : memref<10240x128xf32, #tpu.memory_space<vmem_shared>> -> memref<16x128xf32, #tpu.memory_space<vmem_shared>>
      %dma_start3A_182 = arith.constant 0 : i32
      %dma_start3A_183 = tpu.memref_slice %arg11[%add3A_21, %dma_start3A_182] : memref<10240x128xf32, #tpu.memory_space<vmem_shared>> -> memref<16x128xf32, #tpu.memory_space<vmem_shared>>
      tpu.enqueue_dma source(%arg10 : memref<16x128xf32, #tpu.memory_space<vmem>>) target(%dma_start3A_183 : memref<16x128xf32, #tpu.memory_space<vmem_shared>>) target_semaphore(%run_scoped3A : memref<!tpu.dma_semaphore, #tpu.memory_space<semaphore_mem>>)
      %dma_wait3A = arith.constant 0 : i32
      %dma_wait3A_184 = tpu.memref_slice %arg11[%add3A_21, %dma_wait3A] : memref<10240x128xf32, #tpu.memory_space<vmem_shared>> -> memref<16x128xf32, #tpu.memory_space<vmem_shared>>
      %dma_wait3A_185 = arith.constant 0 : i32
      %dma_wait3A_186 = tpu.memref_slice %arg11[%add3A_21, %dma_wait3A_185] : memref<10240x128xf32, #tpu.memory_space<vmem_shared>> -> memref<16x128xf32, #tpu.memory_space<vmem_shared>>
      tpu.wait_dma2 semaphore(%run_scoped3A : memref<!tpu.dma_semaphore, #tpu.memory_space<semaphore_mem>>) src(%arg10 : memref<16x128xf32, #tpu.memory_space<vmem>>) dst(%dma_wait3A_186 : memref<16x128xf32, #tpu.memory_space<vmem_shared>>)
      tpu.yield
    }) : () -> ()
    %mul3A_22 = arith.constant 640 : i32
    %mul3A_23 = arith.muli %arg1, %mul3A_22 : i32
    %add3A_24 = arith.constant 64 : i32
    %add3A_25 = arith.addi %mul3A_23, %add3A_24 : i32
    "tpu.region"() ({
      %run_scoped3A = tpu.sem_alloc : memref<!tpu.dma_semaphore, #tpu.memory_space<semaphore_mem>>
      %dma_start3A = arith.constant 0 : i32
      %dma_start3A_181 = tpu.memref_slice %arg11[%add3A_25, %dma_start3A] : memref<10240x128xf32, #tpu.memory_space<vmem_shared>> -> memref<16x128xf32, #tpu.memory_space<vmem_shared>>
      %dma_start3A_182 = arith.constant 0 : i32
      %dma_start3A_183 = tpu.memref_slice %arg11[%add3A_25, %dma_start3A_182] : memref<10240x128xf32, #tpu.memory_space<vmem_shared>> -> memref<16x128xf32, #tpu.memory_space<vmem_shared>>
      tpu.enqueue_dma source(%arg10 : memref<16x128xf32, #tpu.memory_space<vmem>>) target(%dma_start3A_183 : memref<16x128xf32, #tpu.memory_space<vmem_shared>>) target_semaphore(%run_scoped3A : memref<!tpu.dma_semaphore, #tpu.memory_space<semaphore_mem>>)
      %dma_wait3A = arith.constant 0 : i32
      %dma_wait3A_184 = tpu.memref_slice %arg11[%add3A_25, %dma_wait3A] : memref<10240x128xf32, #tpu.memory_space<vmem_shared>> -> memref<16x128xf32, #tpu.memory_space<vmem_shared>>
      %dma_wait3A_185 = arith.constant 0 : i32
      %dma_wait3A_186 = tpu.memref_slice %arg11[%add3A_25, %dma_wait3A_185] : memref<10240x128xf32, #tpu.memory_space<vmem_shared>> -> memref<16x128xf32, #tpu.memory_space<vmem_shared>>
      tpu.wait_dma2 semaphore(%run_scoped3A : memref<!tpu.dma_semaphore, #tpu.memory_space<semaphore_mem>>) src(%arg10 : memref<16x128xf32, #tpu.memory_space<vmem>>) dst(%dma_wait3A_186 : memref<16x128xf32, #tpu.memory_space<vmem_shared>>)
      tpu.yield
    }) : () -> ()
    %mul3A_26 = arith.constant 640 : i32
    %mul3A_27 = arith.muli %arg1, %mul3A_26 : i32
    %add3A_28 = arith.constant 80 : i32
    %add3A_29 = arith.addi %mul3A_27, %add3A_28 : i32
    "tpu.region"() ({
      %run_scoped3A = tpu.sem_alloc : memref<!tpu.dma_semaphore, #tpu.memory_space<semaphore_mem>>
      %dma_start3A = arith.constant 0 : i32
      %dma_start3A_181 = tpu.memref_slice %arg11[%add3A_29, %dma_start3A] : memref<10240x128xf32, #tpu.memory_space<vmem_shared>> -> memref<16x128xf32, #tpu.memory_space<vmem_shared>>
      %dma_start3A_182 = arith.constant 0 : i32
      %dma_start3A_183 = tpu.memref_slice %arg11[%add3A_29, %dma_start3A_182] : memref<10240x128xf32, #tpu.memory_space<vmem_shared>> -> memref<16x128xf32, #tpu.memory_space<vmem_shared>>
      tpu.enqueue_dma source(%arg10 : memref<16x128xf32, #tpu.memory_space<vmem>>) target(%dma_start3A_183 : memref<16x128xf32, #tpu.memory_space<vmem_shared>>) target_semaphore(%run_scoped3A : memref<!tpu.dma_semaphore, #tpu.memory_space<semaphore_mem>>)
      %dma_wait3A = arith.constant 0 : i32
      %dma_wait3A_184 = tpu.memref_slice %arg11[%add3A_29, %dma_wait3A] : memref<10240x128xf32, #tpu.memory_space<vmem_shared>> -> memref<16x128xf32, #tpu.memory_space<vmem_shared>>
      %dma_wait3A_185 = arith.constant 0 : i32
      %dma_wait3A_186 = tpu.memref_slice %arg11[%add3A_29, %dma_wait3A_185] : memref<10240x128xf32, #tpu.memory_space<vmem_shared>> -> memref<16x128xf32, #tpu.memory_space<vmem_shared>>
      tpu.wait_dma2 semaphore(%run_scoped3A : memref<!tpu.dma_semaphore, #tpu.memory_space<semaphore_mem>>) src(%arg10 : memref<16x128xf32, #tpu.memory_space<vmem>>) dst(%dma_wait3A_186 : memref<16x128xf32, #tpu.memory_space<vmem_shared>>)
      tpu.yield
    }) : () -> ()
    %mul3A_30 = arith.constant 640 : i32
    %mul3A_31 = arith.muli %arg1, %mul3A_30 : i32
    %add3A_32 = arith.constant 96 : i32
    %add3A_33 = arith.addi %mul3A_31, %add3A_32 : i32
    "tpu.region"() ({
      %run_scoped3A = tpu.sem_alloc : memref<!tpu.dma_semaphore, #tpu.memory_space<semaphore_mem>>
      %dma_start3A = arith.constant 0 : i32
      %dma_start3A_181 = tpu.memref_slice %arg11[%add3A_33, %dma_start3A] : memref<10240x128xf32, #tpu.memory_space<vmem_shared>> -> memref<16x128xf32, #tpu.memory_space<vmem_shared>>
      %dma_start3A_182 = arith.constant 0 : i32
      %dma_start3A_183 = tpu.memref_slice %arg11[%add3A_33, %dma_start3A_182] : memref<10240x128xf32, #tpu.memory_space<vmem_shared>> -> memref<16x128xf32, #tpu.memory_space<vmem_shared>>
      tpu.enqueue_dma source(%arg10 : memref<16x128xf32, #tpu.memory_space<vmem>>) target(%dma_start3A_183 : memref<16x128xf32, #tpu.memory_space<vmem_shared>>) target_semaphore(%run_scoped3A : memref<!tpu.dma_semaphore, #tpu.memory_space<semaphore_mem>>)
      %dma_wait3A = arith.constant 0 : i32
      %dma_wait3A_184 = tpu.memref_slice %arg11[%add3A_33, %dma_wait3A] : memref<10240x128xf32, #tpu.memory_space<vmem_shared>> -> memref<16x128xf32, #tpu.memory_space<vmem_shared>>
      %dma_wait3A_185 = arith.constant 0 : i32
      %dma_wait3A_186 = tpu.memref_slice %arg11[%add3A_33, %dma_wait3A_185] : memref<10240x128xf32, #tpu.memory_space<vmem_shared>> -> memref<16x128xf32, #tpu.memory_space<vmem_shared>>
      tpu.wait_dma2 semaphore(%run_scoped3A : memref<!tpu.dma_semaphore, #tpu.memory_space<semaphore_mem>>) src(%arg10 : memref<16x128xf32, #tpu.memory_space<vmem>>) dst(%dma_wait3A_186 : memref<16x128xf32, #tpu.memory_space<vmem_shared>>)
      tpu.yield
    }) : () -> ()
    %mul3A_34 = arith.constant 640 : i32
    %mul3A_35 = arith.muli %arg1, %mul3A_34 : i32
    %add3A_36 = arith.constant 112 : i32
    %add3A_37 = arith.addi %mul3A_35, %add3A_36 : i32
    "tpu.region"() ({
      %run_scoped3A = tpu.sem_alloc : memref<!tpu.dma_semaphore, #tpu.memory_space<semaphore_mem>>
      %dma_start3A = arith.constant 0 : i32
      %dma_start3A_181 = tpu.memref_slice %arg11[%add3A_37, %dma_start3A] : memref<10240x128xf32, #tpu.memory_space<vmem_shared>> -> memref<16x128xf32, #tpu.memory_space<vmem_shared>>
      %dma_start3A_182 = arith.constant 0 : i32
      %dma_start3A_183 = tpu.memref_slice %arg11[%add3A_37, %dma_start3A_182] : memref<10240x128xf32, #tpu.memory_space<vmem_shared>> -> memref<16x128xf32, #tpu.memory_space<vmem_shared>>
      tpu.enqueue_dma source(%arg10 : memref<16x128xf32, #tpu.memory_space<vmem>>) target(%dma_start3A_183 : memref<16x128xf32, #tpu.memory_space<vmem_shared>>) target_semaphore(%run_scoped3A : memref<!tpu.dma_semaphore, #tpu.memory_space<semaphore_mem>>)
      %dma_wait3A = arith.constant 0 : i32
      %dma_wait3A_184 = tpu.memref_slice %arg11[%add3A_37, %dma_wait3A] : memref<10240x128xf32, #tpu.memory_space<vmem_shared>> -> memref<16x128xf32, #tpu.memory_space<vmem_shared>>
      %dma_wait3A_185 = arith.constant 0 : i32
      %dma_wait3A_186 = tpu.memref_slice %arg11[%add3A_37, %dma_wait3A_185] : memref<10240x128xf32, #tpu.memory_space<vmem_shared>> -> memref<16x128xf32, #tpu.memory_space<vmem_shared>>
      tpu.wait_dma2 semaphore(%run_scoped3A : memref<!tpu.dma_semaphore, #tpu.memory_space<semaphore_mem>>) src(%arg10 : memref<16x128xf32, #tpu.memory_space<vmem>>) dst(%dma_wait3A_186 : memref<16x128xf32, #tpu.memory_space<vmem_shared>>)
      tpu.yield
    }) : () -> ()
    %mul3A_38 = arith.constant 640 : i32
    %mul3A_39 = arith.muli %arg1, %mul3A_38 : i32
    %add3A_40 = arith.constant 128 : i32
    %add3A_41 = arith.addi %mul3A_39, %add3A_40 : i32
    "tpu.region"() ({
      %run_scoped3A = tpu.sem_alloc : memref<!tpu.dma_semaphore, #tpu.memory_space<semaphore_mem>>
      %dma_start3A = arith.constant 0 : i32
      %dma_start3A_181 = tpu.memref_slice %arg11[%add3A_41, %dma_start3A] : memref<10240x128xf32, #tpu.memory_space<vmem_shared>> -> memref<16x128xf32, #tpu.memory_space<vmem_shared>>
      %dma_start3A_182 = arith.constant 0 : i32
      %dma_start3A_183 = tpu.memref_slice %arg11[%add3A_41, %dma_start3A_182] : memref<10240x128xf32, #tpu.memory_space<vmem_shared>> -> memref<16x128xf32, #tpu.memory_space<vmem_shared>>
      tpu.enqueue_dma source(%arg10 : memref<16x128xf32, #tpu.memory_space<vmem>>) target(%dma_start3A_183 : memref<16x128xf32, #tpu.memory_space<vmem_shared>>) target_semaphore(%run_scoped3A : memref<!tpu.dma_semaphore, #tpu.memory_space<semaphore_mem>>)
      %dma_wait3A = arith.constant 0 : i32
      %dma_wait3A_184 = tpu.memref_slice %arg11[%add3A_41, %dma_wait3A] : memref<10240x128xf32, #tpu.memory_space<vmem_shared>> -> memref<16x128xf32, #tpu.memory_space<vmem_shared>>
      %dma_wait3A_185 = arith.constant 0 : i32
      %dma_wait3A_186 = tpu.memref_slice %arg11[%add3A_41, %dma_wait3A_185] : memref<10240x128xf32, #tpu.memory_space<vmem_shared>> -> memref<16x128xf32, #tpu.memory_space<vmem_shared>>
      tpu.wait_dma2 semaphore(%run_scoped3A : memref<!tpu.dma_semaphore, #tpu.memory_space<semaphore_mem>>) src(%arg10 : memref<16x128xf32, #tpu.memory_space<vmem>>) dst(%dma_wait3A_186 : memref<16x128xf32, #tpu.memory_space<vmem_shared>>)
      tpu.yield
    }) : () -> ()
    %mul3A_42 = arith.constant 640 : i32
    %mul3A_43 = arith.muli %arg1, %mul3A_42 : i32
    %add3A_44 = arith.constant 144 : i32
    %add3A_45 = arith.addi %mul3A_43, %add3A_44 : i32
    "tpu.region"() ({
      %run_scoped3A = tpu.sem_alloc : memref<!tpu.dma_semaphore, #tpu.memory_space<semaphore_mem>>
      %dma_start3A = arith.constant 0 : i32
      %dma_start3A_181 = tpu.memref_slice %arg11[%add3A_45, %dma_start3A] : memref<10240x128xf32, #tpu.memory_space<vmem_shared>> -> memref<16x128xf32, #tpu.memory_space<vmem_shared>>
      %dma_start3A_182 = arith.constant 0 : i32
      %dma_start3A_183 = tpu.memref_slice %arg11[%add3A_45, %dma_start3A_182] : memref<10240x128xf32, #tpu.memory_space<vmem_shared>> -> memref<16x128xf32, #tpu.memory_space<vmem_shared>>
      tpu.enqueue_dma source(%arg10 : memref<16x128xf32, #tpu.memory_space<vmem>>) target(%dma_start3A_183 : memref<16x128xf32, #tpu.memory_space<vmem_shared>>) target_semaphore(%run_scoped3A : memref<!tpu.dma_semaphore, #tpu.memory_space<semaphore_mem>>)
      %dma_wait3A = arith.constant 0 : i32
      %dma_wait3A_184 = tpu.memref_slice %arg11[%add3A_45, %dma_wait3A] : memref<10240x128xf32, #tpu.memory_space<vmem_shared>> -> memref<16x128xf32, #tpu.memory_space<vmem_shared>>
      %dma_wait3A_185 = arith.constant 0 : i32
      %dma_wait3A_186 = tpu.memref_slice %arg11[%add3A_45, %dma_wait3A_185] : memref<10240x128xf32, #tpu.memory_space<vmem_shared>> -> memref<16x128xf32, #tpu.memory_space<vmem_shared>>
      tpu.wait_dma2 semaphore(%run_scoped3A : memref<!tpu.dma_semaphore, #tpu.memory_space<semaphore_mem>>) src(%arg10 : memref<16x128xf32, #tpu.memory_space<vmem>>) dst(%dma_wait3A_186 : memref<16x128xf32, #tpu.memory_space<vmem_shared>>)
      tpu.yield
    }) : () -> ()
    %mul3A_46 = arith.constant 640 : i32
    %mul3A_47 = arith.muli %arg1, %mul3A_46 : i32
    %add3A_48 = arith.constant 160 : i32
    %add3A_49 = arith.addi %mul3A_47, %add3A_48 : i32
    "tpu.region"() ({
      %run_scoped3A = tpu.sem_alloc : memref<!tpu.dma_semaphore, #tpu.memory_space<semaphore_mem>>
      %dma_start3A = arith.constant 0 : i32
      %dma_start3A_181 = tpu.memref_slice %arg11[%add3A_49, %dma_start3A] : memref<10240x128xf32, #tpu.memory_space<vmem_shared>> -> memref<16x128xf32, #tpu.memory_space<vmem_shared>>
      %dma_start3A_182 = arith.constant 0 : i32
      %dma_start3A_183 = tpu.memref_slice %arg11[%add3A_49, %dma_start3A_182] : memref<10240x128xf32, #tpu.memory_space<vmem_shared>> -> memref<16x128xf32, #tpu.memory_space<vmem_shared>>
      tpu.enqueue_dma source(%arg10 : memref<16x128xf32, #tpu.memory_space<vmem>>) target(%dma_start3A_183 : memref<16x128xf32, #tpu.memory_space<vmem_shared>>) target_semaphore(%run_scoped3A : memref<!tpu.dma_semaphore, #tpu.memory_space<semaphore_mem>>)
      %dma_wait3A = arith.constant 0 : i32
      %dma_wait3A_184 = tpu.memref_slice %arg11[%add3A_49, %dma_wait3A] : memref<10240x128xf32, #tpu.memory_space<vmem_shared>> -> memref<16x128xf32, #tpu.memory_space<vmem_shared>>
      %dma_wait3A_185 = arith.constant 0 : i32
      %dma_wait3A_186 = tpu.memref_slice %arg11[%add3A_49, %dma_wait3A_185] : memref<10240x128xf32, #tpu.memory_space<vmem_shared>> -> memref<16x128xf32, #tpu.memory_space<vmem_shared>>
      tpu.wait_dma2 semaphore(%run_scoped3A : memref<!tpu.dma_semaphore, #tpu.memory_space<semaphore_mem>>) src(%arg10 : memref<16x128xf32, #tpu.memory_space<vmem>>) dst(%dma_wait3A_186 : memref<16x128xf32, #tpu.memory_space<vmem_shared>>)
      tpu.yield
    }) : () -> ()
    %mul3A_50 = arith.constant 640 : i32
    %mul3A_51 = arith.muli %arg1, %mul3A_50 : i32
    %add3A_52 = arith.constant 176 : i32
    %add3A_53 = arith.addi %mul3A_51, %add3A_52 : i32
    "tpu.region"() ({
      %run_scoped3A = tpu.sem_alloc : memref<!tpu.dma_semaphore, #tpu.memory_space<semaphore_mem>>
      %dma_start3A = arith.constant 0 : i32
      %dma_start3A_181 = tpu.memref_slice %arg11[%add3A_53, %dma_start3A] : memref<10240x128xf32, #tpu.memory_space<vmem_shared>> -> memref<16x128xf32, #tpu.memory_space<vmem_shared>>
      %dma_start3A_182 = arith.constant 0 : i32
      %dma_start3A_183 = tpu.memref_slice %arg11[%add3A_53, %dma_start3A_182] : memref<10240x128xf32, #tpu.memory_space<vmem_shared>> -> memref<16x128xf32, #tpu.memory_space<vmem_shared>>
      tpu.enqueue_dma source(%arg10 : memref<16x128xf32, #tpu.memory_space<vmem>>) target(%dma_start3A_183 : memref<16x128xf32, #tpu.memory_space<vmem_shared>>) target_semaphore(%run_scoped3A : memref<!tpu.dma_semaphore, #tpu.memory_space<semaphore_mem>>)
      %dma_wait3A = arith.constant 0 : i32
      %dma_wait3A_184 = tpu.memref_slice %arg11[%add3A_53, %dma_wait3A] : memref<10240x128xf32, #tpu.memory_space<vmem_shared>> -> memref<16x128xf32, #tpu.memory_space<vmem_shared>>
      %dma_wait3A_185 = arith.constant 0 : i32
      %dma_wait3A_186 = tpu.memref_slice %arg11[%add3A_53, %dma_wait3A_185] : memref<10240x128xf32, #tpu.memory_space<vmem_shared>> -> memref<16x128xf32, #tpu.memory_space<vmem_shared>>
      tpu.wait_dma2 semaphore(%run_scoped3A : memref<!tpu.dma_semaphore, #tpu.memory_space<semaphore_mem>>) src(%arg10 : memref<16x128xf32, #tpu.memory_space<vmem>>) dst(%dma_wait3A_186 : memref<16x128xf32, #tpu.memory_space<vmem_shared>>)
      tpu.yield
    }) : () -> ()
    %mul3A_54 = arith.constant 640 : i32
    %mul3A_55 = arith.muli %arg1, %mul3A_54 : i32
    %add3A_56 = arith.constant 192 : i32
    %add3A_57 = arith.addi %mul3A_55, %add3A_56 : i32
    "tpu.region"() ({
      %run_scoped3A = tpu.sem_alloc : memref<!tpu.dma_semaphore, #tpu.memory_space<semaphore_mem>>
      %dma_start3A = arith.constant 0 : i32
      %dma_start3A_181 = tpu.memref_slice %arg11[%add3A_57, %dma_start3A] : memref<10240x128xf32, #tpu.memory_space<vmem_shared>> -> memref<16x128xf32, #tpu.memory_space<vmem_shared>>
      %dma_start3A_182 = arith.constant 0 : i32
      %dma_start3A_183 = tpu.memref_slice %arg11[%add3A_57, %dma_start3A_182] : memref<10240x128xf32, #tpu.memory_space<vmem_shared>> -> memref<16x128xf32, #tpu.memory_space<vmem_shared>>
      tpu.enqueue_dma source(%arg10 : memref<16x128xf32, #tpu.memory_space<vmem>>) target(%dma_start3A_183 : memref<16x128xf32, #tpu.memory_space<vmem_shared>>) target_semaphore(%run_scoped3A : memref<!tpu.dma_semaphore, #tpu.memory_space<semaphore_mem>>)
      %dma_wait3A = arith.constant 0 : i32
      %dma_wait3A_184 = tpu.memref_slice %arg11[%add3A_57, %dma_wait3A] : memref<10240x128xf32, #tpu.memory_space<vmem_shared>> -> memref<16x128xf32, #tpu.memory_space<vmem_shared>>
      %dma_wait3A_185 = arith.constant 0 : i32
      %dma_wait3A_186 = tpu.memref_slice %arg11[%add3A_57, %dma_wait3A_185] : memref<10240x128xf32, #tpu.memory_space<vmem_shared>> -> memref<16x128xf32, #tpu.memory_space<vmem_shared>>
      tpu.wait_dma2 semaphore(%run_scoped3A : memref<!tpu.dma_semaphore, #tpu.memory_space<semaphore_mem>>) src(%arg10 : memref<16x128xf32, #tpu.memory_space<vmem>>) dst(%dma_wait3A_186 : memref<16x128xf32, #tpu.memory_space<vmem_shared>>)
      tpu.yield
    }) : () -> ()
    %mul3A_58 = arith.constant 640 : i32
    %mul3A_59 = arith.muli %arg1, %mul3A_58 : i32
    %add3A_60 = arith.constant 208 : i32
    %add3A_61 = arith.addi %mul3A_59, %add3A_60 : i32
    "tpu.region"() ({
      %run_scoped3A = tpu.sem_alloc : memref<!tpu.dma_semaphore, #tpu.memory_space<semaphore_mem>>
      %dma_start3A = arith.constant 0 : i32
      %dma_start3A_181 = tpu.memref_slice %arg11[%add3A_61, %dma_start3A] : memref<10240x128xf32, #tpu.memory_space<vmem_shared>> -> memref<16x128xf32, #tpu.memory_space<vmem_shared>>
      %dma_start3A_182 = arith.constant 0 : i32
      %dma_start3A_183 = tpu.memref_slice %arg11[%add3A_61, %dma_start3A_182] : memref<10240x128xf32, #tpu.memory_space<vmem_shared>> -> memref<16x128xf32, #tpu.memory_space<vmem_shared>>
      tpu.enqueue_dma source(%arg10 : memref<16x128xf32, #tpu.memory_space<vmem>>) target(%dma_start3A_183 : memref<16x128xf32, #tpu.memory_space<vmem_shared>>) target_semaphore(%run_scoped3A : memref<!tpu.dma_semaphore, #tpu.memory_space<semaphore_mem>>)
      %dma_wait3A = arith.constant 0 : i32
      %dma_wait3A_184 = tpu.memref_slice %arg11[%add3A_61, %dma_wait3A] : memref<10240x128xf32, #tpu.memory_space<vmem_shared>> -> memref<16x128xf32, #tpu.memory_space<vmem_shared>>
      %dma_wait3A_185 = arith.constant 0 : i32
      %dma_wait3A_186 = tpu.memref_slice %arg11[%add3A_61, %dma_wait3A_185] : memref<10240x128xf32, #tpu.memory_space<vmem_shared>> -> memref<16x128xf32, #tpu.memory_space<vmem_shared>>
      tpu.wait_dma2 semaphore(%run_scoped3A : memref<!tpu.dma_semaphore, #tpu.memory_space<semaphore_mem>>) src(%arg10 : memref<16x128xf32, #tpu.memory_space<vmem>>) dst(%dma_wait3A_186 : memref<16x128xf32, #tpu.memory_space<vmem_shared>>)
      tpu.yield
    }) : () -> ()
    %mul3A_62 = arith.constant 640 : i32
    %mul3A_63 = arith.muli %arg1, %mul3A_62 : i32
    %add3A_64 = arith.constant 224 : i32
    %add3A_65 = arith.addi %mul3A_63, %add3A_64 : i32
    "tpu.region"() ({
      %run_scoped3A = tpu.sem_alloc : memref<!tpu.dma_semaphore, #tpu.memory_space<semaphore_mem>>
      %dma_start3A = arith.constant 0 : i32
      %dma_start3A_181 = tpu.memref_slice %arg11[%add3A_65, %dma_start3A] : memref<10240x128xf32, #tpu.memory_space<vmem_shared>> -> memref<16x128xf32, #tpu.memory_space<vmem_shared>>
      %dma_start3A_182 = arith.constant 0 : i32
      %dma_start3A_183 = tpu.memref_slice %arg11[%add3A_65, %dma_start3A_182] : memref<10240x128xf32, #tpu.memory_space<vmem_shared>> -> memref<16x128xf32, #tpu.memory_space<vmem_shared>>
      tpu.enqueue_dma source(%arg10 : memref<16x128xf32, #tpu.memory_space<vmem>>) target(%dma_start3A_183 : memref<16x128xf32, #tpu.memory_space<vmem_shared>>) target_semaphore(%run_scoped3A : memref<!tpu.dma_semaphore, #tpu.memory_space<semaphore_mem>>)
      %dma_wait3A = arith.constant 0 : i32
      %dma_wait3A_184 = tpu.memref_slice %arg11[%add3A_65, %dma_wait3A] : memref<10240x128xf32, #tpu.memory_space<vmem_shared>> -> memref<16x128xf32, #tpu.memory_space<vmem_shared>>
      %dma_wait3A_185 = arith.constant 0 : i32
      %dma_wait3A_186 = tpu.memref_slice %arg11[%add3A_65, %dma_wait3A_185] : memref<10240x128xf32, #tpu.memory_space<vmem_shared>> -> memref<16x128xf32, #tpu.memory_space<vmem_shared>>
      tpu.wait_dma2 semaphore(%run_scoped3A : memref<!tpu.dma_semaphore, #tpu.memory_space<semaphore_mem>>) src(%arg10 : memref<16x128xf32, #tpu.memory_space<vmem>>) dst(%dma_wait3A_186 : memref<16x128xf32, #tpu.memory_space<vmem_shared>>)
      tpu.yield
    }) : () -> ()
    %mul3A_66 = arith.constant 640 : i32
    %mul3A_67 = arith.muli %arg1, %mul3A_66 : i32
    %add3A_68 = arith.constant 240 : i32
    %add3A_69 = arith.addi %mul3A_67, %add3A_68 : i32
    "tpu.region"() ({
      %run_scoped3A = tpu.sem_alloc : memref<!tpu.dma_semaphore, #tpu.memory_space<semaphore_mem>>
      %dma_start3A = arith.constant 0 : i32
      %dma_start3A_181 = tpu.memref_slice %arg11[%add3A_69, %dma_start3A] : memref<10240x128xf32, #tpu.memory_space<vmem_shared>> -> memref<16x128xf32, #tpu.memory_space<vmem_shared>>
      %dma_start3A_182 = arith.constant 0 : i32
      %dma_start3A_183 = tpu.memref_slice %arg11[%add3A_69, %dma_start3A_182] : memref<10240x128xf32, #tpu.memory_space<vmem_shared>> -> memref<16x128xf32, #tpu.memory_space<vmem_shared>>
      tpu.enqueue_dma source(%arg10 : memref<16x128xf32, #tpu.memory_space<vmem>>) target(%dma_start3A_183 : memref<16x128xf32, #tpu.memory_space<vmem_shared>>) target_semaphore(%run_scoped3A : memref<!tpu.dma_semaphore, #tpu.memory_space<semaphore_mem>>)
      %dma_wait3A = arith.constant 0 : i32
      %dma_wait3A_184 = tpu.memref_slice %arg11[%add3A_69, %dma_wait3A] : memref<10240x128xf32, #tpu.memory_space<vmem_shared>> -> memref<16x128xf32, #tpu.memory_space<vmem_shared>>
      %dma_wait3A_185 = arith.constant 0 : i32
      %dma_wait3A_186 = tpu.memref_slice %arg11[%add3A_69, %dma_wait3A_185] : memref<10240x128xf32, #tpu.memory_space<vmem_shared>> -> memref<16x128xf32, #tpu.memory_space<vmem_shared>>
      tpu.wait_dma2 semaphore(%run_scoped3A : memref<!tpu.dma_semaphore, #tpu.memory_space<semaphore_mem>>) src(%arg10 : memref<16x128xf32, #tpu.memory_space<vmem>>) dst(%dma_wait3A_186 : memref<16x128xf32, #tpu.memory_space<vmem_shared>>)
      tpu.yield
    }) : () -> ()
    %mul3A_70 = arith.constant 640 : i32
    %mul3A_71 = arith.muli %arg1, %mul3A_70 : i32
    %add3A_72 = arith.constant 256 : i32
    %add3A_73 = arith.addi %mul3A_71, %add3A_72 : i32
    "tpu.region"() ({
      %run_scoped3A = tpu.sem_alloc : memref<!tpu.dma_semaphore, #tpu.memory_space<semaphore_mem>>
      %dma_start3A = arith.constant 0 : i32
      %dma_start3A_181 = tpu.memref_slice %arg11[%add3A_73, %dma_start3A] : memref<10240x128xf32, #tpu.memory_space<vmem_shared>> -> memref<16x128xf32, #tpu.memory_space<vmem_shared>>
      %dma_start3A_182 = arith.constant 0 : i32
      %dma_start3A_183 = tpu.memref_slice %arg11[%add3A_73, %dma_start3A_182] : memref<10240x128xf32, #tpu.memory_space<vmem_shared>> -> memref<16x128xf32, #tpu.memory_space<vmem_shared>>
      tpu.enqueue_dma source(%arg10 : memref<16x128xf32, #tpu.memory_space<vmem>>) target(%dma_start3A_183 : memref<16x128xf32, #tpu.memory_space<vmem_shared>>) target_semaphore(%run_scoped3A : memref<!tpu.dma_semaphore, #tpu.memory_space<semaphore_mem>>)
      %dma_wait3A = arith.constant 0 : i32
      %dma_wait3A_184 = tpu.memref_slice %arg11[%add3A_73, %dma_wait3A] : memref<10240x128xf32, #tpu.memory_space<vmem_shared>> -> memref<16x128xf32, #tpu.memory_space<vmem_shared>>
      %dma_wait3A_185 = arith.constant 0 : i32
      %dma_wait3A_186 = tpu.memref_slice %arg11[%add3A_73, %dma_wait3A_185] : memref<10240x128xf32, #tpu.memory_space<vmem_shared>> -> memref<16x128xf32, #tpu.memory_space<vmem_shared>>
      tpu.wait_dma2 semaphore(%run_scoped3A : memref<!tpu.dma_semaphore, #tpu.memory_space<semaphore_mem>>) src(%arg10 : memref<16x128xf32, #tpu.memory_space<vmem>>) dst(%dma_wait3A_186 : memref<16x128xf32, #tpu.memory_space<vmem_shared>>)
      tpu.yield
    }) : () -> ()
    %mul3A_74 = arith.constant 640 : i32
    %mul3A_75 = arith.muli %arg1, %mul3A_74 : i32
    %add3A_76 = arith.constant 272 : i32
    %add3A_77 = arith.addi %mul3A_75, %add3A_76 : i32
    "tpu.region"() ({
      %run_scoped3A = tpu.sem_alloc : memref<!tpu.dma_semaphore, #tpu.memory_space<semaphore_mem>>
      %dma_start3A = arith.constant 0 : i32
      %dma_start3A_181 = tpu.memref_slice %arg11[%add3A_77, %dma_start3A] : memref<10240x128xf32, #tpu.memory_space<vmem_shared>> -> memref<16x128xf32, #tpu.memory_space<vmem_shared>>
      %dma_start3A_182 = arith.constant 0 : i32
      %dma_start3A_183 = tpu.memref_slice %arg11[%add3A_77, %dma_start3A_182] : memref<10240x128xf32, #tpu.memory_space<vmem_shared>> -> memref<16x128xf32, #tpu.memory_space<vmem_shared>>
      tpu.enqueue_dma source(%arg10 : memref<16x128xf32, #tpu.memory_space<vmem>>) target(%dma_start3A_183 : memref<16x128xf32, #tpu.memory_space<vmem_shared>>) target_semaphore(%run_scoped3A : memref<!tpu.dma_semaphore, #tpu.memory_space<semaphore_mem>>)
      %dma_wait3A = arith.constant 0 : i32
      %dma_wait3A_184 = tpu.memref_slice %arg11[%add3A_77, %dma_wait3A] : memref<10240x128xf32, #tpu.memory_space<vmem_shared>> -> memref<16x128xf32, #tpu.memory_space<vmem_shared>>
      %dma_wait3A_185 = arith.constant 0 : i32
      %dma_wait3A_186 = tpu.memref_slice %arg11[%add3A_77, %dma_wait3A_185] : memref<10240x128xf32, #tpu.memory_space<vmem_shared>> -> memref<16x128xf32, #tpu.memory_space<vmem_shared>>
      tpu.wait_dma2 semaphore(%run_scoped3A : memref<!tpu.dma_semaphore, #tpu.memory_space<semaphore_mem>>) src(%arg10 : memref<16x128xf32, #tpu.memory_space<vmem>>) dst(%dma_wait3A_186 : memref<16x128xf32, #tpu.memory_space<vmem_shared>>)
      tpu.yield
    }) : () -> ()
    %mul3A_78 = arith.constant 640 : i32
    %mul3A_79 = arith.muli %arg1, %mul3A_78 : i32
    %add3A_80 = arith.constant 288 : i32
    %add3A_81 = arith.addi %mul3A_79, %add3A_80 : i32
    "tpu.region"() ({
      %run_scoped3A = tpu.sem_alloc : memref<!tpu.dma_semaphore, #tpu.memory_space<semaphore_mem>>
      %dma_start3A = arith.constant 0 : i32
      %dma_start3A_181 = tpu.memref_slice %arg11[%add3A_81, %dma_start3A] : memref<10240x128xf32, #tpu.memory_space<vmem_shared>> -> memref<16x128xf32, #tpu.memory_space<vmem_shared>>
      %dma_start3A_182 = arith.constant 0 : i32
      %dma_start3A_183 = tpu.memref_slice %arg11[%add3A_81, %dma_start3A_182] : memref<10240x128xf32, #tpu.memory_space<vmem_shared>> -> memref<16x128xf32, #tpu.memory_space<vmem_shared>>
      tpu.enqueue_dma source(%arg10 : memref<16x128xf32, #tpu.memory_space<vmem>>) target(%dma_start3A_183 : memref<16x128xf32, #tpu.memory_space<vmem_shared>>) target_semaphore(%run_scoped3A : memref<!tpu.dma_semaphore, #tpu.memory_space<semaphore_mem>>)
      %dma_wait3A = arith.constant 0 : i32
      %dma_wait3A_184 = tpu.memref_slice %arg11[%add3A_81, %dma_wait3A] : memref<10240x128xf32, #tpu.memory_space<vmem_shared>> -> memref<16x128xf32, #tpu.memory_space<vmem_shared>>
      %dma_wait3A_185 = arith.constant 0 : i32
      %dma_wait3A_186 = tpu.memref_slice %arg11[%add3A_81, %dma_wait3A_185] : memref<10240x128xf32, #tpu.memory_space<vmem_shared>> -> memref<16x128xf32, #tpu.memory_space<vmem_shared>>
      tpu.wait_dma2 semaphore(%run_scoped3A : memref<!tpu.dma_semaphore, #tpu.memory_space<semaphore_mem>>) src(%arg10 : memref<16x128xf32, #tpu.memory_space<vmem>>) dst(%dma_wait3A_186 : memref<16x128xf32, #tpu.memory_space<vmem_shared>>)
      tpu.yield
    }) : () -> ()
    %mul3A_82 = arith.constant 640 : i32
    %mul3A_83 = arith.muli %arg1, %mul3A_82 : i32
    %add3A_84 = arith.constant 304 : i32
    %add3A_85 = arith.addi %mul3A_83, %add3A_84 : i32
    "tpu.region"() ({
      %run_scoped3A = tpu.sem_alloc : memref<!tpu.dma_semaphore, #tpu.memory_space<semaphore_mem>>
      %dma_start3A = arith.constant 0 : i32
      %dma_start3A_181 = tpu.memref_slice %arg11[%add3A_85, %dma_start3A] : memref<10240x128xf32, #tpu.memory_space<vmem_shared>> -> memref<16x128xf32, #tpu.memory_space<vmem_shared>>
      %dma_start3A_182 = arith.constant 0 : i32
      %dma_start3A_183 = tpu.memref_slice %arg11[%add3A_85, %dma_start3A_182] : memref<10240x128xf32, #tpu.memory_space<vmem_shared>> -> memref<16x128xf32, #tpu.memory_space<vmem_shared>>
      tpu.enqueue_dma source(%arg10 : memref<16x128xf32, #tpu.memory_space<vmem>>) target(%dma_start3A_183 : memref<16x128xf32, #tpu.memory_space<vmem_shared>>) target_semaphore(%run_scoped3A : memref<!tpu.dma_semaphore, #tpu.memory_space<semaphore_mem>>)
      %dma_wait3A = arith.constant 0 : i32
      %dma_wait3A_184 = tpu.memref_slice %arg11[%add3A_85, %dma_wait3A] : memref<10240x128xf32, #tpu.memory_space<vmem_shared>> -> memref<16x128xf32, #tpu.memory_space<vmem_shared>>
      %dma_wait3A_185 = arith.constant 0 : i32
      %dma_wait3A_186 = tpu.memref_slice %arg11[%add3A_85, %dma_wait3A_185] : memref<10240x128xf32, #tpu.memory_space<vmem_shared>> -> memref<16x128xf32, #tpu.memory_space<vmem_shared>>
      tpu.wait_dma2 semaphore(%run_scoped3A : memref<!tpu.dma_semaphore, #tpu.memory_space<semaphore_mem>>) src(%arg10 : memref<16x128xf32, #tpu.memory_space<vmem>>) dst(%dma_wait3A_186 : memref<16x128xf32, #tpu.memory_space<vmem_shared>>)
      tpu.yield
    }) : () -> ()
    %mul3A_86 = arith.constant 640 : i32
    %mul3A_87 = arith.muli %arg1, %mul3A_86 : i32
    %add3A_88 = arith.constant 320 : i32
    %add3A_89 = arith.addi %mul3A_87, %add3A_88 : i32
    "tpu.region"() ({
      %run_scoped3A = tpu.sem_alloc : memref<!tpu.dma_semaphore, #tpu.memory_space<semaphore_mem>>
      %dma_start3A = arith.constant 0 : i32
      %dma_start3A_181 = tpu.memref_slice %arg11[%add3A_89, %dma_start3A] : memref<10240x128xf32, #tpu.memory_space<vmem_shared>> -> memref<16x128xf32, #tpu.memory_space<vmem_shared>>
      %dma_start3A_182 = arith.constant 0 : i32
      %dma_start3A_183 = tpu.memref_slice %arg11[%add3A_89, %dma_start3A_182] : memref<10240x128xf32, #tpu.memory_space<vmem_shared>> -> memref<16x128xf32, #tpu.memory_space<vmem_shared>>
      tpu.enqueue_dma source(%arg10 : memref<16x128xf32, #tpu.memory_space<vmem>>) target(%dma_start3A_183 : memref<16x128xf32, #tpu.memory_space<vmem_shared>>) target_semaphore(%run_scoped3A : memref<!tpu.dma_semaphore, #tpu.memory_space<semaphore_mem>>)
      %dma_wait3A = arith.constant 0 : i32
      %dma_wait3A_184 = tpu.memref_slice %arg11[%add3A_89, %dma_wait3A] : memref<10240x128xf32, #tpu.memory_space<vmem_shared>> -> memref<16x128xf32, #tpu.memory_space<vmem_shared>>
      %dma_wait3A_185 = arith.constant 0 : i32
      %dma_wait3A_186 = tpu.memref_slice %arg11[%add3A_89, %dma_wait3A_185] : memref<10240x128xf32, #tpu.memory_space<vmem_shared>> -> memref<16x128xf32, #tpu.memory_space<vmem_shared>>
      tpu.wait_dma2 semaphore(%run_scoped3A : memref<!tpu.dma_semaphore, #tpu.memory_space<semaphore_mem>>) src(%arg10 : memref<16x128xf32, #tpu.memory_space<vmem>>) dst(%dma_wait3A_186 : memref<16x128xf32, #tpu.memory_space<vmem_shared>>)
      tpu.yield
    }) : () -> ()
    %mul3A_90 = arith.constant 640 : i32
    %mul3A_91 = arith.muli %arg1, %mul3A_90 : i32
    %add3A_92 = arith.constant 336 : i32
    %add3A_93 = arith.addi %mul3A_91, %add3A_92 : i32
    "tpu.region"() ({
      %run_scoped3A = tpu.sem_alloc : memref<!tpu.dma_semaphore, #tpu.memory_space<semaphore_mem>>
      %dma_start3A = arith.constant 0 : i32
      %dma_start3A_181 = tpu.memref_slice %arg11[%add3A_93, %dma_start3A] : memref<10240x128xf32, #tpu.memory_space<vmem_shared>> -> memref<16x128xf32, #tpu.memory_space<vmem_shared>>
      %dma_start3A_182 = arith.constant 0 : i32
      %dma_start3A_183 = tpu.memref_slice %arg11[%add3A_93, %dma_start3A_182] : memref<10240x128xf32, #tpu.memory_space<vmem_shared>> -> memref<16x128xf32, #tpu.memory_space<vmem_shared>>
      tpu.enqueue_dma source(%arg10 : memref<16x128xf32, #tpu.memory_space<vmem>>) target(%dma_start3A_183 : memref<16x128xf32, #tpu.memory_space<vmem_shared>>) target_semaphore(%run_scoped3A : memref<!tpu.dma_semaphore, #tpu.memory_space<semaphore_mem>>)
      %dma_wait3A = arith.constant 0 : i32
      %dma_wait3A_184 = tpu.memref_slice %arg11[%add3A_93, %dma_wait3A] : memref<10240x128xf32, #tpu.memory_space<vmem_shared>> -> memref<16x128xf32, #tpu.memory_space<vmem_shared>>
      %dma_wait3A_185 = arith.constant 0 : i32
      %dma_wait3A_186 = tpu.memref_slice %arg11[%add3A_93, %dma_wait3A_185] : memref<10240x128xf32, #tpu.memory_space<vmem_shared>> -> memref<16x128xf32, #tpu.memory_space<vmem_shared>>
      tpu.wait_dma2 semaphore(%run_scoped3A : memref<!tpu.dma_semaphore, #tpu.memory_space<semaphore_mem>>) src(%arg10 : memref<16x128xf32, #tpu.memory_space<vmem>>) dst(%dma_wait3A_186 : memref<16x128xf32, #tpu.memory_space<vmem_shared>>)
      tpu.yield
    }) : () -> ()
    %mul3A_94 = arith.constant 640 : i32
    %mul3A_95 = arith.muli %arg1, %mul3A_94 : i32
    %add3A_96 = arith.constant 352 : i32
    %add3A_97 = arith.addi %mul3A_95, %add3A_96 : i32
    "tpu.region"() ({
      %run_scoped3A = tpu.sem_alloc : memref<!tpu.dma_semaphore, #tpu.memory_space<semaphore_mem>>
      %dma_start3A = arith.constant 0 : i32
      %dma_start3A_181 = tpu.memref_slice %arg11[%add3A_97, %dma_start3A] : memref<10240x128xf32, #tpu.memory_space<vmem_shared>> -> memref<16x128xf32, #tpu.memory_space<vmem_shared>>
      %dma_start3A_182 = arith.constant 0 : i32
      %dma_start3A_183 = tpu.memref_slice %arg11[%add3A_97, %dma_start3A_182] : memref<10240x128xf32, #tpu.memory_space<vmem_shared>> -> memref<16x128xf32, #tpu.memory_space<vmem_shared>>
      tpu.enqueue_dma source(%arg10 : memref<16x128xf32, #tpu.memory_space<vmem>>) target(%dma_start3A_183 : memref<16x128xf32, #tpu.memory_space<vmem_shared>>) target_semaphore(%run_scoped3A : memref<!tpu.dma_semaphore, #tpu.memory_space<semaphore_mem>>)
      %dma_wait3A = arith.constant 0 : i32
      %dma_wait3A_184 = tpu.memref_slice %arg11[%add3A_97, %dma_wait3A] : memref<10240x128xf32, #tpu.memory_space<vmem_shared>> -> memref<16x128xf32, #tpu.memory_space<vmem_shared>>
      %dma_wait3A_185 = arith.constant 0 : i32
      %dma_wait3A_186 = tpu.memref_slice %arg11[%add3A_97, %dma_wait3A_185] : memref<10240x128xf32, #tpu.memory_space<vmem_shared>> -> memref<16x128xf32, #tpu.memory_space<vmem_shared>>
      tpu.wait_dma2 semaphore(%run_scoped3A : memref<!tpu.dma_semaphore, #tpu.memory_space<semaphore_mem>>) src(%arg10 : memref<16x128xf32, #tpu.memory_space<vmem>>) dst(%dma_wait3A_186 : memref<16x128xf32, #tpu.memory_space<vmem_shared>>)
      tpu.yield
    }) : () -> ()
    %mul3A_98 = arith.constant 640 : i32
    %mul3A_99 = arith.muli %arg1, %mul3A_98 : i32
    %add3A_100 = arith.constant 368 : i32
    %add3A_101 = arith.addi %mul3A_99, %add3A_100 : i32
    "tpu.region"() ({
      %run_scoped3A = tpu.sem_alloc : memref<!tpu.dma_semaphore, #tpu.memory_space<semaphore_mem>>
      %dma_start3A = arith.constant 0 : i32
      %dma_start3A_181 = tpu.memref_slice %arg11[%add3A_101, %dma_start3A] : memref<10240x128xf32, #tpu.memory_space<vmem_shared>> -> memref<16x128xf32, #tpu.memory_space<vmem_shared>>
      %dma_start3A_182 = arith.constant 0 : i32
      %dma_start3A_183 = tpu.memref_slice %arg11[%add3A_101, %dma_start3A_182] : memref<10240x128xf32, #tpu.memory_space<vmem_shared>> -> memref<16x128xf32, #tpu.memory_space<vmem_shared>>
      tpu.enqueue_dma source(%arg10 : memref<16x128xf32, #tpu.memory_space<vmem>>) target(%dma_start3A_183 : memref<16x128xf32, #tpu.memory_space<vmem_shared>>) target_semaphore(%run_scoped3A : memref<!tpu.dma_semaphore, #tpu.memory_space<semaphore_mem>>)
      %dma_wait3A = arith.constant 0 : i32
      %dma_wait3A_184 = tpu.memref_slice %arg11[%add3A_101, %dma_wait3A] : memref<10240x128xf32, #tpu.memory_space<vmem_shared>> -> memref<16x128xf32, #tpu.memory_space<vmem_shared>>
      %dma_wait3A_185 = arith.constant 0 : i32
      %dma_wait3A_186 = tpu.memref_slice %arg11[%add3A_101, %dma_wait3A_185] : memref<10240x128xf32, #tpu.memory_space<vmem_shared>> -> memref<16x128xf32, #tpu.memory_space<vmem_shared>>
      tpu.wait_dma2 semaphore(%run_scoped3A : memref<!tpu.dma_semaphore, #tpu.memory_space<semaphore_mem>>) src(%arg10 : memref<16x128xf32, #tpu.memory_space<vmem>>) dst(%dma_wait3A_186 : memref<16x128xf32, #tpu.memory_space<vmem_shared>>)
      tpu.yield
    }) : () -> ()
    %mul3A_102 = arith.constant 640 : i32
    %mul3A_103 = arith.muli %arg1, %mul3A_102 : i32
    %add3A_104 = arith.constant 384 : i32
    %add3A_105 = arith.addi %mul3A_103, %add3A_104 : i32
    "tpu.region"() ({
      %run_scoped3A = tpu.sem_alloc : memref<!tpu.dma_semaphore, #tpu.memory_space<semaphore_mem>>
      %dma_start3A = arith.constant 0 : i32
      %dma_start3A_181 = tpu.memref_slice %arg11[%add3A_105, %dma_start3A] : memref<10240x128xf32, #tpu.memory_space<vmem_shared>> -> memref<16x128xf32, #tpu.memory_space<vmem_shared>>
      %dma_start3A_182 = arith.constant 0 : i32
      %dma_start3A_183 = tpu.memref_slice %arg11[%add3A_105, %dma_start3A_182] : memref<10240x128xf32, #tpu.memory_space<vmem_shared>> -> memref<16x128xf32, #tpu.memory_space<vmem_shared>>
      tpu.enqueue_dma source(%arg10 : memref<16x128xf32, #tpu.memory_space<vmem>>) target(%dma_start3A_183 : memref<16x128xf32, #tpu.memory_space<vmem_shared>>) target_semaphore(%run_scoped3A : memref<!tpu.dma_semaphore, #tpu.memory_space<semaphore_mem>>)
      %dma_wait3A = arith.constant 0 : i32
      %dma_wait3A_184 = tpu.memref_slice %arg11[%add3A_105, %dma_wait3A] : memref<10240x128xf32, #tpu.memory_space<vmem_shared>> -> memref<16x128xf32, #tpu.memory_space<vmem_shared>>
      %dma_wait3A_185 = arith.constant 0 : i32
      %dma_wait3A_186 = tpu.memref_slice %arg11[%add3A_105, %dma_wait3A_185] : memref<10240x128xf32, #tpu.memory_space<vmem_shared>> -> memref<16x128xf32, #tpu.memory_space<vmem_shared>>
      tpu.wait_dma2 semaphore(%run_scoped3A : memref<!tpu.dma_semaphore, #tpu.memory_space<semaphore_mem>>) src(%arg10 : memref<16x128xf32, #tpu.memory_space<vmem>>) dst(%dma_wait3A_186 : memref<16x128xf32, #tpu.memory_space<vmem_shared>>)
      tpu.yield
    }) : () -> ()
    %mul3A_106 = arith.constant 640 : i32
    %mul3A_107 = arith.muli %arg1, %mul3A_106 : i32
    %add3A_108 = arith.constant 400 : i32
    %add3A_109 = arith.addi %mul3A_107, %add3A_108 : i32
    "tpu.region"() ({
      %run_scoped3A = tpu.sem_alloc : memref<!tpu.dma_semaphore, #tpu.memory_space<semaphore_mem>>
      %dma_start3A = arith.constant 0 : i32
      %dma_start3A_181 = tpu.memref_slice %arg11[%add3A_109, %dma_start3A] : memref<10240x128xf32, #tpu.memory_space<vmem_shared>> -> memref<16x128xf32, #tpu.memory_space<vmem_shared>>
      %dma_start3A_182 = arith.constant 0 : i32
      %dma_start3A_183 = tpu.memref_slice %arg11[%add3A_109, %dma_start3A_182] : memref<10240x128xf32, #tpu.memory_space<vmem_shared>> -> memref<16x128xf32, #tpu.memory_space<vmem_shared>>
      tpu.enqueue_dma source(%arg10 : memref<16x128xf32, #tpu.memory_space<vmem>>) target(%dma_start3A_183 : memref<16x128xf32, #tpu.memory_space<vmem_shared>>) target_semaphore(%run_scoped3A : memref<!tpu.dma_semaphore, #tpu.memory_space<semaphore_mem>>)
      %dma_wait3A = arith.constant 0 : i32
      %dma_wait3A_184 = tpu.memref_slice %arg11[%add3A_109, %dma_wait3A] : memref<10240x128xf32, #tpu.memory_space<vmem_shared>> -> memref<16x128xf32, #tpu.memory_space<vmem_shared>>
      %dma_wait3A_185 = arith.constant 0 : i32
      %dma_wait3A_186 = tpu.memref_slice %arg11[%add3A_109, %dma_wait3A_185] : memref<10240x128xf32, #tpu.memory_space<vmem_shared>> -> memref<16x128xf32, #tpu.memory_space<vmem_shared>>
      tpu.wait_dma2 semaphore(%run_scoped3A : memref<!tpu.dma_semaphore, #tpu.memory_space<semaphore_mem>>) src(%arg10 : memref<16x128xf32, #tpu.memory_space<vmem>>) dst(%dma_wait3A_186 : memref<16x128xf32, #tpu.memory_space<vmem_shared>>)
      tpu.yield
    }) : () -> ()
    %mul3A_110 = arith.constant 640 : i32
    %mul3A_111 = arith.muli %arg1, %mul3A_110 : i32
    %add3A_112 = arith.constant 416 : i32
    %add3A_113 = arith.addi %mul3A_111, %add3A_112 : i32
    "tpu.region"() ({
      %run_scoped3A = tpu.sem_alloc : memref<!tpu.dma_semaphore, #tpu.memory_space<semaphore_mem>>
      %dma_start3A = arith.constant 0 : i32
      %dma_start3A_181 = tpu.memref_slice %arg11[%add3A_113, %dma_start3A] : memref<10240x128xf32, #tpu.memory_space<vmem_shared>> -> memref<16x128xf32, #tpu.memory_space<vmem_shared>>
      %dma_start3A_182 = arith.constant 0 : i32
      %dma_start3A_183 = tpu.memref_slice %arg11[%add3A_113, %dma_start3A_182] : memref<10240x128xf32, #tpu.memory_space<vmem_shared>> -> memref<16x128xf32, #tpu.memory_space<vmem_shared>>
      tpu.enqueue_dma source(%arg10 : memref<16x128xf32, #tpu.memory_space<vmem>>) target(%dma_start3A_183 : memref<16x128xf32, #tpu.memory_space<vmem_shared>>) target_semaphore(%run_scoped3A : memref<!tpu.dma_semaphore, #tpu.memory_space<semaphore_mem>>)
      %dma_wait3A = arith.constant 0 : i32
      %dma_wait3A_184 = tpu.memref_slice %arg11[%add3A_113, %dma_wait3A] : memref<10240x128xf32, #tpu.memory_space<vmem_shared>> -> memref<16x128xf32, #tpu.memory_space<vmem_shared>>
      %dma_wait3A_185 = arith.constant 0 : i32
      %dma_wait3A_186 = tpu.memref_slice %arg11[%add3A_113, %dma_wait3A_185] : memref<10240x128xf32, #tpu.memory_space<vmem_shared>> -> memref<16x128xf32, #tpu.memory_space<vmem_shared>>
      tpu.wait_dma2 semaphore(%run_scoped3A : memref<!tpu.dma_semaphore, #tpu.memory_space<semaphore_mem>>) src(%arg10 : memref<16x128xf32, #tpu.memory_space<vmem>>) dst(%dma_wait3A_186 : memref<16x128xf32, #tpu.memory_space<vmem_shared>>)
      tpu.yield
    }) : () -> ()
    %mul3A_114 = arith.constant 640 : i32
    %mul3A_115 = arith.muli %arg1, %mul3A_114 : i32
    %add3A_116 = arith.constant 432 : i32
    %add3A_117 = arith.addi %mul3A_115, %add3A_116 : i32
    "tpu.region"() ({
      %run_scoped3A = tpu.sem_alloc : memref<!tpu.dma_semaphore, #tpu.memory_space<semaphore_mem>>
      %dma_start3A = arith.constant 0 : i32
      %dma_start3A_181 = tpu.memref_slice %arg11[%add3A_117, %dma_start3A] : memref<10240x128xf32, #tpu.memory_space<vmem_shared>> -> memref<16x128xf32, #tpu.memory_space<vmem_shared>>
      %dma_start3A_182 = arith.constant 0 : i32
      %dma_start3A_183 = tpu.memref_slice %arg11[%add3A_117, %dma_start3A_182] : memref<10240x128xf32, #tpu.memory_space<vmem_shared>> -> memref<16x128xf32, #tpu.memory_space<vmem_shared>>
      tpu.enqueue_dma source(%arg10 : memref<16x128xf32, #tpu.memory_space<vmem>>) target(%dma_start3A_183 : memref<16x128xf32, #tpu.memory_space<vmem_shared>>) target_semaphore(%run_scoped3A : memref<!tpu.dma_semaphore, #tpu.memory_space<semaphore_mem>>)
      %dma_wait3A = arith.constant 0 : i32
      %dma_wait3A_184 = tpu.memref_slice %arg11[%add3A_117, %dma_wait3A] : memref<10240x128xf32, #tpu.memory_space<vmem_shared>> -> memref<16x128xf32, #tpu.memory_space<vmem_shared>>
      %dma_wait3A_185 = arith.constant 0 : i32
      %dma_wait3A_186 = tpu.memref_slice %arg11[%add3A_117, %dma_wait3A_185] : memref<10240x128xf32, #tpu.memory_space<vmem_shared>> -> memref<16x128xf32, #tpu.memory_space<vmem_shared>>
      tpu.wait_dma2 semaphore(%run_scoped3A : memref<!tpu.dma_semaphore, #tpu.memory_space<semaphore_mem>>) src(%arg10 : memref<16x128xf32, #tpu.memory_space<vmem>>) dst(%dma_wait3A_186 : memref<16x128xf32, #tpu.memory_space<vmem_shared>>)
      tpu.yield
    }) : () -> ()
    %mul3A_118 = arith.constant 640 : i32
    %mul3A_119 = arith.muli %arg1, %mul3A_118 : i32
    %add3A_120 = arith.constant 448 : i32
    %add3A_121 = arith.addi %mul3A_119, %add3A_120 : i32
    "tpu.region"() ({
      %run_scoped3A = tpu.sem_alloc : memref<!tpu.dma_semaphore, #tpu.memory_space<semaphore_mem>>
      %dma_start3A = arith.constant 0 : i32
      %dma_start3A_181 = tpu.memref_slice %arg11[%add3A_121, %dma_start3A] : memref<10240x128xf32, #tpu.memory_space<vmem_shared>> -> memref<16x128xf32, #tpu.memory_space<vmem_shared>>
      %dma_start3A_182 = arith.constant 0 : i32
      %dma_start3A_183 = tpu.memref_slice %arg11[%add3A_121, %dma_start3A_182] : memref<10240x128xf32, #tpu.memory_space<vmem_shared>> -> memref<16x128xf32, #tpu.memory_space<vmem_shared>>
      tpu.enqueue_dma source(%arg10 : memref<16x128xf32, #tpu.memory_space<vmem>>) target(%dma_start3A_183 : memref<16x128xf32, #tpu.memory_space<vmem_shared>>) target_semaphore(%run_scoped3A : memref<!tpu.dma_semaphore, #tpu.memory_space<semaphore_mem>>)
      %dma_wait3A = arith.constant 0 : i32
      %dma_wait3A_184 = tpu.memref_slice %arg11[%add3A_121, %dma_wait3A] : memref<10240x128xf32, #tpu.memory_space<vmem_shared>> -> memref<16x128xf32, #tpu.memory_space<vmem_shared>>
      %dma_wait3A_185 = arith.constant 0 : i32
      %dma_wait3A_186 = tpu.memref_slice %arg11[%add3A_121, %dma_wait3A_185] : memref<10240x128xf32, #tpu.memory_space<vmem_shared>> -> memref<16x128xf32, #tpu.memory_space<vmem_shared>>
      tpu.wait_dma2 semaphore(%run_scoped3A : memref<!tpu.dma_semaphore, #tpu.memory_space<semaphore_mem>>) src(%arg10 : memref<16x128xf32, #tpu.memory_space<vmem>>) dst(%dma_wait3A_186 : memref<16x128xf32, #tpu.memory_space<vmem_shared>>)
      tpu.yield
    }) : () -> ()
    %mul3A_122 = arith.constant 640 : i32
    %mul3A_123 = arith.muli %arg1, %mul3A_122 : i32
    %add3A_124 = arith.constant 464 : i32
    %add3A_125 = arith.addi %mul3A_123, %add3A_124 : i32
    "tpu.region"() ({
      %run_scoped3A = tpu.sem_alloc : memref<!tpu.dma_semaphore, #tpu.memory_space<semaphore_mem>>
      %dma_start3A = arith.constant 0 : i32
      %dma_start3A_181 = tpu.memref_slice %arg11[%add3A_125, %dma_start3A] : memref<10240x128xf32, #tpu.memory_space<vmem_shared>> -> memref<16x128xf32, #tpu.memory_space<vmem_shared>>
      %dma_start3A_182 = arith.constant 0 : i32
      %dma_start3A_183 = tpu.memref_slice %arg11[%add3A_125, %dma_start3A_182] : memref<10240x128xf32, #tpu.memory_space<vmem_shared>> -> memref<16x128xf32, #tpu.memory_space<vmem_shared>>
      tpu.enqueue_dma source(%arg10 : memref<16x128xf32, #tpu.memory_space<vmem>>) target(%dma_start3A_183 : memref<16x128xf32, #tpu.memory_space<vmem_shared>>) target_semaphore(%run_scoped3A : memref<!tpu.dma_semaphore, #tpu.memory_space<semaphore_mem>>)
      %dma_wait3A = arith.constant 0 : i32
      %dma_wait3A_184 = tpu.memref_slice %arg11[%add3A_125, %dma_wait3A] : memref<10240x128xf32, #tpu.memory_space<vmem_shared>> -> memref<16x128xf32, #tpu.memory_space<vmem_shared>>
      %dma_wait3A_185 = arith.constant 0 : i32
      %dma_wait3A_186 = tpu.memref_slice %arg11[%add3A_125, %dma_wait3A_185] : memref<10240x128xf32, #tpu.memory_space<vmem_shared>> -> memref<16x128xf32, #tpu.memory_space<vmem_shared>>
      tpu.wait_dma2 semaphore(%run_scoped3A : memref<!tpu.dma_semaphore, #tpu.memory_space<semaphore_mem>>) src(%arg10 : memref<16x128xf32, #tpu.memory_space<vmem>>) dst(%dma_wait3A_186 : memref<16x128xf32, #tpu.memory_space<vmem_shared>>)
      tpu.yield
    }) : () -> ()
    %mul3A_126 = arith.constant 640 : i32
    %mul3A_127 = arith.muli %arg1, %mul3A_126 : i32
    %add3A_128 = arith.constant 480 : i32
    %add3A_129 = arith.addi %mul3A_127, %add3A_128 : i32
    "tpu.region"() ({
      %run_scoped3A = tpu.sem_alloc : memref<!tpu.dma_semaphore, #tpu.memory_space<semaphore_mem>>
      %dma_start3A = arith.constant 0 : i32
      %dma_start3A_181 = tpu.memref_slice %arg11[%add3A_129, %dma_start3A] : memref<10240x128xf32, #tpu.memory_space<vmem_shared>> -> memref<16x128xf32, #tpu.memory_space<vmem_shared>>
      %dma_start3A_182 = arith.constant 0 : i32
      %dma_start3A_183 = tpu.memref_slice %arg11[%add3A_129, %dma_start3A_182] : memref<10240x128xf32, #tpu.memory_space<vmem_shared>> -> memref<16x128xf32, #tpu.memory_space<vmem_shared>>
      tpu.enqueue_dma source(%arg10 : memref<16x128xf32, #tpu.memory_space<vmem>>) target(%dma_start3A_183 : memref<16x128xf32, #tpu.memory_space<vmem_shared>>) target_semaphore(%run_scoped3A : memref<!tpu.dma_semaphore, #tpu.memory_space<semaphore_mem>>)
      %dma_wait3A = arith.constant 0 : i32
      %dma_wait3A_184 = tpu.memref_slice %arg11[%add3A_129, %dma_wait3A] : memref<10240x128xf32, #tpu.memory_space<vmem_shared>> -> memref<16x128xf32, #tpu.memory_space<vmem_shared>>
      %dma_wait3A_185 = arith.constant 0 : i32
      %dma_wait3A_186 = tpu.memref_slice %arg11[%add3A_129, %dma_wait3A_185] : memref<10240x128xf32, #tpu.memory_space<vmem_shared>> -> memref<16x128xf32, #tpu.memory_space<vmem_shared>>
      tpu.wait_dma2 semaphore(%run_scoped3A : memref<!tpu.dma_semaphore, #tpu.memory_space<semaphore_mem>>) src(%arg10 : memref<16x128xf32, #tpu.memory_space<vmem>>) dst(%dma_wait3A_186 : memref<16x128xf32, #tpu.memory_space<vmem_shared>>)
      tpu.yield
    }) : () -> ()
    %mul3A_130 = arith.constant 640 : i32
    %mul3A_131 = arith.muli %arg1, %mul3A_130 : i32
    %add3A_132 = arith.constant 496 : i32
    %add3A_133 = arith.addi %mul3A_131, %add3A_132 : i32
    "tpu.region"() ({
      %run_scoped3A = tpu.sem_alloc : memref<!tpu.dma_semaphore, #tpu.memory_space<semaphore_mem>>
      %dma_start3A = arith.constant 0 : i32
      %dma_start3A_181 = tpu.memref_slice %arg11[%add3A_133, %dma_start3A] : memref<10240x128xf32, #tpu.memory_space<vmem_shared>> -> memref<16x128xf32, #tpu.memory_space<vmem_shared>>
      %dma_start3A_182 = arith.constant 0 : i32
      %dma_start3A_183 = tpu.memref_slice %arg11[%add3A_133, %dma_start3A_182] : memref<10240x128xf32, #tpu.memory_space<vmem_shared>> -> memref<16x128xf32, #tpu.memory_space<vmem_shared>>
      tpu.enqueue_dma source(%arg10 : memref<16x128xf32, #tpu.memory_space<vmem>>) target(%dma_start3A_183 : memref<16x128xf32, #tpu.memory_space<vmem_shared>>) target_semaphore(%run_scoped3A : memref<!tpu.dma_semaphore, #tpu.memory_space<semaphore_mem>>)
      %dma_wait3A = arith.constant 0 : i32
      %dma_wait3A_184 = tpu.memref_slice %arg11[%add3A_133, %dma_wait3A] : memref<10240x128xf32, #tpu.memory_space<vmem_shared>> -> memref<16x128xf32, #tpu.memory_space<vmem_shared>>
      %dma_wait3A_185 = arith.constant 0 : i32
      %dma_wait3A_186 = tpu.memref_slice %arg11[%add3A_133, %dma_wait3A_185] : memref<10240x128xf32, #tpu.memory_space<vmem_shared>> -> memref<16x128xf32, #tpu.memory_space<vmem_shared>>
      tpu.wait_dma2 semaphore(%run_scoped3A : memref<!tpu.dma_semaphore, #tpu.memory_space<semaphore_mem>>) src(%arg10 : memref<16x128xf32, #tpu.memory_space<vmem>>) dst(%dma_wait3A_186 : memref<16x128xf32, #tpu.memory_space<vmem_shared>>)
      tpu.yield
    }) : () -> ()
    %mul3A_134 = arith.constant 640 : i32
    %mul3A_135 = arith.muli %arg1, %mul3A_134 : i32
    %add3A_136 = arith.constant 512 : i32
    %add3A_137 = arith.addi %mul3A_135, %add3A_136 : i32
    "tpu.region"() ({
      %run_scoped3A = tpu.sem_alloc : memref<!tpu.dma_semaphore, #tpu.memory_space<semaphore_mem>>
      %dma_start3A = arith.constant 0 : i32
      %dma_start3A_181 = tpu.memref_slice %arg11[%add3A_137, %dma_start3A] : memref<10240x128xf32, #tpu.memory_space<vmem_shared>> -> memref<16x128xf32, #tpu.memory_space<vmem_shared>>
      %dma_start3A_182 = arith.constant 0 : i32
      %dma_start3A_183 = tpu.memref_slice %arg11[%add3A_137, %dma_start3A_182] : memref<10240x128xf32, #tpu.memory_space<vmem_shared>> -> memref<16x128xf32, #tpu.memory_space<vmem_shared>>
      tpu.enqueue_dma source(%arg10 : memref<16x128xf32, #tpu.memory_space<vmem>>) target(%dma_start3A_183 : memref<16x128xf32, #tpu.memory_space<vmem_shared>>) target_semaphore(%run_scoped3A : memref<!tpu.dma_semaphore, #tpu.memory_space<semaphore_mem>>)
      %dma_wait3A = arith.constant 0 : i32
      %dma_wait3A_184 = tpu.memref_slice %arg11[%add3A_137, %dma_wait3A] : memref<10240x128xf32, #tpu.memory_space<vmem_shared>> -> memref<16x128xf32, #tpu.memory_space<vmem_shared>>
      %dma_wait3A_185 = arith.constant 0 : i32
      %dma_wait3A_186 = tpu.memref_slice %arg11[%add3A_137, %dma_wait3A_185] : memref<10240x128xf32, #tpu.memory_space<vmem_shared>> -> memref<16x128xf32, #tpu.memory_space<vmem_shared>>
      tpu.wait_dma2 semaphore(%run_scoped3A : memref<!tpu.dma_semaphore, #tpu.memory_space<semaphore_mem>>) src(%arg10 : memref<16x128xf32, #tpu.memory_space<vmem>>) dst(%dma_wait3A_186 : memref<16x128xf32, #tpu.memory_space<vmem_shared>>)
      tpu.yield
    }) : () -> ()
    %mul3A_138 = arith.constant 640 : i32
    %mul3A_139 = arith.muli %arg1, %mul3A_138 : i32
    %add3A_140 = arith.constant 528 : i32
    %add3A_141 = arith.addi %mul3A_139, %add3A_140 : i32
    "tpu.region"() ({
      %run_scoped3A = tpu.sem_alloc : memref<!tpu.dma_semaphore, #tpu.memory_space<semaphore_mem>>
      %dma_start3A = arith.constant 0 : i32
      %dma_start3A_181 = tpu.memref_slice %arg11[%add3A_141, %dma_start3A] : memref<10240x128xf32, #tpu.memory_space<vmem_shared>> -> memref<16x128xf32, #tpu.memory_space<vmem_shared>>
      %dma_start3A_182 = arith.constant 0 : i32
      %dma_start3A_183 = tpu.memref_slice %arg11[%add3A_141, %dma_start3A_182] : memref<10240x128xf32, #tpu.memory_space<vmem_shared>> -> memref<16x128xf32, #tpu.memory_space<vmem_shared>>
      tpu.enqueue_dma source(%arg10 : memref<16x128xf32, #tpu.memory_space<vmem>>) target(%dma_start3A_183 : memref<16x128xf32, #tpu.memory_space<vmem_shared>>) target_semaphore(%run_scoped3A : memref<!tpu.dma_semaphore, #tpu.memory_space<semaphore_mem>>)
      %dma_wait3A = arith.constant 0 : i32
      %dma_wait3A_184 = tpu.memref_slice %arg11[%add3A_141, %dma_wait3A] : memref<10240x128xf32, #tpu.memory_space<vmem_shared>> -> memref<16x128xf32, #tpu.memory_space<vmem_shared>>
      %dma_wait3A_185 = arith.constant 0 : i32
      %dma_wait3A_186 = tpu.memref_slice %arg11[%add3A_141, %dma_wait3A_185] : memref<10240x128xf32, #tpu.memory_space<vmem_shared>> -> memref<16x128xf32, #tpu.memory_space<vmem_shared>>
      tpu.wait_dma2 semaphore(%run_scoped3A : memref<!tpu.dma_semaphore, #tpu.memory_space<semaphore_mem>>) src(%arg10 : memref<16x128xf32, #tpu.memory_space<vmem>>) dst(%dma_wait3A_186 : memref<16x128xf32, #tpu.memory_space<vmem_shared>>)
      tpu.yield
    }) : () -> ()
    %mul3A_142 = arith.constant 640 : i32
    %mul3A_143 = arith.muli %arg1, %mul3A_142 : i32
    %add3A_144 = arith.constant 544 : i32
    %add3A_145 = arith.addi %mul3A_143, %add3A_144 : i32
    "tpu.region"() ({
      %run_scoped3A = tpu.sem_alloc : memref<!tpu.dma_semaphore, #tpu.memory_space<semaphore_mem>>
      %dma_start3A = arith.constant 0 : i32
      %dma_start3A_181 = tpu.memref_slice %arg11[%add3A_145, %dma_start3A] : memref<10240x128xf32, #tpu.memory_space<vmem_shared>> -> memref<16x128xf32, #tpu.memory_space<vmem_shared>>
      %dma_start3A_182 = arith.constant 0 : i32
      %dma_start3A_183 = tpu.memref_slice %arg11[%add3A_145, %dma_start3A_182] : memref<10240x128xf32, #tpu.memory_space<vmem_shared>> -> memref<16x128xf32, #tpu.memory_space<vmem_shared>>
      tpu.enqueue_dma source(%arg10 : memref<16x128xf32, #tpu.memory_space<vmem>>) target(%dma_start3A_183 : memref<16x128xf32, #tpu.memory_space<vmem_shared>>) target_semaphore(%run_scoped3A : memref<!tpu.dma_semaphore, #tpu.memory_space<semaphore_mem>>)
      %dma_wait3A = arith.constant 0 : i32
      %dma_wait3A_184 = tpu.memref_slice %arg11[%add3A_145, %dma_wait3A] : memref<10240x128xf32, #tpu.memory_space<vmem_shared>> -> memref<16x128xf32, #tpu.memory_space<vmem_shared>>
      %dma_wait3A_185 = arith.constant 0 : i32
      %dma_wait3A_186 = tpu.memref_slice %arg11[%add3A_145, %dma_wait3A_185] : memref<10240x128xf32, #tpu.memory_space<vmem_shared>> -> memref<16x128xf32, #tpu.memory_space<vmem_shared>>
      tpu.wait_dma2 semaphore(%run_scoped3A : memref<!tpu.dma_semaphore, #tpu.memory_space<semaphore_mem>>) src(%arg10 : memref<16x128xf32, #tpu.memory_space<vmem>>) dst(%dma_wait3A_186 : memref<16x128xf32, #tpu.memory_space<vmem_shared>>)
      tpu.yield
    }) : () -> ()
    %mul3A_146 = arith.constant 640 : i32
    %mul3A_147 = arith.muli %arg1, %mul3A_146 : i32
    %add3A_148 = arith.constant 560 : i32
    %add3A_149 = arith.addi %mul3A_147, %add3A_148 : i32
    "tpu.region"() ({
      %run_scoped3A = tpu.sem_alloc : memref<!tpu.dma_semaphore, #tpu.memory_space<semaphore_mem>>
      %dma_start3A = arith.constant 0 : i32
      %dma_start3A_181 = tpu.memref_slice %arg11[%add3A_149, %dma_start3A] : memref<10240x128xf32, #tpu.memory_space<vmem_shared>> -> memref<16x128xf32, #tpu.memory_space<vmem_shared>>
      %dma_start3A_182 = arith.constant 0 : i32
      %dma_start3A_183 = tpu.memref_slice %arg11[%add3A_149, %dma_start3A_182] : memref<10240x128xf32, #tpu.memory_space<vmem_shared>> -> memref<16x128xf32, #tpu.memory_space<vmem_shared>>
      tpu.enqueue_dma source(%arg10 : memref<16x128xf32, #tpu.memory_space<vmem>>) target(%dma_start3A_183 : memref<16x128xf32, #tpu.memory_space<vmem_shared>>) target_semaphore(%run_scoped3A : memref<!tpu.dma_semaphore, #tpu.memory_space<semaphore_mem>>)
      %dma_wait3A = arith.constant 0 : i32
      %dma_wait3A_184 = tpu.memref_slice %arg11[%add3A_149, %dma_wait3A] : memref<10240x128xf32, #tpu.memory_space<vmem_shared>> -> memref<16x128xf32, #tpu.memory_space<vmem_shared>>
      %dma_wait3A_185 = arith.constant 0 : i32
      %dma_wait3A_186 = tpu.memref_slice %arg11[%add3A_149, %dma_wait3A_185] : memref<10240x128xf32, #tpu.memory_space<vmem_shared>> -> memref<16x128xf32, #tpu.memory_space<vmem_shared>>
      tpu.wait_dma2 semaphore(%run_scoped3A : memref<!tpu.dma_semaphore, #tpu.memory_space<semaphore_mem>>) src(%arg10 : memref<16x128xf32, #tpu.memory_space<vmem>>) dst(%dma_wait3A_186 : memref<16x128xf32, #tpu.memory_space<vmem_shared>>)
      tpu.yield
    }) : () -> ()
    %mul3A_150 = arith.constant 640 : i32
    %mul3A_151 = arith.muli %arg1, %mul3A_150 : i32
    %add3A_152 = arith.constant 576 : i32
    %add3A_153 = arith.addi %mul3A_151, %add3A_152 : i32
    "tpu.region"() ({
      %run_scoped3A = tpu.sem_alloc : memref<!tpu.dma_semaphore, #tpu.memory_space<semaphore_mem>>
      %dma_start3A = arith.constant 0 : i32
      %dma_start3A_181 = tpu.memref_slice %arg11[%add3A_153, %dma_start3A] : memref<10240x128xf32, #tpu.memory_space<vmem_shared>> -> memref<16x128xf32, #tpu.memory_space<vmem_shared>>
      %dma_start3A_182 = arith.constant 0 : i32
      %dma_start3A_183 = tpu.memref_slice %arg11[%add3A_153, %dma_start3A_182] : memref<10240x128xf32, #tpu.memory_space<vmem_shared>> -> memref<16x128xf32, #tpu.memory_space<vmem_shared>>
      tpu.enqueue_dma source(%arg10 : memref<16x128xf32, #tpu.memory_space<vmem>>) target(%dma_start3A_183 : memref<16x128xf32, #tpu.memory_space<vmem_shared>>) target_semaphore(%run_scoped3A : memref<!tpu.dma_semaphore, #tpu.memory_space<semaphore_mem>>)
      %dma_wait3A = arith.constant 0 : i32
      %dma_wait3A_184 = tpu.memref_slice %arg11[%add3A_153, %dma_wait3A] : memref<10240x128xf32, #tpu.memory_space<vmem_shared>> -> memref<16x128xf32, #tpu.memory_space<vmem_shared>>
      %dma_wait3A_185 = arith.constant 0 : i32
      %dma_wait3A_186 = tpu.memref_slice %arg11[%add3A_153, %dma_wait3A_185] : memref<10240x128xf32, #tpu.memory_space<vmem_shared>> -> memref<16x128xf32, #tpu.memory_space<vmem_shared>>
      tpu.wait_dma2 semaphore(%run_scoped3A : memref<!tpu.dma_semaphore, #tpu.memory_space<semaphore_mem>>) src(%arg10 : memref<16x128xf32, #tpu.memory_space<vmem>>) dst(%dma_wait3A_186 : memref<16x128xf32, #tpu.memory_space<vmem_shared>>)
      tpu.yield
    }) : () -> ()
    %mul3A_154 = arith.constant 640 : i32
    %mul3A_155 = arith.muli %arg1, %mul3A_154 : i32
    %add3A_156 = arith.constant 592 : i32
    %add3A_157 = arith.addi %mul3A_155, %add3A_156 : i32
    "tpu.region"() ({
      %run_scoped3A = tpu.sem_alloc : memref<!tpu.dma_semaphore, #tpu.memory_space<semaphore_mem>>
      %dma_start3A = arith.constant 0 : i32
      %dma_start3A_181 = tpu.memref_slice %arg11[%add3A_157, %dma_start3A] : memref<10240x128xf32, #tpu.memory_space<vmem_shared>> -> memref<16x128xf32, #tpu.memory_space<vmem_shared>>
      %dma_start3A_182 = arith.constant 0 : i32
      %dma_start3A_183 = tpu.memref_slice %arg11[%add3A_157, %dma_start3A_182] : memref<10240x128xf32, #tpu.memory_space<vmem_shared>> -> memref<16x128xf32, #tpu.memory_space<vmem_shared>>
      tpu.enqueue_dma source(%arg10 : memref<16x128xf32, #tpu.memory_space<vmem>>) target(%dma_start3A_183 : memref<16x128xf32, #tpu.memory_space<vmem_shared>>) target_semaphore(%run_scoped3A : memref<!tpu.dma_semaphore, #tpu.memory_space<semaphore_mem>>)
      %dma_wait3A = arith.constant 0 : i32
      %dma_wait3A_184 = tpu.memref_slice %arg11[%add3A_157, %dma_wait3A] : memref<10240x128xf32, #tpu.memory_space<vmem_shared>> -> memref<16x128xf32, #tpu.memory_space<vmem_shared>>
      %dma_wait3A_185 = arith.constant 0 : i32
      %dma_wait3A_186 = tpu.memref_slice %arg11[%add3A_157, %dma_wait3A_185] : memref<10240x128xf32, #tpu.memory_space<vmem_shared>> -> memref<16x128xf32, #tpu.memory_space<vmem_shared>>
      tpu.wait_dma2 semaphore(%run_scoped3A : memref<!tpu.dma_semaphore, #tpu.memory_space<semaphore_mem>>) src(%arg10 : memref<16x128xf32, #tpu.memory_space<vmem>>) dst(%dma_wait3A_186 : memref<16x128xf32, #tpu.memory_space<vmem_shared>>)
      tpu.yield
    }) : () -> ()
    %mul3A_158 = arith.constant 640 : i32
    %mul3A_159 = arith.muli %arg1, %mul3A_158 : i32
    %add3A_160 = arith.constant 608 : i32
    %add3A_161 = arith.addi %mul3A_159, %add3A_160 : i32
    "tpu.region"() ({
      %run_scoped3A = tpu.sem_alloc : memref<!tpu.dma_semaphore, #tpu.memory_space<semaphore_mem>>
      %dma_start3A = arith.constant 0 : i32
      %dma_start3A_181 = tpu.memref_slice %arg11[%add3A_161, %dma_start3A] : memref<10240x128xf32, #tpu.memory_space<vmem_shared>> -> memref<16x128xf32, #tpu.memory_space<vmem_shared>>
      %dma_start3A_182 = arith.constant 0 : i32
      %dma_start3A_183 = tpu.memref_slice %arg11[%add3A_161, %dma_start3A_182] : memref<10240x128xf32, #tpu.memory_space<vmem_shared>> -> memref<16x128xf32, #tpu.memory_space<vmem_shared>>
      tpu.enqueue_dma source(%arg10 : memref<16x128xf32, #tpu.memory_space<vmem>>) target(%dma_start3A_183 : memref<16x128xf32, #tpu.memory_space<vmem_shared>>) target_semaphore(%run_scoped3A : memref<!tpu.dma_semaphore, #tpu.memory_space<semaphore_mem>>)
      %dma_wait3A = arith.constant 0 : i32
      %dma_wait3A_184 = tpu.memref_slice %arg11[%add3A_161, %dma_wait3A] : memref<10240x128xf32, #tpu.memory_space<vmem_shared>> -> memref<16x128xf32, #tpu.memory_space<vmem_shared>>
      %dma_wait3A_185 = arith.constant 0 : i32
      %dma_wait3A_186 = tpu.memref_slice %arg11[%add3A_161, %dma_wait3A_185] : memref<10240x128xf32, #tpu.memory_space<vmem_shared>> -> memref<16x128xf32, #tpu.memory_space<vmem_shared>>
      tpu.wait_dma2 semaphore(%run_scoped3A : memref<!tpu.dma_semaphore, #tpu.memory_space<semaphore_mem>>) src(%arg10 : memref<16x128xf32, #tpu.memory_space<vmem>>) dst(%dma_wait3A_186 : memref<16x128xf32, #tpu.memory_space<vmem_shared>>)
      tpu.yield
    }) : () -> ()
    %mul3A_162 = arith.constant 640 : i32
    %mul3A_163 = arith.muli %arg1, %mul3A_162 : i32
    %add3A_164 = arith.constant 624 : i32
    %add3A_165 = arith.addi %mul3A_163, %add3A_164 : i32
    "tpu.region"() ({
      %run_scoped3A = tpu.sem_alloc : memref<!tpu.dma_semaphore, #tpu.memory_space<semaphore_mem>>
      %dma_start3A = arith.constant 0 : i32
      %dma_start3A_181 = tpu.memref_slice %arg11[%add3A_165, %dma_start3A] : memref<10240x128xf32, #tpu.memory_space<vmem_shared>> -> memref<16x128xf32, #tpu.memory_space<vmem_shared>>
      %dma_start3A_182 = arith.constant 0 : i32
      %dma_start3A_183 = tpu.memref_slice %arg11[%add3A_165, %dma_start3A_182] : memref<10240x128xf32, #tpu.memory_space<vmem_shared>> -> memref<16x128xf32, #tpu.memory_space<vmem_shared>>
      tpu.enqueue_dma source(%arg10 : memref<16x128xf32, #tpu.memory_space<vmem>>) target(%dma_start3A_183 : memref<16x128xf32, #tpu.memory_space<vmem_shared>>) target_semaphore(%run_scoped3A : memref<!tpu.dma_semaphore, #tpu.memory_space<semaphore_mem>>)
      %dma_wait3A = arith.constant 0 : i32
      %dma_wait3A_184 = tpu.memref_slice %arg11[%add3A_165, %dma_wait3A] : memref<10240x128xf32, #tpu.memory_space<vmem_shared>> -> memref<16x128xf32, #tpu.memory_space<vmem_shared>>
      %dma_wait3A_185 = arith.constant 0 : i32
      %dma_wait3A_186 = tpu.memref_slice %arg11[%add3A_165, %dma_wait3A_185] : memref<10240x128xf32, #tpu.memory_space<vmem_shared>> -> memref<16x128xf32, #tpu.memory_space<vmem_shared>>
      tpu.wait_dma2 semaphore(%run_scoped3A : memref<!tpu.dma_semaphore, #tpu.memory_space<semaphore_mem>>) src(%arg10 : memref<16x128xf32, #tpu.memory_space<vmem>>) dst(%dma_wait3A_186 : memref<16x128xf32, #tpu.memory_space<vmem_shared>>)
      tpu.yield
    }) : () -> ()
    %barrier3A = arith.constant 0 : index
    tpu.barrier barrier_id(%barrier3A)
    %mul3A_166 = arith.constant 10112 : i32
    %mul3A_167 = arith.muli %add3A, %mul3A_166 : i32
    %scan3A_168 = arith.constant 0 : i32
    %scan3A_169 = arith.constant 79 : i32
    %scan3A_170 = arith.addi %scan3A_168, %scan3A_169 : i32
    %scan3A_171 = arith.constant 1 : i32
    scf.for %scan3A_181 = %scan3A_168 to %scan3A_170 step %scan3A_171  : i32 {
      %mul3A_182 = arith.constant 128 : i32
      %mul3A_183 = arith.muli %scan3A_181, %mul3A_182 : i32
      %add3A_184 = arith.addi %mul3A_167, %mul3A_183 : i32
      "tpu.region"() ({
        %run_scoped3A = tpu.sem_alloc : memref<!tpu.dma_semaphore, #tpu.memory_space<semaphore_mem>>
        %dma_start3A_192 = tpu.memref_slice %arg3[%add3A_184] : memref<323584xi32, #tpu.memory_space<hbm>> -> memref<128xi32, #tpu.memory_space<hbm>>
        %dma_start3A_193 = tpu.memref_slice %arg3[%add3A_184] : memref<323584xi32, #tpu.memory_space<hbm>> -> memref<128xi32, #tpu.memory_space<hbm>>
        tpu.enqueue_dma source(%dma_start3A_193 : memref<128xi32, #tpu.memory_space<hbm>>) target(%arg7 : memref<128xi32, #tpu.memory_space<vmem>>) target_semaphore(%run_scoped3A : memref<!tpu.dma_semaphore, #tpu.memory_space<semaphore_mem>>)
        %dma_wait3A_194 = tpu.memref_slice %arg3[%add3A_184] : memref<323584xi32, #tpu.memory_space<hbm>> -> memref<128xi32, #tpu.memory_space<hbm>>
        %dma_wait3A_195 = tpu.memref_slice %arg3[%add3A_184] : memref<323584xi32, #tpu.memory_space<hbm>> -> memref<128xi32, #tpu.memory_space<hbm>>
        tpu.wait_dma2 semaphore(%run_scoped3A : memref<!tpu.dma_semaphore, #tpu.memory_space<semaphore_mem>>) src(%dma_wait3A_195 : memref<128xi32, #tpu.memory_space<hbm>>) dst(%arg7 : memref<128xi32, #tpu.memory_space<vmem>>)
        tpu.yield
      }) : () -> ()
      %mul3A_185 = arith.constant 128 : i32
      %mul3A_186 = arith.muli %scan3A_181, %mul3A_185 : i32
      %add3A_187 = arith.addi %mul3A_167, %mul3A_186 : i32
      "tpu.region"() ({
        %run_scoped3A = tpu.sem_alloc : memref<!tpu.dma_semaphore, #tpu.memory_space<semaphore_mem>>
        %dma_start3A_192 = tpu.memref_slice %arg4[%add3A_187] : memref<323584xi32, #tpu.memory_space<hbm>> -> memref<128xi32, #tpu.memory_space<hbm>>
        %dma_start3A_193 = tpu.memref_slice %arg4[%add3A_187] : memref<323584xi32, #tpu.memory_space<hbm>> -> memref<128xi32, #tpu.memory_space<hbm>>
        tpu.enqueue_dma source(%dma_start3A_193 : memref<128xi32, #tpu.memory_space<hbm>>) target(%arg8 : memref<128xi32, #tpu.memory_space<vmem>>) target_semaphore(%run_scoped3A : memref<!tpu.dma_semaphore, #tpu.memory_space<semaphore_mem>>)
        %dma_wait3A_194 = tpu.memref_slice %arg4[%add3A_187] : memref<323584xi32, #tpu.memory_space<hbm>> -> memref<128xi32, #tpu.memory_space<hbm>>
        %dma_wait3A_195 = tpu.memref_slice %arg4[%add3A_187] : memref<323584xi32, #tpu.memory_space<hbm>> -> memref<128xi32, #tpu.memory_space<hbm>>
        tpu.wait_dma2 semaphore(%run_scoped3A : memref<!tpu.dma_semaphore, #tpu.memory_space<semaphore_mem>>) src(%dma_wait3A_195 : memref<128xi32, #tpu.memory_space<hbm>>) dst(%arg8 : memref<128xi32, #tpu.memory_space<vmem>>)
        tpu.yield
      }) : () -> ()
      %dma_start3A = arith.constant 0 : i32
      %dma_start3A_188 = arith.constant 0 : i32
      %dma_start3A_189 = tpu.memref_slice %arg2[%dma_start3A, %dma_start3A_188] : memref<10000x128xf32, #tpu.memory_space<hbm>> -> memref<10000x128xf32, #tpu.memory_space<hbm>>
      tpu.enqueue_indirect_dma source(%dma_start3A_189 : memref<10000x128xf32, #tpu.memory_space<hbm>>) target(%arg9 : memref<128x128xf32, #tpu.memory_space<vmem>>) offsets(%arg7 : memref<128xi32, #tpu.memory_space<vmem>>) semaphore(%arg12 : memref<!tpu.dma_semaphore, #tpu.memory_space<semaphore_mem>>)
      %dma_wait3A = arith.constant 0 : i32
      %dma_wait3A_190 = arith.constant 0 : i32
      %dma_wait3A_191 = tpu.memref_slice %arg2[%dma_wait3A, %dma_wait3A_190] : memref<10000x128xf32, #tpu.memory_space<hbm>> -> memref<10000x128xf32, #tpu.memory_space<hbm>>
      tpu.wait_indirect_dma semaphore(%arg12 : memref<!tpu.dma_semaphore, #tpu.memory_space<semaphore_mem>>) src(%dma_wait3A_191 : memref<10000x128xf32, #tpu.memory_space<hbm>>) dst(%arg9 : memref<128x128xf32, #tpu.memory_space<vmem>>)
      "tpu.region"() ({
        %run_scoped3A = tpu.sem_alloc : memref<!tpu.dma_semaphore, #tpu.memory_space<semaphore_mem>>
        %dma_start3A_192 = arith.constant 0 : i32
        %dma_start3A_193 = arith.constant 0 : i32
        %dma_start3A_194 = tpu.memref_slice %arg11[%dma_start3A_192, %dma_start3A_193] : memref<10240x128xf32, #tpu.memory_space<vmem_shared>> -> memref<10240x128xf32, #tpu.memory_space<vmem_shared>>
        tpu.enqueue_indirect_dma source(%arg9 : memref<128x128xf32, #tpu.memory_space<vmem>>) target(%dma_start3A_194 : memref<10240x128xf32, #tpu.memory_space<vmem_shared>>) offsets(%arg8 : memref<128xi32, #tpu.memory_space<vmem>>) semaphore(%run_scoped3A : memref<!tpu.dma_semaphore, #tpu.memory_space<semaphore_mem>>) {add = true}
        %dma_wait3A_195 = arith.constant 0 : i32
        %dma_wait3A_196 = arith.constant 0 : i32
        %dma_wait3A_197 = tpu.memref_slice %arg11[%dma_wait3A_195, %dma_wait3A_196] : memref<10240x128xf32, #tpu.memory_space<vmem_shared>> -> memref<10240x128xf32, #tpu.memory_space<vmem_shared>>
        tpu.wait_indirect_dma semaphore(%run_scoped3A : memref<!tpu.dma_semaphore, #tpu.memory_space<semaphore_mem>>) src(%arg9 : memref<128x128xf32, #tpu.memory_space<vmem>>) dst(%dma_wait3A_197 : memref<10240x128xf32, #tpu.memory_space<vmem_shared>>)
        tpu.yield
      }) : () -> ()
    }
    %scan3A_172 = arith.constant 79 : i32
    %barrier3A_173 = arith.constant 0 : index
    tpu.barrier barrier_id(%barrier3A_173)
    %eq3A = arith.constant 0 : i32
    %eq3A_174 = arith.cmpi eq, %arg0, %eq3A : i32
    %convert_element_type3A = arith.extui %eq3A_174 : i1 to i32
    %cond3A = arith.constant 0 : i32
    %cond3A_175 = arith.cmpi ne, %convert_element_type3A, %cond3A : i32
    scf.if %cond3A_175 {
      %ne3A = arith.constant 15 : i32
      %ne3A_181 = arith.cmpi ne, %arg1, %ne3A : i32
      %convert_element_type3A_182 = arith.extui %ne3A_181 : i1 to i32
      %cond3A_183 = arith.constant 0 : i32
      %cond3A_184 = arith.cmpi ne, %convert_element_type3A_182, %cond3A_183 : i32
      scf.if %cond3A_184 {
        %mul3A_190 = arith.constant 632 : i32
        %mul3A_191 = arith.muli %arg1, %mul3A_190 : i32
        %mul3A_192 = arith.constant 632 : i32
        %mul3A_193 = arith.muli %arg1, %mul3A_192 : i32
        "tpu.region"() ({
          %run_scoped3A = tpu.sem_alloc : memref<!tpu.dma_semaphore, #tpu.memory_space<semaphore_mem>>
          %dma_start3A = arith.constant 0 : i32
          %dma_start3A_194 = tpu.memref_slice %arg5[%mul3A_193, %dma_start3A] : memref<10000x128xf32, #tpu.memory_space<hbm>> -> memref<632x128xf32, #tpu.memory_space<hbm>>
          %dma_start3A_195 = arith.constant 0 : i32
          %dma_start3A_196 = tpu.memref_slice %arg11[%mul3A_191, %dma_start3A_195] : memref<10240x128xf32, #tpu.memory_space<vmem_shared>> -> memref<632x128xf32, #tpu.memory_space<vmem_shared>>
          tpu.enqueue_dma source(%dma_start3A_196 : memref<632x128xf32, #tpu.memory_space<vmem_shared>>) target(%dma_start3A_194 : memref<632x128xf32, #tpu.memory_space<hbm>>) target_semaphore(%run_scoped3A : memref<!tpu.dma_semaphore, #tpu.memory_space<semaphore_mem>>)
          %dma_wait3A = arith.constant 0 : i32
          %dma_wait3A_197 = tpu.memref_slice %arg5[%mul3A_193, %dma_wait3A] : memref<10000x128xf32, #tpu.memory_space<hbm>> -> memref<632x128xf32, #tpu.memory_space<hbm>>
          %dma_wait3A_198 = arith.constant 0 : i32
          %dma_wait3A_199 = tpu.memref_slice %arg11[%mul3A_191, %dma_wait3A_198] : memref<10240x128xf32, #tpu.memory_space<vmem_shared>> -> memref<632x128xf32, #tpu.memory_space<vmem_shared>>
          tpu.wait_dma2 semaphore(%run_scoped3A : memref<!tpu.dma_semaphore, #tpu.memory_space<semaphore_mem>>) src(%dma_wait3A_199 : memref<632x128xf32, #tpu.memory_space<vmem_shared>>) dst(%dma_wait3A_197 : memref<632x128xf32, #tpu.memory_space<hbm>>)
          tpu.yield
        }) : () -> ()
      } else {
      }
      %eq3A_185 = arith.constant 15 : i32
      %eq3A_186 = arith.cmpi eq, %arg1, %eq3A_185 : i32
      %convert_element_type3A_187 = arith.extui %eq3A_186 : i1 to i32
      %cond3A_188 = arith.constant 0 : i32
      %cond3A_189 = arith.cmpi ne, %convert_element_type3A_187, %cond3A_188 : i32
      scf.if %cond3A_189 {
        "tpu.region"() ({
          %run_scoped3A = tpu.sem_alloc : memref<!tpu.dma_semaphore, #tpu.memory_space<semaphore_mem>>
          %dma_start3A = arith.constant 9480 : i32
          %dma_start3A_190 = arith.constant 0 : i32
          %dma_start3A_191 = tpu.memref_slice %arg5[%dma_start3A, %dma_start3A_190] : memref<10000x128xf32, #tpu.memory_space<hbm>> -> memref<520x128xf32, #tpu.memory_space<hbm>>
          %dma_start3A_192 = arith.constant 9480 : i32
          %dma_start3A_193 = arith.constant 0 : i32
          %dma_start3A_194 = tpu.memref_slice %arg11[%dma_start3A_192, %dma_start3A_193] : memref<10240x128xf32, #tpu.memory_space<vmem_shared>> -> memref<520x128xf32, #tpu.memory_space<vmem_shared>>
          tpu.enqueue_dma source(%dma_start3A_194 : memref<520x128xf32, #tpu.memory_space<vmem_shared>>) target(%dma_start3A_191 : memref<520x128xf32, #tpu.memory_space<hbm>>) target_semaphore(%run_scoped3A : memref<!tpu.dma_semaphore, #tpu.memory_space<semaphore_mem>>)
          %dma_wait3A = arith.constant 9480 : i32
          %dma_wait3A_195 = arith.constant 0 : i32
          %dma_wait3A_196 = tpu.memref_slice %arg5[%dma_wait3A, %dma_wait3A_195] : memref<10000x128xf32, #tpu.memory_space<hbm>> -> memref<520x128xf32, #tpu.memory_space<hbm>>
          %dma_wait3A_197 = arith.constant 9480 : i32
          %dma_wait3A_198 = arith.constant 0 : i32
          %dma_wait3A_199 = tpu.memref_slice %arg11[%dma_wait3A_197, %dma_wait3A_198] : memref<10240x128xf32, #tpu.memory_space<vmem_shared>> -> memref<520x128xf32, #tpu.memory_space<vmem_shared>>
          tpu.wait_dma2 semaphore(%run_scoped3A : memref<!tpu.dma_semaphore, #tpu.memory_space<semaphore_mem>>) src(%dma_wait3A_199 : memref<520x128xf32, #tpu.memory_space<vmem_shared>>) dst(%dma_wait3A_196 : memref<520x128xf32, #tpu.memory_space<hbm>>)
          tpu.yield
        }) : () -> ()
      } else {
      }
    } else {
    }
    %eq3A_176 = arith.constant 1 : i32
    %eq3A_177 = arith.cmpi eq, %arg0, %eq3A_176 : i32
    %convert_element_type3A_178 = arith.extui %eq3A_177 : i1 to i32
    %cond3A_179 = arith.constant 0 : i32
    %cond3A_180 = arith.cmpi ne, %convert_element_type3A_178, %cond3A_179 : i32
    scf.if %cond3A_180 {
      %ne3A = arith.constant 15 : i32
      %ne3A_181 = arith.cmpi ne, %arg1, %ne3A : i32
      %convert_element_type3A_182 = arith.extui %ne3A_181 : i1 to i32
      %cond3A_183 = arith.constant 0 : i32
      %cond3A_184 = arith.cmpi ne, %convert_element_type3A_182, %cond3A_183 : i32
      scf.if %cond3A_184 {
        %mul3A_190 = arith.constant 632 : i32
        %mul3A_191 = arith.muli %arg1, %mul3A_190 : i32
        %mul3A_192 = arith.constant 632 : i32
        %mul3A_193 = arith.muli %arg1, %mul3A_192 : i32
        "tpu.region"() ({
          %run_scoped3A = tpu.sem_alloc : memref<!tpu.dma_semaphore, #tpu.memory_space<semaphore_mem>>
          %dma_start3A = arith.constant 0 : i32
          %dma_start3A_194 = tpu.memref_slice %arg6[%mul3A_193, %dma_start3A] : memref<10000x128xf32, #tpu.memory_space<hbm>> -> memref<632x128xf32, #tpu.memory_space<hbm>>
          %dma_start3A_195 = arith.constant 0 : i32
          %dma_start3A_196 = tpu.memref_slice %arg11[%mul3A_191, %dma_start3A_195] : memref<10240x128xf32, #tpu.memory_space<vmem_shared>> -> memref<632x128xf32, #tpu.memory_space<vmem_shared>>
          tpu.enqueue_dma source(%dma_start3A_196 : memref<632x128xf32, #tpu.memory_space<vmem_shared>>) target(%dma_start3A_194 : memref<632x128xf32, #tpu.memory_space<hbm>>) target_semaphore(%run_scoped3A : memref<!tpu.dma_semaphore, #tpu.memory_space<semaphore_mem>>)
          %dma_wait3A = arith.constant 0 : i32
          %dma_wait3A_197 = tpu.memref_slice %arg6[%mul3A_193, %dma_wait3A] : memref<10000x128xf32, #tpu.memory_space<hbm>> -> memref<632x128xf32, #tpu.memory_space<hbm>>
          %dma_wait3A_198 = arith.constant 0 : i32
          %dma_wait3A_199 = tpu.memref_slice %arg11[%mul3A_191, %dma_wait3A_198] : memref<10240x128xf32, #tpu.memory_space<vmem_shared>> -> memref<632x128xf32, #tpu.memory_space<vmem_shared>>
          tpu.wait_dma2 semaphore(%run_scoped3A : memref<!tpu.dma_semaphore, #tpu.memory_space<semaphore_mem>>) src(%dma_wait3A_199 : memref<632x128xf32, #tpu.memory_space<vmem_shared>>) dst(%dma_wait3A_197 : memref<632x128xf32, #tpu.memory_space<hbm>>)
          tpu.yield
        }) : () -> ()
      } else {
      }
      %eq3A_185 = arith.constant 15 : i32
      %eq3A_186 = arith.cmpi eq, %arg1, %eq3A_185 : i32
      %convert_element_type3A_187 = arith.extui %eq3A_186 : i1 to i32
      %cond3A_188 = arith.constant 0 : i32
      %cond3A_189 = arith.cmpi ne, %convert_element_type3A_187, %cond3A_188 : i32
      scf.if %cond3A_189 {
        "tpu.region"() ({
          %run_scoped3A = tpu.sem_alloc : memref<!tpu.dma_semaphore, #tpu.memory_space<semaphore_mem>>
          %dma_start3A = arith.constant 9480 : i32
          %dma_start3A_190 = arith.constant 0 : i32
          %dma_start3A_191 = tpu.memref_slice %arg6[%dma_start3A, %dma_start3A_190] : memref<10000x128xf32, #tpu.memory_space<hbm>> -> memref<520x128xf32, #tpu.memory_space<hbm>>
          %dma_start3A_192 = arith.constant 9480 : i32
          %dma_start3A_193 = arith.constant 0 : i32
          %dma_start3A_194 = tpu.memref_slice %arg11[%dma_start3A_192, %dma_start3A_193] : memref<10240x128xf32, #tpu.memory_space<vmem_shared>> -> memref<520x128xf32, #tpu.memory_space<vmem_shared>>
          tpu.enqueue_dma source(%dma_start3A_194 : memref<520x128xf32, #tpu.memory_space<vmem_shared>>) target(%dma_start3A_191 : memref<520x128xf32, #tpu.memory_space<hbm>>) target_semaphore(%run_scoped3A : memref<!tpu.dma_semaphore, #tpu.memory_space<semaphore_mem>>)
          %dma_wait3A = arith.constant 9480 : i32
          %dma_wait3A_195 = arith.constant 0 : i32
          %dma_wait3A_196 = tpu.memref_slice %arg6[%dma_wait3A, %dma_wait3A_195] : memref<10000x128xf32, #tpu.memory_space<hbm>> -> memref<520x128xf32, #tpu.memory_space<hbm>>
          %dma_wait3A_197 = arith.constant 9480 : i32
          %dma_wait3A_198 = arith.constant 0 : i32
          %dma_wait3A_199 = tpu.memref_slice %arg11[%dma_wait3A_197, %dma_wait3A_198] : memref<10240x128xf32, #tpu.memory_space<vmem_shared>> -> memref<520x128xf32, #tpu.memory_space<vmem_shared>>
          tpu.wait_dma2 semaphore(%run_scoped3A : memref<!tpu.dma_semaphore, #tpu.memory_space<semaphore_mem>>) src(%dma_wait3A_199 : memref<520x128xf32, #tpu.memory_space<vmem_shared>>) dst(%dma_wait3A_196 : memref<520x128xf32, #tpu.memory_space<hbm>>)
          tpu.yield
        }) : () -> ()
      } else {
      }
    } else {
    }
    return
  }
}

#map = affine_map<(d0, d1) -> (0, 0)>
#map1 = affine_map<(d0, d1) -> (0)>
module attributes {stable_mosaic.version = 14 : i64} {
  func.func @agg(%arg0: i32, %arg1: i32, %arg2: memref<10000x128xf32, #tpu.memory_space<hbm>>, %arg3: memref<323584xi32, #tpu.memory_space<hbm>>, %arg4: memref<323584xi32, #tpu.memory_space<hbm>>, %arg5: memref<10000x128xf32, #tpu.memory_space<hbm>>, %arg6: memref<10000x128xf32, #tpu.memory_space<hbm>>, %arg7: memref<128xi32, #tpu.memory_space<vmem>>, %arg8: memref<128xi32, #tpu.memory_space<vmem>>, %arg9: memref<128x128xf32, #tpu.memory_space<vmem>>, %arg10: memref<16x128xf32, #tpu.memory_space<vmem>>, %arg11: memref<10240x128xf32, #tpu.memory_space<vmem_shared>>, %arg12: memref<!tpu.dma_semaphore, #tpu.memory_space<semaphore_mem>>) attributes {dimension_semantics = [#tpu.dimension_semantics<core_parallel>, #tpu.dimension_semantics<subcore_parallel>], iteration_bounds = array<i64: 2, 16>, scalar_prefetch = 0 : i64, scratch_operands = 6 : i64, tpu.core_type = #tpu.core_type<sc_vector_subcore>, window_params = [{transform_indices = #map}, {transform_indices = #map1}, {transform_indices = #map1}, {transform_indices = #map}, {transform_indices = #map}]} {
    %mul3A = arith.constant 16 : i32
    %mul3A_0 = arith.muli %arg0, %mul3A : i32
    %add3A = arith.addi %mul3A_0, %arg1 : i32
    %broadcast_in_dim3A = arith.constant 0.000000e+00 : f32
    %broadcast_in_dim3A_1 = vector.broadcast %broadcast_in_dim3A : f32 to vector<16xf32>
    %scan3A = arith.constant 0 : i32
    %scan3A_2 = arith.constant 128 : i32
    %scan3A_3 = arith.addi %scan3A, %scan3A_2 : i32
    %scan3A_4 = arith.constant 1 : i32
    scf.for %scan3A_181 = %scan3A to %scan3A_3 step %scan3A_4  : i32 {
      %jit3A = arith.constant 8 : i32
      %div3A = arith.divsi %scan3A_181, %jit3A : i32
      %sign3A = arith.constant 0 : i32
      %sign3A_182 = arith.cmpi sgt, %scan3A_181, %sign3A : i32
      %sign3A_183 = arith.extui %sign3A_182 : i1 to i32
      %sign3A_184 = arith.constant 0 : i32
      %sign3A_185 = arith.cmpi slt, %scan3A_181, %sign3A_184 : i32
      %sign3A_186 = arith.extui %sign3A_185 : i1 to i32
      %sign3A_187 = arith.subi %sign3A_183, %sign3A_186 : i32
      %sign3A_188 = arith.constant 0 : i32
      %sign3A_189 = arith.cmpi sgt, %jit3A, %sign3A_188 : i32
      %sign3A_190 = arith.extui %sign3A_189 : i1 to i32
      %sign3A_191 = arith.constant 0 : i32
      %sign3A_192 = arith.cmpi slt, %jit3A, %sign3A_191 : i32
      %sign3A_193 = arith.extui %sign3A_192 : i1 to i32
      %sign3A_194 = arith.subi %sign3A_190, %sign3A_193 : i32
      %ne3A = arith.cmpi ne, %sign3A_187, %sign3A_194 : i32
      %rem3A = arith.remsi %scan3A_181, %jit3A : i32
      %ne3A_195 = arith.constant 0 : i32
      %ne3A_196 = arith.cmpi ne, %rem3A, %ne3A_195 : i32
      %and3A = arith.andi %ne3A, %ne3A_196 : i1
      %sub3A = arith.constant 1 : i32
      %sub3A_197 = arith.subi %div3A, %sub3A : i32
      %select_n3A = arith.select %and3A, %sub3A_197, %div3A : i32
      %jit3A_198 = arith.constant 8 : i32
      %eq3A_199 = arith.constant 0 : i32
      %eq3A_200 = arith.cmpi eq, %jit3A_198, %eq3A_199 : i32
      %jit3A_201 = arith.constant 1 : i32
      %select_n3A_202 = arith.select %eq3A_200, %jit3A_201, %jit3A_198 : i32
      %rem3A_203 = arith.remsi %scan3A_181, %select_n3A_202 : i32
      %ne3A_204 = arith.constant 0 : i32
      %ne3A_205 = arith.cmpi ne, %rem3A_203, %ne3A_204 : i32
      %lt3A = arith.constant 0 : i32
      %lt3A_206 = arith.cmpi slt, %rem3A_203, %lt3A : i32
      %lt3A_207 = arith.constant 0 : i32
      %lt3A_208 = arith.cmpi slt, %select_n3A_202, %lt3A_207 : i32
      %ne3A_209 = arith.xori %lt3A_206, %lt3A_208 : i1
      %and3A_210 = arith.andi %ne3A_209, %ne3A_205 : i1
      %add3A_211 = arith.addi %rem3A_203, %select_n3A_202 : i32
      %select_n3A_212 = arith.select %and3A_210, %add3A_211, %rem3A_203 : i32
      %mul3A_213 = arith.constant 16 : i32
      %mul3A_214 = arith.muli %select_n3A_212, %mul3A_213 : i32
      %swap3A = arith.index_cast %select_n3A : i32 to index
      %swap3A_215 = arith.index_cast %mul3A_214 : i32 to index
      %swap3A_216 = tpu.vector_load %arg10[%swap3A, %swap3A_215] {strides = array<i32>} : memref<16x128xf32, #tpu.memory_space<vmem>>, vector<1x16xf32>,
      %swap3A_217 = vector.shape_cast %swap3A_216 : vector<1x16xf32> to vector<16xf32>
      %swap3A_218 = vector.shape_cast %broadcast_in_dim3A_1 : vector<16xf32> to vector<1x16xf32>
      tpu.vector_store %arg10[%swap3A, %swap3A_215], %swap3A_218 {strides = array<i32>} : memref<16x128xf32, #tpu.memory_space<vmem>>, vector<1x16xf32>,
    }
    %scan3A_5 = arith.constant 128 : i32
    %mul3A_6 = arith.constant 640 : i32
    %mul3A_7 = arith.muli %arg1, %mul3A_6 : i32
    %add3A_8 = arith.constant 0 : i32
    %add3A_9 = arith.addi %mul3A_7, %add3A_8 : i32
    "tpu.region"() ({
      %run_scoped3A = tpu.sem_alloc : memref<!tpu.dma_semaphore, #tpu.memory_space<semaphore_mem>>
      %dma_start3A = arith.constant 0 : i32
      %dma_start3A_181 = tpu.memref_slice %arg11[%add3A_9, %dma_start3A] : memref<10240x128xf32, #tpu.memory_space<vmem_shared>> -> memref<16x128xf32, #tpu.memory_space<vmem_shared>>
      %dma_start3A_182 = arith.constant 0 : i32
      %dma_start3A_183 = tpu.memref_slice %arg11[%add3A_9, %dma_start3A_182] : memref<10240x128xf32, #tpu.memory_space<vmem_shared>> -> memref<16x128xf32, #tpu.memory_space<vmem_shared>>
      tpu.enqueue_dma source(%arg10 : memref<16x128xf32, #tpu.memory_space<vmem>>) target(%dma_start3A_183 : memref<16x128xf32, #tpu.memory_space<vmem_shared>>) target_semaphore(%run_scoped3A : memref<!tpu.dma_semaphore, #tpu.memory_space<semaphore_mem>>)
      %dma_wait3A = arith.constant 0 : i32
      %dma_wait3A_184 = tpu.memref_slice %arg11[%add3A_9, %dma_wait3A] : memref<10240x128xf32, #tpu.memory_space<vmem_shared>> -> memref<16x128xf32, #tpu.memory_space<vmem_shared>>
      %dma_wait3A_185 = arith.constant 0 : i32
      %dma_wait3A_186 = tpu.memref_slice %arg11[%add3A_9, %dma_wait3A_185] : memref<10240x128xf32, #tpu.memory_space<vmem_shared>> -> memref<16x128xf32, #tpu.memory_space<vmem_shared>>
      tpu.wait_dma2 semaphore(%run_scoped3A : memref<!tpu.dma_semaphore, #tpu.memory_space<semaphore_mem>>) src(%arg10 : memref<16x128xf32, #tpu.memory_space<vmem>>) dst(%dma_wait3A_186 : memref<16x128xf32, #tpu.memory_space<vmem_shared>>)
      tpu.yield
    }) : () -> ()
    %mul3A_10 = arith.constant 640 : i32
    %mul3A_11 = arith.muli %arg1, %mul3A_10 : i32
    %add3A_12 = arith.constant 16 : i32
    %add3A_13 = arith.addi %mul3A_11, %add3A_12 : i32
    "tpu.region"() ({
      %run_scoped3A = tpu.sem_alloc : memref<!tpu.dma_semaphore, #tpu.memory_space<semaphore_mem>>
      %dma_start3A = arith.constant 0 : i32
      %dma_start3A_181 = tpu.memref_slice %arg11[%add3A_13, %dma_start3A] : memref<10240x128xf32, #tpu.memory_space<vmem_shared>> -> memref<16x128xf32, #tpu.memory_space<vmem_shared>>
      %dma_start3A_182 = arith.constant 0 : i32
      %dma_start3A_183 = tpu.memref_slice %arg11[%add3A_13, %dma_start3A_182] : memref<10240x128xf32, #tpu.memory_space<vmem_shared>> -> memref<16x128xf32, #tpu.memory_space<vmem_shared>>
      tpu.enqueue_dma source(%arg10 : memref<16x128xf32, #tpu.memory_space<vmem>>) target(%dma_start3A_183 : memref<16x128xf32, #tpu.memory_space<vmem_shared>>) target_semaphore(%run_scoped3A : memref<!tpu.dma_semaphore, #tpu.memory_space<semaphore_mem>>)
      %dma_wait3A = arith.constant 0 : i32
      %dma_wait3A_184 = tpu.memref_slice %arg11[%add3A_13, %dma_wait3A] : memref<10240x128xf32, #tpu.memory_space<vmem_shared>> -> memref<16x128xf32, #tpu.memory_space<vmem_shared>>
      %dma_wait3A_185 = arith.constant 0 : i32
      %dma_wait3A_186 = tpu.memref_slice %arg11[%add3A_13, %dma_wait3A_185] : memref<10240x128xf32, #tpu.memory_space<vmem_shared>> -> memref<16x128xf32, #tpu.memory_space<vmem_shared>>
      tpu.wait_dma2 semaphore(%run_scoped3A : memref<!tpu.dma_semaphore, #tpu.memory_space<semaphore_mem>>) src(%arg10 : memref<16x128xf32, #tpu.memory_space<vmem>>) dst(%dma_wait3A_186 : memref<16x128xf32, #tpu.memory_space<vmem_shared>>)
      tpu.yield
    }) : () -> ()
    %mul3A_14 = arith.constant 640 : i32
    %mul3A_15 = arith.muli %arg1, %mul3A_14 : i32
    %add3A_16 = arith.constant 32 : i32
    %add3A_17 = arith.addi %mul3A_15, %add3A_16 : i32
    "tpu.region"() ({
      %run_scoped3A = tpu.sem_alloc : memref<!tpu.dma_semaphore, #tpu.memory_space<semaphore_mem>>
      %dma_start3A = arith.constant 0 : i32
      %dma_start3A_181 = tpu.memref_slice %arg11[%add3A_17, %dma_start3A] : memref<10240x128xf32, #tpu.memory_space<vmem_shared>> -> memref<16x128xf32, #tpu.memory_space<vmem_shared>>
      %dma_start3A_182 = arith.constant 0 : i32
      %dma_start3A_183 = tpu.memref_slice %arg11[%add3A_17, %dma_start3A_182] : memref<10240x128xf32, #tpu.memory_space<vmem_shared>> -> memref<16x128xf32, #tpu.memory_space<vmem_shared>>
      tpu.enqueue_dma source(%arg10 : memref<16x128xf32, #tpu.memory_space<vmem>>) target(%dma_start3A_183 : memref<16x128xf32, #tpu.memory_space<vmem_shared>>) target_semaphore(%run_scoped3A : memref<!tpu.dma_semaphore, #tpu.memory_space<semaphore_mem>>)
      %dma_wait3A = arith.constant 0 : i32
      %dma_wait3A_184 = tpu.memref_slice %arg11[%add3A_17, %dma_wait3A] : memref<10240x128xf32, #tpu.memory_space<vmem_shared>> -> memref<16x128xf32, #tpu.memory_space<vmem_shared>>
      %dma_wait3A_185 = arith.constant 0 : i32
      %dma_wait3A_186 = tpu.memref_slice %arg11[%add3A_17, %dma_wait3A_185] : memref<10240x128xf32, #tpu.memory_space<vmem_shared>> -> memref<16x128xf32, #tpu.memory_space<vmem_shared>>
      tpu.wait_dma2 semaphore(%run_scoped3A : memref<!tpu.dma_semaphore, #tpu.memory_space<semaphore_mem>>) src(%arg10 : memref<16x128xf32, #tpu.memory_space<vmem>>) dst(%dma_wait3A_186 : memref<16x128xf32, #tpu.memory_space<vmem_shared>>)
      tpu.yield
    }) : () -> ()
    %mul3A_18 = arith.constant 640 : i32
    %mul3A_19 = arith.muli %arg1, %mul3A_18 : i32
    %add3A_20 = arith.constant 48 : i32
    %add3A_21 = arith.addi %mul3A_19, %add3A_20 : i32
    "tpu.region"() ({
      %run_scoped3A = tpu.sem_alloc : memref<!tpu.dma_semaphore, #tpu.memory_space<semaphore_mem>>
      %dma_start3A = arith.constant 0 : i32
      %dma_start3A_181 = tpu.memref_slice %arg11[%add3A_21, %dma_start3A] : memref<10240x128xf32, #tpu.memory_space<vmem_shared>> -> memref<16x128xf32, #tpu.memory_space<vmem_shared>>
      %dma_start3A_182 = arith.constant 0 : i32
      %dma_start3A_183 = tpu.memref_slice %arg11[%add3A_21, %dma_start3A_182] : memref<10240x128xf32, #tpu.memory_space<vmem_shared>> -> memref<16x128xf32, #tpu.memory_space<vmem_shared>>
      tpu.enqueue_dma source(%arg10 : memref<16x128xf32, #tpu.memory_space<vmem>>) target(%dma_start3A_183 : memref<16x128xf32, #tpu.memory_space<vmem_shared>>) target_semaphore(%run_scoped3A : memref<!tpu.dma_semaphore, #tpu.memory_space<semaphore_mem>>)
      %dma_wait3A = arith.constant 0 : i32
      %dma_wait3A_184 = tpu.memref_slice %arg11[%add3A_21, %dma_wait3A] : memref<10240x128xf32, #tpu.memory_space<vmem_shared>> -> memref<16x128xf32, #tpu.memory_space<vmem_shared>>
      %dma_wait3A_185 = arith.constant 0 : i32
      %dma_wait3A_186 = tpu.memref_slice %arg11[%add3A_21, %dma_wait3A_185] : memref<10240x128xf32, #tpu.memory_space<vmem_shared>> -> memref<16x128xf32, #tpu.memory_space<vmem_shared>>
      tpu.wait_dma2 semaphore(%run_scoped3A : memref<!tpu.dma_semaphore, #tpu.memory_space<semaphore_mem>>) src(%arg10 : memref<16x128xf32, #tpu.memory_space<vmem>>) dst(%dma_wait3A_186 : memref<16x128xf32, #tpu.memory_space<vmem_shared>>)
      tpu.yield
    }) : () -> ()
    %mul3A_22 = arith.constant 640 : i32
    %mul3A_23 = arith.muli %arg1, %mul3A_22 : i32
    %add3A_24 = arith.constant 64 : i32
    %add3A_25 = arith.addi %mul3A_23, %add3A_24 : i32
    "tpu.region"() ({
      %run_scoped3A = tpu.sem_alloc : memref<!tpu.dma_semaphore, #tpu.memory_space<semaphore_mem>>
      %dma_start3A = arith.constant 0 : i32
      %dma_start3A_181 = tpu.memref_slice %arg11[%add3A_25, %dma_start3A] : memref<10240x128xf32, #tpu.memory_space<vmem_shared>> -> memref<16x128xf32, #tpu.memory_space<vmem_shared>>
      %dma_start3A_182 = arith.constant 0 : i32
      %dma_start3A_183 = tpu.memref_slice %arg11[%add3A_25, %dma_start3A_182] : memref<10240x128xf32, #tpu.memory_space<vmem_shared>> -> memref<16x128xf32, #tpu.memory_space<vmem_shared>>
      tpu.enqueue_dma source(%arg10 : memref<16x128xf32, #tpu.memory_space<vmem>>) target(%dma_start3A_183 : memref<16x128xf32, #tpu.memory_space<vmem_shared>>) target_semaphore(%run_scoped3A : memref<!tpu.dma_semaphore, #tpu.memory_space<semaphore_mem>>)
      %dma_wait3A = arith.constant 0 : i32
      %dma_wait3A_184 = tpu.memref_slice %arg11[%add3A_25, %dma_wait3A] : memref<10240x128xf32, #tpu.memory_space<vmem_shared>> -> memref<16x128xf32, #tpu.memory_space<vmem_shared>>
      %dma_wait3A_185 = arith.constant 0 : i32
      %dma_wait3A_186 = tpu.memref_slice %arg11[%add3A_25, %dma_wait3A_185] : memref<10240x128xf32, #tpu.memory_space<vmem_shared>> -> memref<16x128xf32, #tpu.memory_space<vmem_shared>>
      tpu.wait_dma2 semaphore(%run_scoped3A : memref<!tpu.dma_semaphore, #tpu.memory_space<semaphore_mem>>) src(%arg10 : memref<16x128xf32, #tpu.memory_space<vmem>>) dst(%dma_wait3A_186 : memref<16x128xf32, #tpu.memory_space<vmem_shared>>)
      tpu.yield
    }) : () -> ()
    %mul3A_26 = arith.constant 640 : i32
    %mul3A_27 = arith.muli %arg1, %mul3A_26 : i32
    %add3A_28 = arith.constant 80 : i32
    %add3A_29 = arith.addi %mul3A_27, %add3A_28 : i32
    "tpu.region"() ({
      %run_scoped3A = tpu.sem_alloc : memref<!tpu.dma_semaphore, #tpu.memory_space<semaphore_mem>>
      %dma_start3A = arith.constant 0 : i32
      %dma_start3A_181 = tpu.memref_slice %arg11[%add3A_29, %dma_start3A] : memref<10240x128xf32, #tpu.memory_space<vmem_shared>> -> memref<16x128xf32, #tpu.memory_space<vmem_shared>>
      %dma_start3A_182 = arith.constant 0 : i32
      %dma_start3A_183 = tpu.memref_slice %arg11[%add3A_29, %dma_start3A_182] : memref<10240x128xf32, #tpu.memory_space<vmem_shared>> -> memref<16x128xf32, #tpu.memory_space<vmem_shared>>
      tpu.enqueue_dma source(%arg10 : memref<16x128xf32, #tpu.memory_space<vmem>>) target(%dma_start3A_183 : memref<16x128xf32, #tpu.memory_space<vmem_shared>>) target_semaphore(%run_scoped3A : memref<!tpu.dma_semaphore, #tpu.memory_space<semaphore_mem>>)
      %dma_wait3A = arith.constant 0 : i32
      %dma_wait3A_184 = tpu.memref_slice %arg11[%add3A_29, %dma_wait3A] : memref<10240x128xf32, #tpu.memory_space<vmem_shared>> -> memref<16x128xf32, #tpu.memory_space<vmem_shared>>
      %dma_wait3A_185 = arith.constant 0 : i32
      %dma_wait3A_186 = tpu.memref_slice %arg11[%add3A_29, %dma_wait3A_185] : memref<10240x128xf32, #tpu.memory_space<vmem_shared>> -> memref<16x128xf32, #tpu.memory_space<vmem_shared>>
      tpu.wait_dma2 semaphore(%run_scoped3A : memref<!tpu.dma_semaphore, #tpu.memory_space<semaphore_mem>>) src(%arg10 : memref<16x128xf32, #tpu.memory_space<vmem>>) dst(%dma_wait3A_186 : memref<16x128xf32, #tpu.memory_space<vmem_shared>>)
      tpu.yield
    }) : () -> ()
    %mul3A_30 = arith.constant 640 : i32
    %mul3A_31 = arith.muli %arg1, %mul3A_30 : i32
    %add3A_32 = arith.constant 96 : i32
    %add3A_33 = arith.addi %mul3A_31, %add3A_32 : i32
    "tpu.region"() ({
      %run_scoped3A = tpu.sem_alloc : memref<!tpu.dma_semaphore, #tpu.memory_space<semaphore_mem>>
      %dma_start3A = arith.constant 0 : i32
      %dma_start3A_181 = tpu.memref_slice %arg11[%add3A_33, %dma_start3A] : memref<10240x128xf32, #tpu.memory_space<vmem_shared>> -> memref<16x128xf32, #tpu.memory_space<vmem_shared>>
      %dma_start3A_182 = arith.constant 0 : i32
      %dma_start3A_183 = tpu.memref_slice %arg11[%add3A_33, %dma_start3A_182] : memref<10240x128xf32, #tpu.memory_space<vmem_shared>> -> memref<16x128xf32, #tpu.memory_space<vmem_shared>>
      tpu.enqueue_dma source(%arg10 : memref<16x128xf32, #tpu.memory_space<vmem>>) target(%dma_start3A_183 : memref<16x128xf32, #tpu.memory_space<vmem_shared>>) target_semaphore(%run_scoped3A : memref<!tpu.dma_semaphore, #tpu.memory_space<semaphore_mem>>)
      %dma_wait3A = arith.constant 0 : i32
      %dma_wait3A_184 = tpu.memref_slice %arg11[%add3A_33, %dma_wait3A] : memref<10240x128xf32, #tpu.memory_space<vmem_shared>> -> memref<16x128xf32, #tpu.memory_space<vmem_shared>>
      %dma_wait3A_185 = arith.constant 0 : i32
      %dma_wait3A_186 = tpu.memref_slice %arg11[%add3A_33, %dma_wait3A_185] : memref<10240x128xf32, #tpu.memory_space<vmem_shared>> -> memref<16x128xf32, #tpu.memory_space<vmem_shared>>
      tpu.wait_dma2 semaphore(%run_scoped3A : memref<!tpu.dma_semaphore, #tpu.memory_space<semaphore_mem>>) src(%arg10 : memref<16x128xf32, #tpu.memory_space<vmem>>) dst(%dma_wait3A_186 : memref<16x128xf32, #tpu.memory_space<vmem_shared>>)
      tpu.yield
    }) : () -> ()
    %mul3A_34 = arith.constant 640 : i32
    %mul3A_35 = arith.muli %arg1, %mul3A_34 : i32
    %add3A_36 = arith.constant 112 : i32
    %add3A_37 = arith.addi %mul3A_35, %add3A_36 : i32
    "tpu.region"() ({
      %run_scoped3A = tpu.sem_alloc : memref<!tpu.dma_semaphore, #tpu.memory_space<semaphore_mem>>
      %dma_start3A = arith.constant 0 : i32
      %dma_start3A_181 = tpu.memref_slice %arg11[%add3A_37, %dma_start3A] : memref<10240x128xf32, #tpu.memory_space<vmem_shared>> -> memref<16x128xf32, #tpu.memory_space<vmem_shared>>
      %dma_start3A_182 = arith.constant 0 : i32
      %dma_start3A_183 = tpu.memref_slice %arg11[%add3A_37, %dma_start3A_182] : memref<10240x128xf32, #tpu.memory_space<vmem_shared>> -> memref<16x128xf32, #tpu.memory_space<vmem_shared>>
      tpu.enqueue_dma source(%arg10 : memref<16x128xf32, #tpu.memory_space<vmem>>) target(%dma_start3A_183 : memref<16x128xf32, #tpu.memory_space<vmem_shared>>) target_semaphore(%run_scoped3A : memref<!tpu.dma_semaphore, #tpu.memory_space<semaphore_mem>>)
      %dma_wait3A = arith.constant 0 : i32
      %dma_wait3A_184 = tpu.memref_slice %arg11[%add3A_37, %dma_wait3A] : memref<10240x128xf32, #tpu.memory_space<vmem_shared>> -> memref<16x128xf32, #tpu.memory_space<vmem_shared>>
      %dma_wait3A_185 = arith.constant 0 : i32
      %dma_wait3A_186 = tpu.memref_slice %arg11[%add3A_37, %dma_wait3A_185] : memref<10240x128xf32, #tpu.memory_space<vmem_shared>> -> memref<16x128xf32, #tpu.memory_space<vmem_shared>>
      tpu.wait_dma2 semaphore(%run_scoped3A : memref<!tpu.dma_semaphore, #tpu.memory_space<semaphore_mem>>) src(%arg10 : memref<16x128xf32, #tpu.memory_space<vmem>>) dst(%dma_wait3A_186 : memref<16x128xf32, #tpu.memory_space<vmem_shared>>)
      tpu.yield
    }) : () -> ()
    %mul3A_38 = arith.constant 640 : i32
    %mul3A_39 = arith.muli %arg1, %mul3A_38 : i32
    %add3A_40 = arith.constant 128 : i32
    %add3A_41 = arith.addi %mul3A_39, %add3A_40 : i32
    "tpu.region"() ({
      %run_scoped3A = tpu.sem_alloc : memref<!tpu.dma_semaphore, #tpu.memory_space<semaphore_mem>>
      %dma_start3A = arith.constant 0 : i32
      %dma_start3A_181 = tpu.memref_slice %arg11[%add3A_41, %dma_start3A] : memref<10240x128xf32, #tpu.memory_space<vmem_shared>> -> memref<16x128xf32, #tpu.memory_space<vmem_shared>>
      %dma_start3A_182 = arith.constant 0 : i32
      %dma_start3A_183 = tpu.memref_slice %arg11[%add3A_41, %dma_start3A_182] : memref<10240x128xf32, #tpu.memory_space<vmem_shared>> -> memref<16x128xf32, #tpu.memory_space<vmem_shared>>
      tpu.enqueue_dma source(%arg10 : memref<16x128xf32, #tpu.memory_space<vmem>>) target(%dma_start3A_183 : memref<16x128xf32, #tpu.memory_space<vmem_shared>>) target_semaphore(%run_scoped3A : memref<!tpu.dma_semaphore, #tpu.memory_space<semaphore_mem>>)
      %dma_wait3A = arith.constant 0 : i32
      %dma_wait3A_184 = tpu.memref_slice %arg11[%add3A_41, %dma_wait3A] : memref<10240x128xf32, #tpu.memory_space<vmem_shared>> -> memref<16x128xf32, #tpu.memory_space<vmem_shared>>
      %dma_wait3A_185 = arith.constant 0 : i32
      %dma_wait3A_186 = tpu.memref_slice %arg11[%add3A_41, %dma_wait3A_185] : memref<10240x128xf32, #tpu.memory_space<vmem_shared>> -> memref<16x128xf32, #tpu.memory_space<vmem_shared>>
      tpu.wait_dma2 semaphore(%run_scoped3A : memref<!tpu.dma_semaphore, #tpu.memory_space<semaphore_mem>>) src(%arg10 : memref<16x128xf32, #tpu.memory_space<vmem>>) dst(%dma_wait3A_186 : memref<16x128xf32, #tpu.memory_space<vmem_shared>>)
      tpu.yield
    }) : () -> ()
    %mul3A_42 = arith.constant 640 : i32
    %mul3A_43 = arith.muli %arg1, %mul3A_42 : i32
    %add3A_44 = arith.constant 144 : i32
    %add3A_45 = arith.addi %mul3A_43, %add3A_44 : i32
    "tpu.region"() ({
      %run_scoped3A = tpu.sem_alloc : memref<!tpu.dma_semaphore, #tpu.memory_space<semaphore_mem>>
      %dma_start3A = arith.constant 0 : i32
      %dma_start3A_181 = tpu.memref_slice %arg11[%add3A_45, %dma_start3A] : memref<10240x128xf32, #tpu.memory_space<vmem_shared>> -> memref<16x128xf32, #tpu.memory_space<vmem_shared>>
      %dma_start3A_182 = arith.constant 0 : i32
      %dma_start3A_183 = tpu.memref_slice %arg11[%add3A_45, %dma_start3A_182] : memref<10240x128xf32, #tpu.memory_space<vmem_shared>> -> memref<16x128xf32, #tpu.memory_space<vmem_shared>>
      tpu.enqueue_dma source(%arg10 : memref<16x128xf32, #tpu.memory_space<vmem>>) target(%dma_start3A_183 : memref<16x128xf32, #tpu.memory_space<vmem_shared>>) target_semaphore(%run_scoped3A : memref<!tpu.dma_semaphore, #tpu.memory_space<semaphore_mem>>)
      %dma_wait3A = arith.constant 0 : i32
      %dma_wait3A_184 = tpu.memref_slice %arg11[%add3A_45, %dma_wait3A] : memref<10240x128xf32, #tpu.memory_space<vmem_shared>> -> memref<16x128xf32, #tpu.memory_space<vmem_shared>>
      %dma_wait3A_185 = arith.constant 0 : i32
      %dma_wait3A_186 = tpu.memref_slice %arg11[%add3A_45, %dma_wait3A_185] : memref<10240x128xf32, #tpu.memory_space<vmem_shared>> -> memref<16x128xf32, #tpu.memory_space<vmem_shared>>
      tpu.wait_dma2 semaphore(%run_scoped3A : memref<!tpu.dma_semaphore, #tpu.memory_space<semaphore_mem>>) src(%arg10 : memref<16x128xf32, #tpu.memory_space<vmem>>) dst(%dma_wait3A_186 : memref<16x128xf32, #tpu.memory_space<vmem_shared>>)
      tpu.yield
    }) : () -> ()
    %mul3A_46 = arith.constant 640 : i32
    %mul3A_47 = arith.muli %arg1, %mul3A_46 : i32
    %add3A_48 = arith.constant 160 : i32
    %add3A_49 = arith.addi %mul3A_47, %add3A_48 : i32
    "tpu.region"() ({
      %run_scoped3A = tpu.sem_alloc : memref<!tpu.dma_semaphore, #tpu.memory_space<semaphore_mem>>
      %dma_start3A = arith.constant 0 : i32
      %dma_start3A_181 = tpu.memref_slice %arg11[%add3A_49, %dma_start3A] : memref<10240x128xf32, #tpu.memory_space<vmem_shared>> -> memref<16x128xf32, #tpu.memory_space<vmem_shared>>
      %dma_start3A_182 = arith.constant 0 : i32
      %dma_start3A_183 = tpu.memref_slice %arg11[%add3A_49, %dma_start3A_182] : memref<10240x128xf32, #tpu.memory_space<vmem_shared>> -> memref<16x128xf32, #tpu.memory_space<vmem_shared>>
      tpu.enqueue_dma source(%arg10 : memref<16x128xf32, #tpu.memory_space<vmem>>) target(%dma_start3A_183 : memref<16x128xf32, #tpu.memory_space<vmem_shared>>) target_semaphore(%run_scoped3A : memref<!tpu.dma_semaphore, #tpu.memory_space<semaphore_mem>>)
      %dma_wait3A = arith.constant 0 : i32
      %dma_wait3A_184 = tpu.memref_slice %arg11[%add3A_49, %dma_wait3A] : memref<10240x128xf32, #tpu.memory_space<vmem_shared>> -> memref<16x128xf32, #tpu.memory_space<vmem_shared>>
      %dma_wait3A_185 = arith.constant 0 : i32
      %dma_wait3A_186 = tpu.memref_slice %arg11[%add3A_49, %dma_wait3A_185] : memref<10240x128xf32, #tpu.memory_space<vmem_shared>> -> memref<16x128xf32, #tpu.memory_space<vmem_shared>>
      tpu.wait_dma2 semaphore(%run_scoped3A : memref<!tpu.dma_semaphore, #tpu.memory_space<semaphore_mem>>) src(%arg10 : memref<16x128xf32, #tpu.memory_space<vmem>>) dst(%dma_wait3A_186 : memref<16x128xf32, #tpu.memory_space<vmem_shared>>)
      tpu.yield
    }) : () -> ()
    %mul3A_50 = arith.constant 640 : i32
    %mul3A_51 = arith.muli %arg1, %mul3A_50 : i32
    %add3A_52 = arith.constant 176 : i32
    %add3A_53 = arith.addi %mul3A_51, %add3A_52 : i32
    "tpu.region"() ({
      %run_scoped3A = tpu.sem_alloc : memref<!tpu.dma_semaphore, #tpu.memory_space<semaphore_mem>>
      %dma_start3A = arith.constant 0 : i32
      %dma_start3A_181 = tpu.memref_slice %arg11[%add3A_53, %dma_start3A] : memref<10240x128xf32, #tpu.memory_space<vmem_shared>> -> memref<16x128xf32, #tpu.memory_space<vmem_shared>>
      %dma_start3A_182 = arith.constant 0 : i32
      %dma_start3A_183 = tpu.memref_slice %arg11[%add3A_53, %dma_start3A_182] : memref<10240x128xf32, #tpu.memory_space<vmem_shared>> -> memref<16x128xf32, #tpu.memory_space<vmem_shared>>
      tpu.enqueue_dma source(%arg10 : memref<16x128xf32, #tpu.memory_space<vmem>>) target(%dma_start3A_183 : memref<16x128xf32, #tpu.memory_space<vmem_shared>>) target_semaphore(%run_scoped3A : memref<!tpu.dma_semaphore, #tpu.memory_space<semaphore_mem>>)
      %dma_wait3A = arith.constant 0 : i32
      %dma_wait3A_184 = tpu.memref_slice %arg11[%add3A_53, %dma_wait3A] : memref<10240x128xf32, #tpu.memory_space<vmem_shared>> -> memref<16x128xf32, #tpu.memory_space<vmem_shared>>
      %dma_wait3A_185 = arith.constant 0 : i32
      %dma_wait3A_186 = tpu.memref_slice %arg11[%add3A_53, %dma_wait3A_185] : memref<10240x128xf32, #tpu.memory_space<vmem_shared>> -> memref<16x128xf32, #tpu.memory_space<vmem_shared>>
      tpu.wait_dma2 semaphore(%run_scoped3A : memref<!tpu.dma_semaphore, #tpu.memory_space<semaphore_mem>>) src(%arg10 : memref<16x128xf32, #tpu.memory_space<vmem>>) dst(%dma_wait3A_186 : memref<16x128xf32, #tpu.memory_space<vmem_shared>>)
      tpu.yield
    }) : () -> ()
    %mul3A_54 = arith.constant 640 : i32
    %mul3A_55 = arith.muli %arg1, %mul3A_54 : i32
    %add3A_56 = arith.constant 192 : i32
    %add3A_57 = arith.addi %mul3A_55, %add3A_56 : i32
    "tpu.region"() ({
      %run_scoped3A = tpu.sem_alloc : memref<!tpu.dma_semaphore, #tpu.memory_space<semaphore_mem>>
      %dma_start3A = arith.constant 0 : i32
      %dma_start3A_181 = tpu.memref_slice %arg11[%add3A_57, %dma_start3A] : memref<10240x128xf32, #tpu.memory_space<vmem_shared>> -> memref<16x128xf32, #tpu.memory_space<vmem_shared>>
      %dma_start3A_182 = arith.constant 0 : i32
      %dma_start3A_183 = tpu.memref_slice %arg11[%add3A_57, %dma_start3A_182] : memref<10240x128xf32, #tpu.memory_space<vmem_shared>> -> memref<16x128xf32, #tpu.memory_space<vmem_shared>>
      tpu.enqueue_dma source(%arg10 : memref<16x128xf32, #tpu.memory_space<vmem>>) target(%dma_start3A_183 : memref<16x128xf32, #tpu.memory_space<vmem_shared>>) target_semaphore(%run_scoped3A : memref<!tpu.dma_semaphore, #tpu.memory_space<semaphore_mem>>)
      %dma_wait3A = arith.constant 0 : i32
      %dma_wait3A_184 = tpu.memref_slice %arg11[%add3A_57, %dma_wait3A] : memref<10240x128xf32, #tpu.memory_space<vmem_shared>> -> memref<16x128xf32, #tpu.memory_space<vmem_shared>>
      %dma_wait3A_185 = arith.constant 0 : i32
      %dma_wait3A_186 = tpu.memref_slice %arg11[%add3A_57, %dma_wait3A_185] : memref<10240x128xf32, #tpu.memory_space<vmem_shared>> -> memref<16x128xf32, #tpu.memory_space<vmem_shared>>
      tpu.wait_dma2 semaphore(%run_scoped3A : memref<!tpu.dma_semaphore, #tpu.memory_space<semaphore_mem>>) src(%arg10 : memref<16x128xf32, #tpu.memory_space<vmem>>) dst(%dma_wait3A_186 : memref<16x128xf32, #tpu.memory_space<vmem_shared>>)
      tpu.yield
    }) : () -> ()
    %mul3A_58 = arith.constant 640 : i32
    %mul3A_59 = arith.muli %arg1, %mul3A_58 : i32
    %add3A_60 = arith.constant 208 : i32
    %add3A_61 = arith.addi %mul3A_59, %add3A_60 : i32
    "tpu.region"() ({
      %run_scoped3A = tpu.sem_alloc : memref<!tpu.dma_semaphore, #tpu.memory_space<semaphore_mem>>
      %dma_start3A = arith.constant 0 : i32
      %dma_start3A_181 = tpu.memref_slice %arg11[%add3A_61, %dma_start3A] : memref<10240x128xf32, #tpu.memory_space<vmem_shared>> -> memref<16x128xf32, #tpu.memory_space<vmem_shared>>
      %dma_start3A_182 = arith.constant 0 : i32
      %dma_start3A_183 = tpu.memref_slice %arg11[%add3A_61, %dma_start3A_182] : memref<10240x128xf32, #tpu.memory_space<vmem_shared>> -> memref<16x128xf32, #tpu.memory_space<vmem_shared>>
      tpu.enqueue_dma source(%arg10 : memref<16x128xf32, #tpu.memory_space<vmem>>) target(%dma_start3A_183 : memref<16x128xf32, #tpu.memory_space<vmem_shared>>) target_semaphore(%run_scoped3A : memref<!tpu.dma_semaphore, #tpu.memory_space<semaphore_mem>>)
      %dma_wait3A = arith.constant 0 : i32
      %dma_wait3A_184 = tpu.memref_slice %arg11[%add3A_61, %dma_wait3A] : memref<10240x128xf32, #tpu.memory_space<vmem_shared>> -> memref<16x128xf32, #tpu.memory_space<vmem_shared>>
      %dma_wait3A_185 = arith.constant 0 : i32
      %dma_wait3A_186 = tpu.memref_slice %arg11[%add3A_61, %dma_wait3A_185] : memref<10240x128xf32, #tpu.memory_space<vmem_shared>> -> memref<16x128xf32, #tpu.memory_space<vmem_shared>>
      tpu.wait_dma2 semaphore(%run_scoped3A : memref<!tpu.dma_semaphore, #tpu.memory_space<semaphore_mem>>) src(%arg10 : memref<16x128xf32, #tpu.memory_space<vmem>>) dst(%dma_wait3A_186 : memref<16x128xf32, #tpu.memory_space<vmem_shared>>)
      tpu.yield
    }) : () -> ()
    %mul3A_62 = arith.constant 640 : i32
    %mul3A_63 = arith.muli %arg1, %mul3A_62 : i32
    %add3A_64 = arith.constant 224 : i32
    %add3A_65 = arith.addi %mul3A_63, %add3A_64 : i32
    "tpu.region"() ({
      %run_scoped3A = tpu.sem_alloc : memref<!tpu.dma_semaphore, #tpu.memory_space<semaphore_mem>>
      %dma_start3A = arith.constant 0 : i32
      %dma_start3A_181 = tpu.memref_slice %arg11[%add3A_65, %dma_start3A] : memref<10240x128xf32, #tpu.memory_space<vmem_shared>> -> memref<16x128xf32, #tpu.memory_space<vmem_shared>>
      %dma_start3A_182 = arith.constant 0 : i32
      %dma_start3A_183 = tpu.memref_slice %arg11[%add3A_65, %dma_start3A_182] : memref<10240x128xf32, #tpu.memory_space<vmem_shared>> -> memref<16x128xf32, #tpu.memory_space<vmem_shared>>
      tpu.enqueue_dma source(%arg10 : memref<16x128xf32, #tpu.memory_space<vmem>>) target(%dma_start3A_183 : memref<16x128xf32, #tpu.memory_space<vmem_shared>>) target_semaphore(%run_scoped3A : memref<!tpu.dma_semaphore, #tpu.memory_space<semaphore_mem>>)
      %dma_wait3A = arith.constant 0 : i32
      %dma_wait3A_184 = tpu.memref_slice %arg11[%add3A_65, %dma_wait3A] : memref<10240x128xf32, #tpu.memory_space<vmem_shared>> -> memref<16x128xf32, #tpu.memory_space<vmem_shared>>
      %dma_wait3A_185 = arith.constant 0 : i32
      %dma_wait3A_186 = tpu.memref_slice %arg11[%add3A_65, %dma_wait3A_185] : memref<10240x128xf32, #tpu.memory_space<vmem_shared>> -> memref<16x128xf32, #tpu.memory_space<vmem_shared>>
      tpu.wait_dma2 semaphore(%run_scoped3A : memref<!tpu.dma_semaphore, #tpu.memory_space<semaphore_mem>>) src(%arg10 : memref<16x128xf32, #tpu.memory_space<vmem>>) dst(%dma_wait3A_186 : memref<16x128xf32, #tpu.memory_space<vmem_shared>>)
      tpu.yield
    }) : () -> ()
    %mul3A_66 = arith.constant 640 : i32
    %mul3A_67 = arith.muli %arg1, %mul3A_66 : i32
    %add3A_68 = arith.constant 240 : i32
    %add3A_69 = arith.addi %mul3A_67, %add3A_68 : i32
    "tpu.region"() ({
      %run_scoped3A = tpu.sem_alloc : memref<!tpu.dma_semaphore, #tpu.memory_space<semaphore_mem>>
      %dma_start3A = arith.constant 0 : i32
      %dma_start3A_181 = tpu.memref_slice %arg11[%add3A_69, %dma_start3A] : memref<10240x128xf32, #tpu.memory_space<vmem_shared>> -> memref<16x128xf32, #tpu.memory_space<vmem_shared>>
      %dma_start3A_182 = arith.constant 0 : i32
      %dma_start3A_183 = tpu.memref_slice %arg11[%add3A_69, %dma_start3A_182] : memref<10240x128xf32, #tpu.memory_space<vmem_shared>> -> memref<16x128xf32, #tpu.memory_space<vmem_shared>>
      tpu.enqueue_dma source(%arg10 : memref<16x128xf32, #tpu.memory_space<vmem>>) target(%dma_start3A_183 : memref<16x128xf32, #tpu.memory_space<vmem_shared>>) target_semaphore(%run_scoped3A : memref<!tpu.dma_semaphore, #tpu.memory_space<semaphore_mem>>)
      %dma_wait3A = arith.constant 0 : i32
      %dma_wait3A_184 = tpu.memref_slice %arg11[%add3A_69, %dma_wait3A] : memref<10240x128xf32, #tpu.memory_space<vmem_shared>> -> memref<16x128xf32, #tpu.memory_space<vmem_shared>>
      %dma_wait3A_185 = arith.constant 0 : i32
      %dma_wait3A_186 = tpu.memref_slice %arg11[%add3A_69, %dma_wait3A_185] : memref<10240x128xf32, #tpu.memory_space<vmem_shared>> -> memref<16x128xf32, #tpu.memory_space<vmem_shared>>
      tpu.wait_dma2 semaphore(%run_scoped3A : memref<!tpu.dma_semaphore, #tpu.memory_space<semaphore_mem>>) src(%arg10 : memref<16x128xf32, #tpu.memory_space<vmem>>) dst(%dma_wait3A_186 : memref<16x128xf32, #tpu.memory_space<vmem_shared>>)
      tpu.yield
    }) : () -> ()
    %mul3A_70 = arith.constant 640 : i32
    %mul3A_71 = arith.muli %arg1, %mul3A_70 : i32
    %add3A_72 = arith.constant 256 : i32
    %add3A_73 = arith.addi %mul3A_71, %add3A_72 : i32
    "tpu.region"() ({
      %run_scoped3A = tpu.sem_alloc : memref<!tpu.dma_semaphore, #tpu.memory_space<semaphore_mem>>
      %dma_start3A = arith.constant 0 : i32
      %dma_start3A_181 = tpu.memref_slice %arg11[%add3A_73, %dma_start3A] : memref<10240x128xf32, #tpu.memory_space<vmem_shared>> -> memref<16x128xf32, #tpu.memory_space<vmem_shared>>
      %dma_start3A_182 = arith.constant 0 : i32
      %dma_start3A_183 = tpu.memref_slice %arg11[%add3A_73, %dma_start3A_182] : memref<10240x128xf32, #tpu.memory_space<vmem_shared>> -> memref<16x128xf32, #tpu.memory_space<vmem_shared>>
      tpu.enqueue_dma source(%arg10 : memref<16x128xf32, #tpu.memory_space<vmem>>) target(%dma_start3A_183 : memref<16x128xf32, #tpu.memory_space<vmem_shared>>) target_semaphore(%run_scoped3A : memref<!tpu.dma_semaphore, #tpu.memory_space<semaphore_mem>>)
      %dma_wait3A = arith.constant 0 : i32
      %dma_wait3A_184 = tpu.memref_slice %arg11[%add3A_73, %dma_wait3A] : memref<10240x128xf32, #tpu.memory_space<vmem_shared>> -> memref<16x128xf32, #tpu.memory_space<vmem_shared>>
      %dma_wait3A_185 = arith.constant 0 : i32
      %dma_wait3A_186 = tpu.memref_slice %arg11[%add3A_73, %dma_wait3A_185] : memref<10240x128xf32, #tpu.memory_space<vmem_shared>> -> memref<16x128xf32, #tpu.memory_space<vmem_shared>>
      tpu.wait_dma2 semaphore(%run_scoped3A : memref<!tpu.dma_semaphore, #tpu.memory_space<semaphore_mem>>) src(%arg10 : memref<16x128xf32, #tpu.memory_space<vmem>>) dst(%dma_wait3A_186 : memref<16x128xf32, #tpu.memory_space<vmem_shared>>)
      tpu.yield
    }) : () -> ()
    %mul3A_74 = arith.constant 640 : i32
    %mul3A_75 = arith.muli %arg1, %mul3A_74 : i32
    %add3A_76 = arith.constant 272 : i32
    %add3A_77 = arith.addi %mul3A_75, %add3A_76 : i32
    "tpu.region"() ({
      %run_scoped3A = tpu.sem_alloc : memref<!tpu.dma_semaphore, #tpu.memory_space<semaphore_mem>>
      %dma_start3A = arith.constant 0 : i32
      %dma_start3A_181 = tpu.memref_slice %arg11[%add3A_77, %dma_start3A] : memref<10240x128xf32, #tpu.memory_space<vmem_shared>> -> memref<16x128xf32, #tpu.memory_space<vmem_shared>>
      %dma_start3A_182 = arith.constant 0 : i32
      %dma_start3A_183 = tpu.memref_slice %arg11[%add3A_77, %dma_start3A_182] : memref<10240x128xf32, #tpu.memory_space<vmem_shared>> -> memref<16x128xf32, #tpu.memory_space<vmem_shared>>
      tpu.enqueue_dma source(%arg10 : memref<16x128xf32, #tpu.memory_space<vmem>>) target(%dma_start3A_183 : memref<16x128xf32, #tpu.memory_space<vmem_shared>>) target_semaphore(%run_scoped3A : memref<!tpu.dma_semaphore, #tpu.memory_space<semaphore_mem>>)
      %dma_wait3A = arith.constant 0 : i32
      %dma_wait3A_184 = tpu.memref_slice %arg11[%add3A_77, %dma_wait3A] : memref<10240x128xf32, #tpu.memory_space<vmem_shared>> -> memref<16x128xf32, #tpu.memory_space<vmem_shared>>
      %dma_wait3A_185 = arith.constant 0 : i32
      %dma_wait3A_186 = tpu.memref_slice %arg11[%add3A_77, %dma_wait3A_185] : memref<10240x128xf32, #tpu.memory_space<vmem_shared>> -> memref<16x128xf32, #tpu.memory_space<vmem_shared>>
      tpu.wait_dma2 semaphore(%run_scoped3A : memref<!tpu.dma_semaphore, #tpu.memory_space<semaphore_mem>>) src(%arg10 : memref<16x128xf32, #tpu.memory_space<vmem>>) dst(%dma_wait3A_186 : memref<16x128xf32, #tpu.memory_space<vmem_shared>>)
      tpu.yield
    }) : () -> ()
    %mul3A_78 = arith.constant 640 : i32
    %mul3A_79 = arith.muli %arg1, %mul3A_78 : i32
    %add3A_80 = arith.constant 288 : i32
    %add3A_81 = arith.addi %mul3A_79, %add3A_80 : i32
    "tpu.region"() ({
      %run_scoped3A = tpu.sem_alloc : memref<!tpu.dma_semaphore, #tpu.memory_space<semaphore_mem>>
      %dma_start3A = arith.constant 0 : i32
      %dma_start3A_181 = tpu.memref_slice %arg11[%add3A_81, %dma_start3A] : memref<10240x128xf32, #tpu.memory_space<vmem_shared>> -> memref<16x128xf32, #tpu.memory_space<vmem_shared>>
      %dma_start3A_182 = arith.constant 0 : i32
      %dma_start3A_183 = tpu.memref_slice %arg11[%add3A_81, %dma_start3A_182] : memref<10240x128xf32, #tpu.memory_space<vmem_shared>> -> memref<16x128xf32, #tpu.memory_space<vmem_shared>>
      tpu.enqueue_dma source(%arg10 : memref<16x128xf32, #tpu.memory_space<vmem>>) target(%dma_start3A_183 : memref<16x128xf32, #tpu.memory_space<vmem_shared>>) target_semaphore(%run_scoped3A : memref<!tpu.dma_semaphore, #tpu.memory_space<semaphore_mem>>)
      %dma_wait3A = arith.constant 0 : i32
      %dma_wait3A_184 = tpu.memref_slice %arg11[%add3A_81, %dma_wait3A] : memref<10240x128xf32, #tpu.memory_space<vmem_shared>> -> memref<16x128xf32, #tpu.memory_space<vmem_shared>>
      %dma_wait3A_185 = arith.constant 0 : i32
      %dma_wait3A_186 = tpu.memref_slice %arg11[%add3A_81, %dma_wait3A_185] : memref<10240x128xf32, #tpu.memory_space<vmem_shared>> -> memref<16x128xf32, #tpu.memory_space<vmem_shared>>
      tpu.wait_dma2 semaphore(%run_scoped3A : memref<!tpu.dma_semaphore, #tpu.memory_space<semaphore_mem>>) src(%arg10 : memref<16x128xf32, #tpu.memory_space<vmem>>) dst(%dma_wait3A_186 : memref<16x128xf32, #tpu.memory_space<vmem_shared>>)
      tpu.yield
    }) : () -> ()
    %mul3A_82 = arith.constant 640 : i32
    %mul3A_83 = arith.muli %arg1, %mul3A_82 : i32
    %add3A_84 = arith.constant 304 : i32
    %add3A_85 = arith.addi %mul3A_83, %add3A_84 : i32
    "tpu.region"() ({
      %run_scoped3A = tpu.sem_alloc : memref<!tpu.dma_semaphore, #tpu.memory_space<semaphore_mem>>
      %dma_start3A = arith.constant 0 : i32
      %dma_start3A_181 = tpu.memref_slice %arg11[%add3A_85, %dma_start3A] : memref<10240x128xf32, #tpu.memory_space<vmem_shared>> -> memref<16x128xf32, #tpu.memory_space<vmem_shared>>
      %dma_start3A_182 = arith.constant 0 : i32
      %dma_start3A_183 = tpu.memref_slice %arg11[%add3A_85, %dma_start3A_182] : memref<10240x128xf32, #tpu.memory_space<vmem_shared>> -> memref<16x128xf32, #tpu.memory_space<vmem_shared>>
      tpu.enqueue_dma source(%arg10 : memref<16x128xf32, #tpu.memory_space<vmem>>) target(%dma_start3A_183 : memref<16x128xf32, #tpu.memory_space<vmem_shared>>) target_semaphore(%run_scoped3A : memref<!tpu.dma_semaphore, #tpu.memory_space<semaphore_mem>>)
      %dma_wait3A = arith.constant 0 : i32
      %dma_wait3A_184 = tpu.memref_slice %arg11[%add3A_85, %dma_wait3A] : memref<10240x128xf32, #tpu.memory_space<vmem_shared>> -> memref<16x128xf32, #tpu.memory_space<vmem_shared>>
      %dma_wait3A_185 = arith.constant 0 : i32
      %dma_wait3A_186 = tpu.memref_slice %arg11[%add3A_85, %dma_wait3A_185] : memref<10240x128xf32, #tpu.memory_space<vmem_shared>> -> memref<16x128xf32, #tpu.memory_space<vmem_shared>>
      tpu.wait_dma2 semaphore(%run_scoped3A : memref<!tpu.dma_semaphore, #tpu.memory_space<semaphore_mem>>) src(%arg10 : memref<16x128xf32, #tpu.memory_space<vmem>>) dst(%dma_wait3A_186 : memref<16x128xf32, #tpu.memory_space<vmem_shared>>)
      tpu.yield
    }) : () -> ()
    %mul3A_86 = arith.constant 640 : i32
    %mul3A_87 = arith.muli %arg1, %mul3A_86 : i32
    %add3A_88 = arith.constant 320 : i32
    %add3A_89 = arith.addi %mul3A_87, %add3A_88 : i32
    "tpu.region"() ({
      %run_scoped3A = tpu.sem_alloc : memref<!tpu.dma_semaphore, #tpu.memory_space<semaphore_mem>>
      %dma_start3A = arith.constant 0 : i32
      %dma_start3A_181 = tpu.memref_slice %arg11[%add3A_89, %dma_start3A] : memref<10240x128xf32, #tpu.memory_space<vmem_shared>> -> memref<16x128xf32, #tpu.memory_space<vmem_shared>>
      %dma_start3A_182 = arith.constant 0 : i32
      %dma_start3A_183 = tpu.memref_slice %arg11[%add3A_89, %dma_start3A_182] : memref<10240x128xf32, #tpu.memory_space<vmem_shared>> -> memref<16x128xf32, #tpu.memory_space<vmem_shared>>
      tpu.enqueue_dma source(%arg10 : memref<16x128xf32, #tpu.memory_space<vmem>>) target(%dma_start3A_183 : memref<16x128xf32, #tpu.memory_space<vmem_shared>>) target_semaphore(%run_scoped3A : memref<!tpu.dma_semaphore, #tpu.memory_space<semaphore_mem>>)
      %dma_wait3A = arith.constant 0 : i32
      %dma_wait3A_184 = tpu.memref_slice %arg11[%add3A_89, %dma_wait3A] : memref<10240x128xf32, #tpu.memory_space<vmem_shared>> -> memref<16x128xf32, #tpu.memory_space<vmem_shared>>
      %dma_wait3A_185 = arith.constant 0 : i32
      %dma_wait3A_186 = tpu.memref_slice %arg11[%add3A_89, %dma_wait3A_185] : memref<10240x128xf32, #tpu.memory_space<vmem_shared>> -> memref<16x128xf32, #tpu.memory_space<vmem_shared>>
      tpu.wait_dma2 semaphore(%run_scoped3A : memref<!tpu.dma_semaphore, #tpu.memory_space<semaphore_mem>>) src(%arg10 : memref<16x128xf32, #tpu.memory_space<vmem>>) dst(%dma_wait3A_186 : memref<16x128xf32, #tpu.memory_space<vmem_shared>>)
      tpu.yield
    }) : () -> ()
    %mul3A_90 = arith.constant 640 : i32
    %mul3A_91 = arith.muli %arg1, %mul3A_90 : i32
    %add3A_92 = arith.constant 336 : i32
    %add3A_93 = arith.addi %mul3A_91, %add3A_92 : i32
    "tpu.region"() ({
      %run_scoped3A = tpu.sem_alloc : memref<!tpu.dma_semaphore, #tpu.memory_space<semaphore_mem>>
      %dma_start3A = arith.constant 0 : i32
      %dma_start3A_181 = tpu.memref_slice %arg11[%add3A_93, %dma_start3A] : memref<10240x128xf32, #tpu.memory_space<vmem_shared>> -> memref<16x128xf32, #tpu.memory_space<vmem_shared>>
      %dma_start3A_182 = arith.constant 0 : i32
      %dma_start3A_183 = tpu.memref_slice %arg11[%add3A_93, %dma_start3A_182] : memref<10240x128xf32, #tpu.memory_space<vmem_shared>> -> memref<16x128xf32, #tpu.memory_space<vmem_shared>>
      tpu.enqueue_dma source(%arg10 : memref<16x128xf32, #tpu.memory_space<vmem>>) target(%dma_start3A_183 : memref<16x128xf32, #tpu.memory_space<vmem_shared>>) target_semaphore(%run_scoped3A : memref<!tpu.dma_semaphore, #tpu.memory_space<semaphore_mem>>)
      %dma_wait3A = arith.constant 0 : i32
      %dma_wait3A_184 = tpu.memref_slice %arg11[%add3A_93, %dma_wait3A] : memref<10240x128xf32, #tpu.memory_space<vmem_shared>> -> memref<16x128xf32, #tpu.memory_space<vmem_shared>>
      %dma_wait3A_185 = arith.constant 0 : i32
      %dma_wait3A_186 = tpu.memref_slice %arg11[%add3A_93, %dma_wait3A_185] : memref<10240x128xf32, #tpu.memory_space<vmem_shared>> -> memref<16x128xf32, #tpu.memory_space<vmem_shared>>
      tpu.wait_dma2 semaphore(%run_scoped3A : memref<!tpu.dma_semaphore, #tpu.memory_space<semaphore_mem>>) src(%arg10 : memref<16x128xf32, #tpu.memory_space<vmem>>) dst(%dma_wait3A_186 : memref<16x128xf32, #tpu.memory_space<vmem_shared>>)
      tpu.yield
    }) : () -> ()
    %mul3A_94 = arith.constant 640 : i32
    %mul3A_95 = arith.muli %arg1, %mul3A_94 : i32
    %add3A_96 = arith.constant 352 : i32
    %add3A_97 = arith.addi %mul3A_95, %add3A_96 : i32
    "tpu.region"() ({
      %run_scoped3A = tpu.sem_alloc : memref<!tpu.dma_semaphore, #tpu.memory_space<semaphore_mem>>
      %dma_start3A = arith.constant 0 : i32
      %dma_start3A_181 = tpu.memref_slice %arg11[%add3A_97, %dma_start3A] : memref<10240x128xf32, #tpu.memory_space<vmem_shared>> -> memref<16x128xf32, #tpu.memory_space<vmem_shared>>
      %dma_start3A_182 = arith.constant 0 : i32
      %dma_start3A_183 = tpu.memref_slice %arg11[%add3A_97, %dma_start3A_182] : memref<10240x128xf32, #tpu.memory_space<vmem_shared>> -> memref<16x128xf32, #tpu.memory_space<vmem_shared>>
      tpu.enqueue_dma source(%arg10 : memref<16x128xf32, #tpu.memory_space<vmem>>) target(%dma_start3A_183 : memref<16x128xf32, #tpu.memory_space<vmem_shared>>) target_semaphore(%run_scoped3A : memref<!tpu.dma_semaphore, #tpu.memory_space<semaphore_mem>>)
      %dma_wait3A = arith.constant 0 : i32
      %dma_wait3A_184 = tpu.memref_slice %arg11[%add3A_97, %dma_wait3A] : memref<10240x128xf32, #tpu.memory_space<vmem_shared>> -> memref<16x128xf32, #tpu.memory_space<vmem_shared>>
      %dma_wait3A_185 = arith.constant 0 : i32
      %dma_wait3A_186 = tpu.memref_slice %arg11[%add3A_97, %dma_wait3A_185] : memref<10240x128xf32, #tpu.memory_space<vmem_shared>> -> memref<16x128xf32, #tpu.memory_space<vmem_shared>>
      tpu.wait_dma2 semaphore(%run_scoped3A : memref<!tpu.dma_semaphore, #tpu.memory_space<semaphore_mem>>) src(%arg10 : memref<16x128xf32, #tpu.memory_space<vmem>>) dst(%dma_wait3A_186 : memref<16x128xf32, #tpu.memory_space<vmem_shared>>)
      tpu.yield
    }) : () -> ()
    %mul3A_98 = arith.constant 640 : i32
    %mul3A_99 = arith.muli %arg1, %mul3A_98 : i32
    %add3A_100 = arith.constant 368 : i32
    %add3A_101 = arith.addi %mul3A_99, %add3A_100 : i32
    "tpu.region"() ({
      %run_scoped3A = tpu.sem_alloc : memref<!tpu.dma_semaphore, #tpu.memory_space<semaphore_mem>>
      %dma_start3A = arith.constant 0 : i32
      %dma_start3A_181 = tpu.memref_slice %arg11[%add3A_101, %dma_start3A] : memref<10240x128xf32, #tpu.memory_space<vmem_shared>> -> memref<16x128xf32, #tpu.memory_space<vmem_shared>>
      %dma_start3A_182 = arith.constant 0 : i32
      %dma_start3A_183 = tpu.memref_slice %arg11[%add3A_101, %dma_start3A_182] : memref<10240x128xf32, #tpu.memory_space<vmem_shared>> -> memref<16x128xf32, #tpu.memory_space<vmem_shared>>
      tpu.enqueue_dma source(%arg10 : memref<16x128xf32, #tpu.memory_space<vmem>>) target(%dma_start3A_183 : memref<16x128xf32, #tpu.memory_space<vmem_shared>>) target_semaphore(%run_scoped3A : memref<!tpu.dma_semaphore, #tpu.memory_space<semaphore_mem>>)
      %dma_wait3A = arith.constant 0 : i32
      %dma_wait3A_184 = tpu.memref_slice %arg11[%add3A_101, %dma_wait3A] : memref<10240x128xf32, #tpu.memory_space<vmem_shared>> -> memref<16x128xf32, #tpu.memory_space<vmem_shared>>
      %dma_wait3A_185 = arith.constant 0 : i32
      %dma_wait3A_186 = tpu.memref_slice %arg11[%add3A_101, %dma_wait3A_185] : memref<10240x128xf32, #tpu.memory_space<vmem_shared>> -> memref<16x128xf32, #tpu.memory_space<vmem_shared>>
      tpu.wait_dma2 semaphore(%run_scoped3A : memref<!tpu.dma_semaphore, #tpu.memory_space<semaphore_mem>>) src(%arg10 : memref<16x128xf32, #tpu.memory_space<vmem>>) dst(%dma_wait3A_186 : memref<16x128xf32, #tpu.memory_space<vmem_shared>>)
      tpu.yield
    }) : () -> ()
    %mul3A_102 = arith.constant 640 : i32
    %mul3A_103 = arith.muli %arg1, %mul3A_102 : i32
    %add3A_104 = arith.constant 384 : i32
    %add3A_105 = arith.addi %mul3A_103, %add3A_104 : i32
    "tpu.region"() ({
      %run_scoped3A = tpu.sem_alloc : memref<!tpu.dma_semaphore, #tpu.memory_space<semaphore_mem>>
      %dma_start3A = arith.constant 0 : i32
      %dma_start3A_181 = tpu.memref_slice %arg11[%add3A_105, %dma_start3A] : memref<10240x128xf32, #tpu.memory_space<vmem_shared>> -> memref<16x128xf32, #tpu.memory_space<vmem_shared>>
      %dma_start3A_182 = arith.constant 0 : i32
      %dma_start3A_183 = tpu.memref_slice %arg11[%add3A_105, %dma_start3A_182] : memref<10240x128xf32, #tpu.memory_space<vmem_shared>> -> memref<16x128xf32, #tpu.memory_space<vmem_shared>>
      tpu.enqueue_dma source(%arg10 : memref<16x128xf32, #tpu.memory_space<vmem>>) target(%dma_start3A_183 : memref<16x128xf32, #tpu.memory_space<vmem_shared>>) target_semaphore(%run_scoped3A : memref<!tpu.dma_semaphore, #tpu.memory_space<semaphore_mem>>)
      %dma_wait3A = arith.constant 0 : i32
      %dma_wait3A_184 = tpu.memref_slice %arg11[%add3A_105, %dma_wait3A] : memref<10240x128xf32, #tpu.memory_space<vmem_shared>> -> memref<16x128xf32, #tpu.memory_space<vmem_shared>>
      %dma_wait3A_185 = arith.constant 0 : i32
      %dma_wait3A_186 = tpu.memref_slice %arg11[%add3A_105, %dma_wait3A_185] : memref<10240x128xf32, #tpu.memory_space<vmem_shared>> -> memref<16x128xf32, #tpu.memory_space<vmem_shared>>
      tpu.wait_dma2 semaphore(%run_scoped3A : memref<!tpu.dma_semaphore, #tpu.memory_space<semaphore_mem>>) src(%arg10 : memref<16x128xf32, #tpu.memory_space<vmem>>) dst(%dma_wait3A_186 : memref<16x128xf32, #tpu.memory_space<vmem_shared>>)
      tpu.yield
    }) : () -> ()
    %mul3A_106 = arith.constant 640 : i32
    %mul3A_107 = arith.muli %arg1, %mul3A_106 : i32
    %add3A_108 = arith.constant 400 : i32
    %add3A_109 = arith.addi %mul3A_107, %add3A_108 : i32
    "tpu.region"() ({
      %run_scoped3A = tpu.sem_alloc : memref<!tpu.dma_semaphore, #tpu.memory_space<semaphore_mem>>
      %dma_start3A = arith.constant 0 : i32
      %dma_start3A_181 = tpu.memref_slice %arg11[%add3A_109, %dma_start3A] : memref<10240x128xf32, #tpu.memory_space<vmem_shared>> -> memref<16x128xf32, #tpu.memory_space<vmem_shared>>
      %dma_start3A_182 = arith.constant 0 : i32
      %dma_start3A_183 = tpu.memref_slice %arg11[%add3A_109, %dma_start3A_182] : memref<10240x128xf32, #tpu.memory_space<vmem_shared>> -> memref<16x128xf32, #tpu.memory_space<vmem_shared>>
      tpu.enqueue_dma source(%arg10 : memref<16x128xf32, #tpu.memory_space<vmem>>) target(%dma_start3A_183 : memref<16x128xf32, #tpu.memory_space<vmem_shared>>) target_semaphore(%run_scoped3A : memref<!tpu.dma_semaphore, #tpu.memory_space<semaphore_mem>>)
      %dma_wait3A = arith.constant 0 : i32
      %dma_wait3A_184 = tpu.memref_slice %arg11[%add3A_109, %dma_wait3A] : memref<10240x128xf32, #tpu.memory_space<vmem_shared>> -> memref<16x128xf32, #tpu.memory_space<vmem_shared>>
      %dma_wait3A_185 = arith.constant 0 : i32
      %dma_wait3A_186 = tpu.memref_slice %arg11[%add3A_109, %dma_wait3A_185] : memref<10240x128xf32, #tpu.memory_space<vmem_shared>> -> memref<16x128xf32, #tpu.memory_space<vmem_shared>>
      tpu.wait_dma2 semaphore(%run_scoped3A : memref<!tpu.dma_semaphore, #tpu.memory_space<semaphore_mem>>) src(%arg10 : memref<16x128xf32, #tpu.memory_space<vmem>>) dst(%dma_wait3A_186 : memref<16x128xf32, #tpu.memory_space<vmem_shared>>)
      tpu.yield
    }) : () -> ()
    %mul3A_110 = arith.constant 640 : i32
    %mul3A_111 = arith.muli %arg1, %mul3A_110 : i32
    %add3A_112 = arith.constant 416 : i32
    %add3A_113 = arith.addi %mul3A_111, %add3A_112 : i32
    "tpu.region"() ({
      %run_scoped3A = tpu.sem_alloc : memref<!tpu.dma_semaphore, #tpu.memory_space<semaphore_mem>>
      %dma_start3A = arith.constant 0 : i32
      %dma_start3A_181 = tpu.memref_slice %arg11[%add3A_113, %dma_start3A] : memref<10240x128xf32, #tpu.memory_space<vmem_shared>> -> memref<16x128xf32, #tpu.memory_space<vmem_shared>>
      %dma_start3A_182 = arith.constant 0 : i32
      %dma_start3A_183 = tpu.memref_slice %arg11[%add3A_113, %dma_start3A_182] : memref<10240x128xf32, #tpu.memory_space<vmem_shared>> -> memref<16x128xf32, #tpu.memory_space<vmem_shared>>
      tpu.enqueue_dma source(%arg10 : memref<16x128xf32, #tpu.memory_space<vmem>>) target(%dma_start3A_183 : memref<16x128xf32, #tpu.memory_space<vmem_shared>>) target_semaphore(%run_scoped3A : memref<!tpu.dma_semaphore, #tpu.memory_space<semaphore_mem>>)
      %dma_wait3A = arith.constant 0 : i32
      %dma_wait3A_184 = tpu.memref_slice %arg11[%add3A_113, %dma_wait3A] : memref<10240x128xf32, #tpu.memory_space<vmem_shared>> -> memref<16x128xf32, #tpu.memory_space<vmem_shared>>
      %dma_wait3A_185 = arith.constant 0 : i32
      %dma_wait3A_186 = tpu.memref_slice %arg11[%add3A_113, %dma_wait3A_185] : memref<10240x128xf32, #tpu.memory_space<vmem_shared>> -> memref<16x128xf32, #tpu.memory_space<vmem_shared>>
      tpu.wait_dma2 semaphore(%run_scoped3A : memref<!tpu.dma_semaphore, #tpu.memory_space<semaphore_mem>>) src(%arg10 : memref<16x128xf32, #tpu.memory_space<vmem>>) dst(%dma_wait3A_186 : memref<16x128xf32, #tpu.memory_space<vmem_shared>>)
      tpu.yield
    }) : () -> ()
    %mul3A_114 = arith.constant 640 : i32
    %mul3A_115 = arith.muli %arg1, %mul3A_114 : i32
    %add3A_116 = arith.constant 432 : i32
    %add3A_117 = arith.addi %mul3A_115, %add3A_116 : i32
    "tpu.region"() ({
      %run_scoped3A = tpu.sem_alloc : memref<!tpu.dma_semaphore, #tpu.memory_space<semaphore_mem>>
      %dma_start3A = arith.constant 0 : i32
      %dma_start3A_181 = tpu.memref_slice %arg11[%add3A_117, %dma_start3A] : memref<10240x128xf32, #tpu.memory_space<vmem_shared>> -> memref<16x128xf32, #tpu.memory_space<vmem_shared>>
      %dma_start3A_182 = arith.constant 0 : i32
      %dma_start3A_183 = tpu.memref_slice %arg11[%add3A_117, %dma_start3A_182] : memref<10240x128xf32, #tpu.memory_space<vmem_shared>> -> memref<16x128xf32, #tpu.memory_space<vmem_shared>>
      tpu.enqueue_dma source(%arg10 : memref<16x128xf32, #tpu.memory_space<vmem>>) target(%dma_start3A_183 : memref<16x128xf32, #tpu.memory_space<vmem_shared>>) target_semaphore(%run_scoped3A : memref<!tpu.dma_semaphore, #tpu.memory_space<semaphore_mem>>)
      %dma_wait3A = arith.constant 0 : i32
      %dma_wait3A_184 = tpu.memref_slice %arg11[%add3A_117, %dma_wait3A] : memref<10240x128xf32, #tpu.memory_space<vmem_shared>> -> memref<16x128xf32, #tpu.memory_space<vmem_shared>>
      %dma_wait3A_185 = arith.constant 0 : i32
      %dma_wait3A_186 = tpu.memref_slice %arg11[%add3A_117, %dma_wait3A_185] : memref<10240x128xf32, #tpu.memory_space<vmem_shared>> -> memref<16x128xf32, #tpu.memory_space<vmem_shared>>
      tpu.wait_dma2 semaphore(%run_scoped3A : memref<!tpu.dma_semaphore, #tpu.memory_space<semaphore_mem>>) src(%arg10 : memref<16x128xf32, #tpu.memory_space<vmem>>) dst(%dma_wait3A_186 : memref<16x128xf32, #tpu.memory_space<vmem_shared>>)
      tpu.yield
    }) : () -> ()
    %mul3A_118 = arith.constant 640 : i32
    %mul3A_119 = arith.muli %arg1, %mul3A_118 : i32
    %add3A_120 = arith.constant 448 : i32
    %add3A_121 = arith.addi %mul3A_119, %add3A_120 : i32
    "tpu.region"() ({
      %run_scoped3A = tpu.sem_alloc : memref<!tpu.dma_semaphore, #tpu.memory_space<semaphore_mem>>
      %dma_start3A = arith.constant 0 : i32
      %dma_start3A_181 = tpu.memref_slice %arg11[%add3A_121, %dma_start3A] : memref<10240x128xf32, #tpu.memory_space<vmem_shared>> -> memref<16x128xf32, #tpu.memory_space<vmem_shared>>
      %dma_start3A_182 = arith.constant 0 : i32
      %dma_start3A_183 = tpu.memref_slice %arg11[%add3A_121, %dma_start3A_182] : memref<10240x128xf32, #tpu.memory_space<vmem_shared>> -> memref<16x128xf32, #tpu.memory_space<vmem_shared>>
      tpu.enqueue_dma source(%arg10 : memref<16x128xf32, #tpu.memory_space<vmem>>) target(%dma_start3A_183 : memref<16x128xf32, #tpu.memory_space<vmem_shared>>) target_semaphore(%run_scoped3A : memref<!tpu.dma_semaphore, #tpu.memory_space<semaphore_mem>>)
      %dma_wait3A = arith.constant 0 : i32
      %dma_wait3A_184 = tpu.memref_slice %arg11[%add3A_121, %dma_wait3A] : memref<10240x128xf32, #tpu.memory_space<vmem_shared>> -> memref<16x128xf32, #tpu.memory_space<vmem_shared>>
      %dma_wait3A_185 = arith.constant 0 : i32
      %dma_wait3A_186 = tpu.memref_slice %arg11[%add3A_121, %dma_wait3A_185] : memref<10240x128xf32, #tpu.memory_space<vmem_shared>> -> memref<16x128xf32, #tpu.memory_space<vmem_shared>>
      tpu.wait_dma2 semaphore(%run_scoped3A : memref<!tpu.dma_semaphore, #tpu.memory_space<semaphore_mem>>) src(%arg10 : memref<16x128xf32, #tpu.memory_space<vmem>>) dst(%dma_wait3A_186 : memref<16x128xf32, #tpu.memory_space<vmem_shared>>)
      tpu.yield
    }) : () -> ()
    %mul3A_122 = arith.constant 640 : i32
    %mul3A_123 = arith.muli %arg1, %mul3A_122 : i32
    %add3A_124 = arith.constant 464 : i32
    %add3A_125 = arith.addi %mul3A_123, %add3A_124 : i32
    "tpu.region"() ({
      %run_scoped3A = tpu.sem_alloc : memref<!tpu.dma_semaphore, #tpu.memory_space<semaphore_mem>>
      %dma_start3A = arith.constant 0 : i32
      %dma_start3A_181 = tpu.memref_slice %arg11[%add3A_125, %dma_start3A] : memref<10240x128xf32, #tpu.memory_space<vmem_shared>> -> memref<16x128xf32, #tpu.memory_space<vmem_shared>>
      %dma_start3A_182 = arith.constant 0 : i32
      %dma_start3A_183 = tpu.memref_slice %arg11[%add3A_125, %dma_start3A_182] : memref<10240x128xf32, #tpu.memory_space<vmem_shared>> -> memref<16x128xf32, #tpu.memory_space<vmem_shared>>
      tpu.enqueue_dma source(%arg10 : memref<16x128xf32, #tpu.memory_space<vmem>>) target(%dma_start3A_183 : memref<16x128xf32, #tpu.memory_space<vmem_shared>>) target_semaphore(%run_scoped3A : memref<!tpu.dma_semaphore, #tpu.memory_space<semaphore_mem>>)
      %dma_wait3A = arith.constant 0 : i32
      %dma_wait3A_184 = tpu.memref_slice %arg11[%add3A_125, %dma_wait3A] : memref<10240x128xf32, #tpu.memory_space<vmem_shared>> -> memref<16x128xf32, #tpu.memory_space<vmem_shared>>
      %dma_wait3A_185 = arith.constant 0 : i32
      %dma_wait3A_186 = tpu.memref_slice %arg11[%add3A_125, %dma_wait3A_185] : memref<10240x128xf32, #tpu.memory_space<vmem_shared>> -> memref<16x128xf32, #tpu.memory_space<vmem_shared>>
      tpu.wait_dma2 semaphore(%run_scoped3A : memref<!tpu.dma_semaphore, #tpu.memory_space<semaphore_mem>>) src(%arg10 : memref<16x128xf32, #tpu.memory_space<vmem>>) dst(%dma_wait3A_186 : memref<16x128xf32, #tpu.memory_space<vmem_shared>>)
      tpu.yield
    }) : () -> ()
    %mul3A_126 = arith.constant 640 : i32
    %mul3A_127 = arith.muli %arg1, %mul3A_126 : i32
    %add3A_128 = arith.constant 480 : i32
    %add3A_129 = arith.addi %mul3A_127, %add3A_128 : i32
    "tpu.region"() ({
      %run_scoped3A = tpu.sem_alloc : memref<!tpu.dma_semaphore, #tpu.memory_space<semaphore_mem>>
      %dma_start3A = arith.constant 0 : i32
      %dma_start3A_181 = tpu.memref_slice %arg11[%add3A_129, %dma_start3A] : memref<10240x128xf32, #tpu.memory_space<vmem_shared>> -> memref<16x128xf32, #tpu.memory_space<vmem_shared>>
      %dma_start3A_182 = arith.constant 0 : i32
      %dma_start3A_183 = tpu.memref_slice %arg11[%add3A_129, %dma_start3A_182] : memref<10240x128xf32, #tpu.memory_space<vmem_shared>> -> memref<16x128xf32, #tpu.memory_space<vmem_shared>>
      tpu.enqueue_dma source(%arg10 : memref<16x128xf32, #tpu.memory_space<vmem>>) target(%dma_start3A_183 : memref<16x128xf32, #tpu.memory_space<vmem_shared>>) target_semaphore(%run_scoped3A : memref<!tpu.dma_semaphore, #tpu.memory_space<semaphore_mem>>)
      %dma_wait3A = arith.constant 0 : i32
      %dma_wait3A_184 = tpu.memref_slice %arg11[%add3A_129, %dma_wait3A] : memref<10240x128xf32, #tpu.memory_space<vmem_shared>> -> memref<16x128xf32, #tpu.memory_space<vmem_shared>>
      %dma_wait3A_185 = arith.constant 0 : i32
      %dma_wait3A_186 = tpu.memref_slice %arg11[%add3A_129, %dma_wait3A_185] : memref<10240x128xf32, #tpu.memory_space<vmem_shared>> -> memref<16x128xf32, #tpu.memory_space<vmem_shared>>
      tpu.wait_dma2 semaphore(%run_scoped3A : memref<!tpu.dma_semaphore, #tpu.memory_space<semaphore_mem>>) src(%arg10 : memref<16x128xf32, #tpu.memory_space<vmem>>) dst(%dma_wait3A_186 : memref<16x128xf32, #tpu.memory_space<vmem_shared>>)
      tpu.yield
    }) : () -> ()
    %mul3A_130 = arith.constant 640 : i32
    %mul3A_131 = arith.muli %arg1, %mul3A_130 : i32
    %add3A_132 = arith.constant 496 : i32
    %add3A_133 = arith.addi %mul3A_131, %add3A_132 : i32
    "tpu.region"() ({
      %run_scoped3A = tpu.sem_alloc : memref<!tpu.dma_semaphore, #tpu.memory_space<semaphore_mem>>
      %dma_start3A = arith.constant 0 : i32
      %dma_start3A_181 = tpu.memref_slice %arg11[%add3A_133, %dma_start3A] : memref<10240x128xf32, #tpu.memory_space<vmem_shared>> -> memref<16x128xf32, #tpu.memory_space<vmem_shared>>
      %dma_start3A_182 = arith.constant 0 : i32
      %dma_start3A_183 = tpu.memref_slice %arg11[%add3A_133, %dma_start3A_182] : memref<10240x128xf32, #tpu.memory_space<vmem_shared>> -> memref<16x128xf32, #tpu.memory_space<vmem_shared>>
      tpu.enqueue_dma source(%arg10 : memref<16x128xf32, #tpu.memory_space<vmem>>) target(%dma_start3A_183 : memref<16x128xf32, #tpu.memory_space<vmem_shared>>) target_semaphore(%run_scoped3A : memref<!tpu.dma_semaphore, #tpu.memory_space<semaphore_mem>>)
      %dma_wait3A = arith.constant 0 : i32
      %dma_wait3A_184 = tpu.memref_slice %arg11[%add3A_133, %dma_wait3A] : memref<10240x128xf32, #tpu.memory_space<vmem_shared>> -> memref<16x128xf32, #tpu.memory_space<vmem_shared>>
      %dma_wait3A_185 = arith.constant 0 : i32
      %dma_wait3A_186 = tpu.memref_slice %arg11[%add3A_133, %dma_wait3A_185] : memref<10240x128xf32, #tpu.memory_space<vmem_shared>> -> memref<16x128xf32, #tpu.memory_space<vmem_shared>>
      tpu.wait_dma2 semaphore(%run_scoped3A : memref<!tpu.dma_semaphore, #tpu.memory_space<semaphore_mem>>) src(%arg10 : memref<16x128xf32, #tpu.memory_space<vmem>>) dst(%dma_wait3A_186 : memref<16x128xf32, #tpu.memory_space<vmem_shared>>)
      tpu.yield
    }) : () -> ()
    %mul3A_134 = arith.constant 640 : i32
    %mul3A_135 = arith.muli %arg1, %mul3A_134 : i32
    %add3A_136 = arith.constant 512 : i32
    %add3A_137 = arith.addi %mul3A_135, %add3A_136 : i32
    "tpu.region"() ({
      %run_scoped3A = tpu.sem_alloc : memref<!tpu.dma_semaphore, #tpu.memory_space<semaphore_mem>>
      %dma_start3A = arith.constant 0 : i32
      %dma_start3A_181 = tpu.memref_slice %arg11[%add3A_137, %dma_start3A] : memref<10240x128xf32, #tpu.memory_space<vmem_shared>> -> memref<16x128xf32, #tpu.memory_space<vmem_shared>>
      %dma_start3A_182 = arith.constant 0 : i32
      %dma_start3A_183 = tpu.memref_slice %arg11[%add3A_137, %dma_start3A_182] : memref<10240x128xf32, #tpu.memory_space<vmem_shared>> -> memref<16x128xf32, #tpu.memory_space<vmem_shared>>
      tpu.enqueue_dma source(%arg10 : memref<16x128xf32, #tpu.memory_space<vmem>>) target(%dma_start3A_183 : memref<16x128xf32, #tpu.memory_space<vmem_shared>>) target_semaphore(%run_scoped3A : memref<!tpu.dma_semaphore, #tpu.memory_space<semaphore_mem>>)
      %dma_wait3A = arith.constant 0 : i32
      %dma_wait3A_184 = tpu.memref_slice %arg11[%add3A_137, %dma_wait3A] : memref<10240x128xf32, #tpu.memory_space<vmem_shared>> -> memref<16x128xf32, #tpu.memory_space<vmem_shared>>
      %dma_wait3A_185 = arith.constant 0 : i32
      %dma_wait3A_186 = tpu.memref_slice %arg11[%add3A_137, %dma_wait3A_185] : memref<10240x128xf32, #tpu.memory_space<vmem_shared>> -> memref<16x128xf32, #tpu.memory_space<vmem_shared>>
      tpu.wait_dma2 semaphore(%run_scoped3A : memref<!tpu.dma_semaphore, #tpu.memory_space<semaphore_mem>>) src(%arg10 : memref<16x128xf32, #tpu.memory_space<vmem>>) dst(%dma_wait3A_186 : memref<16x128xf32, #tpu.memory_space<vmem_shared>>)
      tpu.yield
    }) : () -> ()
    %mul3A_138 = arith.constant 640 : i32
    %mul3A_139 = arith.muli %arg1, %mul3A_138 : i32
    %add3A_140 = arith.constant 528 : i32
    %add3A_141 = arith.addi %mul3A_139, %add3A_140 : i32
    "tpu.region"() ({
      %run_scoped3A = tpu.sem_alloc : memref<!tpu.dma_semaphore, #tpu.memory_space<semaphore_mem>>
      %dma_start3A = arith.constant 0 : i32
      %dma_start3A_181 = tpu.memref_slice %arg11[%add3A_141, %dma_start3A] : memref<10240x128xf32, #tpu.memory_space<vmem_shared>> -> memref<16x128xf32, #tpu.memory_space<vmem_shared>>
      %dma_start3A_182 = arith.constant 0 : i32
      %dma_start3A_183 = tpu.memref_slice %arg11[%add3A_141, %dma_start3A_182] : memref<10240x128xf32, #tpu.memory_space<vmem_shared>> -> memref<16x128xf32, #tpu.memory_space<vmem_shared>>
      tpu.enqueue_dma source(%arg10 : memref<16x128xf32, #tpu.memory_space<vmem>>) target(%dma_start3A_183 : memref<16x128xf32, #tpu.memory_space<vmem_shared>>) target_semaphore(%run_scoped3A : memref<!tpu.dma_semaphore, #tpu.memory_space<semaphore_mem>>)
      %dma_wait3A = arith.constant 0 : i32
      %dma_wait3A_184 = tpu.memref_slice %arg11[%add3A_141, %dma_wait3A] : memref<10240x128xf32, #tpu.memory_space<vmem_shared>> -> memref<16x128xf32, #tpu.memory_space<vmem_shared>>
      %dma_wait3A_185 = arith.constant 0 : i32
      %dma_wait3A_186 = tpu.memref_slice %arg11[%add3A_141, %dma_wait3A_185] : memref<10240x128xf32, #tpu.memory_space<vmem_shared>> -> memref<16x128xf32, #tpu.memory_space<vmem_shared>>
      tpu.wait_dma2 semaphore(%run_scoped3A : memref<!tpu.dma_semaphore, #tpu.memory_space<semaphore_mem>>) src(%arg10 : memref<16x128xf32, #tpu.memory_space<vmem>>) dst(%dma_wait3A_186 : memref<16x128xf32, #tpu.memory_space<vmem_shared>>)
      tpu.yield
    }) : () -> ()
    %mul3A_142 = arith.constant 640 : i32
    %mul3A_143 = arith.muli %arg1, %mul3A_142 : i32
    %add3A_144 = arith.constant 544 : i32
    %add3A_145 = arith.addi %mul3A_143, %add3A_144 : i32
    "tpu.region"() ({
      %run_scoped3A = tpu.sem_alloc : memref<!tpu.dma_semaphore, #tpu.memory_space<semaphore_mem>>
      %dma_start3A = arith.constant 0 : i32
      %dma_start3A_181 = tpu.memref_slice %arg11[%add3A_145, %dma_start3A] : memref<10240x128xf32, #tpu.memory_space<vmem_shared>> -> memref<16x128xf32, #tpu.memory_space<vmem_shared>>
      %dma_start3A_182 = arith.constant 0 : i32
      %dma_start3A_183 = tpu.memref_slice %arg11[%add3A_145, %dma_start3A_182] : memref<10240x128xf32, #tpu.memory_space<vmem_shared>> -> memref<16x128xf32, #tpu.memory_space<vmem_shared>>
      tpu.enqueue_dma source(%arg10 : memref<16x128xf32, #tpu.memory_space<vmem>>) target(%dma_start3A_183 : memref<16x128xf32, #tpu.memory_space<vmem_shared>>) target_semaphore(%run_scoped3A : memref<!tpu.dma_semaphore, #tpu.memory_space<semaphore_mem>>)
      %dma_wait3A = arith.constant 0 : i32
      %dma_wait3A_184 = tpu.memref_slice %arg11[%add3A_145, %dma_wait3A] : memref<10240x128xf32, #tpu.memory_space<vmem_shared>> -> memref<16x128xf32, #tpu.memory_space<vmem_shared>>
      %dma_wait3A_185 = arith.constant 0 : i32
      %dma_wait3A_186 = tpu.memref_slice %arg11[%add3A_145, %dma_wait3A_185] : memref<10240x128xf32, #tpu.memory_space<vmem_shared>> -> memref<16x128xf32, #tpu.memory_space<vmem_shared>>
      tpu.wait_dma2 semaphore(%run_scoped3A : memref<!tpu.dma_semaphore, #tpu.memory_space<semaphore_mem>>) src(%arg10 : memref<16x128xf32, #tpu.memory_space<vmem>>) dst(%dma_wait3A_186 : memref<16x128xf32, #tpu.memory_space<vmem_shared>>)
      tpu.yield
    }) : () -> ()
    %mul3A_146 = arith.constant 640 : i32
    %mul3A_147 = arith.muli %arg1, %mul3A_146 : i32
    %add3A_148 = arith.constant 560 : i32
    %add3A_149 = arith.addi %mul3A_147, %add3A_148 : i32
    "tpu.region"() ({
      %run_scoped3A = tpu.sem_alloc : memref<!tpu.dma_semaphore, #tpu.memory_space<semaphore_mem>>
      %dma_start3A = arith.constant 0 : i32
      %dma_start3A_181 = tpu.memref_slice %arg11[%add3A_149, %dma_start3A] : memref<10240x128xf32, #tpu.memory_space<vmem_shared>> -> memref<16x128xf32, #tpu.memory_space<vmem_shared>>
      %dma_start3A_182 = arith.constant 0 : i32
      %dma_start3A_183 = tpu.memref_slice %arg11[%add3A_149, %dma_start3A_182] : memref<10240x128xf32, #tpu.memory_space<vmem_shared>> -> memref<16x128xf32, #tpu.memory_space<vmem_shared>>
      tpu.enqueue_dma source(%arg10 : memref<16x128xf32, #tpu.memory_space<vmem>>) target(%dma_start3A_183 : memref<16x128xf32, #tpu.memory_space<vmem_shared>>) target_semaphore(%run_scoped3A : memref<!tpu.dma_semaphore, #tpu.memory_space<semaphore_mem>>)
      %dma_wait3A = arith.constant 0 : i32
      %dma_wait3A_184 = tpu.memref_slice %arg11[%add3A_149, %dma_wait3A] : memref<10240x128xf32, #tpu.memory_space<vmem_shared>> -> memref<16x128xf32, #tpu.memory_space<vmem_shared>>
      %dma_wait3A_185 = arith.constant 0 : i32
      %dma_wait3A_186 = tpu.memref_slice %arg11[%add3A_149, %dma_wait3A_185] : memref<10240x128xf32, #tpu.memory_space<vmem_shared>> -> memref<16x128xf32, #tpu.memory_space<vmem_shared>>
      tpu.wait_dma2 semaphore(%run_scoped3A : memref<!tpu.dma_semaphore, #tpu.memory_space<semaphore_mem>>) src(%arg10 : memref<16x128xf32, #tpu.memory_space<vmem>>) dst(%dma_wait3A_186 : memref<16x128xf32, #tpu.memory_space<vmem_shared>>)
      tpu.yield
    }) : () -> ()
    %mul3A_150 = arith.constant 640 : i32
    %mul3A_151 = arith.muli %arg1, %mul3A_150 : i32
    %add3A_152 = arith.constant 576 : i32
    %add3A_153 = arith.addi %mul3A_151, %add3A_152 : i32
    "tpu.region"() ({
      %run_scoped3A = tpu.sem_alloc : memref<!tpu.dma_semaphore, #tpu.memory_space<semaphore_mem>>
      %dma_start3A = arith.constant 0 : i32
      %dma_start3A_181 = tpu.memref_slice %arg11[%add3A_153, %dma_start3A] : memref<10240x128xf32, #tpu.memory_space<vmem_shared>> -> memref<16x128xf32, #tpu.memory_space<vmem_shared>>
      %dma_start3A_182 = arith.constant 0 : i32
      %dma_start3A_183 = tpu.memref_slice %arg11[%add3A_153, %dma_start3A_182] : memref<10240x128xf32, #tpu.memory_space<vmem_shared>> -> memref<16x128xf32, #tpu.memory_space<vmem_shared>>
      tpu.enqueue_dma source(%arg10 : memref<16x128xf32, #tpu.memory_space<vmem>>) target(%dma_start3A_183 : memref<16x128xf32, #tpu.memory_space<vmem_shared>>) target_semaphore(%run_scoped3A : memref<!tpu.dma_semaphore, #tpu.memory_space<semaphore_mem>>)
      %dma_wait3A = arith.constant 0 : i32
      %dma_wait3A_184 = tpu.memref_slice %arg11[%add3A_153, %dma_wait3A] : memref<10240x128xf32, #tpu.memory_space<vmem_shared>> -> memref<16x128xf32, #tpu.memory_space<vmem_shared>>
      %dma_wait3A_185 = arith.constant 0 : i32
      %dma_wait3A_186 = tpu.memref_slice %arg11[%add3A_153, %dma_wait3A_185] : memref<10240x128xf32, #tpu.memory_space<vmem_shared>> -> memref<16x128xf32, #tpu.memory_space<vmem_shared>>
      tpu.wait_dma2 semaphore(%run_scoped3A : memref<!tpu.dma_semaphore, #tpu.memory_space<semaphore_mem>>) src(%arg10 : memref<16x128xf32, #tpu.memory_space<vmem>>) dst(%dma_wait3A_186 : memref<16x128xf32, #tpu.memory_space<vmem_shared>>)
      tpu.yield
    }) : () -> ()
    %mul3A_154 = arith.constant 640 : i32
    %mul3A_155 = arith.muli %arg1, %mul3A_154 : i32
    %add3A_156 = arith.constant 592 : i32
    %add3A_157 = arith.addi %mul3A_155, %add3A_156 : i32
    "tpu.region"() ({
      %run_scoped3A = tpu.sem_alloc : memref<!tpu.dma_semaphore, #tpu.memory_space<semaphore_mem>>
      %dma_start3A = arith.constant 0 : i32
      %dma_start3A_181 = tpu.memref_slice %arg11[%add3A_157, %dma_start3A] : memref<10240x128xf32, #tpu.memory_space<vmem_shared>> -> memref<16x128xf32, #tpu.memory_space<vmem_shared>>
      %dma_start3A_182 = arith.constant 0 : i32
      %dma_start3A_183 = tpu.memref_slice %arg11[%add3A_157, %dma_start3A_182] : memref<10240x128xf32, #tpu.memory_space<vmem_shared>> -> memref<16x128xf32, #tpu.memory_space<vmem_shared>>
      tpu.enqueue_dma source(%arg10 : memref<16x128xf32, #tpu.memory_space<vmem>>) target(%dma_start3A_183 : memref<16x128xf32, #tpu.memory_space<vmem_shared>>) target_semaphore(%run_scoped3A : memref<!tpu.dma_semaphore, #tpu.memory_space<semaphore_mem>>)
      %dma_wait3A = arith.constant 0 : i32
      %dma_wait3A_184 = tpu.memref_slice %arg11[%add3A_157, %dma_wait3A] : memref<10240x128xf32, #tpu.memory_space<vmem_shared>> -> memref<16x128xf32, #tpu.memory_space<vmem_shared>>
      %dma_wait3A_185 = arith.constant 0 : i32
      %dma_wait3A_186 = tpu.memref_slice %arg11[%add3A_157, %dma_wait3A_185] : memref<10240x128xf32, #tpu.memory_space<vmem_shared>> -> memref<16x128xf32, #tpu.memory_space<vmem_shared>>
      tpu.wait_dma2 semaphore(%run_scoped3A : memref<!tpu.dma_semaphore, #tpu.memory_space<semaphore_mem>>) src(%arg10 : memref<16x128xf32, #tpu.memory_space<vmem>>) dst(%dma_wait3A_186 : memref<16x128xf32, #tpu.memory_space<vmem_shared>>)
      tpu.yield
    }) : () -> ()
    %mul3A_158 = arith.constant 640 : i32
    %mul3A_159 = arith.muli %arg1, %mul3A_158 : i32
    %add3A_160 = arith.constant 608 : i32
    %add3A_161 = arith.addi %mul3A_159, %add3A_160 : i32
    "tpu.region"() ({
      %run_scoped3A = tpu.sem_alloc : memref<!tpu.dma_semaphore, #tpu.memory_space<semaphore_mem>>
      %dma_start3A = arith.constant 0 : i32
      %dma_start3A_181 = tpu.memref_slice %arg11[%add3A_161, %dma_start3A] : memref<10240x128xf32, #tpu.memory_space<vmem_shared>> -> memref<16x128xf32, #tpu.memory_space<vmem_shared>>
      %dma_start3A_182 = arith.constant 0 : i32
      %dma_start3A_183 = tpu.memref_slice %arg11[%add3A_161, %dma_start3A_182] : memref<10240x128xf32, #tpu.memory_space<vmem_shared>> -> memref<16x128xf32, #tpu.memory_space<vmem_shared>>
      tpu.enqueue_dma source(%arg10 : memref<16x128xf32, #tpu.memory_space<vmem>>) target(%dma_start3A_183 : memref<16x128xf32, #tpu.memory_space<vmem_shared>>) target_semaphore(%run_scoped3A : memref<!tpu.dma_semaphore, #tpu.memory_space<semaphore_mem>>)
      %dma_wait3A = arith.constant 0 : i32
      %dma_wait3A_184 = tpu.memref_slice %arg11[%add3A_161, %dma_wait3A] : memref<10240x128xf32, #tpu.memory_space<vmem_shared>> -> memref<16x128xf32, #tpu.memory_space<vmem_shared>>
      %dma_wait3A_185 = arith.constant 0 : i32
      %dma_wait3A_186 = tpu.memref_slice %arg11[%add3A_161, %dma_wait3A_185] : memref<10240x128xf32, #tpu.memory_space<vmem_shared>> -> memref<16x128xf32, #tpu.memory_space<vmem_shared>>
      tpu.wait_dma2 semaphore(%run_scoped3A : memref<!tpu.dma_semaphore, #tpu.memory_space<semaphore_mem>>) src(%arg10 : memref<16x128xf32, #tpu.memory_space<vmem>>) dst(%dma_wait3A_186 : memref<16x128xf32, #tpu.memory_space<vmem_shared>>)
      tpu.yield
    }) : () -> ()
    %mul3A_162 = arith.constant 640 : i32
    %mul3A_163 = arith.muli %arg1, %mul3A_162 : i32
    %add3A_164 = arith.constant 624 : i32
    %add3A_165 = arith.addi %mul3A_163, %add3A_164 : i32
    "tpu.region"() ({
      %run_scoped3A = tpu.sem_alloc : memref<!tpu.dma_semaphore, #tpu.memory_space<semaphore_mem>>
      %dma_start3A = arith.constant 0 : i32
      %dma_start3A_181 = tpu.memref_slice %arg11[%add3A_165, %dma_start3A] : memref<10240x128xf32, #tpu.memory_space<vmem_shared>> -> memref<16x128xf32, #tpu.memory_space<vmem_shared>>
      %dma_start3A_182 = arith.constant 0 : i32
      %dma_start3A_183 = tpu.memref_slice %arg11[%add3A_165, %dma_start3A_182] : memref<10240x128xf32, #tpu.memory_space<vmem_shared>> -> memref<16x128xf32, #tpu.memory_space<vmem_shared>>
      tpu.enqueue_dma source(%arg10 : memref<16x128xf32, #tpu.memory_space<vmem>>) target(%dma_start3A_183 : memref<16x128xf32, #tpu.memory_space<vmem_shared>>) target_semaphore(%run_scoped3A : memref<!tpu.dma_semaphore, #tpu.memory_space<semaphore_mem>>)
      %dma_wait3A = arith.constant 0 : i32
      %dma_wait3A_184 = tpu.memref_slice %arg11[%add3A_165, %dma_wait3A] : memref<10240x128xf32, #tpu.memory_space<vmem_shared>> -> memref<16x128xf32, #tpu.memory_space<vmem_shared>>
      %dma_wait3A_185 = arith.constant 0 : i32
      %dma_wait3A_186 = tpu.memref_slice %arg11[%add3A_165, %dma_wait3A_185] : memref<10240x128xf32, #tpu.memory_space<vmem_shared>> -> memref<16x128xf32, #tpu.memory_space<vmem_shared>>
      tpu.wait_dma2 semaphore(%run_scoped3A : memref<!tpu.dma_semaphore, #tpu.memory_space<semaphore_mem>>) src(%arg10 : memref<16x128xf32, #tpu.memory_space<vmem>>) dst(%dma_wait3A_186 : memref<16x128xf32, #tpu.memory_space<vmem_shared>>)
      tpu.yield
    }) : () -> ()
    %barrier3A = arith.constant 0 : index
    tpu.barrier barrier_id(%barrier3A)
    %mul3A_166 = arith.constant 10112 : i32
    %mul3A_167 = arith.muli %add3A, %mul3A_166 : i32
    %scan3A_168 = arith.constant 0 : i32
    %scan3A_169 = arith.constant 79 : i32
    %scan3A_170 = arith.addi %scan3A_168, %scan3A_169 : i32
    %scan3A_171 = arith.constant 1 : i32
    scf.for %scan3A_181 = %scan3A_168 to %scan3A_170 step %scan3A_171  : i32 {
      %mul3A_182 = arith.constant 128 : i32
      %mul3A_183 = arith.muli %scan3A_181, %mul3A_182 : i32
      %add3A_184 = arith.addi %mul3A_167, %mul3A_183 : i32
      "tpu.region"() ({
        %run_scoped3A = tpu.sem_alloc : memref<!tpu.dma_semaphore, #tpu.memory_space<semaphore_mem>>
        %dma_start3A_192 = tpu.memref_slice %arg3[%add3A_184] : memref<323584xi32, #tpu.memory_space<hbm>> -> memref<128xi32, #tpu.memory_space<hbm>>
        %dma_start3A_193 = tpu.memref_slice %arg3[%add3A_184] : memref<323584xi32, #tpu.memory_space<hbm>> -> memref<128xi32, #tpu.memory_space<hbm>>
        tpu.enqueue_dma source(%dma_start3A_193 : memref<128xi32, #tpu.memory_space<hbm>>) target(%arg7 : memref<128xi32, #tpu.memory_space<vmem>>) target_semaphore(%run_scoped3A : memref<!tpu.dma_semaphore, #tpu.memory_space<semaphore_mem>>)
        %dma_wait3A_194 = tpu.memref_slice %arg3[%add3A_184] : memref<323584xi32, #tpu.memory_space<hbm>> -> memref<128xi32, #tpu.memory_space<hbm>>
        %dma_wait3A_195 = tpu.memref_slice %arg3[%add3A_184] : memref<323584xi32, #tpu.memory_space<hbm>> -> memref<128xi32, #tpu.memory_space<hbm>>
        tpu.wait_dma2 semaphore(%run_scoped3A : memref<!tpu.dma_semaphore, #tpu.memory_space<semaphore_mem>>) src(%dma_wait3A_195 : memref<128xi32, #tpu.memory_space<hbm>>) dst(%arg7 : memref<128xi32, #tpu.memory_space<vmem>>)
        tpu.yield
      }) : () -> ()
      %mul3A_185 = arith.constant 128 : i32
      %mul3A_186 = arith.muli %scan3A_181, %mul3A_185 : i32
      %add3A_187 = arith.addi %mul3A_167, %mul3A_186 : i32
      "tpu.region"() ({
        %run_scoped3A = tpu.sem_alloc : memref<!tpu.dma_semaphore, #tpu.memory_space<semaphore_mem>>
        %dma_start3A_192 = tpu.memref_slice %arg4[%add3A_187] : memref<323584xi32, #tpu.memory_space<hbm>> -> memref<128xi32, #tpu.memory_space<hbm>>
        %dma_start3A_193 = tpu.memref_slice %arg4[%add3A_187] : memref<323584xi32, #tpu.memory_space<hbm>> -> memref<128xi32, #tpu.memory_space<hbm>>
        tpu.enqueue_dma source(%dma_start3A_193 : memref<128xi32, #tpu.memory_space<hbm>>) target(%arg8 : memref<128xi32, #tpu.memory_space<vmem>>) target_semaphore(%run_scoped3A : memref<!tpu.dma_semaphore, #tpu.memory_space<semaphore_mem>>)
        %dma_wait3A_194 = tpu.memref_slice %arg4[%add3A_187] : memref<323584xi32, #tpu.memory_space<hbm>> -> memref<128xi32, #tpu.memory_space<hbm>>
        %dma_wait3A_195 = tpu.memref_slice %arg4[%add3A_187] : memref<323584xi32, #tpu.memory_space<hbm>> -> memref<128xi32, #tpu.memory_space<hbm>>
        tpu.wait_dma2 semaphore(%run_scoped3A : memref<!tpu.dma_semaphore, #tpu.memory_space<semaphore_mem>>) src(%dma_wait3A_195 : memref<128xi32, #tpu.memory_space<hbm>>) dst(%arg8 : memref<128xi32, #tpu.memory_space<vmem>>)
        tpu.yield
      }) : () -> ()
      %dma_start3A = arith.constant 0 : i32
      %dma_start3A_188 = arith.constant 0 : i32
      %dma_start3A_189 = tpu.memref_slice %arg2[%dma_start3A, %dma_start3A_188] : memref<10000x128xf32, #tpu.memory_space<hbm>> -> memref<10000x128xf32, #tpu.memory_space<hbm>>
      tpu.enqueue_indirect_dma source(%dma_start3A_189 : memref<10000x128xf32, #tpu.memory_space<hbm>>) target(%arg9 : memref<128x128xf32, #tpu.memory_space<vmem>>) offsets(%arg7 : memref<128xi32, #tpu.memory_space<vmem>>) semaphore(%arg12 : memref<!tpu.dma_semaphore, #tpu.memory_space<semaphore_mem>>)
      %dma_wait3A = arith.constant 0 : i32
      %dma_wait3A_190 = arith.constant 0 : i32
      %dma_wait3A_191 = tpu.memref_slice %arg2[%dma_wait3A, %dma_wait3A_190] : memref<10000x128xf32, #tpu.memory_space<hbm>> -> memref<10000x128xf32, #tpu.memory_space<hbm>>
      tpu.wait_indirect_dma semaphore(%arg12 : memref<!tpu.dma_semaphore, #tpu.memory_space<semaphore_mem>>) src(%dma_wait3A_191 : memref<10000x128xf32, #tpu.memory_space<hbm>>) dst(%arg9 : memref<128x128xf32, #tpu.memory_space<vmem>>)
      "tpu.region"() ({
        %run_scoped3A = tpu.sem_alloc : memref<!tpu.dma_semaphore, #tpu.memory_space<semaphore_mem>>
        %dma_start3A_192 = arith.constant 0 : i32
        %dma_start3A_193 = arith.constant 0 : i32
        %dma_start3A_194 = tpu.memref_slice %arg11[%dma_start3A_192, %dma_start3A_193] : memref<10240x128xf32, #tpu.memory_space<vmem_shared>> -> memref<10240x128xf32, #tpu.memory_space<vmem_shared>>
        tpu.enqueue_indirect_dma source(%arg9 : memref<128x128xf32, #tpu.memory_space<vmem>>) target(%dma_start3A_194 : memref<10240x128xf32, #tpu.memory_space<vmem_shared>>) offsets(%arg8 : memref<128xi32, #tpu.memory_space<vmem>>) semaphore(%run_scoped3A : memref<!tpu.dma_semaphore, #tpu.memory_space<semaphore_mem>>) {add = true}
        %dma_wait3A_195 = arith.constant 0 : i32
        %dma_wait3A_196 = arith.constant 0 : i32
        %dma_wait3A_197 = tpu.memref_slice %arg11[%dma_wait3A_195, %dma_wait3A_196] : memref<10240x128xf32, #tpu.memory_space<vmem_shared>> -> memref<10240x128xf32, #tpu.memory_space<vmem_shared>>
        tpu.wait_indirect_dma semaphore(%run_scoped3A : memref<!tpu.dma_semaphore, #tpu.memory_space<semaphore_mem>>) src(%arg9 : memref<128x128xf32, #tpu.memory_space<vmem>>) dst(%dma_wait3A_197 : memref<10240x128xf32, #tpu.memory_space<vmem_shared>>)
        tpu.yield
      }) : () -> ()
    }
    %scan3A_172 = arith.constant 79 : i32
    %barrier3A_173 = arith.constant 0 : index
    tpu.barrier barrier_id(%barrier3A_173)
    %eq3A = arith.constant 0 : i32
    %eq3A_174 = arith.cmpi eq, %arg0, %eq3A : i32
    %convert_element_type3A = arith.extui %eq3A_174 : i1 to i32
    %cond3A = arith.constant 0 : i32
    %cond3A_175 = arith.cmpi ne, %convert_element_type3A, %cond3A : i32
    scf.if %cond3A_175 {
      %ne3A = arith.constant 15 : i32
      %ne3A_181 = arith.cmpi ne, %arg1, %ne3A : i32
      %convert_element_type3A_182 = arith.extui %ne3A_181 : i1 to i32
      %cond3A_183 = arith.constant 0 : i32
      %cond3A_184 = arith.cmpi ne, %convert_element_type3A_182, %cond3A_183 : i32
      scf.if %cond3A_184 {
        %mul3A_190 = arith.constant 632 : i32
        %mul3A_191 = arith.muli %arg1, %mul3A_190 : i32
        %mul3A_192 = arith.constant 632 : i32
        %mul3A_193 = arith.muli %arg1, %mul3A_192 : i32
        "tpu.region"() ({
          %run_scoped3A = tpu.sem_alloc : memref<!tpu.dma_semaphore, #tpu.memory_space<semaphore_mem>>
          %dma_start3A = arith.constant 0 : i32
          %dma_start3A_194 = tpu.memref_slice %arg5[%mul3A_193, %dma_start3A] : memref<10000x128xf32, #tpu.memory_space<hbm>> -> memref<632x128xf32, #tpu.memory_space<hbm>>
          %dma_start3A_195 = arith.constant 0 : i32
          %dma_start3A_196 = tpu.memref_slice %arg11[%mul3A_191, %dma_start3A_195] : memref<10240x128xf32, #tpu.memory_space<vmem_shared>> -> memref<632x128xf32, #tpu.memory_space<vmem_shared>>
          tpu.enqueue_dma source(%dma_start3A_196 : memref<632x128xf32, #tpu.memory_space<vmem_shared>>) target(%dma_start3A_194 : memref<632x128xf32, #tpu.memory_space<hbm>>) target_semaphore(%run_scoped3A : memref<!tpu.dma_semaphore, #tpu.memory_space<semaphore_mem>>)
          %dma_wait3A = arith.constant 0 : i32
          %dma_wait3A_197 = tpu.memref_slice %arg5[%mul3A_193, %dma_wait3A] : memref<10000x128xf32, #tpu.memory_space<hbm>> -> memref<632x128xf32, #tpu.memory_space<hbm>>
          %dma_wait3A_198 = arith.constant 0 : i32
          %dma_wait3A_199 = tpu.memref_slice %arg11[%mul3A_191, %dma_wait3A_198] : memref<10240x128xf32, #tpu.memory_space<vmem_shared>> -> memref<632x128xf32, #tpu.memory_space<vmem_shared>>
          tpu.wait_dma2 semaphore(%run_scoped3A : memref<!tpu.dma_semaphore, #tpu.memory_space<semaphore_mem>>) src(%dma_wait3A_199 : memref<632x128xf32, #tpu.memory_space<vmem_shared>>) dst(%dma_wait3A_197 : memref<632x128xf32, #tpu.memory_space<hbm>>)
          tpu.yield
        }) : () -> ()
      } else {
      }
      %eq3A_185 = arith.constant 15 : i32
      %eq3A_186 = arith.cmpi eq, %arg1, %eq3A_185 : i32
      %convert_element_type3A_187 = arith.extui %eq3A_186 : i1 to i32
      %cond3A_188 = arith.constant 0 : i32
      %cond3A_189 = arith.cmpi ne, %convert_element_type3A_187, %cond3A_188 : i32
      scf.if %cond3A_189 {
        "tpu.region"() ({
          %run_scoped3A = tpu.sem_alloc : memref<!tpu.dma_semaphore, #tpu.memory_space<semaphore_mem>>
          %dma_start3A = arith.constant 9480 : i32
          %dma_start3A_190 = arith.constant 0 : i32
          %dma_start3A_191 = tpu.memref_slice %arg5[%dma_start3A, %dma_start3A_190] : memref<10000x128xf32, #tpu.memory_space<hbm>> -> memref<520x128xf32, #tpu.memory_space<hbm>>
          %dma_start3A_192 = arith.constant 9480 : i32
          %dma_start3A_193 = arith.constant 0 : i32
          %dma_start3A_194 = tpu.memref_slice %arg11[%dma_start3A_192, %dma_start3A_193] : memref<10240x128xf32, #tpu.memory_space<vmem_shared>> -> memref<520x128xf32, #tpu.memory_space<vmem_shared>>
          tpu.enqueue_dma source(%dma_start3A_194 : memref<520x128xf32, #tpu.memory_space<vmem_shared>>) target(%dma_start3A_191 : memref<520x128xf32, #tpu.memory_space<hbm>>) target_semaphore(%run_scoped3A : memref<!tpu.dma_semaphore, #tpu.memory_space<semaphore_mem>>)
          %dma_wait3A = arith.constant 9480 : i32
          %dma_wait3A_195 = arith.constant 0 : i32
          %dma_wait3A_196 = tpu.memref_slice %arg5[%dma_wait3A, %dma_wait3A_195] : memref<10000x128xf32, #tpu.memory_space<hbm>> -> memref<520x128xf32, #tpu.memory_space<hbm>>
          %dma_wait3A_197 = arith.constant 9480 : i32
          %dma_wait3A_198 = arith.constant 0 : i32
          %dma_wait3A_199 = tpu.memref_slice %arg11[%dma_wait3A_197, %dma_wait3A_198] : memref<10240x128xf32, #tpu.memory_space<vmem_shared>> -> memref<520x128xf32, #tpu.memory_space<vmem_shared>>
          tpu.wait_dma2 semaphore(%run_scoped3A : memref<!tpu.dma_semaphore, #tpu.memory_space<semaphore_mem>>) src(%dma_wait3A_199 : memref<520x128xf32, #tpu.memory_space<vmem_shared>>) dst(%dma_wait3A_196 : memref<520x128xf32, #tpu.memory_space<hbm>>)
          tpu.yield
        }) : () -> ()
      } else {
      }
    } else {
    }
    %eq3A_176 = arith.constant 1 : i32
    %eq3A_177 = arith.cmpi eq, %arg0, %eq3A_176 : i32
    %convert_element_type3A_178 = arith.extui %eq3A_177 : i1 to i32
    %cond3A_179 = arith.constant 0 : i32
    %cond3A_180 = arith.cmpi ne, %convert_element_type3A_178, %cond3A_179 : i32
    scf.if %cond3A_180 {
      %ne3A = arith.constant 15 : i32
      %ne3A_181 = arith.cmpi ne, %arg1, %ne3A : i32
      %convert_element_type3A_182 = arith.extui %ne3A_181 : i1 to i32
      %cond3A_183 = arith.constant 0 : i32
      %cond3A_184 = arith.cmpi ne, %convert_element_type3A_182, %cond3A_183 : i32
      scf.if %cond3A_184 {
        %mul3A_190 = arith.constant 632 : i32
        %mul3A_191 = arith.muli %arg1, %mul3A_190 : i32
        %mul3A_192 = arith.constant 632 : i32
        %mul3A_193 = arith.muli %arg1, %mul3A_192 : i32
        "tpu.region"() ({
          %run_scoped3A = tpu.sem_alloc : memref<!tpu.dma_semaphore, #tpu.memory_space<semaphore_mem>>
          %dma_start3A = arith.constant 0 : i32
          %dma_start3A_194 = tpu.memref_slice %arg6[%mul3A_193, %dma_start3A] : memref<10000x128xf32, #tpu.memory_space<hbm>> -> memref<632x128xf32, #tpu.memory_space<hbm>>
          %dma_start3A_195 = arith.constant 0 : i32
          %dma_start3A_196 = tpu.memref_slice %arg11[%mul3A_191, %dma_start3A_195] : memref<10240x128xf32, #tpu.memory_space<vmem_shared>> -> memref<632x128xf32, #tpu.memory_space<vmem_shared>>
          tpu.enqueue_dma source(%dma_start3A_196 : memref<632x128xf32, #tpu.memory_space<vmem_shared>>) target(%dma_start3A_194 : memref<632x128xf32, #tpu.memory_space<hbm>>) target_semaphore(%run_scoped3A : memref<!tpu.dma_semaphore, #tpu.memory_space<semaphore_mem>>)
          %dma_wait3A = arith.constant 0 : i32
          %dma_wait3A_197 = tpu.memref_slice %arg6[%mul3A_193, %dma_wait3A] : memref<10000x128xf32, #tpu.memory_space<hbm>> -> memref<632x128xf32, #tpu.memory_space<hbm>>
          %dma_wait3A_198 = arith.constant 0 : i32
          %dma_wait3A_199 = tpu.memref_slice %arg11[%mul3A_191, %dma_wait3A_198] : memref<10240x128xf32, #tpu.memory_space<vmem_shared>> -> memref<632x128xf32, #tpu.memory_space<vmem_shared>>
          tpu.wait_dma2 semaphore(%run_scoped3A : memref<!tpu.dma_semaphore, #tpu.memory_space<semaphore_mem>>) src(%dma_wait3A_199 : memref<632x128xf32, #tpu.memory_space<vmem_shared>>) dst(%dma_wait3A_197 : memref<632x128xf32, #tpu.memory_space<hbm>>)
          tpu.yield
        }) : () -> ()
      } else {
      }
      %eq3A_185 = arith.constant 15 : i32
      %eq3A_186 = arith.cmpi eq, %arg1, %eq3A_185 : i32
      %convert_element_type3A_187 = arith.extui %eq3A_186 : i1 to i32
      %cond3A_188 = arith.constant 0 : i32
      %cond3A_189 = arith.cmpi ne, %convert_element_type3A_187, %cond3A_188 : i32
      scf.if %cond3A_189 {
        "tpu.region"() ({
          %run_scoped3A = tpu.sem_alloc : memref<!tpu.dma_semaphore, #tpu.memory_space<semaphore_mem>>
          %dma_start3A = arith.constant 9480 : i32
          %dma_start3A_190 = arith.constant 0 : i32
          %dma_start3A_191 = tpu.memref_slice %arg6[%dma_start3A, %dma_start3A_190] : memref<10000x128xf32, #tpu.memory_space<hbm>> -> memref<520x128xf32, #tpu.memory_space<hbm>>
          %dma_start3A_192 = arith.constant 9480 : i32
          %dma_start3A_193 = arith.constant 0 : i32
          %dma_start3A_194 = tpu.memref_slice %arg11[%dma_start3A_192, %dma_start3A_193] : memref<10240x128xf32, #tpu.memory_space<vmem_shared>> -> memref<520x128xf32, #tpu.memory_space<vmem_shared>>
          tpu.enqueue_dma source(%dma_start3A_194 : memref<520x128xf32, #tpu.memory_space<vmem_shared>>) target(%dma_start3A_191 : memref<520x128xf32, #tpu.memory_space<hbm>>) target_semaphore(%run_scoped3A : memref<!tpu.dma_semaphore, #tpu.memory_space<semaphore_mem>>)
          %dma_wait3A = arith.constant 9480 : i32
          %dma_wait3A_195 = arith.constant 0 : i32
          %dma_wait3A_196 = tpu.memref_slice %arg6[%dma_wait3A, %dma_wait3A_195] : memref<10000x128xf32, #tpu.memory_space<hbm>> -> memref<520x128xf32, #tpu.memory_space<hbm>>
          %dma_wait3A_197 = arith.constant 9480 : i32
          %dma_wait3A_198 = arith.constant 0 : i32
          %dma_wait3A_199 = tpu.memref_slice %arg11[%dma_wait3A_197, %dma_wait3A_198] : memref<10240x128xf32, #tpu.memory_space<vmem_shared>> -> memref<520x128xf32, #tpu.memory_space<vmem_shared>>
          tpu.wait_dma2 semaphore(%run_scoped3A : memref<!tpu.dma_semaphore, #tpu.memory_space<semaphore_mem>>) src(%dma_wait3A_199 : memref<520x128xf32, #tpu.memory_space<vmem_shared>>) dst(%dma_wait3A_196 : memref<520x128xf32, #tpu.memory_space<hbm>>)
          tpu.yield
        }) : () -> ()
      } else {
      }
    } else {
    }
    return
  }
}

module attributes {stable_mosaic.version = 14 : i64} {
  func.func @body(%arg0: i32, %arg1: memref<1000x128xf32, #tpu.memory_space<vmem>>, %arg2: memref<8x128xf32, #tpu.memory_space<vmem>>, %arg3: memref<8x128xf32, #tpu.memory_space<vmem>>, %arg4: memref<1x128xf32, #tpu.memory_space<vmem>>, %arg5: memref<1x128xf32, #tpu.memory_space<vmem>>, %arg6: memref<1000x128xf32, #tpu.memory_space<vmem>>) attributes {dimension_semantics = [#tpu.dimension_semantics<arbitrary>], iteration_bounds = array<i64: 10>, scalar_prefetch = 0 : i64, scratch_operands = 0 : i64, tpu.core_type = #tpu.core_type<tc>, window_params = [{transform_indices = @transform_0, window_bounds = array<i64: 1000, 128>}, {pipeline_mode = #tpu.pipeline_mode<synchronous>, transform_indices = @transform_1, window_bounds = array<i64: 8, 128>}, {pipeline_mode = #tpu.pipeline_mode<synchronous>, transform_indices = @transform_2, window_bounds = array<i64: 8, 128>}, {pipeline_mode = #tpu.pipeline_mode<synchronous>, transform_indices = @transform_3, window_bounds = array<i64: 1, 128>}, {pipeline_mode = #tpu.pipeline_mode<synchronous>, transform_indices = @transform_4, window_bounds = array<i64: 1, 128>}, {transform_indices = @transform_5, window_bounds = array<i64: 1000, 128>}]} {
    %get3A = arith.constant 0 : index
    %get3A_0 = arith.constant 0 : index
    %get3A_1 = vector.load %arg2[%get3A, %get3A_0] : memref<8x128xf32, #tpu.memory_space<vmem>>, vector<8x128xf32>
    %reduce_sum3A = arith.constant dense<0.000000e+00> : vector<128xf32>
    %reduce_sum3A_2 = vector.multi_reduction <add>, %get3A_1, %reduce_sum3A [0] : vector<8x128xf32> to vector<128xf32>
    %broadcast_in_dim3A = vector.shape_cast %reduce_sum3A_2 : vector<128xf32> to vector<1x128xf32>
    %get3A_3 = arith.constant 0 : index
    %get3A_4 = arith.constant 0 : index
    %get3A_5 = vector.load %arg3[%get3A_3, %get3A_4] : memref<8x128xf32, #tpu.memory_space<vmem>>, vector<8x128xf32>
    %reduce_sum3A_6 = arith.constant dense<0.000000e+00> : vector<128xf32>
    %reduce_sum3A_7 = vector.multi_reduction <add>, %get3A_5, %reduce_sum3A_6 [0] : vector<8x128xf32> to vector<128xf32>
    %broadcast_in_dim3A_8 = vector.shape_cast %reduce_sum3A_7 : vector<128xf32> to vector<1x128xf32>
    %div3A = arith.constant 1.000000e+04 : f32
    %div3A_9 = vector.broadcast %div3A : f32 to vector<1x128xf32>
    %div3A_10 = arith.divf %broadcast_in_dim3A, %div3A_9 : vector<1x128xf32>
    %div3A_11 = arith.constant 1.000000e+04 : f32
    %div3A_12 = vector.broadcast %div3A_11 : f32 to vector<1x128xf32>
    %div3A_13 = arith.divf %broadcast_in_dim3A_8, %div3A_12 : vector<1x128xf32>
    %mul3A = arith.mulf %div3A_10, %div3A_10 : vector<1x128xf32>
    %sub3A = arith.subf %div3A_13, %mul3A : vector<1x128xf32>
    %get3A_14 = arith.constant 0 : index
    %get3A_15 = arith.constant 0 : index
    %get3A_16 = vector.load %arg4[%get3A_14, %get3A_15] : memref<1x128xf32, #tpu.memory_space<vmem>>, vector<1x128xf32>
    %add3A = arith.constant 9.99999974E-6 : f32
    %add3A_17 = vector.broadcast %add3A : f32 to vector<1x128xf32>
    %add3A_18 = arith.addf %sub3A, %add3A_17 : vector<1x128xf32>
    %rsqrt3A = math.rsqrt %add3A_18 : vector<1x128xf32>
    %mul3A_19 = arith.mulf %get3A_16, %rsqrt3A : vector<1x128xf32>
    %get3A_20 = arith.constant 0 : index
    %get3A_21 = arith.constant 0 : index
    %get3A_22 = vector.load %arg5[%get3A_20, %get3A_21] : memref<1x128xf32, #tpu.memory_space<vmem>>, vector<1x128xf32>
    %mul3A_23 = arith.mulf %div3A_10, %mul3A_19 : vector<1x128xf32>
    %sub3A_24 = arith.subf %get3A_22, %mul3A_23 : vector<1x128xf32>
    %get3A_25 = arith.constant 0 : index
    %get3A_26 = arith.constant 0 : index
    %get3A_27 = vector.load %arg1[%get3A_25, %get3A_26] : memref<1000x128xf32, #tpu.memory_space<vmem>>, vector<1000x128xf32>
    %mul3A_28 = vector.broadcast %mul3A_19 : vector<1x128xf32> to vector<1000x128xf32>
    %mul3A_29 = arith.mulf %get3A_27, %mul3A_28 : vector<1000x128xf32>
    %add3A_30 = vector.broadcast %sub3A_24 : vector<1x128xf32> to vector<1000x128xf32>
    %add3A_31 = arith.addf %mul3A_29, %add3A_30 : vector<1000x128xf32>
    %max3A = arith.constant 0.000000e+00 : f32
    %max3A_32 = vector.broadcast %max3A : f32 to vector<1000x128xf32>
    %max3A_33 = arith.maximumf %add3A_31, %max3A_32 : vector<1000x128xf32>
    %swap3A = arith.constant 0 : index
    %swap3A_34 = arith.constant 0 : index
    %swap3A_35 = vector.load %arg6[%swap3A, %swap3A_34] : memref<1000x128xf32, #tpu.memory_space<vmem>>, vector<1000x128xf32>
    tpu.vector_store %arg6[%swap3A, %swap3A_34], %max3A_33 {strides = array<i32>} : memref<1000x128xf32, #tpu.memory_space<vmem>>, vector<1000x128xf32>,
    return
  }
  func.func @transform_0(%arg0: i32) -> (i32, i32) {
    %c0_i32 = arith.constant 0 : i32
    %c0_i32_0 = arith.constant 0 : i32
    return %arg0, %c0_i32 : i32, i32
  }
  func.func @transform_1(%arg0: i32) -> (i32, i32) {
    %c0_i32 = arith.constant 0 : i32
    %c0_i32_0 = arith.constant 0 : i32
    %c0_i32_1 = arith.constant 0 : i32
    return %c0_i32, %c0_i32_0 : i32, i32
  }
  func.func @transform_2(%arg0: i32) -> (i32, i32) {
    %c0_i32 = arith.constant 0 : i32
    %c0_i32_0 = arith.constant 0 : i32
    %c0_i32_1 = arith.constant 0 : i32
    return %c0_i32, %c0_i32_0 : i32, i32
  }
  func.func @transform_3(%arg0: i32) -> (i32, i32) {
    %c0_i32 = arith.constant 0 : i32
    %c0_i32_0 = arith.constant 0 : i32
    %c0_i32_1 = arith.constant 0 : i32
    return %c0_i32, %c0_i32_0 : i32, i32
  }
  func.func @transform_4(%arg0: i32) -> (i32, i32) {
    %c0_i32 = arith.constant 0 : i32
    %c0_i32_0 = arith.constant 0 : i32
    %c0_i32_1 = arith.constant 0 : i32
    return %c0_i32, %c0_i32_0 : i32, i32
  }
  func.func @transform_5(%arg0: i32) -> (i32, i32) {
    %c0_i32 = arith.constant 0 : i32
    %c0_i32_0 = arith.constant 0 : i32
    return %arg0, %c0_i32 : i32, i32
  }
}

module attributes {stable_mosaic.version = 14 : i64} {
  func.func @body(%arg0: i32, %arg1: memref<1000x128xf32, #tpu.memory_space<vmem>>, %arg2: memref<1000x128xf32, #tpu.memory_space<vmem>>, %arg3: memref<1000x128xf32, #tpu.memory_space<vmem>>, %arg4: memref<128x128xf32, #tpu.memory_space<vmem>>, %arg5: memref<128x128xf32, #tpu.memory_space<vmem>>, %arg6: memref<1x128xf32, #tpu.memory_space<vmem>>, %arg7: memref<1000x128xf32, #tpu.memory_space<vmem>>, %arg8: memref<8x128xf32, #tpu.memory_space<vmem>>, %arg9: memref<8x128xf32, #tpu.memory_space<vmem>>) attributes {dimension_semantics = [#tpu.dimension_semantics<arbitrary>], iteration_bounds = array<i64: 10>, scalar_prefetch = 0 : i64, scratch_operands = 0 : i64, tpu.core_type = #tpu.core_type<tc>, window_params = [{transform_indices = @transform_0, window_bounds = array<i64: 1000, 128>}, {transform_indices = @transform_1, window_bounds = array<i64: 1000, 128>}, {transform_indices = @transform_2, window_bounds = array<i64: 1000, 128>}, {pipeline_mode = #tpu.pipeline_mode<synchronous>, transform_indices = @transform_3, window_bounds = array<i64: 128, 128>}, {pipeline_mode = #tpu.pipeline_mode<synchronous>, transform_indices = @transform_4, window_bounds = array<i64: 128, 128>}, {pipeline_mode = #tpu.pipeline_mode<synchronous>, transform_indices = @transform_5, window_bounds = array<i64: 1, 128>}, {transform_indices = @transform_6, window_bounds = array<i64: 1000, 128>}, {pipeline_mode = #tpu.pipeline_mode<synchronous>, transform_indices = @transform_7, window_bounds = array<i64: 8, 128>}, {pipeline_mode = #tpu.pipeline_mode<synchronous>, transform_indices = @transform_8, window_bounds = array<i64: 8, 128>}]} {
    %get3A = arith.constant 0 : index
    %get3A_0 = arith.constant 0 : index
    %get3A_1 = vector.load %arg1[%get3A, %get3A_0] : memref<1000x128xf32, #tpu.memory_space<vmem>>, vector<1000x128xf32>
    %get3A_2 = arith.constant 0 : index
    %get3A_3 = arith.constant 0 : index
    %get3A_4 = vector.load %arg2[%get3A_2, %get3A_3] : memref<1000x128xf32, #tpu.memory_space<vmem>>, vector<1000x128xf32>
    %add3A = arith.addf %get3A_1, %get3A_4 : vector<1000x128xf32>
    %get3A_5 = arith.constant 0 : index
    %get3A_6 = arith.constant 0 : index
    %get3A_7 = vector.load %arg4[%get3A_5, %get3A_6] : memref<128x128xf32, #tpu.memory_space<vmem>>, vector<128x128xf32>
    %dot_general3A = arith.constant dense<0.000000e+00> : vector<1000x128xf32>
    %dot_general3A_8 = tpu.matmul %add3A, %get3A_7, %dot_general3A {dimension_numbers = #tpu.dot_dimension_numbers<[1], [0], [0], [1], [0, 0, 1, 1], [], []>, transpose_lhs_hint = false} : vector<1000x128xf32>, vector<128x128xf32>, vector<1000x128xf32> -> vector<1000x128xf32>
    %get3A_9 = arith.constant 0 : index
    %get3A_10 = arith.constant 0 : index
    %get3A_11 = vector.load %arg3[%get3A_9, %get3A_10] : memref<1000x128xf32, #tpu.memory_space<vmem>>, vector<1000x128xf32>
    %get3A_12 = arith.constant 0 : index
    %get3A_13 = arith.constant 0 : index
    %get3A_14 = vector.load %arg5[%get3A_12, %get3A_13] : memref<128x128xf32, #tpu.memory_space<vmem>>, vector<128x128xf32>
    %dot_general3A_15 = arith.constant dense<0.000000e+00> : vector<1000x128xf32>
    %dot_general3A_16 = tpu.matmul %get3A_11, %get3A_14, %dot_general3A_15 {dimension_numbers = #tpu.dot_dimension_numbers<[1], [0], [0], [1], [0, 0, 1, 1], [], []>, transpose_lhs_hint = false} : vector<1000x128xf32>, vector<128x128xf32>, vector<1000x128xf32> -> vector<1000x128xf32>
    %add3A_17 = arith.addf %dot_general3A_8, %dot_general3A_16 : vector<1000x128xf32>
    %get3A_18 = arith.constant 0 : index
    %get3A_19 = arith.constant 0 : index
    %get3A_20 = vector.load %arg6[%get3A_18, %get3A_19] : memref<1x128xf32, #tpu.memory_space<vmem>>, vector<1x128xf32>
    %add3A_21 = vector.broadcast %get3A_20 : vector<1x128xf32> to vector<1000x128xf32>
    %add3A_22 = arith.addf %add3A_17, %add3A_21 : vector<1000x128xf32>
    %swap3A = arith.constant 0 : index
    %swap3A_23 = arith.constant 0 : index
    %swap3A_24 = vector.load %arg7[%swap3A, %swap3A_23] : memref<1000x128xf32, #tpu.memory_space<vmem>>, vector<1000x128xf32>
    tpu.vector_store %arg7[%swap3A, %swap3A_23], %add3A_22 {strides = array<i32>} : memref<1000x128xf32, #tpu.memory_space<vmem>>, vector<1000x128xf32>,
    %reshape3A = vector.shape_cast %add3A_22 : vector<1000x128xf32> to vector<125x8x128xf32>
    %reduce_sum3A = arith.constant dense<0.000000e+00> : vector<8x128xf32>
    %reduce_sum3A_25 = vector.multi_reduction <add>, %reshape3A, %reduce_sum3A [0] : vector<125x8x128xf32> to vector<8x128xf32>
    %mul3A = arith.mulf %add3A_22, %add3A_22 : vector<1000x128xf32>
    %reshape3A_26 = vector.shape_cast %mul3A : vector<1000x128xf32> to vector<125x8x128xf32>
    %reduce_sum3A_27 = arith.constant dense<0.000000e+00> : vector<8x128xf32>
    %reduce_sum3A_28 = vector.multi_reduction <add>, %reshape3A_26, %reduce_sum3A_27 [0] : vector<125x8x128xf32> to vector<8x128xf32>
    %eq3A = arith.constant 0 : i32
    %eq3A_29 = arith.cmpi eq, %arg0, %eq3A : i32
    %convert_element_type3A = arith.extui %eq3A_29 : i1 to i32
    %cond3A = arith.constant 0 : i32
    %cond3A_30 = arith.cmpi ne, %convert_element_type3A, %cond3A : i32
    scf.if %cond3A_30 {
      %swap3A_35 = arith.constant 0 : index
      %swap3A_36 = arith.constant 0 : index
      %swap3A_37 = vector.load %arg8[%swap3A_35, %swap3A_36] : memref<8x128xf32, #tpu.memory_space<vmem>>, vector<8x128xf32>
      tpu.vector_store %arg8[%swap3A_35, %swap3A_36], %reduce_sum3A_25 {strides = array<i32>} : memref<8x128xf32, #tpu.memory_space<vmem>>, vector<8x128xf32>,
      %swap3A_38 = arith.constant 0 : index
      %swap3A_39 = arith.constant 0 : index
      %swap3A_40 = vector.load %arg9[%swap3A_38, %swap3A_39] : memref<8x128xf32, #tpu.memory_space<vmem>>, vector<8x128xf32>
      tpu.vector_store %arg9[%swap3A_38, %swap3A_39], %reduce_sum3A_28 {strides = array<i32>} : memref<8x128xf32, #tpu.memory_space<vmem>>, vector<8x128xf32>,
    } else {
    }
    %ne3A = arith.constant 0 : i32
    %ne3A_31 = arith.cmpi ne, %arg0, %ne3A : i32
    %convert_element_type3A_32 = arith.extui %ne3A_31 : i1 to i32
    %cond3A_33 = arith.constant 0 : i32
    %cond3A_34 = arith.cmpi ne, %convert_element_type3A_32, %cond3A_33 : i32
    scf.if %cond3A_34 {
      %get3A_35 = arith.constant 0 : index
      %get3A_36 = arith.constant 0 : index
      %get3A_37 = vector.load %arg8[%get3A_35, %get3A_36] : memref<8x128xf32, #tpu.memory_space<vmem>>, vector<8x128xf32>
      %add3A_38 = arith.addf %get3A_37, %reduce_sum3A_25 : vector<8x128xf32>
      %swap3A_39 = arith.constant 0 : index
      %swap3A_40 = arith.constant 0 : index
      %swap3A_41 = vector.load %arg8[%swap3A_39, %swap3A_40] : memref<8x128xf32, #tpu.memory_space<vmem>>, vector<8x128xf32>
      tpu.vector_store %arg8[%swap3A_39, %swap3A_40], %add3A_38 {strides = array<i32>} : memref<8x128xf32, #tpu.memory_space<vmem>>, vector<8x128xf32>,
      %get3A_42 = arith.constant 0 : index
      %get3A_43 = arith.constant 0 : index
      %get3A_44 = vector.load %arg9[%get3A_42, %get3A_43] : memref<8x128xf32, #tpu.memory_space<vmem>>, vector<8x128xf32>
      %add3A_45 = arith.addf %get3A_44, %reduce_sum3A_28 : vector<8x128xf32>
      %swap3A_46 = arith.constant 0 : index
      %swap3A_47 = arith.constant 0 : index
      %swap3A_48 = vector.load %arg9[%swap3A_46, %swap3A_47] : memref<8x128xf32, #tpu.memory_space<vmem>>, vector<8x128xf32>
      tpu.vector_store %arg9[%swap3A_46, %swap3A_47], %add3A_45 {strides = array<i32>} : memref<8x128xf32, #tpu.memory_space<vmem>>, vector<8x128xf32>,
    } else {
    }
    return
  }
  func.func @transform_0(%arg0: i32) -> (i32, i32) {
    %c0_i32 = arith.constant 0 : i32
    %c0_i32_0 = arith.constant 0 : i32
    return %arg0, %c0_i32 : i32, i32
  }
  func.func @transform_1(%arg0: i32) -> (i32, i32) {
    %c0_i32 = arith.constant 0 : i32
    %c0_i32_0 = arith.constant 0 : i32
    return %arg0, %c0_i32 : i32, i32
  }
  func.func @transform_2(%arg0: i32) -> (i32, i32) {
    %c0_i32 = arith.constant 0 : i32
    %c0_i32_0 = arith.constant 0 : i32
    return %arg0, %c0_i32 : i32, i32
  }
  func.func @transform_3(%arg0: i32) -> (i32, i32) {
    %c0_i32 = arith.constant 0 : i32
    %c0_i32_0 = arith.constant 0 : i32
    %c0_i32_1 = arith.constant 0 : i32
    return %c0_i32, %c0_i32_0 : i32, i32
  }
  func.func @transform_4(%arg0: i32) -> (i32, i32) {
    %c0_i32 = arith.constant 0 : i32
    %c0_i32_0 = arith.constant 0 : i32
    %c0_i32_1 = arith.constant 0 : i32
    return %c0_i32, %c0_i32_0 : i32, i32
  }
  func.func @transform_5(%arg0: i32) -> (i32, i32) {
    %c0_i32 = arith.constant 0 : i32
    %c0_i32_0 = arith.constant 0 : i32
    %c0_i32_1 = arith.constant 0 : i32
    return %c0_i32, %c0_i32_0 : i32, i32
  }
  func.func @transform_6(%arg0: i32) -> (i32, i32) {
    %c0_i32 = arith.constant 0 : i32
    %c0_i32_0 = arith.constant 0 : i32
    return %arg0, %c0_i32 : i32, i32
  }
  func.func @transform_7(%arg0: i32) -> (i32, i32) {
    %c0_i32 = arith.constant 0 : i32
    %c0_i32_0 = arith.constant 0 : i32
    %c0_i32_1 = arith.constant 0 : i32
    return %c0_i32, %c0_i32_0 : i32, i32
  }
  func.func @transform_8(%arg0: i32) -> (i32, i32) {
    %c0_i32 = arith.constant 0 : i32
    %c0_i32_0 = arith.constant 0 : i32
    %c0_i32_1 = arith.constant 0 : i32
    return %c0_i32, %c0_i32_0 : i32, i32
  }
}

module attributes {stable_mosaic.version = 14 : i64} {
  func.func @body(%arg0: i32, %arg1: memref<1000x128xf32, #tpu.memory_space<vmem>>, %arg2: memref<1x1x1000xi32, #tpu.memory_space<vmem>>, %arg3: memref<64x128xf32, #tpu.memory_space<vmem>>, %arg4: memref<64x128xf32, #tpu.memory_space<vmem>>, %arg5: memref<64x128xf32, #tpu.memory_space<vmem>>) attributes {dimension_semantics = [#tpu.dimension_semantics<arbitrary>], iteration_bounds = array<i64: 10>, scalar_prefetch = 0 : i64, scratch_operands = 2 : i64, tpu.core_type = #tpu.core_type<tc>, window_params = [{transform_indices = @transform_0, window_bounds = array<i64: 1000, 128>}, {transform_indices = @transform_1, window_bounds = array<i64: 1, 1, 1000>}, {pipeline_mode = #tpu.pipeline_mode<synchronous>, transform_indices = @transform_2, window_bounds = array<i64: 64, 128>}]} {
    %get3A = arith.constant 0 : index
    %get3A_0 = arith.constant 0 : index
    %get3A_1 = arith.constant 0 : index
    %get3A_2 = vector.load %arg2[%get3A, %get3A_0, %get3A_1] : memref<1x1x1000xi32, #tpu.memory_space<vmem>>, vector<1x1x1000xi32>
    %reshape3A = vector.shape_cast %get3A_2 : vector<1x1x1000xi32> to vector<1x1000xi32>
    %broadcast_in_dim3A = vector.shape_cast %reshape3A : vector<1x1000xi32> to vector<1x1000xi32>
    %broadcast_in_dim3A_3 = vector.broadcast %broadcast_in_dim3A : vector<1x1000xi32> to vector<64x1000xi32>
    %iota3A = tpu.iota {dimensions = array<i32: 0>} : vector<64x1000xi32>
    %eq3A = arith.cmpi eq, %broadcast_in_dim3A_3, %iota3A : vector<64x1000xi32>
    %convert_element_type3A = arith.extui %eq3A : vector<64x1000xi1> to vector<64x1000xi32>
    %convert_element_type3A_4 = arith.sitofp %convert_element_type3A : vector<64x1000xi32> to vector<64x1000xf32>
    %get3A_5 = arith.constant 0 : index
    %get3A_6 = arith.constant 0 : index
    %get3A_7 = vector.load %arg1[%get3A_5, %get3A_6] : memref<1000x128xf32, #tpu.memory_space<vmem>>, vector<1000x128xf32>
    %dot_general3A = arith.constant dense<0.000000e+00> : vector<64x128xf32>
    %dot_general3A_8 = tpu.matmul %convert_element_type3A_4, %get3A_7, %dot_general3A {dimension_numbers = #tpu.dot_dimension_numbers<[1], [0], [0], [1], [0, 0, 1, 1], [], []>, transpose_lhs_hint = false} : vector<64x1000xf32>, vector<1000x128xf32>, vector<64x128xf32> -> vector<64x128xf32>
    %reduce_sum3A = arith.constant dense<0.000000e+00> : vector<64xf32>
    %reduce_sum3A_9 = vector.multi_reduction <add>, %convert_element_type3A_4, %reduce_sum3A [1] : vector<64x1000xf32> to vector<64xf32>
    %broadcast_in_dim3A_10 = vector.shape_cast %reduce_sum3A_9 : vector<64xf32> to vector<64x1xf32>
    %broadcast_in_dim3A_11 = vector.shape_cast %broadcast_in_dim3A_10 : vector<64x1xf32> to vector<64x1xf32>
    %broadcast_in_dim3A_12 = vector.broadcast %broadcast_in_dim3A_11 : vector<64x1xf32> to vector<64x128xf32>
    %eq3A_13 = arith.constant 0 : i32
    %eq3A_14 = arith.cmpi eq, %arg0, %eq3A_13 : i32
    %convert_element_type3A_15 = arith.extui %eq3A_14 : i1 to i32
    %cond3A = arith.constant 0 : i32
    %cond3A_16 = arith.cmpi ne, %convert_element_type3A_15, %cond3A : i32
    scf.if %cond3A_16 {
      %swap3A = arith.constant 0 : index
      %swap3A_26 = arith.constant 0 : index
      %swap3A_27 = vector.load %arg4[%swap3A, %swap3A_26] : memref<64x128xf32, #tpu.memory_space<vmem>>, vector<64x128xf32>
      tpu.vector_store %arg4[%swap3A, %swap3A_26], %dot_general3A_8 {strides = array<i32>} : memref<64x128xf32, #tpu.memory_space<vmem>>, vector<64x128xf32>,
      %swap3A_28 = arith.constant 0 : index
      %swap3A_29 = arith.constant 0 : index
      %swap3A_30 = vector.load %arg5[%swap3A_28, %swap3A_29] : memref<64x128xf32, #tpu.memory_space<vmem>>, vector<64x128xf32>
      tpu.vector_store %arg5[%swap3A_28, %swap3A_29], %broadcast_in_dim3A_12 {strides = array<i32>} : memref<64x128xf32, #tpu.memory_space<vmem>>, vector<64x128xf32>,
    } else {
    }
    %ne3A = arith.constant 0 : i32
    %ne3A_17 = arith.cmpi ne, %arg0, %ne3A : i32
    %convert_element_type3A_18 = arith.extui %ne3A_17 : i1 to i32
    %cond3A_19 = arith.constant 0 : i32
    %cond3A_20 = arith.cmpi ne, %convert_element_type3A_18, %cond3A_19 : i32
    scf.if %cond3A_20 {
      %get3A_26 = arith.constant 0 : index
      %get3A_27 = arith.constant 0 : index
      %get3A_28 = vector.load %arg4[%get3A_26, %get3A_27] : memref<64x128xf32, #tpu.memory_space<vmem>>, vector<64x128xf32>
      %add3A = arith.addf %get3A_28, %dot_general3A_8 : vector<64x128xf32>
      %swap3A = arith.constant 0 : index
      %swap3A_29 = arith.constant 0 : index
      %swap3A_30 = vector.load %arg4[%swap3A, %swap3A_29] : memref<64x128xf32, #tpu.memory_space<vmem>>, vector<64x128xf32>
      tpu.vector_store %arg4[%swap3A, %swap3A_29], %add3A {strides = array<i32>} : memref<64x128xf32, #tpu.memory_space<vmem>>, vector<64x128xf32>,
      %get3A_31 = arith.constant 0 : index
      %get3A_32 = arith.constant 0 : index
      %get3A_33 = vector.load %arg5[%get3A_31, %get3A_32] : memref<64x128xf32, #tpu.memory_space<vmem>>, vector<64x128xf32>
      %add3A_34 = arith.addf %get3A_33, %broadcast_in_dim3A_12 : vector<64x128xf32>
      %swap3A_35 = arith.constant 0 : index
      %swap3A_36 = arith.constant 0 : index
      %swap3A_37 = vector.load %arg5[%swap3A_35, %swap3A_36] : memref<64x128xf32, #tpu.memory_space<vmem>>, vector<64x128xf32>
      tpu.vector_store %arg5[%swap3A_35, %swap3A_36], %add3A_34 {strides = array<i32>} : memref<64x128xf32, #tpu.memory_space<vmem>>, vector<64x128xf32>,
    } else {
    }
    %eq3A_21 = arith.constant 9 : i32
    %eq3A_22 = arith.cmpi eq, %arg0, %eq3A_21 : i32
    %convert_element_type3A_23 = arith.extui %eq3A_22 : i1 to i32
    %cond3A_24 = arith.constant 0 : i32
    %cond3A_25 = arith.cmpi ne, %convert_element_type3A_23, %cond3A_24 : i32
    scf.if %cond3A_25 {
      %get3A_26 = arith.constant 0 : index
      %get3A_27 = arith.constant 0 : index
      %get3A_28 = vector.load %arg4[%get3A_26, %get3A_27] : memref<64x128xf32, #tpu.memory_space<vmem>>, vector<64x128xf32>
      %get3A_29 = arith.constant 0 : index
      %get3A_30 = arith.constant 0 : index
      %get3A_31 = vector.load %arg5[%get3A_29, %get3A_30] : memref<64x128xf32, #tpu.memory_space<vmem>>, vector<64x128xf32>
      %max3A = arith.constant 1.000000e+00 : f32
      %max3A_32 = vector.broadcast %max3A : f32 to vector<64x128xf32>
      %max3A_33 = arith.maximumf %get3A_31, %max3A_32 : vector<64x128xf32>
      %div3A = arith.divf %get3A_28, %max3A_33 : vector<64x128xf32>
      %swap3A = arith.constant 0 : index
      %swap3A_34 = arith.constant 0 : index
      %swap3A_35 = vector.load %arg3[%swap3A, %swap3A_34] : memref<64x128xf32, #tpu.memory_space<vmem>>, vector<64x128xf32>
      tpu.vector_store %arg3[%swap3A, %swap3A_34], %div3A {strides = array<i32>} : memref<64x128xf32, #tpu.memory_space<vmem>>, vector<64x128xf32>,
    } else {
    }
    return
  }
  func.func @transform_0(%arg0: i32) -> (i32, i32) {
    %c0_i32 = arith.constant 0 : i32
    %c0_i32_0 = arith.constant 0 : i32
    return %arg0, %c0_i32 : i32, i32
  }
  func.func @transform_1(%arg0: i32) -> (i32, i32, i32) {
    %c0_i32 = arith.constant 0 : i32
    %c0_i32_0 = arith.constant 0 : i32
    %c0_i32_1 = arith.constant 0 : i32
    return %arg0, %c0_i32, %c0_i32_0 : i32, i32, i32
  }
  func.func @transform_2(%arg0: i32) -> (i32, i32) {
    %c0_i32 = arith.constant 0 : i32
    %c0_i32_0 = arith.constant 0 : i32
    %c0_i32_1 = arith.constant 0 : i32
    return %c0_i32, %c0_i32_0 : i32, i32
  }
}

</mosaic_0001>

<sc_bundles>
// kernel: kernel.12.cloned.1.call-start
scs
__scs_entry_jumppad:
0x0: {  	(pc) =	sbr.rel $0x88, $3  }
0x1: {  	(tag) =	ssettag $0x0;
	lr =	simm.s32 $0x1  }
0x2: {  	[smem:$0x3F8F] =	sst lr;
	_ =	strace $0xD0000000  }
0x3: {  	_ = 	snop  }
0x4: {  	_ = 	snop  }
0x5: {  	_ = 	snop  }
0x6: {  	_ = 	snop  }
0x7: {  	_ = 	snop  }
__scs_overlays_trampoline_lowered:
0x8: {  	[smem:$0x3F9E] =	sst s0  }
0x9: {  	[smem:$0x3F9F] =	sst s1  }
0xa: {  	[smem:$0x3FA0] =	sst s2  }
0xb: {  	[smem:$0x3FA1] =	sst s3  }
0xc: {  	[smem:$0x3FA2] =	sst s4  }
0xd: {  	[smem:$0x3FA3] =	sst s5  }
0xe: {  	[smem:$0x3FA4] =	sst s6  }
0xf: {  	[smem:$0x3FA5] =	sst s7  }
0x10: {  	[smem:$0x3FA6] =	sst s8  }
0x11: {  	[smem:$0x3FA7] =	sst s9;
	s0 =	simm.s32 @!p0 $0x0  }
0x12: {  	s1 =	sld [smem:$0x3F8D];
	s0 =	simm.s32 @p0 $0x1  }
0x13: {  	[smem:$0x3FA8] =	sst s0;
	s0 =	simm.s32 @!p1 $0x0  }
0x14: {  	s2 =	sld [smem:$0x3F8C];
	s0 =	simm.s32 @p1 $0x1  }
0x15: {  	[smem:$0x3FA9] =	sst s0;
	s0 =	simm.s32 @!p2 $0x0  }
0x16: {  	s3 =	sld [smem:$0x3FDB];
	s0 =	simm.s32 @p2 $0x1  }
0x17: {  	s4 =	simm.s32 $0x1BF5;
	[smem:$0x3FAB] =	sst s0  }
0x18: {  	s0 =	sld [smem:$0x3F8E];
	_ =	swait.ge [sflag:s4], $0x0  }
0x19: {  	s7 =	sld [smem:$0x3F8F]  }
0x1a: {  	s8 =	sadd.s32 $0xFFFFE003, lr  }
0x1b: {  	s9 =	sadd.s32 $0xFFFFFEF7, lr;
	s5 =	simm.s32 $0xFFFFFFFF;
	p2 =	slt.u32 s8, $0xFFFFF086  }
0x1c: {  	p1 =	slt.u32 s9, $0xF7A;
	s5 =	simm.s32 @!p2 $0x0  }
0x1d: {  	s5 =	simm.s32 @p1 $0x1;
	p0 =	seq.s32 s7, s2  }
0x1e: {  	s7 =	smul.u32 @!p0 $0xF7A, s2;
	p2 =	seq.s32 @!p0 s5, $0x0  }
0x1f: {  	s9 =	smul.u32 $0xF7A, s1;
	s8 =	simm.s32 @!p0 $0x1BF5;
	p2 =	por !p2, p0  }
0x20: {  	[sflag:s8] =	ssyncset.s32 @!p0 $0xFFFFF086;
	s6 =	sadd.s32 @!p0 s3, s7;
	s7 =	simm.s32 @!p0 $0x108  }
0x21: {  	s3 =	sadd.s32 s3, s9;
	s6 =	sadd.s32 @!p0 $0x88, s6;
	s7 =	simm.s32 @p2 $0x1082  }
0x22: {  	[simem:s7], [sflag:s8] =	dma.local @!p0 [hbm:s6], $0xF7A  }
0x23: {  	s9 =	sor.u32 $0xD0000000, s2;
	s6 =	simm.s32 $0x108;
	_ =	swait.ge @!p0 [sflag:s8], $0x0  }
0x24: {  	s3 =	sadd.s32 $0x88, s3;
	s6 =	simm.s32 @!p1 $0x1082;
	[sflag:s4] =	ssyncset.s32 $0xFFFFF086  }
0x25: {  	[simem:s6], [sflag:s4] =	dma.local [hbm:s3], $0xF7A  }
0x26: {  	[smem:$0x3F8F] =	sst s1;
	(tag) =	ssettag s2;
	_ =	strace s9  }
0x27: {  	s1 =	sld [smem:$0x3F9F]  }
0x28: {  	s2 =	sld [smem:$0x3FA0]  }
0x29: {  	s4 =	sld [smem:$0x3FA2]  }
0x2a: {  	p0 =	seq.s32 s5, $0x0;
	s5 =	sld [smem:$0x3FA3]  }
0x2b: {  	s6 =	sld [smem:$0x3FA4]  }
0x2c: {  	s7 =	sld [smem:$0x3FA5]  }
0x2d: {  	s3 =	simm.s32 $0x108;
	s8 =	sld [smem:$0x3FA6]  }
0x2e: {  	s3 =	simm.s32 @!p0 $0x1082;
	s9 =	sld [smem:$0x3FA7]  }
0x2f: {  	lr =	sadd.s32 s0, s3;
	s0 =	sld [smem:$0x3F9E]  }
0x30: {  	s3 =	sld [smem:$0x3FA1]  }
0x31: {  	[smem:$0x3FAA] =	sst s10  }
0x32: {  	s10 =	sld [smem:$0x3FA8];
	_ =	sdelay $0x3  }
0x33: {  	p0 =	seq.s32 s10, $0x1;
	s10 =	sld [smem:$0x3FAA];
	_ =	sdelay $0x3  }
0x34: {  	[smem:$0x3FAA] =	sst s10  }
0x35: {  	s10 =	sld [smem:$0x3FA9];
	_ =	sdelay $0x3  }
0x36: {  	p1 =	seq.s32 s10, $0x1;
	s10 =	sld [smem:$0x3FAA];
	_ =	sdelay $0x3  }
0x37: {  	[smem:$0x3FAA] =	sst s10  }
0x38: {  	s10 =	sld [smem:$0x3FAB]  }
0x39: {  	_ = 	snop;
	(pc) =	sbr.ind lr, $3  }
0x3a: {  	_ = 	snop  }
0x3b: {  	_ = 	snop  }
0x3c: {  	p2 =	seq.s32 s10, $0x1;
	s10 =	sld [smem:$0x3FAA]  }
0x3d: {  	_ =	shalt  }
0x3e: {  	_ =	shalt  }
0x3f: {  	_ =	shalt  }
0x40: {  	_ =	shalt  }
0x41: {  	_ =	shalt  }
0x42: {  	_ =	shalt  }
0x43: {  	_ =	shalt  }
0x44: {  	_ =	shalt  }
0x45: {  	_ =	shalt  }
0x46: {  	_ =	shalt  }
0x47: {  	_ =	shalt  }
0x48: {  	_ =	shalt  }
0x49: {  	_ =	shalt  }
0x4a: {  	_ =	shalt  }
0x4b: {  	_ =	shalt  }
0x4c: {  	_ =	shalt  }
0x4d: {  	_ =	shalt  }
0x4e: {  	_ =	shalt  }
0x4f: {  	_ =	shalt  }
0x50: {  	_ =	shalt  }
0x51: {  	_ =	shalt  }
0x52: {  	_ =	shalt  }
0x53: {  	_ =	shalt  }
0x54: {  	_ =	shalt  }
0x55: {  	_ =	shalt  }
0x56: {  	_ =	shalt  }
0x57: {  	_ =	shalt  }
0x58: {  	_ =	shalt  }
0x59: {  	_ =	shalt  }
0x5a: {  	_ =	shalt  }
0x5b: {  	_ =	shalt  }
0x5c: {  	_ =	shalt  }
0x5d: {  	_ =	shalt  }
0x5e: {  	_ =	shalt  }
0x5f: {  	_ =	shalt  }
0x60: {  	_ =	shalt  }
0x61: {  	_ =	shalt  }
0x62: {  	_ =	shalt  }
0x63: {  	_ =	shalt  }
0x64: {  	_ =	shalt  }
0x65: {  	_ =	shalt  }
0x66: {  	_ =	shalt  }
0x67: {  	_ =	shalt  }
0x68: {  	_ =	shalt  }
0x69: {  	_ =	shalt  }
0x6a: {  	_ =	shalt  }
0x6b: {  	_ =	shalt  }
0x6c: {  	_ =	shalt  }
0x6d: {  	_ =	shalt  }
0x6e: {  	_ =	shalt  }
0x6f: {  	_ =	shalt  }
0x70: {  	_ =	shalt  }
0x71: {  	_ =	shalt  }
0x72: {  	_ =	shalt  }
0x73: {  	_ =	shalt  }
0x74: {  	_ =	shalt  }
0x75: {  	_ =	shalt  }
0x76: {  	_ =	shalt  }
0x77: {  	_ =	shalt  }
0x78: {  	_ =	shalt  }
0x79: {  	_ =	shalt  }
0x7a: {  	_ =	shalt  }
0x7b: {  	_ =	shalt  }
0x7c: {  	_ =	shalt  }
0x7d: {  	_ =	shalt  }
0x7e: {  	_ =	shalt  }
0x7f: {  	_ =	shalt  }
0x80: {  	_ =	shalt  }
0x81: {  	_ =	shalt  }
0x82: {  	_ =	shalt  }
0x83: {  	_ =	shalt  }
0x84: {  	_ =	shalt  }
0x85: {  	_ =	shalt  }
0x86: {  	_ =	shalt  }
0x87: {  	_ =	shalt  }
.Lfunc_end0:
.L_simem_size_0:
called_computation_lowered:
.L_overlay_start_0:
0x88: {  	s2 =	sld [smem:$0x3FD9]  }
0x89: {  	s3 =	sld [smem:$0x3FFE];
	_ =	sdelay $0x1  }
0x8a: {  	s1 =	srdreg.scid  }
0x8b: {  	s0 =	sand.u32 $0x1, s1  }
0x8c: {  	s17 =	sshll.u32 s0, $0xA;
	s2 =	sadd.s32 s3, s2  }
0x8d: {  	s2 =	sadd.s32 s2, s17  }
0x8e: {  	[smem:$0x3FB6] =	sst s2  }
0x8f: {  	_ = 	snop  }
0x90: {  	s2 =	sld [smem:$0x3FC9];
	(tm) =	ssettm $0x1  }
0x91: {  	s18 =	sld [smem:$0x3FFB];
	_ =	sdelay $0x3  }
0x92: {  	_ =	strace s18  }
0x93: {  	s3 =	sld [smem:$0x3FFC];
	_ =	sdelay $0x3  }
0x94: {  	_ =	strace s3  }
0x95: {  	s3 =	sld [smem:$0x3FFD];
	_ =	sdelay $0x3  }
0x96: {  	_ =	strace s3  }
0x97: {  	_ =	strace $0x8FFFFFFF  }
0x98: {  	s19 =	sld [smem:$0x3FDB];
	_ =	sdelay $0x1  }
0x99: {  	s4 =	simm.s32 $_scs_section_size  }
0x9a: {  	s5 =	simm.s32 $_size__tile_overlayer_lowered;
	s6 =	simm.s32 $_tile_overlayer_lowered  }
0x9b: {  	s22 =	simm.s32 $0x1BFF;
	s21 =	sshll.u32 s6, $0x1;
	s3 =	sadd.s32 s4, s19  }
0x9c: {  	s7 =	simm.s32 $0x0;
	s20 =	sshll.u32 s5, $0x1;
	s5 =	sadd.s32 s21, s3  }
0x9d: {  	[timem:s7], [sflag:s22] =	dma.local [hbm:s5], s20  }
0x9e: {  	_ =	swait.ge [sflag:s22], s20  }
0x9f: {  	s4 =	ssub.s32 $0x0, s20;
	[sflag:s22] =	ssyncset.done $0x0  }
0xa0: {  	[sflag:s22] =	ssyncadd.s32 s4;
	_ =	sdelay $0x1  }
0xa1: {  	s23 =	simm.s32 $0x1B8B  }
0xa2: {  	_ =	swait.ge [sflag:s23], $0x1  }
0xa3: {  	[sflag:s23] =	ssyncset.done $0x0  }
0xa4: {  	s25 =	simm.s32 $0x1B8E;
	s24 =	sld [smem:$0x3FFE];
	[sflag:s23] =	ssyncadd.s32 $0xFFFFFFFF  }
0xa5: {  	s26 =	simm.s32 $execute0_lowered;
	[smem:$0x3FD2] =	sst s25  }
0xa6: {  	s5 =	sshll.u32 s26, $0x1;
	_ =	strace $0x80000046;
	[dreg:$0x1] =	wrdreg $0xFFFFFFFF  }
0xa7: {  	s28 =	simm.s32 $_size_execute0_lowered;
	s3 =	sadd.s32 s3, s5;
	[dreg:$0x0] =	wrdreg $0x0  }
0xa8: {  	s5 =	sshll.u32 s28, $0x1;
	[dreg:$0x2] =	wrdreg s3  }
0xa9: {  	[dreg:$0x3] =	wrdreg s5  }
0xaa: {  	[dreg:$0x4] =	wrdreg $0xC0  }
0xab: {  	_ =	task [dreg:s7], $0x5FFFF  }
0xac: {  	[dreg:$0x1] =	wrdreg $0xFFFFFFFF  }
0xad: {  	[dreg:$0x0] =	wrdreg $0x60  }
0xae: {  	[dreg:$0x2] =	wrdreg s2  }
0xaf: {  	[dreg:$0x3] =	wrdreg s24  }
0xb0: {  	[dreg:$0x4] =	wrdreg $0x49000  }
0xb1: {  	[dreg:$0x5] =	wrdreg $0x9  }
0xb2: {  	_ =	task.clear_ibuf [dreg:s7], $0x6FFFF;
	_ =	strace $0x90000046  }
0xb3: {  	s29 =	simm.s32 $0x9;
	_ =	strace $0x80000048  }
0xb4: {  	_ =	swait.ge [sflag:s29], $0x1  }
0xb5: {  	[sflag:s29] =	ssyncadd.s32 $0xFFFFFFFF  }
0xb6: {  	_ =	strace $0x90000048  }
0xb7: {  	_ =	sfence  }
0xb8: {  	s30 =	sld [smem:$0x0];
	_ =	sdelay $0x2  }
0xb9: {  	s31 =	sshll.u32 s1, $0xD;
	s1 =	sshrl.u32 s1, $0x2  }
0xba: {  	s3 =	sand.u32 $0x4000, s31;
	s1 =	sadd.s32 s1, s30  }
0xbb: {  	s0 =	sor.u32 s3, s0;
	s1 =	sshll.u32 s1, $0x11  }
0xbc: {  	s0 =	sor.u32 s1, s0  }
0xbd: {  	s0 =	sadd.s32 $0x8F2B, s0  }
0xbe: {  	[sflag:s0] =	ssyncadd.remote.s32 $0x1  }
0xbf: {  	_ =	sfence.sel $0xFFFF  }
0xc0: {  	[dreg:$0x0] =	wrdreg $0xFFFFFFFF;
	(pc) =	sbr.abs _section_cstart, $3  }
0xc1: {  	[dreg:$0x1] =	wrdreg $0xFFFFFFFF  }
0xc2: {  	_ =	task.clear_ibuf [dreg:s7], $0x2FFFF;
	_ =	strace $0x9FFFFFFF  }
0xc3: {  	(tm) =	ssettm $0x7FFFFFFF  }
tec
execute0_lowered:
.L_overlay_start_1:
0x0: {  	(tag) =	ssettag $0x1  }
0x1: {  	s1 =	rddreg [dreg:$0x0];
	s10 =	stileid.u32  }
0x2: {  	s3 =	srdreg.scid;
	s6 =	smul.u32 $0x50000, s10  }
0x3: {  	s0 =	rddreg [dreg:$0x1];
	s3 =	sand.u32 $0x1, s3;
	s7 =	smul.u32 $0x2780, s10  }
0x4: {  	s2 =	rddreg [dreg:$0x2];
	s4 =	simm.s32 $0x0;
	s5 =	smul.u32 $0x4F00, s3  }
0x5: {  	[smem:$0x7FF] =	sst s4;
	s26 =	sshrl.u32 s6, $0x2;
	s6 =	sadd.s32 s7, s0  }
0x6: {  	_ =	strace $0x80000047;
	s8 =	sadd.s32 s5, s0;
	s25 =	sadd.s32 $0x18E00, s6  }
0x7: {  	s5 =	sadd.s32 s26, s2;
	s26 =	sadd.s32 $0x3DE80, s0;
	[dreg:$0x10] =	wrdreg s25  }
0x8: {  	s6 =	sadd.s32 $0x40000, s6;
	[dreg:$0x11] =	wrdreg s26  }
0x9: {  	s0 =	sadd.s32 $0x65080, s0;
	[dreg:$0x12] =	wrdreg s6  }
0xa: {  	s31 =	simm.s32 $0x4100;
	s12 =	sadd.s32 $0x800, s5;
	[dreg:$0x13] =	wrdreg s0  }
0xb: {  	s19 =	smul.u32 $0x4F000, s10;
	s13 =	sadd.s32 $0x1000, s5;
	[dreg:$0x4] =	wrdreg s12  }
0xc: {  	s24 =	smul.u32 $0x4F0, s10;
	s14 =	sadd.s32 $0x1800, s5;
	[dreg:$0x5] =	wrdreg s13  }
0xd: {  	s30 =	sadd.s32 $0x128400, s2;
	s15 =	sadd.s32 $0x2000, s5;
	[dreg:$0x6] =	wrdreg s14  }
0xe: {  	s9 =	ssub.s32 $0x2, s3;
	s16 =	sadd.s32 $0x2800, s5;
	[dreg:$0x7] =	wrdreg s15  }
0xf: {  	p3 =	seq.s32 s3, $0x1;
	s17 =	sadd.s32 $0x3000, s5;
	[dreg:$0x8] =	wrdreg s16  }
0x10: {  	s11 =	sshrl.u32 s9, $0x1;
	s18 =	sadd.s32 $0x3800, s5;
	[dreg:$0x9] =	wrdreg s17  }
0x11: {  	s7 =	ssub.s32 s9, s11;
	s11 =	sadd.s32 $0x4000, s5;
	[dreg:$0xa] =	wrdreg s18  }
0x12: {  	p1 =	seq.s32 @p3 s10, $0xF;
	s20 =	sadd.s32 $0x4800, s5;
	[dreg:$0xb] =	wrdreg s11  }
0x13: {  	p4 =	seq.s32 @!p3 s10, $0xF;
	s21 =	sadd.s32 $0x5000, s5;
	[dreg:$0xc] =	wrdreg s20  }
0x14: {  	s9 =	sshrl.u32 s19, $0x2;
	s22 =	sadd.s32 $0x5800, s5;
	[dreg:$0xd] =	wrdreg s21  }
0x15: {  	p0 =	por !p1, !p3;
	s23 =	sadd.s32 $0x6000, s5;
	[dreg:$0xe] =	wrdreg s22  }
0x16: {  	p1 =	por p1, !p3;
	s7 =	smax.u32 s7, $0x1;
	[dreg:$0xf] =	wrdreg s23  }
0x17: {  	p2 =	por !p4, p3;
	s10 =	sadd.s32 $0x7000, s5;
	[dreg:$0x14] =	wrdreg s7  }
0x18: {  	p3 =	por p4, p3;
	s19 =	sadd.s32 $0xB000, s5;
	[dreg:$0x16] =	wrdreg s10  }
0x19: {  	s8 =	sadd.s32 s24, s8;
	s26 =	sadd.s32 $0xD800, s5;
	[dreg:$0x1e] =	wrdreg s19  }
0x1a: {  	s18 =	sadd.s32 s9, s2;
	s9 =	sadd.s32 $0x6800, s5;
	[smem:$0x7FD] =	sst s26  }
0x1b: {  	s3 =	sadd.s32 $0x10800, s5;
	s11 =	sadd.s32 $0x7800, s5;
	[dreg:$0x15] =	wrdreg s9  }
0x1c: {  	s28 =	sadd.s32 $0x13000, s5;
	s12 =	sadd.s32 $0x8000, s5;
	[dreg:$0x17] =	wrdreg s11  }
0x1d: {  	s29 =	sadd.s32 $0x13800, s5;
	s13 =	sadd.s32 $0x8800, s5;
	[dreg:$0x18] =	wrdreg s12  }
0x1e: {  	s0 =	simm.s32 $0x2;
	s14 =	sadd.s32 $0x9000, s5;
	[dreg:$0x19] =	wrdreg s13  }
0x1f: {  	s6 =	simm.s32 $0x80;
	s15 =	sadd.s32 $0x9800, s5;
	[dreg:$0x1a] =	wrdreg s14  }
0x20: {  	s24 =	sadd.s32 $0xF000, s8;
	s16 =	sadd.s32 $0xA000, s5;
	[dreg:$0x1b] =	wrdreg s15  }
0x21: {  	s25 =	sadd.s32 $0x5200, s8;
	s17 =	sadd.s32 $0xA800, s5;
	[dreg:$0x1c] =	wrdreg s16  }
0x22: {  	s20 =	sadd.s32 $0xB800, s5;
	s21 =	sadd.s32 $0xC000, s5;
	[dreg:$0x1d] =	wrdreg s17  }
0x23: {  	s22 =	sadd.s32 $0xC800, s5;
	s23 =	sadd.s32 $0xD000, s5;
	[dreg:$0x1f] =	wrdreg s20  }
0x24: {  	s19 =	sadd.s32 $0xF800, s5;
	s26 =	sadd.s32 $0x12800, s5;
	[smem:$0x7FA] =	sst s21  }
0x25: {  	s7 =	simm.s32 $0x100;
	s8 =	simm.s32 $0x1;
	[smem:$0x7FB] =	sst s22  }
0x26: {  	[smem:$0x7FC] =	sst s23;
	s15 =	sadd.s32 $0xE000, s5;
	s16 =	sadd.s32 $0xE800, s5  }
0x27: {  	s17 =	sadd.s32 $0xF000, s5;
	s20 =	sadd.s32 $0x10000, s5;
	s21 =	sadd.s32 $0x11000, s5  }
0x28: {  	v0 =	vimm.f32 $0.0e+00;
	s22 =	sadd.s32 $0x11800, s5;
	s23 =	sadd.s32 $0x12000, s5;
	s9 =	simm.s32 $0x0  }
.LBB2_1:
0x29: {  	s10 =	sand.u32 $0x1E00, s4  }
0x2a: {  	s11 =	sand.u32 $0x70, s4;
	s12 =	sshrl.u32 s10, $0x2  }
0x2b: {  	s10 =	simm.s32 $0x40;
	s12 =	sor.u32 s11, s12;
	s11 =	simm.s32 $0x0  }
.LBB2_2:
0x2c: {  	p4 =	sne.s32 s10, $0x1FC0  }
0x2d: {  	[tilespmem:s12+$0x4100] =	vst v0;
	s11 =	sadd.s32 $0x10, s11;
	s12 =	smov.u32 s10;
	s10 =	sadd.s32 $0x40, s10  }
.Ltmp0:
0x2e: {  	(pc) =	sbr.rel @p4 .LBB2_2-.Ltmp0, $4  }
0x2f: {  	_ = 	snop  }
0x30: {  	s12 =	sand.u32 $0x1E00, s12  }
0x31: {  	s13 =	sand.u32 $0x70, s11;
	s12 =	sshrl.u32 s12, $0x2  }
0x32: {  	s12 =	sor.u32 s13, s12  }
0x33: {  	[tilespmem:s12+$0x4100] =	vst v0  }
0x34: {  	[spmem:s5] =	stream.linear.scatter [tilespmem:s31], [sflag:$0x2], $0x800, $0x38;
	[tilespmem:$0x18900] =	vst v63  }
0x35: {  	_ =	swait.ge [sflag:s0], $0x800  }
0x36: {  	[sflag:s0] =	ssyncset.done $0x0  }
0x37: {  	s10 =	rddreg [dreg:$0x4];
	[sflag:s0] =	ssyncadd.s32 $0xFFFFF800  }
0x38: {  	[spmem:s10] =	stream.linear.scatter [tilespmem:s31], [sflag:$0x2], $0x800, $0x38;
	[tilespmem:$0x18900] =	vst v63  }
0x39: {  	_ =	swait.ge [sflag:s0], $0x800  }
0x3a: {  	[sflag:s0] =	ssyncset.done $0x0  }
0x3b: {  	s11 =	rddreg [dreg:$0x5];
	[sflag:s0] =	ssyncadd.s32 $0xFFFFF800  }
0x3c: {  	[spmem:s11] =	stream.linear.scatter [tilespmem:s31], [sflag:$0x2], $0x800, $0x38;
	[tilespmem:$0x18900] =	vst v63  }
0x3d: {  	_ =	swait.ge [sflag:s0], $0x800  }
0x3e: {  	[sflag:s0] =	ssyncset.done $0x0  }
0x3f: {  	s12 =	rddreg [dreg:$0x6];
	[sflag:s0] =	ssyncadd.s32 $0xFFFFF800  }
0x40: {  	[spmem:s12] =	stream.linear.scatter [tilespmem:s31], [sflag:$0x2], $0x800, $0x38;
	[tilespmem:$0x18900] =	vst v63  }
0x41: {  	_ =	swait.ge [sflag:s0], $0x800  }
0x42: {  	[sflag:s0] =	ssyncset.done $0x0  }
0x43: {  	s13 =	rddreg [dreg:$0x7];
	[sflag:s0] =	ssyncadd.s32 $0xFFFFF800  }
0x44: {  	[spmem:s13] =	stream.linear.scatter [tilespmem:s31], [sflag:$0x2], $0x800, $0x38;
	[tilespmem:$0x18900] =	vst v63  }
0x45: {  	_ =	swait.ge [sflag:s0], $0x800  }
0x46: {  	[sflag:s0] =	ssyncset.done $0x0  }
0x47: {  	s14 =	rddreg [dreg:$0x8];
	[sflag:s0] =	ssyncadd.s32 $0xFFFFF800  }
0x48: {  	[spmem:s14] =	stream.linear.scatter [tilespmem:s31], [sflag:$0x2], $0x800, $0x38;
	[tilespmem:$0x18900] =	vst v63  }
0x49: {  	_ =	swait.ge [sflag:s0], $0x800  }
0x4a: {  	[sflag:s0] =	ssyncset.done $0x0  }
0x4b: {  	s11 =	rddreg [dreg:$0x9];
	[sflag:s0] =	ssyncadd.s32 $0xFFFFF800  }
0x4c: {  	[spmem:s11] =	stream.linear.scatter [tilespmem:s31], [sflag:$0x2], $0x800, $0x38;
	[tilespmem:$0x18900] =	vst v63  }
0x4d: {  	_ =	swait.ge [sflag:s0], $0x800  }
0x4e: {  	[sflag:s0] =	ssyncset.done $0x0  }
0x4f: {  	s12 =	rddreg [dreg:$0xa];
	[sflag:s0] =	ssyncadd.s32 $0xFFFFF800  }
0x50: {  	[spmem:s12] =	stream.linear.scatter [tilespmem:s31], [sflag:$0x2], $0x800, $0x38;
	[tilespmem:$0x18900] =	vst v63  }
0x51: {  	_ =	swait.ge [sflag:s0], $0x800  }
0x52: {  	[sflag:s0] =	ssyncset.done $0x0  }
0x53: {  	s13 =	rddreg [dreg:$0xb];
	[sflag:s0] =	ssyncadd.s32 $0xFFFFF800  }
0x54: {  	[spmem:s13] =	stream.linear.scatter [tilespmem:s31], [sflag:$0x2], $0x800, $0x38;
	[tilespmem:$0x18900] =	vst v63  }
0x55: {  	_ =	swait.ge [sflag:s0], $0x800  }
0x56: {  	[sflag:s0] =	ssyncset.done $0x0  }
0x57: {  	s14 =	rddreg [dreg:$0xc];
	[sflag:s0] =	ssyncadd.s32 $0xFFFFF800  }
0x58: {  	[spmem:s14] =	stream.linear.scatter [tilespmem:s31], [sflag:$0x2], $0x800, $0x38;
	[tilespmem:$0x18900] =	vst v63  }
0x59: {  	_ =	swait.ge [sflag:s0], $0x800  }
0x5a: {  	[sflag:s0] =	ssyncset.done $0x0  }
0x5b: {  	s11 =	rddreg [dreg:$0xd];
	[sflag:s0] =	ssyncadd.s32 $0xFFFFF800  }
0x5c: {  	[spmem:s11] =	stream.linear.scatter [tilespmem:s31], [sflag:$0x2], $0x800, $0x38;
	[tilespmem:$0x18900] =	vst v63  }
0x5d: {  	_ =	swait.ge [sflag:s0], $0x800  }
0x5e: {  	[sflag:s0] =	ssyncset.done $0x0  }
0x5f: {  	s12 =	rddreg [dreg:$0xe];
	[sflag:s0] =	ssyncadd.s32 $0xFFFFF800  }
0x60: {  	[spmem:s12] =	stream.linear.scatter [tilespmem:s31], [sflag:$0x2], $0x800, $0x38;
	[tilespmem:$0x18900] =	vst v63  }
0x61: {  	_ =	swait.ge [sflag:s0], $0x800  }
0x62: {  	[sflag:s0] =	ssyncset.done $0x0  }
0x63: {  	s13 =	rddreg [dreg:$0xf];
	[sflag:s0] =	ssyncadd.s32 $0xFFFFF800  }
0x64: {  	[spmem:s13] =	stream.linear.scatter [tilespmem:s31], [sflag:$0x2], $0x800, $0x38;
	[tilespmem:$0x18900] =	vst v63  }
0x65: {  	_ =	swait.ge [sflag:s0], $0x800  }
0x66: {  	[sflag:s0] =	ssyncset.done $0x0  }
0x67: {  	s14 =	rddreg [dreg:$0x15];
	[sflag:s0] =	ssyncadd.s32 $0xFFFFF800  }
0x68: {  	[spmem:s14] =	stream.linear.scatter [tilespmem:s31], [sflag:$0x2], $0x800, $0x38;
	[tilespmem:$0x18900] =	vst v63  }
0x69: {  	_ =	swait.ge [sflag:s0], $0x800  }
0x6a: {  	[sflag:s0] =	ssyncset.done $0x0  }
0x6b: {  	s11 =	rddreg [dreg:$0x16];
	[sflag:s0] =	ssyncadd.s32 $0xFFFFF800  }
0x6c: {  	[spmem:s11] =	stream.linear.scatter [tilespmem:s31], [sflag:$0x2], $0x800, $0x38;
	[tilespmem:$0x18900] =	vst v63  }
0x6d: {  	_ =	swait.ge [sflag:s0], $0x800  }
0x6e: {  	[sflag:s0] =	ssyncset.done $0x0  }
0x6f: {  	s12 =	rddreg [dreg:$0x17];
	[sflag:s0] =	ssyncadd.s32 $0xFFFFF800  }
0x70: {  	[spmem:s12] =	stream.linear.scatter [tilespmem:s31], [sflag:$0x2], $0x800, $0x38;
	[tilespmem:$0x18900] =	vst v63  }
0x71: {  	_ =	swait.ge [sflag:s0], $0x800  }
0x72: {  	[sflag:s0] =	ssyncset.done $0x0  }
0x73: {  	s13 =	rddreg [dreg:$0x18];
	[sflag:s0] =	ssyncadd.s32 $0xFFFFF800  }
0x74: {  	[spmem:s13] =	stream.linear.scatter [tilespmem:s31], [sflag:$0x2], $0x800, $0x38;
	[tilespmem:$0x18900] =	vst v63  }
0x75: {  	_ =	swait.ge [sflag:s0], $0x800  }
0x76: {  	[sflag:s0] =	ssyncset.done $0x0  }
0x77: {  	s14 =	rddreg [dreg:$0x19];
	[sflag:s0] =	ssyncadd.s32 $0xFFFFF800  }
0x78: {  	[spmem:s14] =	stream.linear.scatter [tilespmem:s31], [sflag:$0x2], $0x800, $0x38;
	[tilespmem:$0x18900] =	vst v63  }
0x79: {  	_ =	swait.ge [sflag:s0], $0x800  }
0x7a: {  	[sflag:s0] =	ssyncset.done $0x0  }
0x7b: {  	s11 =	rddreg [dreg:$0x1a];
	[sflag:s0] =	ssyncadd.s32 $0xFFFFF800  }
0x7c: {  	[spmem:s11] =	stream.linear.scatter [tilespmem:s31], [sflag:$0x2], $0x800, $0x38;
	[tilespmem:$0x18900] =	vst v63  }
0x7d: {  	_ =	swait.ge [sflag:s0], $0x800  }
0x7e: {  	[sflag:s0] =	ssyncset.done $0x0  }
0x7f: {  	s12 =	rddreg [dreg:$0x1b];
	[sflag:s0] =	ssyncadd.s32 $0xFFFFF800  }
0x80: {  	[spmem:s12] =	stream.linear.scatter [tilespmem:s31], [sflag:$0x2], $0x800, $0x38;
	[tilespmem:$0x18900] =	vst v63  }
0x81: {  	_ =	swait.ge [sflag:s0], $0x800  }
0x82: {  	[sflag:s0] =	ssyncset.done $0x0  }
0x83: {  	s13 =	rddreg [dreg:$0x1c];
	[sflag:s0] =	ssyncadd.s32 $0xFFFFF800  }
0x84: {  	[spmem:s13] =	stream.linear.scatter [tilespmem:s31], [sflag:$0x2], $0x800, $0x38;
	[tilespmem:$0x18900] =	vst v63  }
0x85: {  	_ =	swait.ge [sflag:s0], $0x800  }
0x86: {  	[sflag:s0] =	ssyncset.done $0x0  }
0x87: {  	s14 =	rddreg [dreg:$0x1d];
	[sflag:s0] =	ssyncadd.s32 $0xFFFFF800  }
0x88: {  	[spmem:s14] =	stream.linear.scatter [tilespmem:s31], [sflag:$0x2], $0x800, $0x38;
	[tilespmem:$0x18900] =	vst v63  }
0x89: {  	_ =	swait.ge [sflag:s0], $0x800  }
0x8a: {  	[sflag:s0] =	ssyncset.done $0x0  }
0x8b: {  	s11 =	rddreg [dreg:$0x1e];
	[sflag:s0] =	ssyncadd.s32 $0xFFFFF800  }
0x8c: {  	[spmem:s11] =	stream.linear.scatter [tilespmem:s31], [sflag:$0x2], $0x800, $0x38;
	[tilespmem:$0x18900] =	vst v63  }
0x8d: {  	_ =	swait.ge [sflag:s0], $0x800  }
0x8e: {  	[sflag:s0] =	ssyncset.done $0x0  }
0x8f: {  	s12 =	rddreg [dreg:$0x1f];
	[sflag:s0] =	ssyncadd.s32 $0xFFFFF800  }
0x90: {  	[spmem:s12] =	stream.linear.scatter [tilespmem:s31], [sflag:$0x2], $0x800, $0x38;
	[tilespmem:$0x18900] =	vst v63  }
0x91: {  	_ =	swait.ge [sflag:s0], $0x800  }
0x92: {  	s13 =	sld [smem:$0x7FA]  }
0x93: {  	[sflag:s0] =	ssyncset.done $0x0  }
0x94: {  	[sflag:s0] =	ssyncadd.s32 $0xFFFFF800  }
0x95: {  	[spmem:s13] =	stream.linear.scatter [tilespmem:s31], [sflag:$0x2], $0x800, $0x38;
	[tilespmem:$0x18900] =	vst v63  }
0x96: {  	_ =	swait.ge [sflag:s0], $0x800  }
0x97: {  	s14 =	sld [smem:$0x7FB]  }
0x98: {  	[sflag:s0] =	ssyncset.done $0x0  }
0x99: {  	[sflag:s0] =	ssyncadd.s32 $0xFFFFF800  }
0x9a: {  	[spmem:s14] =	stream.linear.scatter [tilespmem:s31], [sflag:$0x2], $0x800, $0x38;
	[tilespmem:$0x18900] =	vst v63  }
0x9b: {  	_ =	swait.ge [sflag:s0], $0x800  }
0x9c: {  	s11 =	sld [smem:$0x7FC]  }
0x9d: {  	[sflag:s0] =	ssyncset.done $0x0  }
0x9e: {  	[sflag:s0] =	ssyncadd.s32 $0xFFFFF800  }
0x9f: {  	[spmem:s11] =	stream.linear.scatter [tilespmem:s31], [sflag:$0x2], $0x800, $0x38;
	[tilespmem:$0x18900] =	vst v63  }
0xa0: {  	_ =	swait.ge [sflag:s0], $0x800  }
0xa1: {  	s12 =	sld [smem:$0x7FD]  }
0xa2: {  	[sflag:s0] =	ssyncset.done $0x0  }
0xa3: {  	[sflag:s0] =	ssyncadd.s32 $0xFFFFF800  }
0xa4: {  	[spmem:s12] =	stream.linear.scatter [tilespmem:s31], [sflag:$0x2], $0x800, $0x38;
	[tilespmem:$0x18900] =	vst v63  }
0xa5: {  	_ =	swait.ge [sflag:s0], $0x800  }
0xa6: {  	[sflag:s0] =	ssyncset.done $0x0  }
0xa7: {  	[sflag:s0] =	ssyncadd.s32 $0xFFFFF800  }
0xa8: {  	[spmem:s15] =	stream.linear.scatter [tilespmem:s31], [sflag:$0x2], $0x800, $0x38;
	[tilespmem:$0x18900] =	vst v63  }
0xa9: {  	_ =	swait.ge [sflag:s0], $0x800  }
0xaa: {  	[sflag:s0] =	ssyncset.done $0x0  }
0xab: {  	[sflag:s0] =	ssyncadd.s32 $0xFFFFF800  }
0xac: {  	[spmem:s16] =	stream.linear.scatter [tilespmem:s31], [sflag:$0x2], $0x800, $0x38;
	[tilespmem:$0x18900] =	vst v63  }
0xad: {  	_ =	swait.ge [sflag:s0], $0x800  }
0xae: {  	[sflag:s0] =	ssyncset.done $0x0  }
0xaf: {  	[sflag:s0] =	ssyncadd.s32 $0xFFFFF800  }
0xb0: {  	[spmem:s17] =	stream.linear.scatter [tilespmem:s31], [sflag:$0x2], $0x800, $0x38;
	[tilespmem:$0x18900] =	vst v63  }
0xb1: {  	_ =	swait.ge [sflag:s0], $0x800  }
0xb2: {  	[sflag:s0] =	ssyncset.done $0x0  }
0xb3: {  	[sflag:s0] =	ssyncadd.s32 $0xFFFFF800  }
0xb4: {  	[spmem:s19] =	stream.linear.scatter [tilespmem:s31], [sflag:$0x2], $0x800, $0x38;
	[tilespmem:$0x18900] =	vst v63  }
0xb5: {  	_ =	swait.ge [sflag:s0], $0x800  }
0xb6: {  	[sflag:s0] =	ssyncset.done $0x0  }
0xb7: {  	[sflag:s0] =	ssyncadd.s32 $0xFFFFF800  }
0xb8: {  	[spmem:s20] =	stream.linear.scatter [tilespmem:s31], [sflag:$0x2], $0x800, $0x38;
	[tilespmem:$0x18900] =	vst v63  }
0xb9: {  	_ =	swait.ge [sflag:s0], $0x800  }
0xba: {  	[sflag:s0] =	ssyncset.done $0x0  }
0xbb: {  	[sflag:s0] =	ssyncadd.s32 $0xFFFFF800  }
0xbc: {  	[spmem:s3] =	stream.linear.scatter [tilespmem:s31], [sflag:$0x2], $0x800, $0x38;
	[tilespmem:$0x18900] =	vst v63  }
0xbd: {  	_ =	swait.ge [sflag:s0], $0x800  }
0xbe: {  	[sflag:s0] =	ssyncset.done $0x0  }
0xbf: {  	[sflag:s0] =	ssyncadd.s32 $0xFFFFF800  }
0xc0: {  	[spmem:s21] =	stream.linear.scatter [tilespmem:s31], [sflag:$0x2], $0x800, $0x38;
	[tilespmem:$0x18900] =	vst v63  }
0xc1: {  	_ =	swait.ge [sflag:s0], $0x800  }
0xc2: {  	[sflag:s0] =	ssyncset.done $0x0  }
0xc3: {  	[sflag:s0] =	ssyncadd.s32 $0xFFFFF800  }
0xc4: {  	[spmem:s22] =	stream.linear.scatter [tilespmem:s31], [sflag:$0x2], $0x800, $0x38;
	[tilespmem:$0x18900] =	vst v63  }
0xc5: {  	_ =	swait.ge [sflag:s0], $0x800  }
0xc6: {  	[sflag:s0] =	ssyncset.done $0x0  }
0xc7: {  	[sflag:s0] =	ssyncadd.s32 $0xFFFFF800  }
0xc8: {  	[spmem:s23] =	stream.linear.scatter [tilespmem:s31], [sflag:$0x2], $0x800, $0x38;
	[tilespmem:$0x18900] =	vst v63  }
0xc9: {  	_ =	swait.ge [sflag:s0], $0x800  }
0xca: {  	[sflag:s0] =	ssyncset.done $0x0  }
0xcb: {  	[sflag:s0] =	ssyncadd.s32 $0xFFFFF800  }
0xcc: {  	[spmem:s26] =	stream.linear.scatter [tilespmem:s31], [sflag:$0x2], $0x800, $0x38;
	[tilespmem:$0x18900] =	vst v63  }
0xcd: {  	_ =	swait.ge [sflag:s0], $0x800  }
0xce: {  	[sflag:s0] =	ssyncset.done $0x0  }
0xcf: {  	[sflag:s0] =	ssyncadd.s32 $0xFFFFF800  }
0xd0: {  	[spmem:s28] =	stream.linear.scatter [tilespmem:s31], [sflag:$0x2], $0x800, $0x38;
	[tilespmem:$0x18900] =	vst v63  }
0xd1: {  	_ =	swait.ge [sflag:s0], $0x800  }
0xd2: {  	[sflag:s0] =	ssyncset.done $0x0  }
0xd3: {  	[sflag:s0] =	ssyncadd.s32 $0xFFFFF800  }
0xd4: {  	[spmem:s29] =	stream.linear.scatter [tilespmem:s31], [sflag:$0x2], $0x800, $0x38;
	[tilespmem:$0x18900] =	vst v63  }
0xd5: {  	_ =	swait.ge [sflag:s0], $0x800  }
0xd6: {  	[sflag:s0] =	ssyncset.done $0x0  }
0xd7: {  	[sflag:s0] =	ssyncadd.s32 $0xFFFFF800  }
0xd8: {  	s13 =	sadd.s32 $0x0, s25;
	[bflag:$0x0] =	sbarrier.arrive $0xFFFF  }
0xd9: {  	[tilespmem:s4], [sflag:$0x2] =	stream.linear.gather [hbm4b:s13+s4], $0x80, $0x38;
	[tilespmem:$0x18900] =	vst v63  }
0xda: {  	_ =	swait.ge [sflag:s0], $0x80  }
0xdb: {  	[sflag:s0] =	ssyncset.done $0x0  }
0xdc: {  	s14 =	sadd.s32 $0x0, s24;
	[sflag:s0] =	ssyncadd.s32 $0xFFFFFF80  }
0xdd: {  	[tilespmem:s6], [sflag:$0x2] =	stream.linear.gather [hbm4b:s14+s4], $0x80, $0x38;
	[tilespmem:$0x18900] =	vst v63  }
0xde: {  	_ =	swait.ge [sflag:s0], $0x80  }
0xdf: {  	[sflag:s0] =	ssyncset.done $0x0  }
0xe0: {  	[sflag:s0] =	ssyncadd.s32 $0xFFFFFF80  }
0xe1: {  	[tilespmem:s7], [sflag:$0x1] =	stream.indirect.gather [hbm4b:s1+s6], $0x80, s4, s6, $0xb8;
	[tilespmem:$0x18900] =	vst v63  }
0xe2: {  	_ =	swait.ge [sflag:s8], $0x4000  }
0xe3: {  	[sflag:s8] =	ssyncset.done $0x0  }
0xe4: {  	[sflag:s8] =	ssyncadd.s32 $0xFFFFC000  }
0xe5: {  	[spmem:s2] =	stream.indirect.scatter.add.f32 [tilespmem:s7], [sflag:$0x2], $0x80, s6, s6, $0xb8;
	[tilespmem:$0x18900] =	vst v63  }
0xe6: {  	_ =	swait.ge [sflag:s0], $0x4000  }
0xe7: {  	s10 =	simm.s32 $0x10;
	s11 =	simm.s32 $0x20;
	[sflag:s0] =	ssyncset.done $0x0  }
.LBB2_4:
0xe8: {  	s12 =	sadd.s32 s10, s25  }
0xe9: {  	[sflag:s0] =	ssyncadd.s32 $0xFFFFC000;
	s13 =	smov.u32 s11;
	s14 =	sadd.s32 $0x10, s11  }
0xea: {  	[tilespmem:s4], [sflag:$0x2] =	stream.linear.gather [hbm4b:s12+s4], $0x80, $0x38;
	[tilespmem:$0x18900] =	vst v63  }
0xeb: {  	p4 =	sne.s32 s11, $0x4E0;
	_ =	swait.ge [sflag:s0], $0x80  }
0xec: {  	[sflag:s0] =	ssyncset.done $0x0  }
0xed: {  	s11 =	sadd.s32 s10, s24;
	s10 =	smov.u32 s13;
	[sflag:s0] =	ssyncadd.s32 $0xFFFFFF80  }
0xee: {  	[tilespmem:s6], [sflag:$0x2] =	stream.linear.gather [hbm4b:s11+s4], $0x80, $0x38;
	[tilespmem:$0x18900] =	vst v63  }
0xef: {  	_ =	swait.ge [sflag:s0], $0x80  }
0xf0: {  	[sflag:s0] =	ssyncset.done $0x0  }
0xf1: {  	[sflag:s0] =	ssyncadd.s32 $0xFFFFFF80  }
0xf2: {  	[tilespmem:s7], [sflag:$0x1] =	stream.indirect.gather [hbm4b:s1+s6], $0x80, s4, s6, $0xb8;
	[tilespmem:$0x18900] =	vst v63  }
0xf3: {  	_ =	swait.ge [sflag:s8], $0x4000  }
.Ltmp1:
0xf4: {  	[sflag:s8] =	ssyncset.done $0x0;
	(pc) =	sbr.rel @p4 .LBB2_4-.Ltmp1, $4  }
0xf5: {  	[sflag:s8] =	ssyncadd.s32 $0xFFFFC000  }
0xf6: {  	[spmem:s2] =	stream.indirect.scatter.add.f32 [tilespmem:s7], [sflag:$0x2], $0x80, s6, s6, $0xb8;
	[tilespmem:$0x18900] =	vst v63  }
0xf7: {  	_ =	swait.ge [sflag:s0], $0x4000  }
0xf8: {  	s11 =	smov.u32 s14;
	[sflag:s0] =	ssyncset.done $0x0  }
0xf9: {  	s11 =	sadd.s32 s10, s25;
	[sflag:s0] =	ssyncadd.s32 $0xFFFFC000  }
0xfa: {  	[tilespmem:s4], [sflag:$0x2] =	stream.linear.gather [hbm4b:s11+s4], $0x80, $0x38;
	[tilespmem:$0x18900] =	vst v63  }
0xfb: {  	_ =	swait.ge [sflag:s0], $0x80  }
0xfc: {  	[sflag:s0] =	ssyncset.done $0x0  }
0xfd: {  	s13 =	sadd.s32 s10, s24;
	[sflag:s0] =	ssyncadd.s32 $0xFFFFFF80  }
0xfe: {  	[tilespmem:s6], [sflag:$0x2] =	stream.linear.gather [hbm4b:s13+s4], $0x80, $0x38;
	[tilespmem:$0x18900] =	vst v63  }
0xff: {  	_ =	swait.ge [sflag:s0], $0x80  }
0x100: {  	[sflag:s0] =	ssyncset.done $0x0  }
0x101: {  	[sflag:s0] =	ssyncadd.s32 $0xFFFFFF80  }
0x102: {  	[tilespmem:s7], [sflag:$0x1] =	stream.indirect.gather [hbm4b:s1+s6], $0x80, s4, s6, $0xb8;
	[tilespmem:$0x18900] =	vst v63  }
0x103: {  	_ =	swait.ge [sflag:s8], $0x4000  }
0x104: {  	[sflag:s8] =	ssyncset.done $0x0  }
0x105: {  	[sflag:s8] =	ssyncadd.s32 $0xFFFFC000  }
0x106: {  	[spmem:s2] =	stream.indirect.scatter.add.f32 [tilespmem:s7], [sflag:$0x2], $0x80, s6, s6, $0xb8;
	[tilespmem:$0x18900] =	vst v63  }
0x107: {  	_ =	swait.ge [sflag:s0], $0x4000  }
0x108: {  	[sflag:s0] =	ssyncset.done $0x0  }
0x109: {  	[sflag:s0] =	ssyncadd.s32 $0xFFFFC000  }
0x10a: {  	[bflag:$0x0] =	sbarrier.arrive $0xFFFF  }
0x10b: {  	s10 =	sshrl.u32 @!p0 s30, $0x3;
	s11 =	simm.s32 @!p0 $0x1FC2;
	s12 =	rddreg [dreg:$0x13]  }
0x10c: {  	[hbm:s12], [sflag:s11] =	dma.local @!p0 [spmem:s10], $0x2080  }
0x10d: {  	s10 =	simm.s32 @!p0 $0x2  }
0x10e: {  	s13 =	stileid.u32;
	_ =	swait.ge @!p0 [sflag:s10], $0x2080  }
0x10f: {  	s11 =	sshll.u32 @!p1 s13, $0x6;
	[sflag:s10] =	ssyncset.done @!p0 $0x0;
	s12 =	rddreg [dreg:$0x12]  }
0x110: {  	[sflag:s10] =	ssyncadd.s32 @!p0 $0xFFFFDF80;
	s10 =	sor.u32 @!p1 $0x1C02, s11;
	s11 =	sshrl.u32 @!p1 s18, $0x3  }
0x111: {  	[hbm:s12], [sflag:s10] =	dma.local @!p1 [spmem:s11], $0x2780  }
0x112: {  	s10 =	simm.s32 @!p1 $0x2  }
0x113: {  	_ =	swait.ge @!p1 [sflag:s10], $0x2780  }
0x114: {  	s11 =	simm.s32 @!p2 $0x1FC2;
	[sflag:s10] =	ssyncset.done @!p1 $0x0  }
0x115: {  	s12 =	rddreg [dreg:$0x11];
	[sflag:s10] =	ssyncadd.s32 @!p1 $0xFFFFD880;
	s10 =	sshrl.u32 @!p2 s30, $0x3  }
0x116: {  	[hbm:s12], [sflag:s11] =	dma.local @!p2 [spmem:s10], $0x2080  }
0x117: {  	s10 =	simm.s32 @!p2 $0x2  }
0x118: {  	_ =	swait.ge @!p2 [sflag:s10], $0x2080  }
0x119: {  	s11 =	sshll.u32 @!p3 s13, $0x6;
	[sflag:s10] =	ssyncset.done @!p2 $0x0;
	s13 =	rddreg [dreg:$0x10]  }
0x11a: {  	[sflag:s10] =	ssyncadd.s32 @!p2 $0xFFFFDF80;
	s10 =	sor.u32 @!p3 $0x1C02, s11;
	s11 =	sshrl.u32 @!p3 s18, $0x3  }
0x11b: {  	[hbm:s13], [sflag:s10] =	dma.local @!p3 [spmem:s11], $0x2780  }
0x11c: {  	s10 =	simm.s32 @!p3 $0x2  }
0x11d: {  	_ =	swait.ge @!p3 [sflag:s10], $0x2780  }
0x11e: {  	s9 =	sadd.s32 $0x1, s9;
	s14 =	rddreg [dreg:$0x14]  }
0x11f: {  	p4 =	sne.s32 s9, s14  }
.Ltmp2:
0x120: {  	_ = 	snop;
	(pc) =	sbr.rel @p4 .LBB2_1-.Ltmp2, $3  }
0x121: {  	_ =	sdelay $0x1  }
0x122: {  	[sflag:s10] =	ssyncset.done @!p3 $0x0  }
0x123: {  	s12 =	stileid.u32;
	[sflag:s10] =	ssyncadd.s32 @!p3 $0xFFFFD880  }
0x124: {  	_ =	sfence.sel $0x180000  }
0x125: {  	[bflag:$0x0] =	sbarrier.arrive $0xFFFF  }
0x126: {  	_ =	strace $0x90000047  }
0x127: {  	[bflag:$0x2] =	sbarrier.arrive $0xFFFF  }
0x128: {  	p0 =	sne.s32 s12, $0x0;
	s0 =	rddreg [dreg:$0x3]  }
0x129: {  	s0 =	sadd.s32 @!p0 $0x100000, s0  }
0x12a: {  	[sflag:s0] =	ssyncadd.tile.s32 @!p0 $0x1;
	_ =	shalt  }
.Lfunc_end2:
_tile_overlayer_lowered:
.L_overlay_start_2:
0x12b: {  	(tag) =	ssettag $0x2  }
0x12c: {  	s0 =	rddreg [dreg:$0x0];
	s2 =	stileid.u32  }
0x12d: {  	s1 =	rddreg [dreg:$0x1];
	p0 =	sne.s32 s2, $0x0  }
0x12e: {  	s3 =	rddreg [dreg:$0x2];
	[bflag:$0x3] =	sbarrier.arrive $0xFFFF;
	s2 =	simm.s32 @!p0 $0x1C02  }
0x12f: {  	[timem:s3], [sflag:s2] =	dma.local @!p0 [hbm:s0], s1  }
0x130: {  	s0 =	simm.s32 @!p0 $0x2  }
0x131: {  	_ =	swait.ge @!p0 [sflag:s0], s1  }
0x132: {  	s1 =	ssub.s32 @!p0 $0x0, s1;
	[sflag:s0] =	ssyncset.done @!p0 $0x0  }
0x133: {  	[sflag:s0] =	ssyncadd.s32 @!p0 s1  }
0x134: {  	[bflag:$0x3] =	sbarrier.arrive $0xFFFF  }
0x135: {  	_ =	shalt  }

// kernel: kernel.15.cloned.1.call-start
scs
__scs_entry_jumppad:
0x0: {  	(pc) =	sbr.rel $0x88, $3  }
0x1: {  	(tag) =	ssettag $0x0;
	lr =	simm.s32 $0x1  }
0x2: {  	[smem:$0x3F8F] =	sst lr;
	_ =	strace $0xD0000000  }
0x3: {  	_ = 	snop  }
0x4: {  	_ = 	snop  }
0x5: {  	_ = 	snop  }
0x6: {  	_ = 	snop  }
0x7: {  	_ = 	snop  }
__scs_overlays_trampoline_lowered:
0x8: {  	[smem:$0x3F9E] =	sst s0  }
0x9: {  	[smem:$0x3F9F] =	sst s1  }
0xa: {  	[smem:$0x3FA0] =	sst s2  }
0xb: {  	[smem:$0x3FA1] =	sst s3  }
0xc: {  	[smem:$0x3FA2] =	sst s4  }
0xd: {  	[smem:$0x3FA3] =	sst s5  }
0xe: {  	[smem:$0x3FA4] =	sst s6  }
0xf: {  	[smem:$0x3FA5] =	sst s7  }
0x10: {  	[smem:$0x3FA6] =	sst s8  }
0x11: {  	[smem:$0x3FA7] =	sst s9;
	s0 =	simm.s32 @!p0 $0x0  }
0x12: {  	s1 =	sld [smem:$0x3F8D];
	s0 =	simm.s32 @p0 $0x1  }
0x13: {  	[smem:$0x3FA8] =	sst s0;
	s0 =	simm.s32 @!p1 $0x0  }
0x14: {  	s2 =	sld [smem:$0x3F8C];
	s0 =	simm.s32 @p1 $0x1  }
0x15: {  	[smem:$0x3FA9] =	sst s0;
	s0 =	simm.s32 @!p2 $0x0  }
0x16: {  	s3 =	sld [smem:$0x3FDB];
	s0 =	simm.s32 @p2 $0x1  }
0x17: {  	s4 =	simm.s32 $0x1BF5;
	[smem:$0x3FAB] =	sst s0  }
0x18: {  	s0 =	sld [smem:$0x3F8E];
	_ =	swait.ge [sflag:s4], $0x0  }
0x19: {  	s7 =	sld [smem:$0x3F8F]  }
0x1a: {  	s8 =	sadd.s32 $0xFFFFE003, lr  }
0x1b: {  	s9 =	sadd.s32 $0xFFFFFEF7, lr;
	s5 =	simm.s32 $0xFFFFFFFF;
	p2 =	slt.u32 s8, $0xFFFFF086  }
0x1c: {  	p1 =	slt.u32 s9, $0xF7A;
	s5 =	simm.s32 @!p2 $0x0  }
0x1d: {  	s5 =	simm.s32 @p1 $0x1;
	p0 =	seq.s32 s7, s2  }
0x1e: {  	s7 =	smul.u32 @!p0 $0xF7A, s2;
	p2 =	seq.s32 @!p0 s5, $0x0  }
0x1f: {  	s9 =	smul.u32 $0xF7A, s1;
	s8 =	simm.s32 @!p0 $0x1BF5;
	p2 =	por !p2, p0  }
0x20: {  	[sflag:s8] =	ssyncset.s32 @!p0 $0xFFFFF086;
	s6 =	sadd.s32 @!p0 s3, s7;
	s7 =	simm.s32 @!p0 $0x108  }
0x21: {  	s3 =	sadd.s32 s3, s9;
	s6 =	sadd.s32 @!p0 $0x88, s6;
	s7 =	simm.s32 @p2 $0x1082  }
0x22: {  	[simem:s7], [sflag:s8] =	dma.local @!p0 [hbm:s6], $0xF7A  }
0x23: {  	s9 =	sor.u32 $0xD0000000, s2;
	s6 =	simm.s32 $0x108;
	_ =	swait.ge @!p0 [sflag:s8], $0x0  }
0x24: {  	s3 =	sadd.s32 $0x88, s3;
	s6 =	simm.s32 @!p1 $0x1082;
	[sflag:s4] =	ssyncset.s32 $0xFFFFF086  }
0x25: {  	[simem:s6], [sflag:s4] =	dma.local [hbm:s3], $0xF7A  }
0x26: {  	[smem:$0x3F8F] =	sst s1;
	(tag) =	ssettag s2;
	_ =	strace s9  }
0x27: {  	s1 =	sld [smem:$0x3F9F]  }
0x28: {  	s2 =	sld [smem:$0x3FA0]  }
0x29: {  	s4 =	sld [smem:$0x3FA2]  }
0x2a: {  	p0 =	seq.s32 s5, $0x0;
	s5 =	sld [smem:$0x3FA3]  }
0x2b: {  	s6 =	sld [smem:$0x3FA4]  }
0x2c: {  	s7 =	sld [smem:$0x3FA5]  }
0x2d: {  	s3 =	simm.s32 $0x108;
	s8 =	sld [smem:$0x3FA6]  }
0x2e: {  	s3 =	simm.s32 @!p0 $0x1082;
	s9 =	sld [smem:$0x3FA7]  }
0x2f: {  	lr =	sadd.s32 s0, s3;
	s0 =	sld [smem:$0x3F9E]  }
0x30: {  	s3 =	sld [smem:$0x3FA1]  }
0x31: {  	[smem:$0x3FAA] =	sst s10  }
0x32: {  	s10 =	sld [smem:$0x3FA8];
	_ =	sdelay $0x3  }
0x33: {  	p0 =	seq.s32 s10, $0x1;
	s10 =	sld [smem:$0x3FAA];
	_ =	sdelay $0x3  }
0x34: {  	[smem:$0x3FAA] =	sst s10  }
0x35: {  	s10 =	sld [smem:$0x3FA9];
	_ =	sdelay $0x3  }
0x36: {  	p1 =	seq.s32 s10, $0x1;
	s10 =	sld [smem:$0x3FAA];
	_ =	sdelay $0x3  }
0x37: {  	[smem:$0x3FAA] =	sst s10  }
0x38: {  	s10 =	sld [smem:$0x3FAB]  }
0x39: {  	_ = 	snop;
	(pc) =	sbr.ind lr, $3  }
0x3a: {  	_ = 	snop  }
0x3b: {  	_ = 	snop  }
0x3c: {  	p2 =	seq.s32 s10, $0x1;
	s10 =	sld [smem:$0x3FAA]  }
0x3d: {  	_ =	shalt  }
0x3e: {  	_ =	shalt  }
0x3f: {  	_ =	shalt  }
0x40: {  	_ =	shalt  }
0x41: {  	_ =	shalt  }
0x42: {  	_ =	shalt  }
0x43: {  	_ =	shalt  }
0x44: {  	_ =	shalt  }
0x45: {  	_ =	shalt  }
0x46: {  	_ =	shalt  }
0x47: {  	_ =	shalt  }
0x48: {  	_ =	shalt  }
0x49: {  	_ =	shalt  }
0x4a: {  	_ =	shalt  }
0x4b: {  	_ =	shalt  }
0x4c: {  	_ =	shalt  }
0x4d: {  	_ =	shalt  }
0x4e: {  	_ =	shalt  }
0x4f: {  	_ =	shalt  }
0x50: {  	_ =	shalt  }
0x51: {  	_ =	shalt  }
0x52: {  	_ =	shalt  }
0x53: {  	_ =	shalt  }
0x54: {  	_ =	shalt  }
0x55: {  	_ =	shalt  }
0x56: {  	_ =	shalt  }
0x57: {  	_ =	shalt  }
0x58: {  	_ =	shalt  }
0x59: {  	_ =	shalt  }
0x5a: {  	_ =	shalt  }
0x5b: {  	_ =	shalt  }
0x5c: {  	_ =	shalt  }
0x5d: {  	_ =	shalt  }
0x5e: {  	_ =	shalt  }
0x5f: {  	_ =	shalt  }
0x60: {  	_ =	shalt  }
0x61: {  	_ =	shalt  }
0x62: {  	_ =	shalt  }
0x63: {  	_ =	shalt  }
0x64: {  	_ =	shalt  }
0x65: {  	_ =	shalt  }
0x66: {  	_ =	shalt  }
0x67: {  	_ =	shalt  }
0x68: {  	_ =	shalt  }
0x69: {  	_ =	shalt  }
0x6a: {  	_ =	shalt  }
0x6b: {  	_ =	shalt  }
0x6c: {  	_ =	shalt  }
0x6d: {  	_ =	shalt  }
0x6e: {  	_ =	shalt  }
0x6f: {  	_ =	shalt  }
0x70: {  	_ =	shalt  }
0x71: {  	_ =	shalt  }
0x72: {  	_ =	shalt  }
0x73: {  	_ =	shalt  }
0x74: {  	_ =	shalt  }
0x75: {  	_ =	shalt  }
0x76: {  	_ =	shalt  }
0x77: {  	_ =	shalt  }
0x78: {  	_ =	shalt  }
0x79: {  	_ =	shalt  }
0x7a: {  	_ =	shalt  }
0x7b: {  	_ =	shalt  }
0x7c: {  	_ =	shalt  }
0x7d: {  	_ =	shalt  }
0x7e: {  	_ =	shalt  }
0x7f: {  	_ =	shalt  }
0x80: {  	_ =	shalt  }
0x81: {  	_ =	shalt  }
0x82: {  	_ =	shalt  }
0x83: {  	_ =	shalt  }
0x84: {  	_ =	shalt  }
0x85: {  	_ =	shalt  }
0x86: {  	_ =	shalt  }
0x87: {  	_ =	shalt  }
.Lfunc_end0:
.L_simem_size_0:
called_computation.1_lowered:
.L_overlay_start_0:
0x88: {  	s2 =	sld [smem:$0x3FD9]  }
0x89: {  	s3 =	sld [smem:$0x3FFE];
	_ =	sdelay $0x1  }
0x8a: {  	s1 =	srdreg.scid  }
0x8b: {  	s0 =	sand.u32 $0x1, s1  }
0x8c: {  	s16 =	sshll.u32 s0, $0xA;
	s2 =	sadd.s32 s3, s2  }
0x8d: {  	s2 =	sadd.s32 s2, s16  }
0x8e: {  	[smem:$0x3FB6] =	sst s2  }
0x8f: {  	_ = 	snop  }
0x90: {  	(tm) =	ssettm $0x1  }
0x91: {  	s17 =	sld [smem:$0x3FFB];
	_ =	sdelay $0x3  }
0x92: {  	_ =	strace s17  }
0x93: {  	s2 =	sld [smem:$0x3FFC];
	_ =	sdelay $0x3  }
0x94: {  	_ =	strace s2  }
0x95: {  	s2 =	sld [smem:$0x3FFD];
	_ =	sdelay $0x3  }
0x96: {  	_ =	strace s2  }
0x97: {  	_ =	strace $0x8FFFFFFF  }
0x98: {  	s18 =	sld [smem:$0x3FDB];
	_ =	sdelay $0x1  }
0x99: {  	s19 =	simm.s32 $_scs_section_size  }
0x9a: {  	s4 =	simm.s32 $_size__tile_overlayer_lowered;
	s5 =	simm.s32 $_tile_overlayer_lowered  }
0x9b: {  	s22 =	simm.s32 $0x1BFF;
	s21 =	sshll.u32 s5, $0x1;
	s2 =	sadd.s32 s19, s18  }
0x9c: {  	s6 =	simm.s32 $0x0;
	s20 =	sshll.u32 s4, $0x1;
	s4 =	sadd.s32 s21, s2  }
0x9d: {  	[timem:s6], [sflag:s22] =	dma.local [hbm:s4], s20  }
0x9e: {  	_ =	swait.ge [sflag:s22], s20  }
0x9f: {  	s3 =	ssub.s32 $0x0, s20;
	[sflag:s22] =	ssyncset.done $0x0  }
0xa0: {  	[sflag:s22] =	ssyncadd.s32 s3;
	_ =	sdelay $0x1  }
0xa1: {  	s23 =	simm.s32 $0x1B8B  }
0xa2: {  	_ =	swait.ge [sflag:s23], $0x1  }
0xa3: {  	[sflag:s23] =	ssyncset.done $0x0  }
0xa4: {  	s25 =	simm.s32 $0x1B8E;
	s24 =	sld [smem:$0x3FFE];
	[sflag:s23] =	ssyncadd.s32 $0xFFFFFFFF  }
0xa5: {  	s26 =	simm.s32 $execute0_lowered;
	[smem:$0x3FD2] =	sst s25  }
0xa6: {  	s4 =	sshll.u32 s26, $0x1;
	_ =	strace $0x80000049;
	[dreg:$0x1] =	wrdreg $0xFFFFFFFF  }
0xa7: {  	s28 =	simm.s32 $_size_execute0_lowered;
	s2 =	sadd.s32 s2, s4;
	[dreg:$0x0] =	wrdreg $0x0  }
0xa8: {  	s4 =	sshll.u32 s28, $0x1;
	[dreg:$0x2] =	wrdreg s2  }
0xa9: {  	[dreg:$0x3] =	wrdreg s4  }
0xaa: {  	[dreg:$0x4] =	wrdreg $0xC0  }
0xab: {  	_ =	task [dreg:s6], $0x5FFFF  }
0xac: {  	[dreg:$0x1] =	wrdreg $0xFFFFFFFF  }
0xad: {  	[dreg:$0x0] =	wrdreg $0x60  }
0xae: {  	[dreg:$0x2] =	wrdreg s24  }
0xaf: {  	[dreg:$0x3] =	wrdreg $0x49000  }
0xb0: {  	[dreg:$0x4] =	wrdreg $0x9  }
0xb1: {  	_ =	task.clear_ibuf [dreg:s6], $0x5FFFF;
	_ =	strace $0x90000049  }
0xb2: {  	s29 =	simm.s32 $0x9;
	_ =	strace $0x8000004B  }
0xb3: {  	_ =	swait.ge [sflag:s29], $0x1  }
0xb4: {  	[sflag:s29] =	ssyncadd.s32 $0xFFFFFFFF  }
0xb5: {  	_ =	strace $0x9000004B  }
0xb6: {  	_ =	sfence  }
0xb7: {  	s30 =	sld [smem:$0x0];
	_ =	sdelay $0x2  }
0xb8: {  	s31 =	sshll.u32 s1, $0xD;
	s1 =	sshrl.u32 s1, $0x2  }
0xb9: {  	s3 =	sand.u32 $0x4000, s31;
	s1 =	sadd.s32 s1, s30  }
0xba: {  	s0 =	sor.u32 s3, s0;
	s1 =	sshll.u32 s1, $0x11  }
0xbb: {  	s0 =	sor.u32 s1, s0  }
0xbc: {  	s0 =	sadd.s32 $0x8F2B, s0  }
0xbd: {  	[sflag:s0] =	ssyncadd.remote.s32 $0x1  }
0xbe: {  	_ =	sfence.sel $0xFFFF  }
0xbf: {  	[dreg:$0x0] =	wrdreg $0xFFFFFFFF;
	(pc) =	sbr.abs _section_cstart, $3  }
0xc0: {  	[dreg:$0x1] =	wrdreg $0xFFFFFFFF  }
0xc1: {  	_ =	task.clear_ibuf [dreg:s6], $0x2FFFF;
	_ =	strace $0x9FFFFFFF  }
0xc2: {  	(tm) =	ssettm $0x7FFFFFFF  }
0xc3: {  	_ =	shalt  }
tec
execute0_lowered:
.L_overlay_start_1:
0x0: {  	(tag) =	ssettag $0x1  }
0x1: {  	s10 =	stileid.u32  }
0x2: {  	s2 =	srdreg.scid;
	s6 =	smul.u32 $0x50000, s10  }
0x3: {  	s0 =	rddreg [dreg:$0x0];
	s2 =	sand.u32 $0x1, s2;
	s7 =	smul.u32 $0x2780, s10  }
0x4: {  	s1 =	rddreg [dreg:$0x1];
	s3 =	simm.s32 $0x0;
	s5 =	smul.u32 $0x4F00, s2  }
0x5: {  	[smem:$0x7FF] =	sst s3;
	s26 =	sshrl.u32 s6, $0x2;
	s6 =	sadd.s32 s7, s0  }
0x6: {  	_ =	strace $0x8000004A;
	s8 =	sadd.s32 s5, s0;
	s25 =	sadd.s32 $0x40000, s6  }
0x7: {  	s5 =	sadd.s32 s26, s1;
	s26 =	sadd.s32 $0x65080, s0;
	[dreg:$0xf] =	wrdreg s25  }
0x8: {  	s6 =	sadd.s32 $0x67200, s6;
	[dreg:$0x10] =	wrdreg s26  }
0x9: {  	s4 =	sadd.s32 $0x18E00, s0;
	s0 =	sadd.s32 $0x8C280, s0;
	[dreg:$0x11] =	wrdreg s6  }
0xa: {  	s31 =	simm.s32 $0x4100;
	s12 =	sadd.s32 $0x800, s5;
	[dreg:$0x12] =	wrdreg s0  }
0xb: {  	s19 =	smul.u32 $0x4F000, s10;
	s13 =	sadd.s32 $0x1000, s5;
	[dreg:$0x3] =	wrdreg s12  }
0xc: {  	s24 =	smul.u32 $0x4F0, s10;
	s14 =	sadd.s32 $0x1800, s5;
	[dreg:$0x4] =	wrdreg s13  }
0xd: {  	s30 =	sadd.s32 $0x128400, s1;
	s15 =	sadd.s32 $0x2000, s5;
	[dreg:$0x5] =	wrdreg s14  }
0xe: {  	s9 =	ssub.s32 $0x2, s2;
	s16 =	sadd.s32 $0x2800, s5;
	[dreg:$0x6] =	wrdreg s15  }
0xf: {  	p3 =	seq.s32 s2, $0x1;
	s17 =	sadd.s32 $0x3000, s5;
	[dreg:$0x7] =	wrdreg s16  }
0x10: {  	s11 =	sshrl.u32 s9, $0x1;
	s18 =	sadd.s32 $0x3800, s5;
	[dreg:$0x8] =	wrdreg s17  }
0x11: {  	s7 =	ssub.s32 s9, s11;
	s11 =	sadd.s32 $0x4000, s5;
	[dreg:$0x9] =	wrdreg s18  }
0x12: {  	p1 =	seq.s32 @p3 s10, $0xF;
	s20 =	sadd.s32 $0x4800, s5;
	[dreg:$0xa] =	wrdreg s11  }
0x13: {  	p4 =	seq.s32 @!p3 s10, $0xF;
	s21 =	sadd.s32 $0x5000, s5;
	[dreg:$0xb] =	wrdreg s20  }
0x14: {  	s9 =	sshrl.u32 s19, $0x2;
	s22 =	sadd.s32 $0x5800, s5;
	[dreg:$0xc] =	wrdreg s21  }
0x15: {  	p0 =	por !p1, !p3;
	s23 =	sadd.s32 $0x6000, s5;
	[dreg:$0xd] =	wrdreg s22  }
0x16: {  	p1 =	por p1, !p3;
	s7 =	smax.u32 s7, $0x1;
	[dreg:$0xe] =	wrdreg s23  }
0x17: {  	p2 =	por !p4, p3;
	s10 =	sadd.s32 $0x7000, s5;
	[dreg:$0x13] =	wrdreg s7  }
0x18: {  	p3 =	por p4, p3;
	s19 =	sadd.s32 $0xB000, s5;
	[dreg:$0x15] =	wrdreg s10  }
0x19: {  	s8 =	sadd.s32 s24, s8;
	s26 =	sadd.s32 $0xD800, s5;
	[dreg:$0x1d] =	wrdreg s19  }
0x1a: {  	s18 =	sadd.s32 s9, s1;
	s9 =	sadd.s32 $0x6800, s5;
	[smem:$0x7FD] =	sst s26  }
0x1b: {  	s2 =	sadd.s32 $0x10000, s5;
	s11 =	sadd.s32 $0x7800, s5;
	[dreg:$0x14] =	wrdreg s9  }
0x1c: {  	s28 =	sadd.s32 $0x13000, s5;
	s12 =	sadd.s32 $0x8000, s5;
	[dreg:$0x16] =	wrdreg s11  }
0x1d: {  	s29 =	sadd.s32 $0x13800, s5;
	s13 =	sadd.s32 $0x8800, s5;
	[dreg:$0x17] =	wrdreg s12  }
0x1e: {  	s0 =	simm.s32 $0x2;
	s14 =	sadd.s32 $0x9000, s5;
	[dreg:$0x18] =	wrdreg s13  }
0x1f: {  	s6 =	simm.s32 $0x80;
	s15 =	sadd.s32 $0x9800, s5;
	[dreg:$0x19] =	wrdreg s14  }
0x20: {  	s24 =	sadd.s32 $0xF000, s8;
	s16 =	sadd.s32 $0xA000, s5;
	[dreg:$0x1a] =	wrdreg s15  }
0x21: {  	s25 =	sadd.s32 $0x5200, s8;
	s17 =	sadd.s32 $0xA800, s5;
	[dreg:$0x1b] =	wrdreg s16  }
0x22: {  	s20 =	sadd.s32 $0xB800, s5;
	s21 =	sadd.s32 $0xC000, s5;
	[dreg:$0x1c] =	wrdreg s17  }
0x23: {  	s22 =	sadd.s32 $0xC800, s5;
	s23 =	sadd.s32 $0xD000, s5;
	[dreg:$0x1e] =	wrdreg s20  }
0x24: {  	s19 =	sadd.s32 $0xF800, s5;
	s26 =	sadd.s32 $0x12800, s5;
	[dreg:$0x1f] =	wrdreg s21  }
0x25: {  	s7 =	simm.s32 $0x100;
	s8 =	simm.s32 $0x1;
	[smem:$0x7FB] =	sst s22  }
0x26: {  	[smem:$0x7FC] =	sst s23;
	s15 =	sadd.s32 $0xE000, s5;
	s16 =	sadd.s32 $0xE800, s5  }
0x27: {  	s17 =	sadd.s32 $0xF000, s5;
	s20 =	sadd.s32 $0x10800, s5;
	s21 =	sadd.s32 $0x11000, s5  }
0x28: {  	v0 =	vimm.f32 $0.0e+00;
	s22 =	sadd.s32 $0x11800, s5;
	s23 =	sadd.s32 $0x12000, s5;
	s9 =	simm.s32 $0x0  }
.LBB2_1:
0x29: {  	s10 =	sand.u32 $0x1E00, s3  }
0x2a: {  	s11 =	sand.u32 $0x70, s3;
	s12 =	sshrl.u32 s10, $0x2  }
0x2b: {  	s10 =	simm.s32 $0x40;
	s12 =	sor.u32 s11, s12;
	s11 =	simm.s32 $0x0  }
.LBB2_2:
0x2c: {  	p4 =	sne.s32 s10, $0x1FC0  }
0x2d: {  	[tilespmem:s12+$0x4100] =	vst v0;
	s11 =	sadd.s32 $0x10, s11;
	s12 =	smov.u32 s10;
	s10 =	sadd.s32 $0x40, s10  }
.Ltmp0:
0x2e: {  	(pc) =	sbr.rel @p4 .LBB2_2-.Ltmp0, $4  }
0x2f: {  	_ = 	snop  }
0x30: {  	s12 =	sand.u32 $0x1E00, s12  }
0x31: {  	s13 =	sand.u32 $0x70, s11;
	s12 =	sshrl.u32 s12, $0x2  }
0x32: {  	s12 =	sor.u32 s13, s12  }
0x33: {  	[tilespmem:s12+$0x4100] =	vst v0  }
0x34: {  	[spmem:s5] =	stream.linear.scatter [tilespmem:s31], [sflag:$0x2], $0x800, $0x38;
	[tilespmem:$0x18900] =	vst v63  }
0x35: {  	_ =	swait.ge [sflag:s0], $0x800  }
0x36: {  	[sflag:s0] =	ssyncset.done $0x0  }
0x37: {  	s10 =	rddreg [dreg:$0x3];
	[sflag:s0] =	ssyncadd.s32 $0xFFFFF800  }
0x38: {  	[spmem:s10] =	stream.linear.scatter [tilespmem:s31], [sflag:$0x2], $0x800, $0x38;
	[tilespmem:$0x18900] =	vst v63  }
0x39: {  	_ =	swait.ge [sflag:s0], $0x800  }
0x3a: {  	[sflag:s0] =	ssyncset.done $0x0  }
0x3b: {  	s11 =	rddreg [dreg:$0x4];
	[sflag:s0] =	ssyncadd.s32 $0xFFFFF800  }
0x3c: {  	[spmem:s11] =	stream.linear.scatter [tilespmem:s31], [sflag:$0x2], $0x800, $0x38;
	[tilespmem:$0x18900] =	vst v63  }
0x3d: {  	_ =	swait.ge [sflag:s0], $0x800  }
0x3e: {  	[sflag:s0] =	ssyncset.done $0x0  }
0x3f: {  	s12 =	rddreg [dreg:$0x5];
	[sflag:s0] =	ssyncadd.s32 $0xFFFFF800  }
0x40: {  	[spmem:s12] =	stream.linear.scatter [tilespmem:s31], [sflag:$0x2], $0x800, $0x38;
	[tilespmem:$0x18900] =	vst v63  }
0x41: {  	_ =	swait.ge [sflag:s0], $0x800  }
0x42: {  	[sflag:s0] =	ssyncset.done $0x0  }
0x43: {  	s13 =	rddreg [dreg:$0x6];
	[sflag:s0] =	ssyncadd.s32 $0xFFFFF800  }
0x44: {  	[spmem:s13] =	stream.linear.scatter [tilespmem:s31], [sflag:$0x2], $0x800, $0x38;
	[tilespmem:$0x18900] =	vst v63  }
0x45: {  	_ =	swait.ge [sflag:s0], $0x800  }
0x46: {  	[sflag:s0] =	ssyncset.done $0x0  }
0x47: {  	s14 =	rddreg [dreg:$0x7];
	[sflag:s0] =	ssyncadd.s32 $0xFFFFF800  }
0x48: {  	[spmem:s14] =	stream.linear.scatter [tilespmem:s31], [sflag:$0x2], $0x800, $0x38;
	[tilespmem:$0x18900] =	vst v63  }
0x49: {  	_ =	swait.ge [sflag:s0], $0x800  }
0x4a: {  	[sflag:s0] =	ssyncset.done $0x0  }
0x4b: {  	s11 =	rddreg [dreg:$0x8];
	[sflag:s0] =	ssyncadd.s32 $0xFFFFF800  }
0x4c: {  	[spmem:s11] =	stream.linear.scatter [tilespmem:s31], [sflag:$0x2], $0x800, $0x38;
	[tilespmem:$0x18900] =	vst v63  }
0x4d: {  	_ =	swait.ge [sflag:s0], $0x800  }
0x4e: {  	[sflag:s0] =	ssyncset.done $0x0  }
0x4f: {  	s12 =	rddreg [dreg:$0x9];
	[sflag:s0] =	ssyncadd.s32 $0xFFFFF800  }
0x50: {  	[spmem:s12] =	stream.linear.scatter [tilespmem:s31], [sflag:$0x2], $0x800, $0x38;
	[tilespmem:$0x18900] =	vst v63  }
0x51: {  	_ =	swait.ge [sflag:s0], $0x800  }
0x52: {  	[sflag:s0] =	ssyncset.done $0x0  }
0x53: {  	s13 =	rddreg [dreg:$0xa];
	[sflag:s0] =	ssyncadd.s32 $0xFFFFF800  }
0x54: {  	[spmem:s13] =	stream.linear.scatter [tilespmem:s31], [sflag:$0x2], $0x800, $0x38;
	[tilespmem:$0x18900] =	vst v63  }
0x55: {  	_ =	swait.ge [sflag:s0], $0x800  }
0x56: {  	[sflag:s0] =	ssyncset.done $0x0  }
0x57: {  	s14 =	rddreg [dreg:$0xb];
	[sflag:s0] =	ssyncadd.s32 $0xFFFFF800  }
0x58: {  	[spmem:s14] =	stream.linear.scatter [tilespmem:s31], [sflag:$0x2], $0x800, $0x38;
	[tilespmem:$0x18900] =	vst v63  }
0x59: {  	_ =	swait.ge [sflag:s0], $0x800  }
0x5a: {  	[sflag:s0] =	ssyncset.done $0x0  }
0x5b: {  	s11 =	rddreg [dreg:$0xc];
	[sflag:s0] =	ssyncadd.s32 $0xFFFFF800  }
0x5c: {  	[spmem:s11] =	stream.linear.scatter [tilespmem:s31], [sflag:$0x2], $0x800, $0x38;
	[tilespmem:$0x18900] =	vst v63  }
0x5d: {  	_ =	swait.ge [sflag:s0], $0x800  }
0x5e: {  	[sflag:s0] =	ssyncset.done $0x0  }
0x5f: {  	s12 =	rddreg [dreg:$0xd];
	[sflag:s0] =	ssyncadd.s32 $0xFFFFF800  }
0x60: {  	[spmem:s12] =	stream.linear.scatter [tilespmem:s31], [sflag:$0x2], $0x800, $0x38;
	[tilespmem:$0x18900] =	vst v63  }
0x61: {  	_ =	swait.ge [sflag:s0], $0x800  }
0x62: {  	[sflag:s0] =	ssyncset.done $0x0  }
0x63: {  	s13 =	rddreg [dreg:$0xe];
	[sflag:s0] =	ssyncadd.s32 $0xFFFFF800  }
0x64: {  	[spmem:s13] =	stream.linear.scatter [tilespmem:s31], [sflag:$0x2], $0x800, $0x38;
	[tilespmem:$0x18900] =	vst v63  }
0x65: {  	_ =	swait.ge [sflag:s0], $0x800  }
0x66: {  	[sflag:s0] =	ssyncset.done $0x0  }
0x67: {  	s14 =	rddreg [dreg:$0x14];
	[sflag:s0] =	ssyncadd.s32 $0xFFFFF800  }
0x68: {  	[spmem:s14] =	stream.linear.scatter [tilespmem:s31], [sflag:$0x2], $0x800, $0x38;
	[tilespmem:$0x18900] =	vst v63  }
0x69: {  	_ =	swait.ge [sflag:s0], $0x800  }
0x6a: {  	[sflag:s0] =	ssyncset.done $0x0  }
0x6b: {  	s11 =	rddreg [dreg:$0x15];
	[sflag:s0] =	ssyncadd.s32 $0xFFFFF800  }
0x6c: {  	[spmem:s11] =	stream.linear.scatter [tilespmem:s31], [sflag:$0x2], $0x800, $0x38;
	[tilespmem:$0x18900] =	vst v63  }
0x6d: {  	_ =	swait.ge [sflag:s0], $0x800  }
0x6e: {  	[sflag:s0] =	ssyncset.done $0x0  }
0x6f: {  	s12 =	rddreg [dreg:$0x16];
	[sflag:s0] =	ssyncadd.s32 $0xFFFFF800  }
0x70: {  	[spmem:s12] =	stream.linear.scatter [tilespmem:s31], [sflag:$0x2], $0x800, $0x38;
	[tilespmem:$0x18900] =	vst v63  }
0x71: {  	_ =	swait.ge [sflag:s0], $0x800  }
0x72: {  	[sflag:s0] =	ssyncset.done $0x0  }
0x73: {  	s13 =	rddreg [dreg:$0x17];
	[sflag:s0] =	ssyncadd.s32 $0xFFFFF800  }
0x74: {  	[spmem:s13] =	stream.linear.scatter [tilespmem:s31], [sflag:$0x2], $0x800, $0x38;
	[tilespmem:$0x18900] =	vst v63  }
0x75: {  	_ =	swait.ge [sflag:s0], $0x800  }
0x76: {  	[sflag:s0] =	ssyncset.done $0x0  }
0x77: {  	s14 =	rddreg [dreg:$0x18];
	[sflag:s0] =	ssyncadd.s32 $0xFFFFF800  }
0x78: {  	[spmem:s14] =	stream.linear.scatter [tilespmem:s31], [sflag:$0x2], $0x800, $0x38;
	[tilespmem:$0x18900] =	vst v63  }
0x79: {  	_ =	swait.ge [sflag:s0], $0x800  }
0x7a: {  	[sflag:s0] =	ssyncset.done $0x0  }
0x7b: {  	s11 =	rddreg [dreg:$0x19];
	[sflag:s0] =	ssyncadd.s32 $0xFFFFF800  }
0x7c: {  	[spmem:s11] =	stream.linear.scatter [tilespmem:s31], [sflag:$0x2], $0x800, $0x38;
	[tilespmem:$0x18900] =	vst v63  }
0x7d: {  	_ =	swait.ge [sflag:s0], $0x800  }
0x7e: {  	[sflag:s0] =	ssyncset.done $0x0  }
0x7f: {  	s12 =	rddreg [dreg:$0x1a];
	[sflag:s0] =	ssyncadd.s32 $0xFFFFF800  }
0x80: {  	[spmem:s12] =	stream.linear.scatter [tilespmem:s31], [sflag:$0x2], $0x800, $0x38;
	[tilespmem:$0x18900] =	vst v63  }
0x81: {  	_ =	swait.ge [sflag:s0], $0x800  }
0x82: {  	[sflag:s0] =	ssyncset.done $0x0  }
0x83: {  	s13 =	rddreg [dreg:$0x1b];
	[sflag:s0] =	ssyncadd.s32 $0xFFFFF800  }
0x84: {  	[spmem:s13] =	stream.linear.scatter [tilespmem:s31], [sflag:$0x2], $0x800, $0x38;
	[tilespmem:$0x18900] =	vst v63  }
0x85: {  	_ =	swait.ge [sflag:s0], $0x800  }
0x86: {  	[sflag:s0] =	ssyncset.done $0x0  }
0x87: {  	s14 =	rddreg [dreg:$0x1c];
	[sflag:s0] =	ssyncadd.s32 $0xFFFFF800  }
0x88: {  	[spmem:s14] =	stream.linear.scatter [tilespmem:s31], [sflag:$0x2], $0x800, $0x38;
	[tilespmem:$0x18900] =	vst v63  }
0x89: {  	_ =	swait.ge [sflag:s0], $0x800  }
0x8a: {  	[sflag:s0] =	ssyncset.done $0x0  }
0x8b: {  	s11 =	rddreg [dreg:$0x1d];
	[sflag:s0] =	ssyncadd.s32 $0xFFFFF800  }
0x8c: {  	[spmem:s11] =	stream.linear.scatter [tilespmem:s31], [sflag:$0x2], $0x800, $0x38;
	[tilespmem:$0x18900] =	vst v63  }
0x8d: {  	_ =	swait.ge [sflag:s0], $0x800  }
0x8e: {  	[sflag:s0] =	ssyncset.done $0x0  }
0x8f: {  	s12 =	rddreg [dreg:$0x1e];
	[sflag:s0] =	ssyncadd.s32 $0xFFFFF800  }
0x90: {  	[spmem:s12] =	stream.linear.scatter [tilespmem:s31], [sflag:$0x2], $0x800, $0x38;
	[tilespmem:$0x18900] =	vst v63  }
0x91: {  	_ =	swait.ge [sflag:s0], $0x800  }
0x92: {  	[sflag:s0] =	ssyncset.done $0x0  }
0x93: {  	s13 =	rddreg [dreg:$0x1f];
	[sflag:s0] =	ssyncadd.s32 $0xFFFFF800  }
0x94: {  	[spmem:s13] =	stream.linear.scatter [tilespmem:s31], [sflag:$0x2], $0x800, $0x38;
	[tilespmem:$0x18900] =	vst v63  }
0x95: {  	_ =	swait.ge [sflag:s0], $0x800  }
0x96: {  	s14 =	sld [smem:$0x7FB]  }
0x97: {  	[sflag:s0] =	ssyncset.done $0x0  }
0x98: {  	[sflag:s0] =	ssyncadd.s32 $0xFFFFF800  }
0x99: {  	[spmem:s14] =	stream.linear.scatter [tilespmem:s31], [sflag:$0x2], $0x800, $0x38;
	[tilespmem:$0x18900] =	vst v63  }
0x9a: {  	_ =	swait.ge [sflag:s0], $0x800  }
0x9b: {  	s11 =	sld [smem:$0x7FC]  }
0x9c: {  	[sflag:s0] =	ssyncset.done $0x0  }
0x9d: {  	[sflag:s0] =	ssyncadd.s32 $0xFFFFF800  }
0x9e: {  	[spmem:s11] =	stream.linear.scatter [tilespmem:s31], [sflag:$0x2], $0x800, $0x38;
	[tilespmem:$0x18900] =	vst v63  }
0x9f: {  	_ =	swait.ge [sflag:s0], $0x800  }
0xa0: {  	s12 =	sld [smem:$0x7FD]  }
0xa1: {  	[sflag:s0] =	ssyncset.done $0x0  }
0xa2: {  	[sflag:s0] =	ssyncadd.s32 $0xFFFFF800  }
0xa3: {  	[spmem:s12] =	stream.linear.scatter [tilespmem:s31], [sflag:$0x2], $0x800, $0x38;
	[tilespmem:$0x18900] =	vst v63  }
0xa4: {  	_ =	swait.ge [sflag:s0], $0x800  }
0xa5: {  	[sflag:s0] =	ssyncset.done $0x0  }
0xa6: {  	[sflag:s0] =	ssyncadd.s32 $0xFFFFF800  }
0xa7: {  	[spmem:s15] =	stream.linear.scatter [tilespmem:s31], [sflag:$0x2], $0x800, $0x38;
	[tilespmem:$0x18900] =	vst v63  }
0xa8: {  	_ =	swait.ge [sflag:s0], $0x800  }
0xa9: {  	[sflag:s0] =	ssyncset.done $0x0  }
0xaa: {  	[sflag:s0] =	ssyncadd.s32 $0xFFFFF800  }
0xab: {  	[spmem:s16] =	stream.linear.scatter [tilespmem:s31], [sflag:$0x2], $0x800, $0x38;
	[tilespmem:$0x18900] =	vst v63  }
0xac: {  	_ =	swait.ge [sflag:s0], $0x800  }
0xad: {  	[sflag:s0] =	ssyncset.done $0x0  }
0xae: {  	[sflag:s0] =	ssyncadd.s32 $0xFFFFF800  }
0xaf: {  	[spmem:s17] =	stream.linear.scatter [tilespmem:s31], [sflag:$0x2], $0x800, $0x38;
	[tilespmem:$0x18900] =	vst v63  }
0xb0: {  	_ =	swait.ge [sflag:s0], $0x800  }
0xb1: {  	[sflag:s0] =	ssyncset.done $0x0  }
0xb2: {  	[sflag:s0] =	ssyncadd.s32 $0xFFFFF800  }
0xb3: {  	[spmem:s19] =	stream.linear.scatter [tilespmem:s31], [sflag:$0x2], $0x800, $0x38;
	[tilespmem:$0x18900] =	vst v63  }
0xb4: {  	_ =	swait.ge [sflag:s0], $0x800  }
0xb5: {  	[sflag:s0] =	ssyncset.done $0x0  }
0xb6: {  	[sflag:s0] =	ssyncadd.s32 $0xFFFFF800  }
0xb7: {  	[spmem:s2] =	stream.linear.scatter [tilespmem:s31], [sflag:$0x2], $0x800, $0x38;
	[tilespmem:$0x18900] =	vst v63  }
0xb8: {  	_ =	swait.ge [sflag:s0], $0x800  }
0xb9: {  	[sflag:s0] =	ssyncset.done $0x0  }
0xba: {  	[sflag:s0] =	ssyncadd.s32 $0xFFFFF800  }
0xbb: {  	[spmem:s20] =	stream.linear.scatter [tilespmem:s31], [sflag:$0x2], $0x800, $0x38;
	[tilespmem:$0x18900] =	vst v63  }
0xbc: {  	_ =	swait.ge [sflag:s0], $0x800  }
0xbd: {  	[sflag:s0] =	ssyncset.done $0x0  }
0xbe: {  	[sflag:s0] =	ssyncadd.s32 $0xFFFFF800  }
0xbf: {  	[spmem:s21] =	stream.linear.scatter [tilespmem:s31], [sflag:$0x2], $0x800, $0x38;
	[tilespmem:$0x18900] =	vst v63  }
0xc0: {  	_ =	swait.ge [sflag:s0], $0x800  }
0xc1: {  	[sflag:s0] =	ssyncset.done $0x0  }
0xc2: {  	[sflag:s0] =	ssyncadd.s32 $0xFFFFF800  }
0xc3: {  	[spmem:s22] =	stream.linear.scatter [tilespmem:s31], [sflag:$0x2], $0x800, $0x38;
	[tilespmem:$0x18900] =	vst v63  }
0xc4: {  	_ =	swait.ge [sflag:s0], $0x800  }
0xc5: {  	[sflag:s0] =	ssyncset.done $0x0  }
0xc6: {  	[sflag:s0] =	ssyncadd.s32 $0xFFFFF800  }
0xc7: {  	[spmem:s23] =	stream.linear.scatter [tilespmem:s31], [sflag:$0x2], $0x800, $0x38;
	[tilespmem:$0x18900] =	vst v63  }
0xc8: {  	_ =	swait.ge [sflag:s0], $0x800  }
0xc9: {  	[sflag:s0] =	ssyncset.done $0x0  }
0xca: {  	[sflag:s0] =	ssyncadd.s32 $0xFFFFF800  }
0xcb: {  	[spmem:s26] =	stream.linear.scatter [tilespmem:s31], [sflag:$0x2], $0x800, $0x38;
	[tilespmem:$0x18900] =	vst v63  }
0xcc: {  	_ =	swait.ge [sflag:s0], $0x800  }
0xcd: {  	[sflag:s0] =	ssyncset.done $0x0  }
0xce: {  	[sflag:s0] =	ssyncadd.s32 $0xFFFFF800  }
0xcf: {  	[spmem:s28] =	stream.linear.scatter [tilespmem:s31], [sflag:$0x2], $0x800, $0x38;
	[tilespmem:$0x18900] =	vst v63  }
0xd0: {  	_ =	swait.ge [sflag:s0], $0x800  }
0xd1: {  	[sflag:s0] =	ssyncset.done $0x0  }
0xd2: {  	[sflag:s0] =	ssyncadd.s32 $0xFFFFF800  }
0xd3: {  	[spmem:s29] =	stream.linear.scatter [tilespmem:s31], [sflag:$0x2], $0x800, $0x38;
	[tilespmem:$0x18900] =	vst v63  }
0xd4: {  	_ =	swait.ge [sflag:s0], $0x800  }
0xd5: {  	[sflag:s0] =	ssyncset.done $0x0  }
0xd6: {  	[sflag:s0] =	ssyncadd.s32 $0xFFFFF800  }
0xd7: {  	s13 =	sadd.s32 $0x0, s25;
	[bflag:$0x0] =	sbarrier.arrive $0xFFFF  }
0xd8: {  	[tilespmem:s3], [sflag:$0x2] =	stream.linear.gather [hbm4b:s13+s3], $0x80, $0x38;
	[tilespmem:$0x18900] =	vst v63  }
0xd9: {  	_ =	swait.ge [sflag:s0], $0x80  }
0xda: {  	[sflag:s0] =	ssyncset.done $0x0  }
0xdb: {  	s14 =	sadd.s32 $0x0, s24;
	[sflag:s0] =	ssyncadd.s32 $0xFFFFFF80  }
0xdc: {  	[tilespmem:s6], [sflag:$0x2] =	stream.linear.gather [hbm4b:s14+s3], $0x80, $0x38;
	[tilespmem:$0x18900] =	vst v63  }
0xdd: {  	_ =	swait.ge [sflag:s0], $0x80  }
0xde: {  	[sflag:s0] =	ssyncset.done $0x0  }
0xdf: {  	[sflag:s0] =	ssyncadd.s32 $0xFFFFFF80  }
0xe0: {  	[tilespmem:s7], [sflag:$0x1] =	stream.indirect.gather [hbm4b:s4+s6], $0x80, s3, s6, $0xb8;
	[tilespmem:$0x18900] =	vst v63  }
0xe1: {  	_ =	swait.ge [sflag:s8], $0x4000  }
0xe2: {  	[sflag:s8] =	ssyncset.done $0x0  }
0xe3: {  	[sflag:s8] =	ssyncadd.s32 $0xFFFFC000  }
0xe4: {  	[spmem:s1] =	stream.indirect.scatter.add.f32 [tilespmem:s7], [sflag:$0x2], $0x80, s6, s6, $0xb8;
	[tilespmem:$0x18900] =	vst v63  }
0xe5: {  	_ =	swait.ge [sflag:s0], $0x4000  }
0xe6: {  	s10 =	simm.s32 $0x10;
	s11 =	simm.s32 $0x20;
	[sflag:s0] =	ssyncset.done $0x0  }
.LBB2_4:
0xe7: {  	s12 =	sadd.s32 s10, s25  }
0xe8: {  	[sflag:s0] =	ssyncadd.s32 $0xFFFFC000;
	s13 =	smov.u32 s11;
	s14 =	sadd.s32 $0x10, s11  }
0xe9: {  	[tilespmem:s3], [sflag:$0x2] =	stream.linear.gather [hbm4b:s12+s3], $0x80, $0x38;
	[tilespmem:$0x18900] =	vst v63  }
0xea: {  	p4 =	sne.s32 s11, $0x4E0;
	_ =	swait.ge [sflag:s0], $0x80  }
0xeb: {  	[sflag:s0] =	ssyncset.done $0x0  }
0xec: {  	s11 =	sadd.s32 s10, s24;
	s10 =	smov.u32 s13;
	[sflag:s0] =	ssyncadd.s32 $0xFFFFFF80  }
0xed: {  	[tilespmem:s6], [sflag:$0x2] =	stream.linear.gather [hbm4b:s11+s3], $0x80, $0x38;
	[tilespmem:$0x18900] =	vst v63  }
0xee: {  	_ =	swait.ge [sflag:s0], $0x80  }
0xef: {  	[sflag:s0] =	ssyncset.done $0x0  }
0xf0: {  	[sflag:s0] =	ssyncadd.s32 $0xFFFFFF80  }
0xf1: {  	[tilespmem:s7], [sflag:$0x1] =	stream.indirect.gather [hbm4b:s4+s6], $0x80, s3, s6, $0xb8;
	[tilespmem:$0x18900] =	vst v63  }
0xf2: {  	_ =	swait.ge [sflag:s8], $0x4000  }
.Ltmp1:
0xf3: {  	[sflag:s8] =	ssyncset.done $0x0;
	(pc) =	sbr.rel @p4 .LBB2_4-.Ltmp1, $4  }
0xf4: {  	[sflag:s8] =	ssyncadd.s32 $0xFFFFC000  }
0xf5: {  	[spmem:s1] =	stream.indirect.scatter.add.f32 [tilespmem:s7], [sflag:$0x2], $0x80, s6, s6, $0xb8;
	[tilespmem:$0x18900] =	vst v63  }
0xf6: {  	_ =	swait.ge [sflag:s0], $0x4000  }
0xf7: {  	s11 =	smov.u32 s14;
	[sflag:s0] =	ssyncset.done $0x0  }
0xf8: {  	s11 =	sadd.s32 s10, s25;
	[sflag:s0] =	ssyncadd.s32 $0xFFFFC000  }
0xf9: {  	[tilespmem:s3], [sflag:$0x2] =	stream.linear.gather [hbm4b:s11+s3], $0x80, $0x38;
	[tilespmem:$0x18900] =	vst v63  }
0xfa: {  	_ =	swait.ge [sflag:s0], $0x80  }
0xfb: {  	[sflag:s0] =	ssyncset.done $0x0  }
0xfc: {  	s13 =	sadd.s32 s10, s24;
	[sflag:s0] =	ssyncadd.s32 $0xFFFFFF80  }
0xfd: {  	[tilespmem:s6], [sflag:$0x2] =	stream.linear.gather [hbm4b:s13+s3], $0x80, $0x38;
	[tilespmem:$0x18900] =	vst v63  }
0xfe: {  	_ =	swait.ge [sflag:s0], $0x80  }
0xff: {  	[sflag:s0] =	ssyncset.done $0x0  }
0x100: {  	[sflag:s0] =	ssyncadd.s32 $0xFFFFFF80  }
0x101: {  	[tilespmem:s7], [sflag:$0x1] =	stream.indirect.gather [hbm4b:s4+s6], $0x80, s3, s6, $0xb8;
	[tilespmem:$0x18900] =	vst v63  }
0x102: {  	_ =	swait.ge [sflag:s8], $0x4000  }
0x103: {  	[sflag:s8] =	ssyncset.done $0x0  }
0x104: {  	[sflag:s8] =	ssyncadd.s32 $0xFFFFC000  }
0x105: {  	[spmem:s1] =	stream.indirect.scatter.add.f32 [tilespmem:s7], [sflag:$0x2], $0x80, s6, s6, $0xb8;
	[tilespmem:$0x18900] =	vst v63  }
0x106: {  	_ =	swait.ge [sflag:s0], $0x4000  }
0x107: {  	[sflag:s0] =	ssyncset.done $0x0  }
0x108: {  	[sflag:s0] =	ssyncadd.s32 $0xFFFFC000  }
0x109: {  	[bflag:$0x0] =	sbarrier.arrive $0xFFFF  }
0x10a: {  	s10 =	sshrl.u32 @!p0 s30, $0x3;
	s11 =	simm.s32 @!p0 $0x1FC2;
	s12 =	rddreg [dreg:$0x12]  }
0x10b: {  	[hbm:s12], [sflag:s11] =	dma.local @!p0 [spmem:s10], $0x2080  }
0x10c: {  	s10 =	simm.s32 @!p0 $0x2  }
0x10d: {  	s13 =	stileid.u32;
	_ =	swait.ge @!p0 [sflag:s10], $0x2080  }
0x10e: {  	s11 =	sshll.u32 @!p1 s13, $0x6;
	[sflag:s10] =	ssyncset.done @!p0 $0x0;
	s12 =	rddreg [dreg:$0x11]  }
0x10f: {  	[sflag:s10] =	ssyncadd.s32 @!p0 $0xFFFFDF80;
	s10 =	sor.u32 @!p1 $0x1C02, s11;
	s11 =	sshrl.u32 @!p1 s18, $0x3  }
0x110: {  	[hbm:s12], [sflag:s10] =	dma.local @!p1 [spmem:s11], $0x2780  }
0x111: {  	s10 =	simm.s32 @!p1 $0x2  }
0x112: {  	_ =	swait.ge @!p1 [sflag:s10], $0x2780  }
0x113: {  	s11 =	simm.s32 @!p2 $0x1FC2;
	[sflag:s10] =	ssyncset.done @!p1 $0x0  }
0x114: {  	s12 =	rddreg [dreg:$0x10];
	[sflag:s10] =	ssyncadd.s32 @!p1 $0xFFFFD880;
	s10 =	sshrl.u32 @!p2 s30, $0x3  }
0x115: {  	[hbm:s12], [sflag:s11] =	dma.local @!p2 [spmem:s10], $0x2080  }
0x116: {  	s10 =	simm.s32 @!p2 $0x2  }
0x117: {  	_ =	swait.ge @!p2 [sflag:s10], $0x2080  }
0x118: {  	s11 =	sshll.u32 @!p3 s13, $0x6;
	[sflag:s10] =	ssyncset.done @!p2 $0x0;
	s13 =	rddreg [dreg:$0xf]  }
0x119: {  	[sflag:s10] =	ssyncadd.s32 @!p2 $0xFFFFDF80;
	s10 =	sor.u32 @!p3 $0x1C02, s11;
	s11 =	sshrl.u32 @!p3 s18, $0x3  }
0x11a: {  	[hbm:s13], [sflag:s10] =	dma.local @!p3 [spmem:s11], $0x2780  }
0x11b: {  	s10 =	simm.s32 @!p3 $0x2  }
0x11c: {  	_ =	swait.ge @!p3 [sflag:s10], $0x2780  }
0x11d: {  	s9 =	sadd.s32 $0x1, s9;
	s14 =	rddreg [dreg:$0x13]  }
0x11e: {  	p4 =	sne.s32 s9, s14  }
.Ltmp2:
0x11f: {  	_ = 	snop;
	(pc) =	sbr.rel @p4 .LBB2_1-.Ltmp2, $3  }
0x120: {  	_ =	sdelay $0x1  }
0x121: {  	[sflag:s10] =	ssyncset.done @!p3 $0x0  }
0x122: {  	s12 =	stileid.u32;
	[sflag:s10] =	ssyncadd.s32 @!p3 $0xFFFFD880  }
0x123: {  	_ =	sfence.sel $0x180000  }
0x124: {  	[bflag:$0x0] =	sbarrier.arrive $0xFFFF  }
0x125: {  	_ =	strace $0x9000004A  }
0x126: {  	[bflag:$0x2] =	sbarrier.arrive $0xFFFF  }
0x127: {  	p0 =	sne.s32 s12, $0x0;
	s0 =	rddreg [dreg:$0x2]  }
0x128: {  	s0 =	sadd.s32 @!p0 $0x100000, s0  }
0x129: {  	[sflag:s0] =	ssyncadd.tile.s32 @!p0 $0x1;
	_ =	shalt  }
.Lfunc_end2:
_tile_overlayer_lowered:
.L_overlay_start_2:
0x12a: {  	(tag) =	ssettag $0x2  }
0x12b: {  	s0 =	rddreg [dreg:$0x0];
	s2 =	stileid.u32  }
0x12c: {  	s1 =	rddreg [dreg:$0x1];
	p0 =	sne.s32 s2, $0x0  }
0x12d: {  	s3 =	rddreg [dreg:$0x2];
	[bflag:$0x3] =	sbarrier.arrive $0xFFFF;
	s2 =	simm.s32 @!p0 $0x1C02  }
0x12e: {  	[timem:s3], [sflag:s2] =	dma.local @!p0 [hbm:s0], s1  }
0x12f: {  	s0 =	simm.s32 @!p0 $0x2  }
0x130: {  	_ =	swait.ge @!p0 [sflag:s0], s1  }
0x131: {  	s1 =	ssub.s32 @!p0 $0x0, s1;
	[sflag:s0] =	ssyncset.done @!p0 $0x0  }
0x132: {  	[sflag:s0] =	ssyncadd.s32 @!p0 s1  }
0x133: {  	[bflag:$0x3] =	sbarrier.arrive $0xFFFF  }
0x134: {  	_ =	shalt  }

// kernel: kernel.18.cloned.1.call-start
scs
__scs_entry_jumppad:
0x0: {  	(pc) =	sbr.rel $0x88, $3  }
0x1: {  	(tag) =	ssettag $0x0;
	lr =	simm.s32 $0x1  }
0x2: {  	[smem:$0x3F8F] =	sst lr;
	_ =	strace $0xD0000000  }
0x3: {  	_ = 	snop  }
0x4: {  	_ = 	snop  }
0x5: {  	_ = 	snop  }
0x6: {  	_ = 	snop  }
0x7: {  	_ = 	snop  }
__scs_overlays_trampoline_lowered:
0x8: {  	[smem:$0x3F9E] =	sst s0  }
0x9: {  	[smem:$0x3F9F] =	sst s1  }
0xa: {  	[smem:$0x3FA0] =	sst s2  }
0xb: {  	[smem:$0x3FA1] =	sst s3  }
0xc: {  	[smem:$0x3FA2] =	sst s4  }
0xd: {  	[smem:$0x3FA3] =	sst s5  }
0xe: {  	[smem:$0x3FA4] =	sst s6  }
0xf: {  	[smem:$0x3FA5] =	sst s7  }
0x10: {  	[smem:$0x3FA6] =	sst s8  }
0x11: {  	[smem:$0x3FA7] =	sst s9;
	s0 =	simm.s32 @!p0 $0x0  }
0x12: {  	s1 =	sld [smem:$0x3F8D];
	s0 =	simm.s32 @p0 $0x1  }
0x13: {  	[smem:$0x3FA8] =	sst s0;
	s0 =	simm.s32 @!p1 $0x0  }
0x14: {  	s2 =	sld [smem:$0x3F8C];
	s0 =	simm.s32 @p1 $0x1  }
0x15: {  	[smem:$0x3FA9] =	sst s0;
	s0 =	simm.s32 @!p2 $0x0  }
0x16: {  	s3 =	sld [smem:$0x3FDB];
	s0 =	simm.s32 @p2 $0x1  }
0x17: {  	s4 =	simm.s32 $0x1BF5;
	[smem:$0x3FAB] =	sst s0  }
0x18: {  	s0 =	sld [smem:$0x3F8E];
	_ =	swait.ge [sflag:s4], $0x0  }
0x19: {  	s7 =	sld [smem:$0x3F8F]  }
0x1a: {  	s8 =	sadd.s32 $0xFFFFE003, lr  }
0x1b: {  	s9 =	sadd.s32 $0xFFFFFEF7, lr;
	s5 =	simm.s32 $0xFFFFFFFF;
	p2 =	slt.u32 s8, $0xFFFFF086  }
0x1c: {  	p1 =	slt.u32 s9, $0xF7A;
	s5 =	simm.s32 @!p2 $0x0  }
0x1d: {  	s5 =	simm.s32 @p1 $0x1;
	p0 =	seq.s32 s7, s2  }
0x1e: {  	s7 =	smul.u32 @!p0 $0xF7A, s2;
	p2 =	seq.s32 @!p0 s5, $0x0  }
0x1f: {  	s9 =	smul.u32 $0xF7A, s1;
	s8 =	simm.s32 @!p0 $0x1BF5;
	p2 =	por !p2, p0  }
0x20: {  	[sflag:s8] =	ssyncset.s32 @!p0 $0xFFFFF086;
	s6 =	sadd.s32 @!p0 s3, s7;
	s7 =	simm.s32 @!p0 $0x108  }
0x21: {  	s3 =	sadd.s32 s3, s9;
	s6 =	sadd.s32 @!p0 $0x88, s6;
	s7 =	simm.s32 @p2 $0x1082  }
0x22: {  	[simem:s7], [sflag:s8] =	dma.local @!p0 [hbm:s6], $0xF7A  }
0x23: {  	s9 =	sor.u32 $0xD0000000, s2;
	s6 =	simm.s32 $0x108;
	_ =	swait.ge @!p0 [sflag:s8], $0x0  }
0x24: {  	s3 =	sadd.s32 $0x88, s3;
	s6 =	simm.s32 @!p1 $0x1082;
	[sflag:s4] =	ssyncset.s32 $0xFFFFF086  }
0x25: {  	[simem:s6], [sflag:s4] =	dma.local [hbm:s3], $0xF7A  }
0x26: {  	[smem:$0x3F8F] =	sst s1;
	(tag) =	ssettag s2;
	_ =	strace s9  }
0x27: {  	s1 =	sld [smem:$0x3F9F]  }
0x28: {  	s2 =	sld [smem:$0x3FA0]  }
0x29: {  	s4 =	sld [smem:$0x3FA2]  }
0x2a: {  	p0 =	seq.s32 s5, $0x0;
	s5 =	sld [smem:$0x3FA3]  }
0x2b: {  	s6 =	sld [smem:$0x3FA4]  }
0x2c: {  	s7 =	sld [smem:$0x3FA5]  }
0x2d: {  	s3 =	simm.s32 $0x108;
	s8 =	sld [smem:$0x3FA6]  }
0x2e: {  	s3 =	simm.s32 @!p0 $0x1082;
	s9 =	sld [smem:$0x3FA7]  }
0x2f: {  	lr =	sadd.s32 s0, s3;
	s0 =	sld [smem:$0x3F9E]  }
0x30: {  	s3 =	sld [smem:$0x3FA1]  }
0x31: {  	[smem:$0x3FAA] =	sst s10  }
0x32: {  	s10 =	sld [smem:$0x3FA8];
	_ =	sdelay $0x3  }
0x33: {  	p0 =	seq.s32 s10, $0x1;
	s10 =	sld [smem:$0x3FAA];
	_ =	sdelay $0x3  }
0x34: {  	[smem:$0x3FAA] =	sst s10  }
0x35: {  	s10 =	sld [smem:$0x3FA9];
	_ =	sdelay $0x3  }
0x36: {  	p1 =	seq.s32 s10, $0x1;
	s10 =	sld [smem:$0x3FAA];
	_ =	sdelay $0x3  }
0x37: {  	[smem:$0x3FAA] =	sst s10  }
0x38: {  	s10 =	sld [smem:$0x3FAB]  }
0x39: {  	_ = 	snop;
	(pc) =	sbr.ind lr, $3  }
0x3a: {  	_ = 	snop  }
0x3b: {  	_ = 	snop  }
0x3c: {  	p2 =	seq.s32 s10, $0x1;
	s10 =	sld [smem:$0x3FAA]  }
0x3d: {  	_ =	shalt  }
0x3e: {  	_ =	shalt  }
0x3f: {  	_ =	shalt  }
0x40: {  	_ =	shalt  }
0x41: {  	_ =	shalt  }
0x42: {  	_ =	shalt  }
0x43: {  	_ =	shalt  }
0x44: {  	_ =	shalt  }
0x45: {  	_ =	shalt  }
0x46: {  	_ =	shalt  }
0x47: {  	_ =	shalt  }
0x48: {  	_ =	shalt  }
0x49: {  	_ =	shalt  }
0x4a: {  	_ =	shalt  }
0x4b: {  	_ =	shalt  }
0x4c: {  	_ =	shalt  }
0x4d: {  	_ =	shalt  }
0x4e: {  	_ =	shalt  }
0x4f: {  	_ =	shalt  }
0x50: {  	_ =	shalt  }
0x51: {  	_ =	shalt  }
0x52: {  	_ =	shalt  }
0x53: {  	_ =	shalt  }
0x54: {  	_ =	shalt  }
0x55: {  	_ =	shalt  }
0x56: {  	_ =	shalt  }
0x57: {  	_ =	shalt  }
0x58: {  	_ =	shalt  }
0x59: {  	_ =	shalt  }
0x5a: {  	_ =	shalt  }
0x5b: {  	_ =	shalt  }
0x5c: {  	_ =	shalt  }
0x5d: {  	_ =	shalt  }
0x5e: {  	_ =	shalt  }
0x5f: {  	_ =	shalt  }
0x60: {  	_ =	shalt  }
0x61: {  	_ =	shalt  }
0x62: {  	_ =	shalt  }
0x63: {  	_ =	shalt  }
0x64: {  	_ =	shalt  }
0x65: {  	_ =	shalt  }
0x66: {  	_ =	shalt  }
0x67: {  	_ =	shalt  }
0x68: {  	_ =	shalt  }
0x69: {  	_ =	shalt  }
0x6a: {  	_ =	shalt  }
0x6b: {  	_ =	shalt  }
0x6c: {  	_ =	shalt  }
0x6d: {  	_ =	shalt  }
0x6e: {  	_ =	shalt  }
0x6f: {  	_ =	shalt  }
0x70: {  	_ =	shalt  }
0x71: {  	_ =	shalt  }
0x72: {  	_ =	shalt  }
0x73: {  	_ =	shalt  }
0x74: {  	_ =	shalt  }
0x75: {  	_ =	shalt  }
0x76: {  	_ =	shalt  }
0x77: {  	_ =	shalt  }
0x78: {  	_ =	shalt  }
0x79: {  	_ =	shalt  }
0x7a: {  	_ =	shalt  }
0x7b: {  	_ =	shalt  }
0x7c: {  	_ =	shalt  }
0x7d: {  	_ =	shalt  }
0x7e: {  	_ =	shalt  }
0x7f: {  	_ =	shalt  }
0x80: {  	_ =	shalt  }
0x81: {  	_ =	shalt  }
0x82: {  	_ =	shalt  }
0x83: {  	_ =	shalt  }
0x84: {  	_ =	shalt  }
0x85: {  	_ =	shalt  }
0x86: {  	_ =	shalt  }
0x87: {  	_ =	shalt  }
.Lfunc_end0:
.L_simem_size_0:
called_computation.2_lowered:
.L_overlay_start_0:
0x88: {  	s2 =	sld [smem:$0x3FD9]  }
0x89: {  	s3 =	sld [smem:$0x3FFE];
	_ =	sdelay $0x1  }
0x8a: {  	s1 =	srdreg.scid  }
0x8b: {  	s0 =	sand.u32 $0x1, s1  }
0x8c: {  	s16 =	sshll.u32 s0, $0xA;
	s2 =	sadd.s32 s3, s2  }
0x8d: {  	s2 =	sadd.s32 s2, s16  }
0x8e: {  	[smem:$0x3FB6] =	sst s2  }
0x8f: {  	_ = 	snop  }
0x90: {  	(tm) =	ssettm $0x1  }
0x91: {  	s17 =	sld [smem:$0x3FFB];
	_ =	sdelay $0x3  }
0x92: {  	_ =	strace s17  }
0x93: {  	s2 =	sld [smem:$0x3FFC];
	_ =	sdelay $0x3  }
0x94: {  	_ =	strace s2  }
0x95: {  	s2 =	sld [smem:$0x3FFD];
	_ =	sdelay $0x3  }
0x96: {  	_ =	strace s2  }
0x97: {  	_ =	strace $0x8FFFFFFF  }
0x98: {  	s18 =	sld [smem:$0x3FDB];
	_ =	sdelay $0x1  }
0x99: {  	s19 =	simm.s32 $_scs_section_size  }
0x9a: {  	s4 =	simm.s32 $_size__tile_overlayer_lowered;
	s5 =	simm.s32 $_tile_overlayer_lowered  }
0x9b: {  	s22 =	simm.s32 $0x1BFF;
	s21 =	sshll.u32 s5, $0x1;
	s2 =	sadd.s32 s19, s18  }
0x9c: {  	s6 =	simm.s32 $0x0;
	s20 =	sshll.u32 s4, $0x1;
	s4 =	sadd.s32 s21, s2  }
0x9d: {  	[timem:s6], [sflag:s22] =	dma.local [hbm:s4], s20  }
0x9e: {  	_ =	swait.ge [sflag:s22], s20  }
0x9f: {  	s3 =	ssub.s32 $0x0, s20;
	[sflag:s22] =	ssyncset.done $0x0  }
0xa0: {  	[sflag:s22] =	ssyncadd.s32 s3;
	_ =	sdelay $0x1  }
0xa1: {  	s23 =	simm.s32 $0x1B8B  }
0xa2: {  	_ =	swait.ge [sflag:s23], $0x1  }
0xa3: {  	[sflag:s23] =	ssyncset.done $0x0  }
0xa4: {  	s25 =	simm.s32 $0x1B8E;
	s24 =	sld [smem:$0x3FFE];
	[sflag:s23] =	ssyncadd.s32 $0xFFFFFFFF  }
0xa5: {  	s26 =	simm.s32 $execute0_lowered;
	[smem:$0x3FD2] =	sst s25  }
0xa6: {  	s4 =	sshll.u32 s26, $0x1;
	_ =	strace $0x8000004C;
	[dreg:$0x1] =	wrdreg $0xFFFFFFFF  }
0xa7: {  	s28 =	simm.s32 $_size_execute0_lowered;
	s2 =	sadd.s32 s2, s4;
	[dreg:$0x0] =	wrdreg $0x0  }
0xa8: {  	s4 =	sshll.u32 s28, $0x1;
	[dreg:$0x2] =	wrdreg s2  }
0xa9: {  	[dreg:$0x3] =	wrdreg s4  }
0xaa: {  	[dreg:$0x4] =	wrdreg $0xC0  }
0xab: {  	_ =	task [dreg:s6], $0x5FFFF  }
0xac: {  	[dreg:$0x1] =	wrdreg $0xFFFFFFFF  }
0xad: {  	[dreg:$0x0] =	wrdreg $0x60  }
0xae: {  	[dreg:$0x2] =	wrdreg s24  }
0xaf: {  	[dreg:$0x3] =	wrdreg $0x49000  }
0xb0: {  	[dreg:$0x4] =	wrdreg $0x9  }
0xb1: {  	_ =	task.clear_ibuf [dreg:s6], $0x5FFFF;
	_ =	strace $0x9000004C  }
0xb2: {  	s29 =	simm.s32 $0x9;
	_ =	strace $0x8000004E  }
0xb3: {  	_ =	swait.ge [sflag:s29], $0x1  }
0xb4: {  	[sflag:s29] =	ssyncadd.s32 $0xFFFFFFFF  }
0xb5: {  	_ =	strace $0x9000004E  }
0xb6: {  	_ =	sfence  }
0xb7: {  	s30 =	sld [smem:$0x0];
	_ =	sdelay $0x2  }
0xb8: {  	s31 =	sshll.u32 s1, $0xD;
	s1 =	sshrl.u32 s1, $0x2  }
0xb9: {  	s3 =	sand.u32 $0x4000, s31;
	s1 =	sadd.s32 s1, s30  }
0xba: {  	s0 =	sor.u32 s3, s0;
	s1 =	sshll.u32 s1, $0x11  }
0xbb: {  	s0 =	sor.u32 s1, s0  }
0xbc: {  	s0 =	sadd.s32 $0x8F2B, s0  }
0xbd: {  	[sflag:s0] =	ssyncadd.remote.s32 $0x1  }
0xbe: {  	_ =	sfence.sel $0xFFFF  }
0xbf: {  	[dreg:$0x0] =	wrdreg $0xFFFFFFFF;
	(pc) =	sbr.abs _section_cstart, $3  }
0xc0: {  	[dreg:$0x1] =	wrdreg $0xFFFFFFFF  }
0xc1: {  	_ =	task.clear_ibuf [dreg:s6], $0x2FFFF;
	_ =	strace $0x9FFFFFFF  }
0xc2: {  	(tm) =	ssettm $0x7FFFFFFF  }
0xc3: {  	_ =	shalt  }
tec
execute0_lowered:
.L_overlay_start_1:
0x0: {  	(tag) =	ssettag $0x1  }
0x1: {  	s10 =	stileid.u32  }
0x2: {  	s2 =	srdreg.scid;
	s6 =	smul.u32 $0x50000, s10  }
0x3: {  	s0 =	rddreg [dreg:$0x0];
	s2 =	sand.u32 $0x1, s2;
	s7 =	smul.u32 $0x2780, s10  }
0x4: {  	s1 =	rddreg [dreg:$0x1];
	s3 =	simm.s32 $0x0;
	s5 =	smul.u32 $0x4F00, s2  }
0x5: {  	[smem:$0x7FF] =	sst s3;
	s26 =	sshrl.u32 s6, $0x2;
	s6 =	sadd.s32 s7, s0  }
0x6: {  	_ =	strace $0x8000004D;
	s8 =	sadd.s32 s5, s0;
	s25 =	sadd.s32 $0x40000, s6  }
0x7: {  	s5 =	sadd.s32 s26, s1;
	s26 =	sadd.s32 $0x65080, s0;
	[dreg:$0xf] =	wrdreg s25  }
0x8: {  	s6 =	sadd.s32 $0x67200, s6;
	[dreg:$0x10] =	wrdreg s26  }
0x9: {  	s4 =	sadd.s32 $0x18E00, s0;
	s0 =	sadd.s32 $0x8C280, s0;
	[dreg:$0x11] =	wrdreg s6  }
0xa: {  	s31 =	simm.s32 $0x4100;
	s12 =	sadd.s32 $0x800, s5;
	[dreg:$0x12] =	wrdreg s0  }
0xb: {  	s19 =	smul.u32 $0x4F000, s10;
	s13 =	sadd.s32 $0x1000, s5;
	[dreg:$0x3] =	wrdreg s12  }
0xc: {  	s24 =	smul.u32 $0x4F0, s10;
	s14 =	sadd.s32 $0x1800, s5;
	[dreg:$0x4] =	wrdreg s13  }
0xd: {  	s30 =	sadd.s32 $0x128400, s1;
	s15 =	sadd.s32 $0x2000, s5;
	[dreg:$0x5] =	wrdreg s14  }
0xe: {  	s9 =	ssub.s32 $0x2, s2;
	s16 =	sadd.s32 $0x2800, s5;
	[dreg:$0x6] =	wrdreg s15  }
0xf: {  	p3 =	seq.s32 s2, $0x1;
	s17 =	sadd.s32 $0x3000, s5;
	[dreg:$0x7] =	wrdreg s16  }
0x10: {  	s11 =	sshrl.u32 s9, $0x1;
	s18 =	sadd.s32 $0x3800, s5;
	[dreg:$0x8] =	wrdreg s17  }
0x11: {  	s7 =	ssub.s32 s9, s11;
	s11 =	sadd.s32 $0x4000, s5;
	[dreg:$0x9] =	wrdreg s18  }
0x12: {  	p1 =	seq.s32 @p3 s10, $0xF;
	s20 =	sadd.s32 $0x4800, s5;
	[dreg:$0xa] =	wrdreg s11  }
0x13: {  	p4 =	seq.s32 @!p3 s10, $0xF;
	s21 =	sadd.s32 $0x5000, s5;
	[dreg:$0xb] =	wrdreg s20  }
0x14: {  	s9 =	sshrl.u32 s19, $0x2;
	s22 =	sadd.s32 $0x5800, s5;
	[dreg:$0xc] =	wrdreg s21  }
0x15: {  	p0 =	por !p1, !p3;
	s23 =	sadd.s32 $0x6000, s5;
	[dreg:$0xd] =	wrdreg s22  }
0x16: {  	p1 =	por p1, !p3;
	s7 =	smax.u32 s7, $0x1;
	[dreg:$0xe] =	wrdreg s23  }
0x17: {  	p2 =	por !p4, p3;
	s10 =	sadd.s32 $0x7000, s5;
	[dreg:$0x13] =	wrdreg s7  }
0x18: {  	p3 =	por p4, p3;
	s19 =	sadd.s32 $0xB000, s5;
	[dreg:$0x15] =	wrdreg s10  }
0x19: {  	s8 =	sadd.s32 s24, s8;
	s26 =	sadd.s32 $0xD800, s5;
	[dreg:$0x1d] =	wrdreg s19  }
0x1a: {  	s18 =	sadd.s32 s9, s1;
	s9 =	sadd.s32 $0x6800, s5;
	[smem:$0x7FD] =	sst s26  }
0x1b: {  	s2 =	sadd.s32 $0x10000, s5;
	s11 =	sadd.s32 $0x7800, s5;
	[dreg:$0x14] =	wrdreg s9  }
0x1c: {  	s28 =	sadd.s32 $0x13000, s5;
	s12 =	sadd.s32 $0x8000, s5;
	[dreg:$0x16] =	wrdreg s11  }
0x1d: {  	s29 =	sadd.s32 $0x13800, s5;
	s13 =	sadd.s32 $0x8800, s5;
	[dreg:$0x17] =	wrdreg s12  }
0x1e: {  	s0 =	simm.s32 $0x2;
	s14 =	sadd.s32 $0x9000, s5;
	[dreg:$0x18] =	wrdreg s13  }
0x1f: {  	s6 =	simm.s32 $0x80;
	s15 =	sadd.s32 $0x9800, s5;
	[dreg:$0x19] =	wrdreg s14  }
0x20: {  	s24 =	sadd.s32 $0xF000, s8;
	s16 =	sadd.s32 $0xA000, s5;
	[dreg:$0x1a] =	wrdreg s15  }
0x21: {  	s25 =	sadd.s32 $0x5200, s8;
	s17 =	sadd.s32 $0xA800, s5;
	[dreg:$0x1b] =	wrdreg s16  }
0x22: {  	s20 =	sadd.s32 $0xB800, s5;
	s21 =	sadd.s32 $0xC000, s5;
	[dreg:$0x1c] =	wrdreg s17  }
0x23: {  	s22 =	sadd.s32 $0xC800, s5;
	s23 =	sadd.s32 $0xD000, s5;
	[dreg:$0x1e] =	wrdreg s20  }
0x24: {  	s19 =	sadd.s32 $0xF800, s5;
	s26 =	sadd.s32 $0x12800, s5;
	[dreg:$0x1f] =	wrdreg s21  }
0x25: {  	s7 =	simm.s32 $0x100;
	s8 =	simm.s32 $0x1;
	[smem:$0x7FB] =	sst s22  }
0x26: {  	[smem:$0x7FC] =	sst s23;
	s15 =	sadd.s32 $0xE000, s5;
	s16 =	sadd.s32 $0xE800, s5  }
0x27: {  	s17 =	sadd.s32 $0xF000, s5;
	s20 =	sadd.s32 $0x10800, s5;
	s21 =	sadd.s32 $0x11000, s5  }
0x28: {  	v0 =	vimm.f32 $0.0e+00;
	s22 =	sadd.s32 $0x11800, s5;
	s23 =	sadd.s32 $0x12000, s5;
	s9 =	simm.s32 $0x0  }
.LBB2_1:
0x29: {  	s10 =	sand.u32 $0x1E00, s3  }
0x2a: {  	s11 =	sand.u32 $0x70, s3;
	s12 =	sshrl.u32 s10, $0x2  }
0x2b: {  	s10 =	simm.s32 $0x40;
	s12 =	sor.u32 s11, s12;
	s11 =	simm.s32 $0x0  }
.LBB2_2:
0x2c: {  	p4 =	sne.s32 s10, $0x1FC0  }
0x2d: {  	[tilespmem:s12+$0x4100] =	vst v0;
	s11 =	sadd.s32 $0x10, s11;
	s12 =	smov.u32 s10;
	s10 =	sadd.s32 $0x40, s10  }
.Ltmp0:
0x2e: {  	(pc) =	sbr.rel @p4 .LBB2_2-.Ltmp0, $4  }
0x2f: {  	_ = 	snop  }
0x30: {  	s12 =	sand.u32 $0x1E00, s12  }
0x31: {  	s13 =	sand.u32 $0x70, s11;
	s12 =	sshrl.u32 s12, $0x2  }
0x32: {  	s12 =	sor.u32 s13, s12  }
0x33: {  	[tilespmem:s12+$0x4100] =	vst v0  }
0x34: {  	[spmem:s5] =	stream.linear.scatter [tilespmem:s31], [sflag:$0x2], $0x800, $0x38;
	[tilespmem:$0x18900] =	vst v63  }
0x35: {  	_ =	swait.ge [sflag:s0], $0x800  }
0x36: {  	[sflag:s0] =	ssyncset.done $0x0  }
0x37: {  	s10 =	rddreg [dreg:$0x3];
	[sflag:s0] =	ssyncadd.s32 $0xFFFFF800  }
0x38: {  	[spmem:s10] =	stream.linear.scatter [tilespmem:s31], [sflag:$0x2], $0x800, $0x38;
	[tilespmem:$0x18900] =	vst v63  }
0x39: {  	_ =	swait.ge [sflag:s0], $0x800  }
0x3a: {  	[sflag:s0] =	ssyncset.done $0x0  }
0x3b: {  	s11 =	rddreg [dreg:$0x4];
	[sflag:s0] =	ssyncadd.s32 $0xFFFFF800  }
0x3c: {  	[spmem:s11] =	stream.linear.scatter [tilespmem:s31], [sflag:$0x2], $0x800, $0x38;
	[tilespmem:$0x18900] =	vst v63  }
0x3d: {  	_ =	swait.ge [sflag:s0], $0x800  }
0x3e: {  	[sflag:s0] =	ssyncset.done $0x0  }
0x3f: {  	s12 =	rddreg [dreg:$0x5];
	[sflag:s0] =	ssyncadd.s32 $0xFFFFF800  }
0x40: {  	[spmem:s12] =	stream.linear.scatter [tilespmem:s31], [sflag:$0x2], $0x800, $0x38;
	[tilespmem:$0x18900] =	vst v63  }
0x41: {  	_ =	swait.ge [sflag:s0], $0x800  }
0x42: {  	[sflag:s0] =	ssyncset.done $0x0  }
0x43: {  	s13 =	rddreg [dreg:$0x6];
	[sflag:s0] =	ssyncadd.s32 $0xFFFFF800  }
0x44: {  	[spmem:s13] =	stream.linear.scatter [tilespmem:s31], [sflag:$0x2], $0x800, $0x38;
	[tilespmem:$0x18900] =	vst v63  }
0x45: {  	_ =	swait.ge [sflag:s0], $0x800  }
0x46: {  	[sflag:s0] =	ssyncset.done $0x0  }
0x47: {  	s14 =	rddreg [dreg:$0x7];
	[sflag:s0] =	ssyncadd.s32 $0xFFFFF800  }
0x48: {  	[spmem:s14] =	stream.linear.scatter [tilespmem:s31], [sflag:$0x2], $0x800, $0x38;
	[tilespmem:$0x18900] =	vst v63  }
0x49: {  	_ =	swait.ge [sflag:s0], $0x800  }
0x4a: {  	[sflag:s0] =	ssyncset.done $0x0  }
0x4b: {  	s11 =	rddreg [dreg:$0x8];
	[sflag:s0] =	ssyncadd.s32 $0xFFFFF800  }
0x4c: {  	[spmem:s11] =	stream.linear.scatter [tilespmem:s31], [sflag:$0x2], $0x800, $0x38;
	[tilespmem:$0x18900] =	vst v63  }
0x4d: {  	_ =	swait.ge [sflag:s0], $0x800  }
0x4e: {  	[sflag:s0] =	ssyncset.done $0x0  }
0x4f: {  	s12 =	rddreg [dreg:$0x9];
	[sflag:s0] =	ssyncadd.s32 $0xFFFFF800  }
0x50: {  	[spmem:s12] =	stream.linear.scatter [tilespmem:s31], [sflag:$0x2], $0x800, $0x38;
	[tilespmem:$0x18900] =	vst v63  }
0x51: {  	_ =	swait.ge [sflag:s0], $0x800  }
0x52: {  	[sflag:s0] =	ssyncset.done $0x0  }
0x53: {  	s13 =	rddreg [dreg:$0xa];
	[sflag:s0] =	ssyncadd.s32 $0xFFFFF800  }
0x54: {  	[spmem:s13] =	stream.linear.scatter [tilespmem:s31], [sflag:$0x2], $0x800, $0x38;
	[tilespmem:$0x18900] =	vst v63  }
0x55: {  	_ =	swait.ge [sflag:s0], $0x800  }
0x56: {  	[sflag:s0] =	ssyncset.done $0x0  }
0x57: {  	s14 =	rddreg [dreg:$0xb];
	[sflag:s0] =	ssyncadd.s32 $0xFFFFF800  }
0x58: {  	[spmem:s14] =	stream.linear.scatter [tilespmem:s31], [sflag:$0x2], $0x800, $0x38;
	[tilespmem:$0x18900] =	vst v63  }
0x59: {  	_ =	swait.ge [sflag:s0], $0x800  }
0x5a: {  	[sflag:s0] =	ssyncset.done $0x0  }
0x5b: {  	s11 =	rddreg [dreg:$0xc];
	[sflag:s0] =	ssyncadd.s32 $0xFFFFF800  }
0x5c: {  	[spmem:s11] =	stream.linear.scatter [tilespmem:s31], [sflag:$0x2], $0x800, $0x38;
	[tilespmem:$0x18900] =	vst v63  }
0x5d: {  	_ =	swait.ge [sflag:s0], $0x800  }
0x5e: {  	[sflag:s0] =	ssyncset.done $0x0  }
0x5f: {  	s12 =	rddreg [dreg:$0xd];
	[sflag:s0] =	ssyncadd.s32 $0xFFFFF800  }
0x60: {  	[spmem:s12] =	stream.linear.scatter [tilespmem:s31], [sflag:$0x2], $0x800, $0x38;
	[tilespmem:$0x18900] =	vst v63  }
0x61: {  	_ =	swait.ge [sflag:s0], $0x800  }
0x62: {  	[sflag:s0] =	ssyncset.done $0x0  }
0x63: {  	s13 =	rddreg [dreg:$0xe];
	[sflag:s0] =	ssyncadd.s32 $0xFFFFF800  }
0x64: {  	[spmem:s13] =	stream.linear.scatter [tilespmem:s31], [sflag:$0x2], $0x800, $0x38;
	[tilespmem:$0x18900] =	vst v63  }
0x65: {  	_ =	swait.ge [sflag:s0], $0x800  }
0x66: {  	[sflag:s0] =	ssyncset.done $0x0  }
0x67: {  	s14 =	rddreg [dreg:$0x14];
	[sflag:s0] =	ssyncadd.s32 $0xFFFFF800  }
0x68: {  	[spmem:s14] =	stream.linear.scatter [tilespmem:s31], [sflag:$0x2], $0x800, $0x38;
	[tilespmem:$0x18900] =	vst v63  }
0x69: {  	_ =	swait.ge [sflag:s0], $0x800  }
0x6a: {  	[sflag:s0] =	ssyncset.done $0x0  }
0x6b: {  	s11 =	rddreg [dreg:$0x15];
	[sflag:s0] =	ssyncadd.s32 $0xFFFFF800  }
0x6c: {  	[spmem:s11] =	stream.linear.scatter [tilespmem:s31], [sflag:$0x2], $0x800, $0x38;
	[tilespmem:$0x18900] =	vst v63  }
0x6d: {  	_ =	swait.ge [sflag:s0], $0x800  }
0x6e: {  	[sflag:s0] =	ssyncset.done $0x0  }
0x6f: {  	s12 =	rddreg [dreg:$0x16];
	[sflag:s0] =	ssyncadd.s32 $0xFFFFF800  }
0x70: {  	[spmem:s12] =	stream.linear.scatter [tilespmem:s31], [sflag:$0x2], $0x800, $0x38;
	[tilespmem:$0x18900] =	vst v63  }
0x71: {  	_ =	swait.ge [sflag:s0], $0x800  }
0x72: {  	[sflag:s0] =	ssyncset.done $0x0  }
0x73: {  	s13 =	rddreg [dreg:$0x17];
	[sflag:s0] =	ssyncadd.s32 $0xFFFFF800  }
0x74: {  	[spmem:s13] =	stream.linear.scatter [tilespmem:s31], [sflag:$0x2], $0x800, $0x38;
	[tilespmem:$0x18900] =	vst v63  }
0x75: {  	_ =	swait.ge [sflag:s0], $0x800  }
0x76: {  	[sflag:s0] =	ssyncset.done $0x0  }
0x77: {  	s14 =	rddreg [dreg:$0x18];
	[sflag:s0] =	ssyncadd.s32 $0xFFFFF800  }
0x78: {  	[spmem:s14] =	stream.linear.scatter [tilespmem:s31], [sflag:$0x2], $0x800, $0x38;
	[tilespmem:$0x18900] =	vst v63  }
0x79: {  	_ =	swait.ge [sflag:s0], $0x800  }
0x7a: {  	[sflag:s0] =	ssyncset.done $0x0  }
0x7b: {  	s11 =	rddreg [dreg:$0x19];
	[sflag:s0] =	ssyncadd.s32 $0xFFFFF800  }
0x7c: {  	[spmem:s11] =	stream.linear.scatter [tilespmem:s31], [sflag:$0x2], $0x800, $0x38;
	[tilespmem:$0x18900] =	vst v63  }
0x7d: {  	_ =	swait.ge [sflag:s0], $0x800  }
0x7e: {  	[sflag:s0] =	ssyncset.done $0x0  }
0x7f: {  	s12 =	rddreg [dreg:$0x1a];
	[sflag:s0] =	ssyncadd.s32 $0xFFFFF800  }
0x80: {  	[spmem:s12] =	stream.linear.scatter [tilespmem:s31], [sflag:$0x2], $0x800, $0x38;
	[tilespmem:$0x18900] =	vst v63  }
0x81: {  	_ =	swait.ge [sflag:s0], $0x800  }
0x82: {  	[sflag:s0] =	ssyncset.done $0x0  }
0x83: {  	s13 =	rddreg [dreg:$0x1b];
	[sflag:s0] =	ssyncadd.s32 $0xFFFFF800  }
0x84: {  	[spmem:s13] =	stream.linear.scatter [tilespmem:s31], [sflag:$0x2], $0x800, $0x38;
	[tilespmem:$0x18900] =	vst v63  }
0x85: {  	_ =	swait.ge [sflag:s0], $0x800  }
0x86: {  	[sflag:s0] =	ssyncset.done $0x0  }
0x87: {  	s14 =	rddreg [dreg:$0x1c];
	[sflag:s0] =	ssyncadd.s32 $0xFFFFF800  }
0x88: {  	[spmem:s14] =	stream.linear.scatter [tilespmem:s31], [sflag:$0x2], $0x800, $0x38;
	[tilespmem:$0x18900] =	vst v63  }
0x89: {  	_ =	swait.ge [sflag:s0], $0x800  }
0x8a: {  	[sflag:s0] =	ssyncset.done $0x0  }
0x8b: {  	s11 =	rddreg [dreg:$0x1d];
	[sflag:s0] =	ssyncadd.s32 $0xFFFFF800  }
0x8c: {  	[spmem:s11] =	stream.linear.scatter [tilespmem:s31], [sflag:$0x2], $0x800, $0x38;
	[tilespmem:$0x18900] =	vst v63  }
0x8d: {  	_ =	swait.ge [sflag:s0], $0x800  }
0x8e: {  	[sflag:s0] =	ssyncset.done $0x0  }
0x8f: {  	s12 =	rddreg [dreg:$0x1e];
	[sflag:s0] =	ssyncadd.s32 $0xFFFFF800  }
0x90: {  	[spmem:s12] =	stream.linear.scatter [tilespmem:s31], [sflag:$0x2], $0x800, $0x38;
	[tilespmem:$0x18900] =	vst v63  }
0x91: {  	_ =	swait.ge [sflag:s0], $0x800  }
0x92: {  	[sflag:s0] =	ssyncset.done $0x0  }
0x93: {  	s13 =	rddreg [dreg:$0x1f];
	[sflag:s0] =	ssyncadd.s32 $0xFFFFF800  }
0x94: {  	[spmem:s13] =	stream.linear.scatter [tilespmem:s31], [sflag:$0x2], $0x800, $0x38;
	[tilespmem:$0x18900] =	vst v63  }
0x95: {  	_ =	swait.ge [sflag:s0], $0x800  }
0x96: {  	s14 =	sld [smem:$0x7FB]  }
0x97: {  	[sflag:s0] =	ssyncset.done $0x0  }
0x98: {  	[sflag:s0] =	ssyncadd.s32 $0xFFFFF800  }
0x99: {  	[spmem:s14] =	stream.linear.scatter [tilespmem:s31], [sflag:$0x2], $0x800, $0x38;
	[tilespmem:$0x18900] =	vst v63  }
0x9a: {  	_ =	swait.ge [sflag:s0], $0x800  }
0x9b: {  	s11 =	sld [smem:$0x7FC]  }
0x9c: {  	[sflag:s0] =	ssyncset.done $0x0  }
0x9d: {  	[sflag:s0] =	ssyncadd.s32 $0xFFFFF800  }
0x9e: {  	[spmem:s11] =	stream.linear.scatter [tilespmem:s31], [sflag:$0x2], $0x800, $0x38;
	[tilespmem:$0x18900] =	vst v63  }
0x9f: {  	_ =	swait.ge [sflag:s0], $0x800  }
0xa0: {  	s12 =	sld [smem:$0x7FD]  }
0xa1: {  	[sflag:s0] =	ssyncset.done $0x0  }
0xa2: {  	[sflag:s0] =	ssyncadd.s32 $0xFFFFF800  }
0xa3: {  	[spmem:s12] =	stream.linear.scatter [tilespmem:s31], [sflag:$0x2], $0x800, $0x38;
	[tilespmem:$0x18900] =	vst v63  }
0xa4: {  	_ =	swait.ge [sflag:s0], $0x800  }
0xa5: {  	[sflag:s0] =	ssyncset.done $0x0  }
0xa6: {  	[sflag:s0] =	ssyncadd.s32 $0xFFFFF800  }
0xa7: {  	[spmem:s15] =	stream.linear.scatter [tilespmem:s31], [sflag:$0x2], $0x800, $0x38;
	[tilespmem:$0x18900] =	vst v63  }
0xa8: {  	_ =	swait.ge [sflag:s0], $0x800  }
0xa9: {  	[sflag:s0] =	ssyncset.done $0x0  }
0xaa: {  	[sflag:s0] =	ssyncadd.s32 $0xFFFFF800  }
0xab: {  	[spmem:s16] =	stream.linear.scatter [tilespmem:s31], [sflag:$0x2], $0x800, $0x38;
	[tilespmem:$0x18900] =	vst v63  }
0xac: {  	_ =	swait.ge [sflag:s0], $0x800  }
0xad: {  	[sflag:s0] =	ssyncset.done $0x0  }
0xae: {  	[sflag:s0] =	ssyncadd.s32 $0xFFFFF800  }
0xaf: {  	[spmem:s17] =	stream.linear.scatter [tilespmem:s31], [sflag:$0x2], $0x800, $0x38;
	[tilespmem:$0x18900] =	vst v63  }
0xb0: {  	_ =	swait.ge [sflag:s0], $0x800  }
0xb1: {  	[sflag:s0] =	ssyncset.done $0x0  }
0xb2: {  	[sflag:s0] =	ssyncadd.s32 $0xFFFFF800  }
0xb3: {  	[spmem:s19] =	stream.linear.scatter [tilespmem:s31], [sflag:$0x2], $0x800, $0x38;
	[tilespmem:$0x18900] =	vst v63  }
0xb4: {  	_ =	swait.ge [sflag:s0], $0x800  }
0xb5: {  	[sflag:s0] =	ssyncset.done $0x0  }
0xb6: {  	[sflag:s0] =	ssyncadd.s32 $0xFFFFF800  }
0xb7: {  	[spmem:s2] =	stream.linear.scatter [tilespmem:s31], [sflag:$0x2], $0x800, $0x38;
	[tilespmem:$0x18900] =	vst v63  }
0xb8: {  	_ =	swait.ge [sflag:s0], $0x800  }
0xb9: {  	[sflag:s0] =	ssyncset.done $0x0  }
0xba: {  	[sflag:s0] =	ssyncadd.s32 $0xFFFFF800  }
0xbb: {  	[spmem:s20] =	stream.linear.scatter [tilespmem:s31], [sflag:$0x2], $0x800, $0x38;
	[tilespmem:$0x18900] =	vst v63  }
0xbc: {  	_ =	swait.ge [sflag:s0], $0x800  }
0xbd: {  	[sflag:s0] =	ssyncset.done $0x0  }
0xbe: {  	[sflag:s0] =	ssyncadd.s32 $0xFFFFF800  }
0xbf: {  	[spmem:s21] =	stream.linear.scatter [tilespmem:s31], [sflag:$0x2], $0x800, $0x38;
	[tilespmem:$0x18900] =	vst v63  }
0xc0: {  	_ =	swait.ge [sflag:s0], $0x800  }
0xc1: {  	[sflag:s0] =	ssyncset.done $0x0  }
0xc2: {  	[sflag:s0] =	ssyncadd.s32 $0xFFFFF800  }
0xc3: {  	[spmem:s22] =	stream.linear.scatter [tilespmem:s31], [sflag:$0x2], $0x800, $0x38;
	[tilespmem:$0x18900] =	vst v63  }
0xc4: {  	_ =	swait.ge [sflag:s0], $0x800  }
0xc5: {  	[sflag:s0] =	ssyncset.done $0x0  }
0xc6: {  	[sflag:s0] =	ssyncadd.s32 $0xFFFFF800  }
0xc7: {  	[spmem:s23] =	stream.linear.scatter [tilespmem:s31], [sflag:$0x2], $0x800, $0x38;
	[tilespmem:$0x18900] =	vst v63  }
0xc8: {  	_ =	swait.ge [sflag:s0], $0x800  }
0xc9: {  	[sflag:s0] =	ssyncset.done $0x0  }
0xca: {  	[sflag:s0] =	ssyncadd.s32 $0xFFFFF800  }
0xcb: {  	[spmem:s26] =	stream.linear.scatter [tilespmem:s31], [sflag:$0x2], $0x800, $0x38;
	[tilespmem:$0x18900] =	vst v63  }
0xcc: {  	_ =	swait.ge [sflag:s0], $0x800  }
0xcd: {  	[sflag:s0] =	ssyncset.done $0x0  }
0xce: {  	[sflag:s0] =	ssyncadd.s32 $0xFFFFF800  }
0xcf: {  	[spmem:s28] =	stream.linear.scatter [tilespmem:s31], [sflag:$0x2], $0x800, $0x38;
	[tilespmem:$0x18900] =	vst v63  }
0xd0: {  	_ =	swait.ge [sflag:s0], $0x800  }
0xd1: {  	[sflag:s0] =	ssyncset.done $0x0  }
0xd2: {  	[sflag:s0] =	ssyncadd.s32 $0xFFFFF800  }
0xd3: {  	[spmem:s29] =	stream.linear.scatter [tilespmem:s31], [sflag:$0x2], $0x800, $0x38;
	[tilespmem:$0x18900] =	vst v63  }
0xd4: {  	_ =	swait.ge [sflag:s0], $0x800  }
0xd5: {  	[sflag:s0] =	ssyncset.done $0x0  }
0xd6: {  	[sflag:s0] =	ssyncadd.s32 $0xFFFFF800  }
0xd7: {  	s13 =	sadd.s32 $0x0, s25;
	[bflag:$0x0] =	sbarrier.arrive $0xFFFF  }
0xd8: {  	[tilespmem:s3], [sflag:$0x2] =	stream.linear.gather [hbm4b:s13+s3], $0x80, $0x38;
	[tilespmem:$0x18900] =	vst v63  }
0xd9: {  	_ =	swait.ge [sflag:s0], $0x80  }
0xda: {  	[sflag:s0] =	ssyncset.done $0x0  }
0xdb: {  	s14 =	sadd.s32 $0x0, s24;
	[sflag:s0] =	ssyncadd.s32 $0xFFFFFF80  }
0xdc: {  	[tilespmem:s6], [sflag:$0x2] =	stream.linear.gather [hbm4b:s14+s3], $0x80, $0x38;
	[tilespmem:$0x18900] =	vst v63  }
0xdd: {  	_ =	swait.ge [sflag:s0], $0x80  }
0xde: {  	[sflag:s0] =	ssyncset.done $0x0  }
0xdf: {  	[sflag:s0] =	ssyncadd.s32 $0xFFFFFF80  }
0xe0: {  	[tilespmem:s7], [sflag:$0x1] =	stream.indirect.gather [hbm4b:s4+s6], $0x80, s3, s6, $0xb8;
	[tilespmem:$0x18900] =	vst v63  }
0xe1: {  	_ =	swait.ge [sflag:s8], $0x4000  }
0xe2: {  	[sflag:s8] =	ssyncset.done $0x0  }
0xe3: {  	[sflag:s8] =	ssyncadd.s32 $0xFFFFC000  }
0xe4: {  	[spmem:s1] =	stream.indirect.scatter.add.f32 [tilespmem:s7], [sflag:$0x2], $0x80, s6, s6, $0xb8;
	[tilespmem:$0x18900] =	vst v63  }
0xe5: {  	_ =	swait.ge [sflag:s0], $0x4000  }
0xe6: {  	s10 =	simm.s32 $0x10;
	s11 =	simm.s32 $0x20;
	[sflag:s0] =	ssyncset.done $0x0  }
.LBB2_4:
0xe7: {  	s12 =	sadd.s32 s10, s25  }
0xe8: {  	[sflag:s0] =	ssyncadd.s32 $0xFFFFC000;
	s13 =	smov.u32 s11;
	s14 =	sadd.s32 $0x10, s11  }
0xe9: {  	[tilespmem:s3], [sflag:$0x2] =	stream.linear.gather [hbm4b:s12+s3], $0x80, $0x38;
	[tilespmem:$0x18900] =	vst v63  }
0xea: {  	p4 =	sne.s32 s11, $0x4E0;
	_ =	swait.ge [sflag:s0], $0x80  }
0xeb: {  	[sflag:s0] =	ssyncset.done $0x0  }
0xec: {  	s11 =	sadd.s32 s10, s24;
	s10 =	smov.u32 s13;
	[sflag:s0] =	ssyncadd.s32 $0xFFFFFF80  }
0xed: {  	[tilespmem:s6], [sflag:$0x2] =	stream.linear.gather [hbm4b:s11+s3], $0x80, $0x38;
	[tilespmem:$0x18900] =	vst v63  }
0xee: {  	_ =	swait.ge [sflag:s0], $0x80  }
0xef: {  	[sflag:s0] =	ssyncset.done $0x0  }
0xf0: {  	[sflag:s0] =	ssyncadd.s32 $0xFFFFFF80  }
0xf1: {  	[tilespmem:s7], [sflag:$0x1] =	stream.indirect.gather [hbm4b:s4+s6], $0x80, s3, s6, $0xb8;
	[tilespmem:$0x18900] =	vst v63  }
0xf2: {  	_ =	swait.ge [sflag:s8], $0x4000  }
.Ltmp1:
0xf3: {  	[sflag:s8] =	ssyncset.done $0x0;
	(pc) =	sbr.rel @p4 .LBB2_4-.Ltmp1, $4  }
0xf4: {  	[sflag:s8] =	ssyncadd.s32 $0xFFFFC000  }
0xf5: {  	[spmem:s1] =	stream.indirect.scatter.add.f32 [tilespmem:s7], [sflag:$0x2], $0x80, s6, s6, $0xb8;
	[tilespmem:$0x18900] =	vst v63  }
0xf6: {  	_ =	swait.ge [sflag:s0], $0x4000  }
0xf7: {  	s11 =	smov.u32 s14;
	[sflag:s0] =	ssyncset.done $0x0  }
0xf8: {  	s11 =	sadd.s32 s10, s25;
	[sflag:s0] =	ssyncadd.s32 $0xFFFFC000  }
0xf9: {  	[tilespmem:s3], [sflag:$0x2] =	stream.linear.gather [hbm4b:s11+s3], $0x80, $0x38;
	[tilespmem:$0x18900] =	vst v63  }
0xfa: {  	_ =	swait.ge [sflag:s0], $0x80  }
0xfb: {  	[sflag:s0] =	ssyncset.done $0x0  }
0xfc: {  	s13 =	sadd.s32 s10, s24;
	[sflag:s0] =	ssyncadd.s32 $0xFFFFFF80  }
0xfd: {  	[tilespmem:s6], [sflag:$0x2] =	stream.linear.gather [hbm4b:s13+s3], $0x80, $0x38;
	[tilespmem:$0x18900] =	vst v63  }
0xfe: {  	_ =	swait.ge [sflag:s0], $0x80  }
0xff: {  	[sflag:s0] =	ssyncset.done $0x0  }
0x100: {  	[sflag:s0] =	ssyncadd.s32 $0xFFFFFF80  }
0x101: {  	[tilespmem:s7], [sflag:$0x1] =	stream.indirect.gather [hbm4b:s4+s6], $0x80, s3, s6, $0xb8;
	[tilespmem:$0x18900] =	vst v63  }
0x102: {  	_ =	swait.ge [sflag:s8], $0x4000  }
0x103: {  	[sflag:s8] =	ssyncset.done $0x0  }
0x104: {  	[sflag:s8] =	ssyncadd.s32 $0xFFFFC000  }
0x105: {  	[spmem:s1] =	stream.indirect.scatter.add.f32 [tilespmem:s7], [sflag:$0x2], $0x80, s6, s6, $0xb8;
	[tilespmem:$0x18900] =	vst v63  }
0x106: {  	_ =	swait.ge [sflag:s0], $0x4000  }
0x107: {  	[sflag:s0] =	ssyncset.done $0x0  }
0x108: {  	[sflag:s0] =	ssyncadd.s32 $0xFFFFC000  }
0x109: {  	[bflag:$0x0] =	sbarrier.arrive $0xFFFF  }
0x10a: {  	s10 =	sshrl.u32 @!p0 s30, $0x3;
	s11 =	simm.s32 @!p0 $0x1FC2;
	s12 =	rddreg [dreg:$0x12]  }
0x10b: {  	[hbm:s12], [sflag:s11] =	dma.local @!p0 [spmem:s10], $0x2080  }
0x10c: {  	s10 =	simm.s32 @!p0 $0x2  }
0x10d: {  	s13 =	stileid.u32;
	_ =	swait.ge @!p0 [sflag:s10], $0x2080  }
0x10e: {  	s11 =	sshll.u32 @!p1 s13, $0x6;
	[sflag:s10] =	ssyncset.done @!p0 $0x0;
	s12 =	rddreg [dreg:$0x11]  }
0x10f: {  	[sflag:s10] =	ssyncadd.s32 @!p0 $0xFFFFDF80;
	s10 =	sor.u32 @!p1 $0x1C02, s11;
	s11 =	sshrl.u32 @!p1 s18, $0x3  }
0x110: {  	[hbm:s12], [sflag:s10] =	dma.local @!p1 [spmem:s11], $0x2780  }
0x111: {  	s10 =	simm.s32 @!p1 $0x2  }
0x112: {  	_ =	swait.ge @!p1 [sflag:s10], $0x2780  }
0x113: {  	s11 =	simm.s32 @!p2 $0x1FC2;
	[sflag:s10] =	ssyncset.done @!p1 $0x0  }
0x114: {  	s12 =	rddreg [dreg:$0x10];
	[sflag:s10] =	ssyncadd.s32 @!p1 $0xFFFFD880;
	s10 =	sshrl.u32 @!p2 s30, $0x3  }
0x115: {  	[hbm:s12], [sflag:s11] =	dma.local @!p2 [spmem:s10], $0x2080  }
0x116: {  	s10 =	simm.s32 @!p2 $0x2  }
0x117: {  	_ =	swait.ge @!p2 [sflag:s10], $0x2080  }
0x118: {  	s11 =	sshll.u32 @!p3 s13, $0x6;
	[sflag:s10] =	ssyncset.done @!p2 $0x0;
	s13 =	rddreg [dreg:$0xf]  }
0x119: {  	[sflag:s10] =	ssyncadd.s32 @!p2 $0xFFFFDF80;
	s10 =	sor.u32 @!p3 $0x1C02, s11;
	s11 =	sshrl.u32 @!p3 s18, $0x3  }
0x11a: {  	[hbm:s13], [sflag:s10] =	dma.local @!p3 [spmem:s11], $0x2780  }
0x11b: {  	s10 =	simm.s32 @!p3 $0x2  }
0x11c: {  	_ =	swait.ge @!p3 [sflag:s10], $0x2780  }
0x11d: {  	s9 =	sadd.s32 $0x1, s9;
	s14 =	rddreg [dreg:$0x13]  }
0x11e: {  	p4 =	sne.s32 s9, s14  }
.Ltmp2:
0x11f: {  	_ = 	snop;
	(pc) =	sbr.rel @p4 .LBB2_1-.Ltmp2, $3  }
0x120: {  	_ =	sdelay $0x1  }
0x121: {  	[sflag:s10] =	ssyncset.done @!p3 $0x0  }
0x122: {  	s12 =	stileid.u32;
	[sflag:s10] =	ssyncadd.s32 @!p3 $0xFFFFD880  }
0x123: {  	_ =	sfence.sel $0x180000  }
0x124: {  	[bflag:$0x0] =	sbarrier.arrive $0xFFFF  }
0x125: {  	_ =	strace $0x9000004D  }
0x126: {  	[bflag:$0x2] =	sbarrier.arrive $0xFFFF  }
0x127: {  	p0 =	sne.s32 s12, $0x0;
	s0 =	rddreg [dreg:$0x2]  }
0x128: {  	s0 =	sadd.s32 @!p0 $0x100000, s0  }
0x129: {  	[sflag:s0] =	ssyncadd.tile.s32 @!p0 $0x1;
	_ =	shalt  }
.Lfunc_end2:
_tile_overlayer_lowered:
.L_overlay_start_2:
0x12a: {  	(tag) =	ssettag $0x2  }
0x12b: {  	s0 =	rddreg [dreg:$0x0];
	s2 =	stileid.u32  }
0x12c: {  	s1 =	rddreg [dreg:$0x1];
	p0 =	sne.s32 s2, $0x0  }
0x12d: {  	s3 =	rddreg [dreg:$0x2];
	[bflag:$0x3] =	sbarrier.arrive $0xFFFF;
	s2 =	simm.s32 @!p0 $0x1C02  }
0x12e: {  	[timem:s3], [sflag:s2] =	dma.local @!p0 [hbm:s0], s1  }
0x12f: {  	s0 =	simm.s32 @!p0 $0x2  }
0x130: {  	_ =	swait.ge @!p0 [sflag:s0], s1  }
0x131: {  	s1 =	ssub.s32 @!p0 $0x0, s1;
	[sflag:s0] =	ssyncset.done @!p0 $0x0  }
0x132: {  	[sflag:s0] =	ssyncadd.s32 @!p0 s1  }
0x133: {  	[bflag:$0x3] =	sbarrier.arrive $0xFFFF  }
0x134: {  	_ =	shalt  }

</sc_bundles>
